<compile_context>
chip_gen: v7x
topology: tpu7x:2x2x1
jax: 0.10.2.dev20260603
libtpu: 0.0.44.dev20260713+nightly
codegen_flags: <defaults>
</compile_context>

<pallas_src>
import functools

import jax
import jax.numpy as jnp
from jax import lax
from jax.experimental import pallas as pl
from jax.experimental.pallas import tpu as pltpu
from jax.experimental.pallas import tpu_sc as plsc

_LANES = 16
_K = 4


def _full16(val):
    return jnp.full((_LANES,), val, dtype=jnp.int32)


def kernel(alpha, mu, D, subj_id):
    B, T, M = alpha.shape
    S, _, C = mu.shape
    P = B * T
    ROWS = S * M
    CC = C * C

    info = plsc.get_sparse_core_info()
    NC, NS = info.num_cores, info.num_subcores
    NW = NC * NS

    nb_max = (P + S * (_K - 1) + _K - 1) // _K
    NB = ((nb_max + NW - 1) // NW) * NW
    BPW = NB // NW

    af = alpha.reshape(P, M)
    sid = subj_id.reshape(P).astype(jnp.int32)
    mur = mu.reshape(ROWS, C)
    Dr = D.reshape(ROWS, CC)

    onehot = (sid[:, None] == jnp.arange(S, dtype=jnp.int32)[None, :])
    onehot_i = onehot.astype(jnp.int32)
    scan_inc = lax.associative_scan(jnp.add, onehot_i, axis=0)
    counts = scan_inc[-1]
    csum_excl = jnp.cumsum(counts) - counts
    posin = jnp.where(onehot, scan_inc - onehot_i, 0).sum(1)
    rank = jnp.where(onehot, csum_excl[None, :], 0).sum(1)
    rank = (rank + posin).astype(jnp.int32)
    rank_f = lax.bitcast_convert_type(rank, jnp.float32)
    nb_s = (counts + _K - 1) // _K
    bbase = jnp.cumsum(nb_s) - nb_s
    bid = jnp.arange(NB, dtype=jnp.int32)
    geb = (bid[:, None] >= bbase[None, :])
    subj_b = geb.sum(1).astype(jnp.int32) - 1
    sb1h = (subj_b[:, None] == jnp.arange(S, dtype=jnp.int32)[None, :])
    c0_b = jnp.where(sb1h, csum_excl[None, :], 0).sum(1).astype(jnp.int32)
    bb_b = jnp.where(sb1h, bbase[None, :], 0).sum(1).astype(jnp.int32)
    n_b = jnp.where(sb1h, counts[None, :], 0).sum(1).astype(jnp.int32)
    q0_b = (bid - bb_b) * _K
    srt0 = (c0_b + q0_b).reshape(NW, BPW)
    nrem = (n_b - q0_b).reshape(NW, BPW)
    brows = (subj_b[:, None] * M
             + jnp.arange(M, dtype=jnp.int32)[None, :]).reshape(NW, BPW, M)

    mesh = plsc.VectorSubcoreMesh(core_axis_name="c", subcore_axis_name="s")

    @functools.partial(
        pl.kernel,
        out_type=(
            jax.ShapeDtypeStruct((P, C), jnp.float32),
            jax.ShapeDtypeStruct((P, CC), jnp.float32),
            jax.ShapeDtypeStruct((NW, C), jnp.float32),
            jax.ShapeDtypeStruct((NW, CC), jnp.float32),
        ),
        mesh=mesh,
        compiler_params=pltpu.CompilerParams(use_tc_tiling_on_sc=False,
                                             needs_layout_passes=False),
        scratch_types=[
            pltpu.VMEM((P, M), jnp.float32),
            pltpu.VMEM((P,), jnp.int32),
            pltpu.VMEM((BPW,), jnp.int32),
            pltpu.VMEM((BPW,), jnp.int32),
            pltpu.VMEM((BPW, M), jnp.int32),
            pltpu.VMEM((M, CC), jnp.float32),
            pltpu.VMEM((M, CC), jnp.float32),
            pltpu.VMEM((M, C), jnp.float32),
            pltpu.VMEM((M, C), jnp.float32),
            pltpu.VMEM((_K, CC), jnp.float32),
            pltpu.VMEM((_K, CC), jnp.float32),
            pltpu.VMEM((_K, C), jnp.float32),
            pltpu.VMEM((_K, C), jnp.float32),
            pltpu.SemaphoreType.DMA,
            pltpu.SemaphoreType.DMA,
            pltpu.SemaphoreType.DMA,
            pltpu.SemaphoreType.DMA,
        ],
    )
    def sc_combine(af_hbm, rank_hbm, srt0_hbm, nrem_hbm, brows_hbm,
                   mur_hbm, dr_hbm,
                   m_hbm, cov_hbm, wm_hbm, wcov_hbm,
                   alpha_v, order_v, srt0_v, nrem_v, brows_v,
                   dbuf_a, dbuf_b, mubuf_a, mubuf_b,
                   covbuf_a, covbuf_b, moutbuf_a, moutbuf_b,
                   gsem_a, gsem_b, osem_a, osem_b):
        wid = lax.axis_index("s") * NC + lax.axis_index("c")

        pltpu.sync_copy(af_hbm, alpha_v)
        pltpu.sync_copy(srt0_hbm.at[wid], srt0_v)
        pltpu.sync_copy(nrem_hbm.at[wid], nrem_v)
        pltpu.sync_copy(brows_hbm.at[wid], brows_v)

        dbuf = (dbuf_a, dbuf_b)
        mubuf = (mubuf_a, mubuf_b)
        covbuf = (covbuf_a, covbuf_b)
        moutbuf = (moutbuf_a, moutbuf_b)
        gsem = (gsem_a, gsem_b)
        osem = (osem_a, osem_b)

        pltpu.sync_copy(rank_hbm, dbuf_a.at[0, pl.ds(0, P)])
        lane = lax.iota(jnp.int32, _LANES)

        def invert_body(j, carry):
            col = j * _LANES
            rv = plsc.bitcast(dbuf_a[0, pl.ds(col, _LANES)], jnp.int32)
            plsc.store_scatter(order_v, [rv], lane + col)
            return carry

        lax.fori_loop(0, P // _LANES, invert_body, 0)

        def issue_gather(g, par):
            idx = brows_v.at[g]
            pltpu.async_copy(dr_hbm.at[idx], dbuf[par], gsem[par])
            pltpu.async_copy(mur_hbm.at[idx], mubuf[par], gsem[par])

        for par in range(2):
            issue_gather(par, par)

        def do_batch(g, par):
            db, mb = dbuf[par], mubuf[par]
            cb, mob = covbuf[par], moutbuf[par]
            gs, os = gsem[par], osem[par]

            idx = brows_v.at[g]
            pltpu.make_async_copy(dr_hbm.at[idx], db, gs).wait()
            pltpu.make_async_copy(mur_hbm.at[idx], mb, gs).wait()

            @pl.when(g >= 2)
            def _():
                for k in range(_K):
                    pltpu.make_async_copy(cb.at[k], cov_hbm.at[0], os).wait()
                    pltpu.make_async_copy(mob.at[k], m_hbm.at[0], os).wait()

            srt0v = plsc.load_gather(srt0_v, [_full16(g)])
            nremv = plsc.load_gather(nrem_v, [_full16(g)])
            n_valid = nremv[0]
            a = []
            pair_ids = []
            for k in range(_K):
                si = jnp.clip(srt0v + k, 0, P - 1)
                pv = plsc.load_gather(order_v, [si])
                pair_ids.append(pv[0])
                a.append([plsc.load_gather(alpha_v, [pv, _full16(m)])
                          for m in range(M)])

            def chunk_body(j, carry):
                col = j * _LANES
                d = [db[m, pl.ds(col, _LANES)] for m in range(M)]
                for k in range(_K):
                    acc = d[0] * a[k][0]
                    for m in range(1, M):
                        acc = acc + d[m] * a[k][m]
                    cb[k, pl.ds(col, _LANES)] = acc
                return carry

            lax.fori_loop(0, CC // _LANES, chunk_body, 0)

            for c in range(C // _LANES):
                col = c * _LANES
                dm = [mb[m, pl.ds(col, _LANES)] for m in range(M)]
                for k in range(_K):
                    acc = dm[0] * a[k][0]
                    for m in range(1, M):
                        acc = acc + dm[m] * a[k][m]
                    mob[k, pl.ds(col, _LANES)] = acc

            issue_gather(jnp.minimum(g + 2, BPW - 1), par)

            for k in range(_K):
                p = pair_ids[k]
                valid = k < n_valid

                @pl.when(valid)
                def _():
                    pltpu.async_copy(cb.at[k], cov_hbm.at[p], os)
                    pltpu.async_copy(mob.at[k], m_hbm.at[p], os)

                @pl.when(jnp.logical_not(valid))
                def _():
                    pltpu.async_copy(cb.at[k], wcov_hbm.at[wid], os)
                    pltpu.async_copy(mob.at[k], wm_hbm.at[wid], os)

        def body(h, carry):
            do_batch(2 * h, 0)
            do_batch(2 * h + 1, 1)
            return carry

        lax.fori_loop(0, BPW // 2, body, 0)

        for par in range(2):
            idx = brows_v.at[0]
            pltpu.make_async_copy(dr_hbm.at[idx], dbuf[par], gsem[par]).wait()
            pltpu.make_async_copy(mur_hbm.at[idx], mubuf[par], gsem[par]).wait()
            for k in range(_K):
                pltpu.make_async_copy(covbuf[par].at[k], cov_hbm.at[0],
                                      osem[par]).wait()
                pltpu.make_async_copy(moutbuf[par].at[k], m_hbm.at[0],
                                      osem[par]).wait()

    m2d, cov2d, _, _ = sc_combine(af, rank_f, srt0, nrem, brows, mur, Dr)
    return (m2d.reshape(B, T, C), cov2d.reshape(B, T, C, C))

# --- scband reference (transcript-rebuilt; emitter-appended) ---
"""Pipeline reference for scband-mix-subject-embedding-parameters-layer-26740466385259 (READ-ONLY COPY).

The authoritative reference and input builder live on the scoring server;
editing this copy changes nothing except your own understanding.
"""

import jax, jax.numpy as jnp
import numpy as np


def setup_inputs(seed: int = 0) -> dict:
    key = jax.random.key(seed)
    k1, k2, k3, k4 = jax.random.split(key, 4)
    alpha = jax.random.uniform(k1, (32, 100, 8), dtype=jnp.float32)
    mu = jax.random.normal(k2, (100, 8, 64), dtype=jnp.float32)
    D = jax.random.normal(k3, (100, 8, 64, 64), dtype=jnp.float32)
    subj_id = jax.random.randint(k4, (32, 100), 0, 100)
    return {"alpha": alpha, "mu": mu, "D": D, "subj_id": subj_id}


def reference(alpha, mu, D, subj_id):
    # Faithful translation of MixSubjectEmbeddingParametersLayer.call
    sid = subj_id.astype(jnp.int32)
    # tf.gather(mu, subj_id) -> gather along axis 0
    dynamic_mu = jnp.take(mu, sid, axis=0)          # [B, T, M, C]
    dynamic_D = jnp.take(D, sid, axis=0)            # [B, T, M, C, C]
    a = jnp.expand_dims(alpha, axis=-1)             # [B, T, M, 1]
    m = jnp.sum(a * dynamic_mu, axis=2)             # [B, T, C]
    a2 = jnp.expand_dims(a, axis=-1)                # [B, T, M, 1, 1]
    Cov = jnp.sum(a2 * dynamic_D, axis=2)           # [B, T, C, C]
    return (m, Cov)

if __name__ == "__main__":
    import jax
    _d = setup_inputs()
    print(jax.jit(kernel)(*tuple(_d.values())))

</pallas_src>

<mosaic_0001>
#map = affine_map<(d0, d1) -> (0, 0)>
#map1 = affine_map<(d0, d1) -> (0)>
#map2 = affine_map<(d0, d1) -> (0, 0, 0)>
module attributes {stable_mosaic.version = 14 : i64} {
  func.func @sc_combine(%arg0: i32, %arg1: i32, %arg2: memref<3200x8xf32, #tpu.memory_space<hbm>>, %arg3: memref<3200xf32, #tpu.memory_space<hbm>>, %arg4: memref<32x28xi32, #tpu.memory_space<hbm>>, %arg5: memref<32x28xi32, #tpu.memory_space<hbm>>, %arg6: memref<32x28x8xi32, #tpu.memory_space<hbm>>, %arg7: memref<800x64xf32, #tpu.memory_space<hbm>>, %arg8: memref<800x4096xf32, #tpu.memory_space<hbm>>, %arg9: memref<3200x64xf32, #tpu.memory_space<hbm>>, %arg10: memref<3200x4096xf32, #tpu.memory_space<hbm>>, %arg11: memref<32x64xf32, #tpu.memory_space<hbm>>, %arg12: memref<32x4096xf32, #tpu.memory_space<hbm>>, %arg13: memref<3200x8xf32, #tpu.memory_space<vmem>>, %arg14: memref<3200xi32, #tpu.memory_space<vmem>>, %arg15: memref<28xi32, #tpu.memory_space<vmem>>, %arg16: memref<28xi32, #tpu.memory_space<vmem>>, %arg17: memref<28x8xi32, #tpu.memory_space<vmem>>, %arg18: memref<8x4096xf32, #tpu.memory_space<vmem>>, %arg19: memref<8x4096xf32, #tpu.memory_space<vmem>>, %arg20: memref<8x64xf32, #tpu.memory_space<vmem>>, %arg21: memref<8x64xf32, #tpu.memory_space<vmem>>, %arg22: memref<4x4096xf32, #tpu.memory_space<vmem>>, %arg23: memref<4x4096xf32, #tpu.memory_space<vmem>>, %arg24: memref<4x64xf32, #tpu.memory_space<vmem>>, %arg25: memref<4x64xf32, #tpu.memory_space<vmem>>, %arg26: memref<!tpu.dma_semaphore, #tpu.memory_space<semaphore_mem>>, %arg27: memref<!tpu.dma_semaphore, #tpu.memory_space<semaphore_mem>>, %arg28: memref<!tpu.dma_semaphore, #tpu.memory_space<semaphore_mem>>, %arg29: memref<!tpu.dma_semaphore, #tpu.memory_space<semaphore_mem>>) attributes {dimension_semantics = [#tpu.dimension_semantics<core_parallel>, #tpu.dimension_semantics<subcore_parallel>], iteration_bounds = array<i64: 2, 16>, scalar_prefetch = 0 : i64, scratch_operands = 17 : i64, tpu.core_type = #tpu.core_type<sc_vector_subcore>, window_params = [{transform_indices = #map}, {transform_indices = #map1}, {transform_indices = #map}, {transform_indices = #map}, {transform_indices = #map2}, {transform_indices = #map}, {transform_indices = #map}, {transform_indices = #map}, {transform_indices = #map}, {transform_indices = #map}, {transform_indices = #map}]} {
    %mul3A = arith.constant 2 : i32
    %mul3A_0 = arith.muli %arg1, %mul3A : i32
    %add3A = arith.addi %mul3A_0, %arg0 : i32
    "tpu.region"() ({
      %run_scoped3A_290 = tpu.sem_alloc : memref<!tpu.dma_semaphore, #tpu.memory_space<semaphore_mem>>
      tpu.enqueue_dma source(%arg2 : memref<3200x8xf32, #tpu.memory_space<hbm>>) target(%arg13 : memref<3200x8xf32, #tpu.memory_space<vmem>>) target_semaphore(%run_scoped3A_290 : memref<!tpu.dma_semaphore, #tpu.memory_space<semaphore_mem>>)
      tpu.wait_dma2 semaphore(%run_scoped3A_290 : memref<!tpu.dma_semaphore, #tpu.memory_space<semaphore_mem>>) src(%arg2 : memref<3200x8xf32, #tpu.memory_space<hbm>>) dst(%arg13 : memref<3200x8xf32, #tpu.memory_space<vmem>>)
      tpu.yield
    }) : () -> ()
    "tpu.region"() ({
      %run_scoped3A_290 = tpu.sem_alloc : memref<!tpu.dma_semaphore, #tpu.memory_space<semaphore_mem>>
      %dma_start3A_291 = arith.constant 0 : i32
      %dma_start3A_292 = tpu.memref_slice %arg4[%add3A, %dma_start3A_291] : memref<32x28xi32, #tpu.memory_space<hbm>> -> memref<1x28xi32, #tpu.memory_space<hbm>>
      %dma_start3A_293 = tpu.memref_squeeze %dma_start3A_292 : memref<1x28xi32, #tpu.memory_space<hbm>> -> memref<28xi32, #tpu.memory_space<hbm>>
      %dma_start3A_294 = arith.constant 0 : i32
      %dma_start3A_295 = tpu.memref_slice %arg4[%add3A, %dma_start3A_294] : memref<32x28xi32, #tpu.memory_space<hbm>> -> memref<1x28xi32, #tpu.memory_space<hbm>>
      %dma_start3A_296 = tpu.memref_squeeze %dma_start3A_295 : memref<1x28xi32, #tpu.memory_space<hbm>> -> memref<28xi32, #tpu.memory_space<hbm>>
      tpu.enqueue_dma source(%dma_start3A_296 : memref<28xi32, #tpu.memory_space<hbm>>) target(%arg15 : memref<28xi32, #tpu.memory_space<vmem>>) target_semaphore(%run_scoped3A_290 : memref<!tpu.dma_semaphore, #tpu.memory_space<semaphore_mem>>)
      %dma_wait3A_297 = arith.constant 0 : i32
      %dma_wait3A_298 = tpu.memref_slice %arg4[%add3A, %dma_wait3A_297] : memref<32x28xi32, #tpu.memory_space<hbm>> -> memref<1x28xi32, #tpu.memory_space<hbm>>
      %dma_wait3A_299 = tpu.memref_squeeze %dma_wait3A_298 : memref<1x28xi32, #tpu.memory_space<hbm>> -> memref<28xi32, #tpu.memory_space<hbm>>
      %dma_wait3A_300 = arith.constant 0 : i32
      %dma_wait3A_301 = tpu.memref_slice %arg4[%add3A, %dma_wait3A_300] : memref<32x28xi32, #tpu.memory_space<hbm>> -> memref<1x28xi32, #tpu.memory_space<hbm>>
      %dma_wait3A_302 = tpu.memref_squeeze %dma_wait3A_301 : memref<1x28xi32, #tpu.memory_space<hbm>> -> memref<28xi32, #tpu.memory_space<hbm>>
      tpu.wait_dma2 semaphore(%run_scoped3A_290 : memref<!tpu.dma_semaphore, #tpu.memory_space<semaphore_mem>>) src(%dma_wait3A_302 : memref<28xi32, #tpu.memory_space<hbm>>) dst(%arg15 : memref<28xi32, #tpu.memory_space<vmem>>)
      tpu.yield
    }) : () -> ()
    "tpu.region"() ({
      %run_scoped3A_290 = tpu.sem_alloc : memref<!tpu.dma_semaphore, #tpu.memory_space<semaphore_mem>>
      %dma_start3A_291 = arith.constant 0 : i32
      %dma_start3A_292 = tpu.memref_slice %arg5[%add3A, %dma_start3A_291] : memref<32x28xi32, #tpu.memory_space<hbm>> -> memref<1x28xi32, #tpu.memory_space<hbm>>
      %dma_start3A_293 = tpu.memref_squeeze %dma_start3A_292 : memref<1x28xi32, #tpu.memory_space<hbm>> -> memref<28xi32, #tpu.memory_space<hbm>>
      %dma_start3A_294 = arith.constant 0 : i32
      %dma_start3A_295 = tpu.memref_slice %arg5[%add3A, %dma_start3A_294] : memref<32x28xi32, #tpu.memory_space<hbm>> -> memref<1x28xi32, #tpu.memory_space<hbm>>
      %dma_start3A_296 = tpu.memref_squeeze %dma_start3A_295 : memref<1x28xi32, #tpu.memory_space<hbm>> -> memref<28xi32, #tpu.memory_space<hbm>>
      tpu.enqueue_dma source(%dma_start3A_296 : memref<28xi32, #tpu.memory_space<hbm>>) target(%arg16 : memref<28xi32, #tpu.memory_space<vmem>>) target_semaphore(%run_scoped3A_290 : memref<!tpu.dma_semaphore, #tpu.memory_space<semaphore_mem>>)
      %dma_wait3A_297 = arith.constant 0 : i32
      %dma_wait3A_298 = tpu.memref_slice %arg5[%add3A, %dma_wait3A_297] : memref<32x28xi32, #tpu.memory_space<hbm>> -> memref<1x28xi32, #tpu.memory_space<hbm>>
      %dma_wait3A_299 = tpu.memref_squeeze %dma_wait3A_298 : memref<1x28xi32, #tpu.memory_space<hbm>> -> memref<28xi32, #tpu.memory_space<hbm>>
      %dma_wait3A_300 = arith.constant 0 : i32
      %dma_wait3A_301 = tpu.memref_slice %arg5[%add3A, %dma_wait3A_300] : memref<32x28xi32, #tpu.memory_space<hbm>> -> memref<1x28xi32, #tpu.memory_space<hbm>>
      %dma_wait3A_302 = tpu.memref_squeeze %dma_wait3A_301 : memref<1x28xi32, #tpu.memory_space<hbm>> -> memref<28xi32, #tpu.memory_space<hbm>>
      tpu.wait_dma2 semaphore(%run_scoped3A_290 : memref<!tpu.dma_semaphore, #tpu.memory_space<semaphore_mem>>) src(%dma_wait3A_302 : memref<28xi32, #tpu.memory_space<hbm>>) dst(%arg16 : memref<28xi32, #tpu.memory_space<vmem>>)
      tpu.yield
    }) : () -> ()
    "tpu.region"() ({
      %run_scoped3A_290 = tpu.sem_alloc : memref<!tpu.dma_semaphore, #tpu.memory_space<semaphore_mem>>
      %dma_start3A_291 = arith.constant 0 : i32
      %dma_start3A_292 = arith.constant 0 : i32
      %dma_start3A_293 = tpu.memref_slice %arg6[%add3A, %dma_start3A_291, %dma_start3A_292] : memref<32x28x8xi32, #tpu.memory_space<hbm>> -> memref<1x28x8xi32, #tpu.memory_space<hbm>>
      %dma_start3A_294 = tpu.memref_squeeze %dma_start3A_293 : memref<1x28x8xi32, #tpu.memory_space<hbm>> -> memref<28x8xi32, #tpu.memory_space<hbm>>
      %dma_start3A_295 = arith.constant 0 : i32
      %dma_start3A_296 = arith.constant 0 : i32
      %dma_start3A_297 = tpu.memref_slice %arg6[%add3A, %dma_start3A_295, %dma_start3A_296] : memref<32x28x8xi32, #tpu.memory_space<hbm>> -> memref<1x28x8xi32, #tpu.memory_space<hbm>>
      %dma_start3A_298 = tpu.memref_squeeze %dma_start3A_297 : memref<1x28x8xi32, #tpu.memory_space<hbm>> -> memref<28x8xi32, #tpu.memory_space<hbm>>
      tpu.enqueue_dma source(%dma_start3A_298 : memref<28x8xi32, #tpu.memory_space<hbm>>) target(%arg17 : memref<28x8xi32, #tpu.memory_space<vmem>>) target_semaphore(%run_scoped3A_290 : memref<!tpu.dma_semaphore, #tpu.memory_space<semaphore_mem>>)
      %dma_wait3A_299 = arith.constant 0 : i32
      %dma_wait3A_300 = arith.constant 0 : i32
      %dma_wait3A_301 = tpu.memref_slice %arg6[%add3A, %dma_wait3A_299, %dma_wait3A_300] : memref<32x28x8xi32, #tpu.memory_space<hbm>> -> memref<1x28x8xi32, #tpu.memory_space<hbm>>
      %dma_wait3A_302 = tpu.memref_squeeze %dma_wait3A_301 : memref<1x28x8xi32, #tpu.memory_space<hbm>> -> memref<28x8xi32, #tpu.memory_space<hbm>>
      %dma_wait3A_303 = arith.constant 0 : i32
      %dma_wait3A_304 = arith.constant 0 : i32
      %dma_wait3A_305 = tpu.memref_slice %arg6[%add3A, %dma_wait3A_303, %dma_wait3A_304] : memref<32x28x8xi32, #tpu.memory_space<hbm>> -> memref<1x28x8xi32, #tpu.memory_space<hbm>>
      %dma_wait3A_306 = tpu.memref_squeeze %dma_wait3A_305 : memref<1x28x8xi32, #tpu.memory_space<hbm>> -> memref<28x8xi32, #tpu.memory_space<hbm>>
      tpu.wait_dma2 semaphore(%run_scoped3A_290 : memref<!tpu.dma_semaphore, #tpu.memory_space<semaphore_mem>>) src(%dma_wait3A_306 : memref<28x8xi32, #tpu.memory_space<hbm>>) dst(%arg17 : memref<28x8xi32, #tpu.memory_space<vmem>>)
      tpu.yield
    }) : () -> ()
    %run_scoped3A = arith.constant 0 : i32
    "tpu.region"() ({
      %run_scoped3A_290 = tpu.sem_alloc : memref<!tpu.dma_semaphore, #tpu.memory_space<semaphore_mem>>
      %dma_start3A_291 = arith.constant 0 : i32
      %dma_start3A_292 = tpu.memref_slice %arg18[%run_scoped3A, %dma_start3A_291] : memref<8x4096xf32, #tpu.memory_space<vmem>> -> memref<1x3200xf32, #tpu.memory_space<vmem>>
      %dma_start3A_293 = tpu.memref_squeeze %dma_start3A_292 : memref<1x3200xf32, #tpu.memory_space<vmem>> -> memref<3200xf32, #tpu.memory_space<vmem>>
      %dma_start3A_294 = arith.constant 0 : i32
      %dma_start3A_295 = tpu.memref_slice %arg18[%run_scoped3A, %dma_start3A_294] : memref<8x4096xf32, #tpu.memory_space<vmem>> -> memref<1x3200xf32, #tpu.memory_space<vmem>>
      %dma_start3A_296 = tpu.memref_squeeze %dma_start3A_295 : memref<1x3200xf32, #tpu.memory_space<vmem>> -> memref<3200xf32, #tpu.memory_space<vmem>>
      tpu.enqueue_dma source(%arg3 : memref<3200xf32, #tpu.memory_space<hbm>>) target(%dma_start3A_296 : memref<3200xf32, #tpu.memory_space<vmem>>) target_semaphore(%run_scoped3A_290 : memref<!tpu.dma_semaphore, #tpu.memory_space<semaphore_mem>>)
      %dma_wait3A_297 = arith.constant 0 : i32
      %dma_wait3A_298 = tpu.memref_slice %arg18[%run_scoped3A, %dma_wait3A_297] : memref<8x4096xf32, #tpu.memory_space<vmem>> -> memref<1x3200xf32, #tpu.memory_space<vmem>>
      %dma_wait3A_299 = tpu.memref_squeeze %dma_wait3A_298 : memref<1x3200xf32, #tpu.memory_space<vmem>> -> memref<3200xf32, #tpu.memory_space<vmem>>
      %dma_wait3A_300 = arith.constant 0 : i32
      %dma_wait3A_301 = tpu.memref_slice %arg18[%run_scoped3A, %dma_wait3A_300] : memref<8x4096xf32, #tpu.memory_space<vmem>> -> memref<1x3200xf32, #tpu.memory_space<vmem>>
      %dma_wait3A_302 = tpu.memref_squeeze %dma_wait3A_301 : memref<1x3200xf32, #tpu.memory_space<vmem>> -> memref<3200xf32, #tpu.memory_space<vmem>>
      tpu.wait_dma2 semaphore(%run_scoped3A_290 : memref<!tpu.dma_semaphore, #tpu.memory_space<semaphore_mem>>) src(%arg3 : memref<3200xf32, #tpu.memory_space<hbm>>) dst(%dma_wait3A_302 : memref<3200xf32, #tpu.memory_space<vmem>>)
      tpu.yield
    }) : () -> ()
    %iota3A = tpu.iota {dimensions = array<i32: 0>} : vector<16xi32>
    %scan3A = arith.constant 0 : i32
    %scan3A_1 = arith.constant 0 : i32
    %scan3A_2 = arith.constant 200 : i32
    %scan3A_3 = arith.addi %scan3A_1, %scan3A_2 : i32
    %scan3A_4 = arith.constant 1 : i32
    scf.for %scan3A_290 = %scan3A_1 to %scan3A_3 step %scan3A_4  : i32 {
      %mul3A_291 = arith.constant 16 : i32
      %mul3A_292 = arith.muli %scan3A_290, %mul3A_291 : i32
      %get3A = arith.constant 0 : i32
      %get3A_293 = arith.index_cast %get3A : i32 to index
      %get3A_294 = arith.index_cast %mul3A_292 : i32 to index
      %get3A_295 = tpu.vector_load %arg18[%get3A_293, %get3A_294] {strides = array<i32>} : memref<8x4096xf32, #tpu.memory_space<vmem>>, vector<16xf32>,
      %bitcast3A = vector.bitcast %get3A_295 : vector<16xf32> to vector<16xi32>
      %add3A_296 = vector.broadcast %mul3A_292 : i32 to vector<16xi32>
      %add3A_297 = arith.addi %iota3A, %add3A_296 : vector<16xi32>
      tpu.vector_store_idx %arg14[%bitcast3A], %add3A_297 : memref<3200xi32, #tpu.memory_space<vmem>>[vector<16xi32>], vector<16xi32>,
    }
    %scan3A_5 = arith.constant 200 : i32
    %dma_start3A = arith.constant 0 : i32
    %dma_start3A_6 = arith.constant 0 : i32
    %dma_start3A_7 = tpu.memref_slice %arg17[%dma_start3A, %dma_start3A_6] : memref<28x8xi32, #tpu.memory_space<vmem>> -> memref<1x8xi32, #tpu.memory_space<vmem>>
    %dma_start3A_8 = tpu.memref_squeeze %dma_start3A_7 : memref<1x8xi32, #tpu.memory_space<vmem>> -> memref<8xi32, #tpu.memory_space<vmem>>
    %dma_start3A_9 = arith.constant 0 : i32
    %dma_start3A_10 = arith.constant 0 : i32
    %dma_start3A_11 = tpu.memref_slice %arg8[%dma_start3A_9, %dma_start3A_10] : memref<800x4096xf32, #tpu.memory_space<hbm>> -> memref<800x4096xf32, #tpu.memory_space<hbm>>
    tpu.enqueue_indirect_dma source(%dma_start3A_11 : memref<800x4096xf32, #tpu.memory_space<hbm>>) target(%arg18 : memref<8x4096xf32, #tpu.memory_space<vmem>>) offsets(%dma_start3A_8 : memref<8xi32, #tpu.memory_space<vmem>>) semaphore(%arg26 : memref<!tpu.dma_semaphore, #tpu.memory_space<semaphore_mem>>)
    %dma_start3A_12 = arith.constant 0 : i32
    %dma_start3A_13 = arith.constant 0 : i32
    %dma_start3A_14 = tpu.memref_slice %arg17[%dma_start3A_12, %dma_start3A_13] : memref<28x8xi32, #tpu.memory_space<vmem>> -> memref<1x8xi32, #tpu.memory_space<vmem>>
    %dma_start3A_15 = tpu.memref_squeeze %dma_start3A_14 : memref<1x8xi32, #tpu.memory_space<vmem>> -> memref<8xi32, #tpu.memory_space<vmem>>
    %dma_start3A_16 = arith.constant 0 : i32
    %dma_start3A_17 = arith.constant 0 : i32
    %dma_start3A_18 = tpu.memref_slice %arg7[%dma_start3A_16, %dma_start3A_17] : memref<800x64xf32, #tpu.memory_space<hbm>> -> memref<800x64xf32, #tpu.memory_space<hbm>>
    tpu.enqueue_indirect_dma source(%dma_start3A_18 : memref<800x64xf32, #tpu.memory_space<hbm>>) target(%arg20 : memref<8x64xf32, #tpu.memory_space<vmem>>) offsets(%dma_start3A_15 : memref<8xi32, #tpu.memory_space<vmem>>) semaphore(%arg26 : memref<!tpu.dma_semaphore, #tpu.memory_space<semaphore_mem>>)
    %dma_start3A_19 = arith.constant 1 : i32
    %dma_start3A_20 = arith.constant 0 : i32
    %dma_start3A_21 = tpu.memref_slice %arg17[%dma_start3A_19, %dma_start3A_20] : memref<28x8xi32, #tpu.memory_space<vmem>> -> memref<1x8xi32, #tpu.memory_space<vmem>>
    %dma_start3A_22 = tpu.memref_squeeze %dma_start3A_21 : memref<1x8xi32, #tpu.memory_space<vmem>> -> memref<8xi32, #tpu.memory_space<vmem>>
    %dma_start3A_23 = arith.constant 0 : i32
    %dma_start3A_24 = arith.constant 0 : i32
    %dma_start3A_25 = tpu.memref_slice %arg8[%dma_start3A_23, %dma_start3A_24] : memref<800x4096xf32, #tpu.memory_space<hbm>> -> memref<800x4096xf32, #tpu.memory_space<hbm>>
    tpu.enqueue_indirect_dma source(%dma_start3A_25 : memref<800x4096xf32, #tpu.memory_space<hbm>>) target(%arg19 : memref<8x4096xf32, #tpu.memory_space<vmem>>) offsets(%dma_start3A_22 : memref<8xi32, #tpu.memory_space<vmem>>) semaphore(%arg27 : memref<!tpu.dma_semaphore, #tpu.memory_space<semaphore_mem>>)
    %dma_start3A_26 = arith.constant 1 : i32
    %dma_start3A_27 = arith.constant 0 : i32
    %dma_start3A_28 = tpu.memref_slice %arg17[%dma_start3A_26, %dma_start3A_27] : memref<28x8xi32, #tpu.memory_space<vmem>> -> memref<1x8xi32, #tpu.memory_space<vmem>>
    %dma_start3A_29 = tpu.memref_squeeze %dma_start3A_28 : memref<1x8xi32, #tpu.memory_space<vmem>> -> memref<8xi32, #tpu.memory_space<vmem>>
    %dma_start3A_30 = arith.constant 0 : i32
    %dma_start3A_31 = arith.constant 0 : i32
    %dma_start3A_32 = tpu.memref_slice %arg7[%dma_start3A_30, %dma_start3A_31] : memref<800x64xf32, #tpu.memory_space<hbm>> -> memref<800x64xf32, #tpu.memory_space<hbm>>
    tpu.enqueue_indirect_dma source(%dma_start3A_32 : memref<800x64xf32, #tpu.memory_space<hbm>>) target(%arg21 : memref<8x64xf32, #tpu.memory_space<vmem>>) offsets(%dma_start3A_29 : memref<8xi32, #tpu.memory_space<vmem>>) semaphore(%arg27 : memref<!tpu.dma_semaphore, #tpu.memory_space<semaphore_mem>>)
    %scan3A_33 = arith.constant 0 : i32
    %scan3A_34 = arith.constant 0 : i32
    %scan3A_35 = arith.constant 14 : i32
    %scan3A_36 = arith.addi %scan3A_34, %scan3A_35 : i32
    %scan3A_37 = arith.constant 1 : i32
    scf.for %scan3A_290 = %scan3A_34 to %scan3A_36 step %scan3A_37  : i32 {
      %mul3A_291 = arith.constant 2 : i32
      %mul3A_292 = arith.muli %mul3A_291, %scan3A_290 : i32
      %dma_wait3A_293 = arith.constant 0 : i32
      %dma_wait3A_294 = tpu.memref_slice %arg17[%mul3A_292, %dma_wait3A_293] : memref<28x8xi32, #tpu.memory_space<vmem>> -> memref<1x8xi32, #tpu.memory_space<vmem>>
      %dma_wait3A_295 = tpu.memref_squeeze %dma_wait3A_294 : memref<1x8xi32, #tpu.memory_space<vmem>> -> memref<8xi32, #tpu.memory_space<vmem>>
      %dma_wait3A_296 = arith.constant 0 : i32
      %dma_wait3A_297 = arith.constant 0 : i32
      %dma_wait3A_298 = tpu.memref_slice %arg8[%dma_wait3A_296, %dma_wait3A_297] : memref<800x4096xf32, #tpu.memory_space<hbm>> -> memref<800x4096xf32, #tpu.memory_space<hbm>>
      tpu.wait_indirect_dma semaphore(%arg26 : memref<!tpu.dma_semaphore, #tpu.memory_space<semaphore_mem>>) src(%dma_wait3A_298 : memref<800x4096xf32, #tpu.memory_space<hbm>>) dst(%arg18 : memref<8x4096xf32, #tpu.memory_space<vmem>>)
      %dma_wait3A_299 = arith.constant 0 : i32
      %dma_wait3A_300 = tpu.memref_slice %arg17[%mul3A_292, %dma_wait3A_299] : memref<28x8xi32, #tpu.memory_space<vmem>> -> memref<1x8xi32, #tpu.memory_space<vmem>>
      %dma_wait3A_301 = tpu.memref_squeeze %dma_wait3A_300 : memref<1x8xi32, #tpu.memory_space<vmem>> -> memref<8xi32, #tpu.memory_space<vmem>>
      %dma_wait3A_302 = arith.constant 0 : i32
      %dma_wait3A_303 = arith.constant 0 : i32
      %dma_wait3A_304 = tpu.memref_slice %arg7[%dma_wait3A_302, %dma_wait3A_303] : memref<800x64xf32, #tpu.memory_space<hbm>> -> memref<800x64xf32, #tpu.memory_space<hbm>>
      tpu.wait_indirect_dma semaphore(%arg26 : memref<!tpu.dma_semaphore, #tpu.memory_space<semaphore_mem>>) src(%dma_wait3A_304 : memref<800x64xf32, #tpu.memory_space<hbm>>) dst(%arg20 : memref<8x64xf32, #tpu.memory_space<vmem>>)
      %ge3A = arith.constant 2 : i32
      %ge3A_305 = arith.cmpi sge, %mul3A_292, %ge3A : i32
      %convert_element_type3A = arith.extui %ge3A_305 : i1 to i32
      %cond3A = arith.constant 0 : i32
      %cond3A_306 = arith.cmpi ne, %convert_element_type3A, %cond3A : i32
      scf.if %cond3A_306 {
        %dma_wait3A_1605 = arith.constant 0 : i32
        %dma_wait3A_1606 = arith.constant 0 : i32
        %dma_wait3A_1607 = arith.constant 0 : i32
        %dma_wait3A_1608 = tpu.memref_slice %arg22[%dma_wait3A_1605, %dma_wait3A_1607] : memref<4x4096xf32, #tpu.memory_space<vmem>> -> memref<1x4096xf32, #tpu.memory_space<vmem>>
        %dma_wait3A_1609 = tpu.memref_squeeze %dma_wait3A_1608 : memref<1x4096xf32, #tpu.memory_space<vmem>> -> memref<4096xf32, #tpu.memory_space<vmem>>
        %dma_wait3A_1610 = arith.constant 0 : i32
        %dma_wait3A_1611 = tpu.memref_slice %arg10[%dma_wait3A_1606, %dma_wait3A_1610] : memref<3200x4096xf32, #tpu.memory_space<hbm>> -> memref<1x4096xf32, #tpu.memory_space<hbm>>
        %dma_wait3A_1612 = tpu.memref_squeeze %dma_wait3A_1611 : memref<1x4096xf32, #tpu.memory_space<hbm>> -> memref<4096xf32, #tpu.memory_space<hbm>>
        %dma_wait3A_1613 = arith.constant 0 : i32
        %dma_wait3A_1614 = tpu.memref_slice %arg10[%dma_wait3A_1606, %dma_wait3A_1613] : memref<3200x4096xf32, #tpu.memory_space<hbm>> -> memref<1x4096xf32, #tpu.memory_space<hbm>>
        %dma_wait3A_1615 = tpu.memref_squeeze %dma_wait3A_1614 : memref<1x4096xf32, #tpu.memory_space<hbm>> -> memref<4096xf32, #tpu.memory_space<hbm>>
        %dma_wait3A_1616 = arith.constant 0 : i32
        %dma_wait3A_1617 = tpu.memref_slice %arg22[%dma_wait3A_1605, %dma_wait3A_1616] : memref<4x4096xf32, #tpu.memory_space<vmem>> -> memref<1x4096xf32, #tpu.memory_space<vmem>>
        %dma_wait3A_1618 = tpu.memref_squeeze %dma_wait3A_1617 : memref<1x4096xf32, #tpu.memory_space<vmem>> -> memref<4096xf32, #tpu.memory_space<vmem>>
        tpu.wait_dma2 semaphore(%arg28 : memref<!tpu.dma_semaphore, #tpu.memory_space<semaphore_mem>>) src(%dma_wait3A_1618 : memref<4096xf32, #tpu.memory_space<vmem>>) dst(%dma_wait3A_1615 : memref<4096xf32, #tpu.memory_space<hbm>>)
        %dma_wait3A_1619 = arith.constant 0 : i32
        %dma_wait3A_1620 = arith.constant 0 : i32
        %dma_wait3A_1621 = arith.constant 0 : i32
        %dma_wait3A_1622 = tpu.memref_slice %arg24[%dma_wait3A_1619, %dma_wait3A_1621] : memref<4x64xf32, #tpu.memory_space<vmem>> -> memref<1x64xf32, #tpu.memory_space<vmem>>
        %dma_wait3A_1623 = tpu.memref_squeeze %dma_wait3A_1622 : memref<1x64xf32, #tpu.memory_space<vmem>> -> memref<64xf32, #tpu.memory_space<vmem>>
        %dma_wait3A_1624 = arith.constant 0 : i32
        %dma_wait3A_1625 = tpu.memref_slice %arg9[%dma_wait3A_1620, %dma_wait3A_1624] : memref<3200x64xf32, #tpu.memory_space<hbm>> -> memref<1x64xf32, #tpu.memory_space<hbm>>
        %dma_wait3A_1626 = tpu.memref_squeeze %dma_wait3A_1625 : memref<1x64xf32, #tpu.memory_space<hbm>> -> memref<64xf32, #tpu.memory_space<hbm>>
        %dma_wait3A_1627 = arith.constant 0 : i32
        %dma_wait3A_1628 = tpu.memref_slice %arg9[%dma_wait3A_1620, %dma_wait3A_1627] : memref<3200x64xf32, #tpu.memory_space<hbm>> -> memref<1x64xf32, #tpu.memory_space<hbm>>
        %dma_wait3A_1629 = tpu.memref_squeeze %dma_wait3A_1628 : memref<1x64xf32, #tpu.memory_space<hbm>> -> memref<64xf32, #tpu.memory_space<hbm>>
        %dma_wait3A_1630 = arith.constant 0 : i32
        %dma_wait3A_1631 = tpu.memref_slice %arg24[%dma_wait3A_1619, %dma_wait3A_1630] : memref<4x64xf32, #tpu.memory_space<vmem>> -> memref<1x64xf32, #tpu.memory_space<vmem>>
        %dma_wait3A_1632 = tpu.memref_squeeze %dma_wait3A_1631 : memref<1x64xf32, #tpu.memory_space<vmem>> -> memref<64xf32, #tpu.memory_space<vmem>>
        tpu.wait_dma2 semaphore(%arg28 : memref<!tpu.dma_semaphore, #tpu.memory_space<semaphore_mem>>) src(%dma_wait3A_1632 : memref<64xf32, #tpu.memory_space<vmem>>) dst(%dma_wait3A_1629 : memref<64xf32, #tpu.memory_space<hbm>>)
        %dma_wait3A_1633 = arith.constant 1 : i32
        %dma_wait3A_1634 = arith.constant 0 : i32
        %dma_wait3A_1635 = arith.constant 0 : i32
        %dma_wait3A_1636 = tpu.memref_slice %arg22[%dma_wait3A_1633, %dma_wait3A_1635] : memref<4x4096xf32, #tpu.memory_space<vmem>> -> memref<1x4096xf32, #tpu.memory_space<vmem>>
        %dma_wait3A_1637 = tpu.memref_squeeze %dma_wait3A_1636 : memref<1x4096xf32, #tpu.memory_space<vmem>> -> memref<4096xf32, #tpu.memory_space<vmem>>
        %dma_wait3A_1638 = arith.constant 0 : i32
        %dma_wait3A_1639 = tpu.memref_slice %arg10[%dma_wait3A_1634, %dma_wait3A_1638] : memref<3200x4096xf32, #tpu.memory_space<hbm>> -> memref<1x4096xf32, #tpu.memory_space<hbm>>
        %dma_wait3A_1640 = tpu.memref_squeeze %dma_wait3A_1639 : memref<1x4096xf32, #tpu.memory_space<hbm>> -> memref<4096xf32, #tpu.memory_space<hbm>>
        %dma_wait3A_1641 = arith.constant 0 : i32
        %dma_wait3A_1642 = tpu.memref_slice %arg10[%dma_wait3A_1634, %dma_wait3A_1641] : memref<3200x4096xf32, #tpu.memory_space<hbm>> -> memref<1x4096xf32, #tpu.memory_space<hbm>>
        %dma_wait3A_1643 = tpu.memref_squeeze %dma_wait3A_1642 : memref<1x4096xf32, #tpu.memory_space<hbm>> -> memref<4096xf32, #tpu.memory_space<hbm>>
        %dma_wait3A_1644 = arith.constant 0 : i32
        %dma_wait3A_1645 = tpu.memref_slice %arg22[%dma_wait3A_1633, %dma_wait3A_1644] : memref<4x4096xf32, #tpu.memory_space<vmem>> -> memref<1x4096xf32, #tpu.memory_space<vmem>>
        %dma_wait3A_1646 = tpu.memref_squeeze %dma_wait3A_1645 : memref<1x4096xf32, #tpu.memory_space<vmem>> -> memref<4096xf32, #tpu.memory_space<vmem>>
        tpu.wait_dma2 semaphore(%arg28 : memref<!tpu.dma_semaphore, #tpu.memory_space<semaphore_mem>>) src(%dma_wait3A_1646 : memref<4096xf32, #tpu.memory_space<vmem>>) dst(%dma_wait3A_1643 : memref<4096xf32, #tpu.memory_space<hbm>>)
        %dma_wait3A_1647 = arith.constant 1 : i32
        %dma_wait3A_1648 = arith.constant 0 : i32
        %dma_wait3A_1649 = arith.constant 0 : i32
        %dma_wait3A_1650 = tpu.memref_slice %arg24[%dma_wait3A_1647, %dma_wait3A_1649] : memref<4x64xf32, #tpu.memory_space<vmem>> -> memref<1x64xf32, #tpu.memory_space<vmem>>
        %dma_wait3A_1651 = tpu.memref_squeeze %dma_wait3A_1650 : memref<1x64xf32, #tpu.memory_space<vmem>> -> memref<64xf32, #tpu.memory_space<vmem>>
        %dma_wait3A_1652 = arith.constant 0 : i32
        %dma_wait3A_1653 = tpu.memref_slice %arg9[%dma_wait3A_1648, %dma_wait3A_1652] : memref<3200x64xf32, #tpu.memory_space<hbm>> -> memref<1x64xf32, #tpu.memory_space<hbm>>
        %dma_wait3A_1654 = tpu.memref_squeeze %dma_wait3A_1653 : memref<1x64xf32, #tpu.memory_space<hbm>> -> memref<64xf32, #tpu.memory_space<hbm>>
        %dma_wait3A_1655 = arith.constant 0 : i32
        %dma_wait3A_1656 = tpu.memref_slice %arg9[%dma_wait3A_1648, %dma_wait3A_1655] : memref<3200x64xf32, #tpu.memory_space<hbm>> -> memref<1x64xf32, #tpu.memory_space<hbm>>
        %dma_wait3A_1657 = tpu.memref_squeeze %dma_wait3A_1656 : memref<1x64xf32, #tpu.memory_space<hbm>> -> memref<64xf32, #tpu.memory_space<hbm>>
        %dma_wait3A_1658 = arith.constant 0 : i32
        %dma_wait3A_1659 = tpu.memref_slice %arg24[%dma_wait3A_1647, %dma_wait3A_1658] : memref<4x64xf32, #tpu.memory_space<vmem>> -> memref<1x64xf32, #tpu.memory_space<vmem>>
        %dma_wait3A_1660 = tpu.memref_squeeze %dma_wait3A_1659 : memref<1x64xf32, #tpu.memory_space<vmem>> -> memref<64xf32, #tpu.memory_space<vmem>>
        tpu.wait_dma2 semaphore(%arg28 : memref<!tpu.dma_semaphore, #tpu.memory_space<semaphore_mem>>) src(%dma_wait3A_1660 : memref<64xf32, #tpu.memory_space<vmem>>) dst(%dma_wait3A_1657 : memref<64xf32, #tpu.memory_space<hbm>>)
        %dma_wait3A_1661 = arith.constant 2 : i32
        %dma_wait3A_1662 = arith.constant 0 : i32
        %dma_wait3A_1663 = arith.constant 0 : i32
        %dma_wait3A_1664 = tpu.memref_slice %arg22[%dma_wait3A_1661, %dma_wait3A_1663] : memref<4x4096xf32, #tpu.memory_space<vmem>> -> memref<1x4096xf32, #tpu.memory_space<vmem>>
        %dma_wait3A_1665 = tpu.memref_squeeze %dma_wait3A_1664 : memref<1x4096xf32, #tpu.memory_space<vmem>> -> memref<4096xf32, #tpu.memory_space<vmem>>
        %dma_wait3A_1666 = arith.constant 0 : i32
        %dma_wait3A_1667 = tpu.memref_slice %arg10[%dma_wait3A_1662, %dma_wait3A_1666] : memref<3200x4096xf32, #tpu.memory_space<hbm>> -> memref<1x4096xf32, #tpu.memory_space<hbm>>
        %dma_wait3A_1668 = tpu.memref_squeeze %dma_wait3A_1667 : memref<1x4096xf32, #tpu.memory_space<hbm>> -> memref<4096xf32, #tpu.memory_space<hbm>>
        %dma_wait3A_1669 = arith.constant 0 : i32
        %dma_wait3A_1670 = tpu.memref_slice %arg10[%dma_wait3A_1662, %dma_wait3A_1669] : memref<3200x4096xf32, #tpu.memory_space<hbm>> -> memref<1x4096xf32, #tpu.memory_space<hbm>>
        %dma_wait3A_1671 = tpu.memref_squeeze %dma_wait3A_1670 : memref<1x4096xf32, #tpu.memory_space<hbm>> -> memref<4096xf32, #tpu.memory_space<hbm>>
        %dma_wait3A_1672 = arith.constant 0 : i32
        %dma_wait3A_1673 = tpu.memref_slice %arg22[%dma_wait3A_1661, %dma_wait3A_1672] : memref<4x4096xf32, #tpu.memory_space<vmem>> -> memref<1x4096xf32, #tpu.memory_space<vmem>>
        %dma_wait3A_1674 = tpu.memref_squeeze %dma_wait3A_1673 : memref<1x4096xf32, #tpu.memory_space<vmem>> -> memref<4096xf32, #tpu.memory_space<vmem>>
        tpu.wait_dma2 semaphore(%arg28 : memref<!tpu.dma_semaphore, #tpu.memory_space<semaphore_mem>>) src(%dma_wait3A_1674 : memref<4096xf32, #tpu.memory_space<vmem>>) dst(%dma_wait3A_1671 : memref<4096xf32, #tpu.memory_space<hbm>>)
        %dma_wait3A_1675 = arith.constant 2 : i32
        %dma_wait3A_1676 = arith.constant 0 : i32
        %dma_wait3A_1677 = arith.constant 0 : i32
        %dma_wait3A_1678 = tpu.memref_slice %arg24[%dma_wait3A_1675, %dma_wait3A_1677] : memref<4x64xf32, #tpu.memory_space<vmem>> -> memref<1x64xf32, #tpu.memory_space<vmem>>
        %dma_wait3A_1679 = tpu.memref_squeeze %dma_wait3A_1678 : memref<1x64xf32, #tpu.memory_space<vmem>> -> memref<64xf32, #tpu.memory_space<vmem>>
        %dma_wait3A_1680 = arith.constant 0 : i32
        %dma_wait3A_1681 = tpu.memref_slice %arg9[%dma_wait3A_1676, %dma_wait3A_1680] : memref<3200x64xf32, #tpu.memory_space<hbm>> -> memref<1x64xf32, #tpu.memory_space<hbm>>
        %dma_wait3A_1682 = tpu.memref_squeeze %dma_wait3A_1681 : memref<1x64xf32, #tpu.memory_space<hbm>> -> memref<64xf32, #tpu.memory_space<hbm>>
        %dma_wait3A_1683 = arith.constant 0 : i32
        %dma_wait3A_1684 = tpu.memref_slice %arg9[%dma_wait3A_1676, %dma_wait3A_1683] : memref<3200x64xf32, #tpu.memory_space<hbm>> -> memref<1x64xf32, #tpu.memory_space<hbm>>
        %dma_wait3A_1685 = tpu.memref_squeeze %dma_wait3A_1684 : memref<1x64xf32, #tpu.memory_space<hbm>> -> memref<64xf32, #tpu.memory_space<hbm>>
        %dma_wait3A_1686 = arith.constant 0 : i32
        %dma_wait3A_1687 = tpu.memref_slice %arg24[%dma_wait3A_1675, %dma_wait3A_1686] : memref<4x64xf32, #tpu.memory_space<vmem>> -> memref<1x64xf32, #tpu.memory_space<vmem>>
        %dma_wait3A_1688 = tpu.memref_squeeze %dma_wait3A_1687 : memref<1x64xf32, #tpu.memory_space<vmem>> -> memref<64xf32, #tpu.memory_space<vmem>>
        tpu.wait_dma2 semaphore(%arg28 : memref<!tpu.dma_semaphore, #tpu.memory_space<semaphore_mem>>) src(%dma_wait3A_1688 : memref<64xf32, #tpu.memory_space<vmem>>) dst(%dma_wait3A_1685 : memref<64xf32, #tpu.memory_space<hbm>>)
        %dma_wait3A_1689 = arith.constant 3 : i32
        %dma_wait3A_1690 = arith.constant 0 : i32
        %dma_wait3A_1691 = arith.constant 0 : i32
        %dma_wait3A_1692 = tpu.memref_slice %arg22[%dma_wait3A_1689, %dma_wait3A_1691] : memref<4x4096xf32, #tpu.memory_space<vmem>> -> memref<1x4096xf32, #tpu.memory_space<vmem>>
        %dma_wait3A_1693 = tpu.memref_squeeze %dma_wait3A_1692 : memref<1x4096xf32, #tpu.memory_space<vmem>> -> memref<4096xf32, #tpu.memory_space<vmem>>
        %dma_wait3A_1694 = arith.constant 0 : i32
        %dma_wait3A_1695 = tpu.memref_slice %arg10[%dma_wait3A_1690, %dma_wait3A_1694] : memref<3200x4096xf32, #tpu.memory_space<hbm>> -> memref<1x4096xf32, #tpu.memory_space<hbm>>
        %dma_wait3A_1696 = tpu.memref_squeeze %dma_wait3A_1695 : memref<1x4096xf32, #tpu.memory_space<hbm>> -> memref<4096xf32, #tpu.memory_space<hbm>>
        %dma_wait3A_1697 = arith.constant 0 : i32
        %dma_wait3A_1698 = tpu.memref_slice %arg10[%dma_wait3A_1690, %dma_wait3A_1697] : memref<3200x4096xf32, #tpu.memory_space<hbm>> -> memref<1x4096xf32, #tpu.memory_space<hbm>>
        %dma_wait3A_1699 = tpu.memref_squeeze %dma_wait3A_1698 : memref<1x4096xf32, #tpu.memory_space<hbm>> -> memref<4096xf32, #tpu.memory_space<hbm>>
        %dma_wait3A_1700 = arith.constant 0 : i32
        %dma_wait3A_1701 = tpu.memref_slice %arg22[%dma_wait3A_1689, %dma_wait3A_1700] : memref<4x4096xf32, #tpu.memory_space<vmem>> -> memref<1x4096xf32, #tpu.memory_space<vmem>>
        %dma_wait3A_1702 = tpu.memref_squeeze %dma_wait3A_1701 : memref<1x4096xf32, #tpu.memory_space<vmem>> -> memref<4096xf32, #tpu.memory_space<vmem>>
        tpu.wait_dma2 semaphore(%arg28 : memref<!tpu.dma_semaphore, #tpu.memory_space<semaphore_mem>>) src(%dma_wait3A_1702 : memref<4096xf32, #tpu.memory_space<vmem>>) dst(%dma_wait3A_1699 : memref<4096xf32, #tpu.memory_space<hbm>>)
        %dma_wait3A_1703 = arith.constant 3 : i32
        %dma_wait3A_1704 = arith.constant 0 : i32
        %dma_wait3A_1705 = arith.constant 0 : i32
        %dma_wait3A_1706 = tpu.memref_slice %arg24[%dma_wait3A_1703, %dma_wait3A_1705] : memref<4x64xf32, #tpu.memory_space<vmem>> -> memref<1x64xf32, #tpu.memory_space<vmem>>
        %dma_wait3A_1707 = tpu.memref_squeeze %dma_wait3A_1706 : memref<1x64xf32, #tpu.memory_space<vmem>> -> memref<64xf32, #tpu.memory_space<vmem>>
        %dma_wait3A_1708 = arith.constant 0 : i32
        %dma_wait3A_1709 = tpu.memref_slice %arg9[%dma_wait3A_1704, %dma_wait3A_1708] : memref<3200x64xf32, #tpu.memory_space<hbm>> -> memref<1x64xf32, #tpu.memory_space<hbm>>
        %dma_wait3A_1710 = tpu.memref_squeeze %dma_wait3A_1709 : memref<1x64xf32, #tpu.memory_space<hbm>> -> memref<64xf32, #tpu.memory_space<hbm>>
        %dma_wait3A_1711 = arith.constant 0 : i32
        %dma_wait3A_1712 = tpu.memref_slice %arg9[%dma_wait3A_1704, %dma_wait3A_1711] : memref<3200x64xf32, #tpu.memory_space<hbm>> -> memref<1x64xf32, #tpu.memory_space<hbm>>
        %dma_wait3A_1713 = tpu.memref_squeeze %dma_wait3A_1712 : memref<1x64xf32, #tpu.memory_space<hbm>> -> memref<64xf32, #tpu.memory_space<hbm>>
        %dma_wait3A_1714 = arith.constant 0 : i32
        %dma_wait3A_1715 = tpu.memref_slice %arg24[%dma_wait3A_1703, %dma_wait3A_1714] : memref<4x64xf32, #tpu.memory_space<vmem>> -> memref<1x64xf32, #tpu.memory_space<vmem>>
        %dma_wait3A_1716 = tpu.memref_squeeze %dma_wait3A_1715 : memref<1x64xf32, #tpu.memory_space<vmem>> -> memref<64xf32, #tpu.memory_space<vmem>>
        tpu.wait_dma2 semaphore(%arg28 : memref<!tpu.dma_semaphore, #tpu.memory_space<semaphore_mem>>) src(%dma_wait3A_1716 : memref<64xf32, #tpu.memory_space<vmem>>) dst(%dma_wait3A_1713 : memref<64xf32, #tpu.memory_space<hbm>>)
      } else {
      }
      %broadcast_in_dim3A = vector.broadcast %mul3A_292 : i32 to vector<16xi32>
      %gather3A = tpu.vector_load_idx %arg15[%broadcast_in_dim3A] : memref<28xi32, #tpu.memory_space<vmem>>[vector<16xi32>], vector<16xi32>,
      %broadcast_in_dim3A_307 = vector.broadcast %mul3A_292 : i32 to vector<16xi32>
      %gather3A_308 = tpu.vector_load_idx %arg16[%broadcast_in_dim3A_307] : memref<28xi32, #tpu.memory_space<vmem>>[vector<16xi32>], vector<16xi32>,
      %slice3A = vector.extract_strided_slice %gather3A_308 {offsets = [0], sizes = [1], strides = [1]} : vector<16xi32> to vector<1xi32>
      %squeeze3A = vector.extract %slice3A[0] : i32 from vector<1xi32>
      %add3A_309 = arith.constant 0 : i32
      %add3A_310 = vector.broadcast %add3A_309 : i32 to vector<16xi32>
      %add3A_311 = arith.addi %gather3A, %add3A_310 : vector<16xi32>
      %jit3A = arith.constant 0 : i32
      %jit3A_312 = arith.constant 3199 : i32
      %max3A = vector.broadcast %jit3A : i32 to vector<16xi32>
      %max3A_313 = arith.maxsi %max3A, %add3A_311 : vector<16xi32>
      %min3A = vector.broadcast %jit3A_312 : i32 to vector<16xi32>
      %min3A_314 = arith.minsi %min3A, %max3A_313 : vector<16xi32>
      %gather3A_315 = tpu.vector_load_idx %arg14[%min3A_314] : memref<3200xi32, #tpu.memory_space<vmem>>[vector<16xi32>], vector<16xi32>,
      %slice3A_316 = vector.extract_strided_slice %gather3A_315 {offsets = [0], sizes = [1], strides = [1]} : vector<16xi32> to vector<1xi32>
      %squeeze3A_317 = vector.extract %slice3A_316[0] : i32 from vector<1xi32>
      %broadcast_in_dim3A_318 = arith.constant 0 : i32
      %broadcast_in_dim3A_319 = vector.broadcast %broadcast_in_dim3A_318 : i32 to vector<16xi32>
      %gather3A_320 = tpu.vector_load_idx %arg13[%gather3A_315, %broadcast_in_dim3A_319] : memref<3200x8xf32, #tpu.memory_space<vmem>>[vector<16xi32>, vector<16xi32>], vector<16xf32>,
      %broadcast_in_dim3A_321 = arith.constant 1 : i32
      %broadcast_in_dim3A_322 = vector.broadcast %broadcast_in_dim3A_321 : i32 to vector<16xi32>
      %gather3A_323 = tpu.vector_load_idx %arg13[%gather3A_315, %broadcast_in_dim3A_322] : memref<3200x8xf32, #tpu.memory_space<vmem>>[vector<16xi32>, vector<16xi32>], vector<16xf32>,
      %broadcast_in_dim3A_324 = arith.constant 2 : i32
      %broadcast_in_dim3A_325 = vector.broadcast %broadcast_in_dim3A_324 : i32 to vector<16xi32>
      %gather3A_326 = tpu.vector_load_idx %arg13[%gather3A_315, %broadcast_in_dim3A_325] : memref<3200x8xf32, #tpu.memory_space<vmem>>[vector<16xi32>, vector<16xi32>], vector<16xf32>,
      %broadcast_in_dim3A_327 = arith.constant 3 : i32
      %broadcast_in_dim3A_328 = vector.broadcast %broadcast_in_dim3A_327 : i32 to vector<16xi32>
      %gather3A_329 = tpu.vector_load_idx %arg13[%gather3A_315, %broadcast_in_dim3A_328] : memref<3200x8xf32, #tpu.memory_space<vmem>>[vector<16xi32>, vector<16xi32>], vector<16xf32>,
      %broadcast_in_dim3A_330 = arith.constant 4 : i32
      %broadcast_in_dim3A_331 = vector.broadcast %broadcast_in_dim3A_330 : i32 to vector<16xi32>
      %gather3A_332 = tpu.vector_load_idx %arg13[%gather3A_315, %broadcast_in_dim3A_331] : memref<3200x8xf32, #tpu.memory_space<vmem>>[vector<16xi32>, vector<16xi32>], vector<16xf32>,
      %broadcast_in_dim3A_333 = arith.constant 5 : i32
      %broadcast_in_dim3A_334 = vector.broadcast %broadcast_in_dim3A_333 : i32 to vector<16xi32>
      %gather3A_335 = tpu.vector_load_idx %arg13[%gather3A_315, %broadcast_in_dim3A_334] : memref<3200x8xf32, #tpu.memory_space<vmem>>[vector<16xi32>, vector<16xi32>], vector<16xf32>,
      %broadcast_in_dim3A_336 = arith.constant 6 : i32
      %broadcast_in_dim3A_337 = vector.broadcast %broadcast_in_dim3A_336 : i32 to vector<16xi32>
      %gather3A_338 = tpu.vector_load_idx %arg13[%gather3A_315, %broadcast_in_dim3A_337] : memref<3200x8xf32, #tpu.memory_space<vmem>>[vector<16xi32>, vector<16xi32>], vector<16xf32>,
      %broadcast_in_dim3A_339 = arith.constant 7 : i32
      %broadcast_in_dim3A_340 = vector.broadcast %broadcast_in_dim3A_339 : i32 to vector<16xi32>
      %gather3A_341 = tpu.vector_load_idx %arg13[%gather3A_315, %broadcast_in_dim3A_340] : memref<3200x8xf32, #tpu.memory_space<vmem>>[vector<16xi32>, vector<16xi32>], vector<16xf32>,
      %add3A_342 = arith.constant 1 : i32
      %add3A_343 = vector.broadcast %add3A_342 : i32 to vector<16xi32>
      %add3A_344 = arith.addi %gather3A, %add3A_343 : vector<16xi32>
      %jit3A_345 = arith.constant 0 : i32
      %jit3A_346 = arith.constant 3199 : i32
      %max3A_347 = vector.broadcast %jit3A_345 : i32 to vector<16xi32>
      %max3A_348 = arith.maxsi %max3A_347, %add3A_344 : vector<16xi32>
      %min3A_349 = vector.broadcast %jit3A_346 : i32 to vector<16xi32>
      %min3A_350 = arith.minsi %min3A_349, %max3A_348 : vector<16xi32>
      %gather3A_351 = tpu.vector_load_idx %arg14[%min3A_350] : memref<3200xi32, #tpu.memory_space<vmem>>[vector<16xi32>], vector<16xi32>,
      %slice3A_352 = vector.extract_strided_slice %gather3A_351 {offsets = [0], sizes = [1], strides = [1]} : vector<16xi32> to vector<1xi32>
      %squeeze3A_353 = vector.extract %slice3A_352[0] : i32 from vector<1xi32>
      %broadcast_in_dim3A_354 = arith.constant 0 : i32
      %broadcast_in_dim3A_355 = vector.broadcast %broadcast_in_dim3A_354 : i32 to vector<16xi32>
      %gather3A_356 = tpu.vector_load_idx %arg13[%gather3A_351, %broadcast_in_dim3A_355] : memref<3200x8xf32, #tpu.memory_space<vmem>>[vector<16xi32>, vector<16xi32>], vector<16xf32>,
      %broadcast_in_dim3A_357 = arith.constant 1 : i32
      %broadcast_in_dim3A_358 = vector.broadcast %broadcast_in_dim3A_357 : i32 to vector<16xi32>
      %gather3A_359 = tpu.vector_load_idx %arg13[%gather3A_351, %broadcast_in_dim3A_358] : memref<3200x8xf32, #tpu.memory_space<vmem>>[vector<16xi32>, vector<16xi32>], vector<16xf32>,
      %broadcast_in_dim3A_360 = arith.constant 2 : i32
      %broadcast_in_dim3A_361 = vector.broadcast %broadcast_in_dim3A_360 : i32 to vector<16xi32>
      %gather3A_362 = tpu.vector_load_idx %arg13[%gather3A_351, %broadcast_in_dim3A_361] : memref<3200x8xf32, #tpu.memory_space<vmem>>[vector<16xi32>, vector<16xi32>], vector<16xf32>,
      %broadcast_in_dim3A_363 = arith.constant 3 : i32
      %broadcast_in_dim3A_364 = vector.broadcast %broadcast_in_dim3A_363 : i32 to vector<16xi32>
      %gather3A_365 = tpu.vector_load_idx %arg13[%gather3A_351, %broadcast_in_dim3A_364] : memref<3200x8xf32, #tpu.memory_space<vmem>>[vector<16xi32>, vector<16xi32>], vector<16xf32>,
      %broadcast_in_dim3A_366 = arith.constant 4 : i32
      %broadcast_in_dim3A_367 = vector.broadcast %broadcast_in_dim3A_366 : i32 to vector<16xi32>
      %gather3A_368 = tpu.vector_load_idx %arg13[%gather3A_351, %broadcast_in_dim3A_367] : memref<3200x8xf32, #tpu.memory_space<vmem>>[vector<16xi32>, vector<16xi32>], vector<16xf32>,
      %broadcast_in_dim3A_369 = arith.constant 5 : i32
      %broadcast_in_dim3A_370 = vector.broadcast %broadcast_in_dim3A_369 : i32 to vector<16xi32>
      %gather3A_371 = tpu.vector_load_idx %arg13[%gather3A_351, %broadcast_in_dim3A_370] : memref<3200x8xf32, #tpu.memory_space<vmem>>[vector<16xi32>, vector<16xi32>], vector<16xf32>,
      %broadcast_in_dim3A_372 = arith.constant 6 : i32
      %broadcast_in_dim3A_373 = vector.broadcast %broadcast_in_dim3A_372 : i32 to vector<16xi32>
      %gather3A_374 = tpu.vector_load_idx %arg13[%gather3A_351, %broadcast_in_dim3A_373] : memref<3200x8xf32, #tpu.memory_space<vmem>>[vector<16xi32>, vector<16xi32>], vector<16xf32>,
      %broadcast_in_dim3A_375 = arith.constant 7 : i32
      %broadcast_in_dim3A_376 = vector.broadcast %broadcast_in_dim3A_375 : i32 to vector<16xi32>
      %gather3A_377 = tpu.vector_load_idx %arg13[%gather3A_351, %broadcast_in_dim3A_376] : memref<3200x8xf32, #tpu.memory_space<vmem>>[vector<16xi32>, vector<16xi32>], vector<16xf32>,
      %add3A_378 = arith.constant 2 : i32
      %add3A_379 = vector.broadcast %add3A_378 : i32 to vector<16xi32>
      %add3A_380 = arith.addi %gather3A, %add3A_379 : vector<16xi32>
      %jit3A_381 = arith.constant 0 : i32
      %jit3A_382 = arith.constant 3199 : i32
      %max3A_383 = vector.broadcast %jit3A_381 : i32 to vector<16xi32>
      %max3A_384 = arith.maxsi %max3A_383, %add3A_380 : vector<16xi32>
      %min3A_385 = vector.broadcast %jit3A_382 : i32 to vector<16xi32>
      %min3A_386 = arith.minsi %min3A_385, %max3A_384 : vector<16xi32>
      %gather3A_387 = tpu.vector_load_idx %arg14[%min3A_386] : memref<3200xi32, #tpu.memory_space<vmem>>[vector<16xi32>], vector<16xi32>,
      %slice3A_388 = vector.extract_strided_slice %gather3A_387 {offsets = [0], sizes = [1], strides = [1]} : vector<16xi32> to vector<1xi32>
      %squeeze3A_389 = vector.extract %slice3A_388[0] : i32 from vector<1xi32>
      %broadcast_in_dim3A_390 = arith.constant 0 : i32
      %broadcast_in_dim3A_391 = vector.broadcast %broadcast_in_dim3A_390 : i32 to vector<16xi32>
      %gather3A_392 = tpu.vector_load_idx %arg13[%gather3A_387, %broadcast_in_dim3A_391] : memref<3200x8xf32, #tpu.memory_space<vmem>>[vector<16xi32>, vector<16xi32>], vector<16xf32>,
      %broadcast_in_dim3A_393 = arith.constant 1 : i32
      %broadcast_in_dim3A_394 = vector.broadcast %broadcast_in_dim3A_393 : i32 to vector<16xi32>
      %gather3A_395 = tpu.vector_load_idx %arg13[%gather3A_387, %broadcast_in_dim3A_394] : memref<3200x8xf32, #tpu.memory_space<vmem>>[vector<16xi32>, vector<16xi32>], vector<16xf32>,
      %broadcast_in_dim3A_396 = arith.constant 2 : i32
      %broadcast_in_dim3A_397 = vector.broadcast %broadcast_in_dim3A_396 : i32 to vector<16xi32>
      %gather3A_398 = tpu.vector_load_idx %arg13[%gather3A_387, %broadcast_in_dim3A_397] : memref<3200x8xf32, #tpu.memory_space<vmem>>[vector<16xi32>, vector<16xi32>], vector<16xf32>,
      %broadcast_in_dim3A_399 = arith.constant 3 : i32
      %broadcast_in_dim3A_400 = vector.broadcast %broadcast_in_dim3A_399 : i32 to vector<16xi32>
      %gather3A_401 = tpu.vector_load_idx %arg13[%gather3A_387, %broadcast_in_dim3A_400] : memref<3200x8xf32, #tpu.memory_space<vmem>>[vector<16xi32>, vector<16xi32>], vector<16xf32>,
      %broadcast_in_dim3A_402 = arith.constant 4 : i32
      %broadcast_in_dim3A_403 = vector.broadcast %broadcast_in_dim3A_402 : i32 to vector<16xi32>
      %gather3A_404 = tpu.vector_load_idx %arg13[%gather3A_387, %broadcast_in_dim3A_403] : memref<3200x8xf32, #tpu.memory_space<vmem>>[vector<16xi32>, vector<16xi32>], vector<16xf32>,
      %broadcast_in_dim3A_405 = arith.constant 5 : i32
      %broadcast_in_dim3A_406 = vector.broadcast %broadcast_in_dim3A_405 : i32 to vector<16xi32>
      %gather3A_407 = tpu.vector_load_idx %arg13[%gather3A_387, %broadcast_in_dim3A_406] : memref<3200x8xf32, #tpu.memory_space<vmem>>[vector<16xi32>, vector<16xi32>], vector<16xf32>,
      %broadcast_in_dim3A_408 = arith.constant 6 : i32
      %broadcast_in_dim3A_409 = vector.broadcast %broadcast_in_dim3A_408 : i32 to vector<16xi32>
      %gather3A_410 = tpu.vector_load_idx %arg13[%gather3A_387, %broadcast_in_dim3A_409] : memref<3200x8xf32, #tpu.memory_space<vmem>>[vector<16xi32>, vector<16xi32>], vector<16xf32>,
      %broadcast_in_dim3A_411 = arith.constant 7 : i32
      %broadcast_in_dim3A_412 = vector.broadcast %broadcast_in_dim3A_411 : i32 to vector<16xi32>
      %gather3A_413 = tpu.vector_load_idx %arg13[%gather3A_387, %broadcast_in_dim3A_412] : memref<3200x8xf32, #tpu.memory_space<vmem>>[vector<16xi32>, vector<16xi32>], vector<16xf32>,
      %add3A_414 = arith.constant 3 : i32
      %add3A_415 = vector.broadcast %add3A_414 : i32 to vector<16xi32>
      %add3A_416 = arith.addi %gather3A, %add3A_415 : vector<16xi32>
      %jit3A_417 = arith.constant 0 : i32
      %jit3A_418 = arith.constant 3199 : i32
      %max3A_419 = vector.broadcast %jit3A_417 : i32 to vector<16xi32>
      %max3A_420 = arith.maxsi %max3A_419, %add3A_416 : vector<16xi32>
      %min3A_421 = vector.broadcast %jit3A_418 : i32 to vector<16xi32>
      %min3A_422 = arith.minsi %min3A_421, %max3A_420 : vector<16xi32>
      %gather3A_423 = tpu.vector_load_idx %arg14[%min3A_422] : memref<3200xi32, #tpu.memory_space<vmem>>[vector<16xi32>], vector<16xi32>,
      %slice3A_424 = vector.extract_strided_slice %gather3A_423 {offsets = [0], sizes = [1], strides = [1]} : vector<16xi32> to vector<1xi32>
      %squeeze3A_425 = vector.extract %slice3A_424[0] : i32 from vector<1xi32>
      %broadcast_in_dim3A_426 = arith.constant 0 : i32
      %broadcast_in_dim3A_427 = vector.broadcast %broadcast_in_dim3A_426 : i32 to vector<16xi32>
      %gather3A_428 = tpu.vector_load_idx %arg13[%gather3A_423, %broadcast_in_dim3A_427] : memref<3200x8xf32, #tpu.memory_space<vmem>>[vector<16xi32>, vector<16xi32>], vector<16xf32>,
      %broadcast_in_dim3A_429 = arith.constant 1 : i32
      %broadcast_in_dim3A_430 = vector.broadcast %broadcast_in_dim3A_429 : i32 to vector<16xi32>
      %gather3A_431 = tpu.vector_load_idx %arg13[%gather3A_423, %broadcast_in_dim3A_430] : memref<3200x8xf32, #tpu.memory_space<vmem>>[vector<16xi32>, vector<16xi32>], vector<16xf32>,
      %broadcast_in_dim3A_432 = arith.constant 2 : i32
      %broadcast_in_dim3A_433 = vector.broadcast %broadcast_in_dim3A_432 : i32 to vector<16xi32>
      %gather3A_434 = tpu.vector_load_idx %arg13[%gather3A_423, %broadcast_in_dim3A_433] : memref<3200x8xf32, #tpu.memory_space<vmem>>[vector<16xi32>, vector<16xi32>], vector<16xf32>,
      %broadcast_in_dim3A_435 = arith.constant 3 : i32
      %broadcast_in_dim3A_436 = vector.broadcast %broadcast_in_dim3A_435 : i32 to vector<16xi32>
      %gather3A_437 = tpu.vector_load_idx %arg13[%gather3A_423, %broadcast_in_dim3A_436] : memref<3200x8xf32, #tpu.memory_space<vmem>>[vector<16xi32>, vector<16xi32>], vector<16xf32>,
      %broadcast_in_dim3A_438 = arith.constant 4 : i32
      %broadcast_in_dim3A_439 = vector.broadcast %broadcast_in_dim3A_438 : i32 to vector<16xi32>
      %gather3A_440 = tpu.vector_load_idx %arg13[%gather3A_423, %broadcast_in_dim3A_439] : memref<3200x8xf32, #tpu.memory_space<vmem>>[vector<16xi32>, vector<16xi32>], vector<16xf32>,
      %broadcast_in_dim3A_441 = arith.constant 5 : i32
      %broadcast_in_dim3A_442 = vector.broadcast %broadcast_in_dim3A_441 : i32 to vector<16xi32>
      %gather3A_443 = tpu.vector_load_idx %arg13[%gather3A_423, %broadcast_in_dim3A_442] : memref<3200x8xf32, #tpu.memory_space<vmem>>[vector<16xi32>, vector<16xi32>], vector<16xf32>,
      %broadcast_in_dim3A_444 = arith.constant 6 : i32
      %broadcast_in_dim3A_445 = vector.broadcast %broadcast_in_dim3A_444 : i32 to vector<16xi32>
      %gather3A_446 = tpu.vector_load_idx %arg13[%gather3A_423, %broadcast_in_dim3A_445] : memref<3200x8xf32, #tpu.memory_space<vmem>>[vector<16xi32>, vector<16xi32>], vector<16xf32>,
      %broadcast_in_dim3A_447 = arith.constant 7 : i32
      %broadcast_in_dim3A_448 = vector.broadcast %broadcast_in_dim3A_447 : i32 to vector<16xi32>
      %gather3A_449 = tpu.vector_load_idx %arg13[%gather3A_423, %broadcast_in_dim3A_448] : memref<3200x8xf32, #tpu.memory_space<vmem>>[vector<16xi32>, vector<16xi32>], vector<16xf32>,
      %scan3A_450 = arith.constant 0 : i32
      %scan3A_451 = arith.constant 0 : i32
      %scan3A_452 = arith.constant 256 : i32
      %scan3A_453 = arith.addi %scan3A_451, %scan3A_452 : i32
      %scan3A_454 = arith.constant 1 : i32
      scf.for %scan3A_1605 = %scan3A_451 to %scan3A_453 step %scan3A_454  : i32 {
        %mul3A_1606 = arith.constant 16 : i32
        %mul3A_1607 = arith.muli %scan3A_1605, %mul3A_1606 : i32
        %get3A_1608 = arith.constant 0 : i32
        %get3A_1609 = arith.index_cast %get3A_1608 : i32 to index
        %get3A_1610 = arith.index_cast %mul3A_1607 : i32 to index
        %get3A_1611 = tpu.vector_load %arg18[%get3A_1609, %get3A_1610] {strides = array<i32>} : memref<8x4096xf32, #tpu.memory_space<vmem>>, vector<16xf32>,
        %get3A_1612 = arith.constant 1 : i32
        %get3A_1613 = arith.index_cast %get3A_1612 : i32 to index
        %get3A_1614 = arith.index_cast %mul3A_1607 : i32 to index
        %get3A_1615 = tpu.vector_load %arg18[%get3A_1613, %get3A_1614] {strides = array<i32>} : memref<8x4096xf32, #tpu.memory_space<vmem>>, vector<16xf32>,
        %get3A_1616 = arith.constant 2 : i32
        %get3A_1617 = arith.index_cast %get3A_1616 : i32 to index
        %get3A_1618 = arith.index_cast %mul3A_1607 : i32 to index
        %get3A_1619 = tpu.vector_load %arg18[%get3A_1617, %get3A_1618] {strides = array<i32>} : memref<8x4096xf32, #tpu.memory_space<vmem>>, vector<16xf32>,
        %get3A_1620 = arith.constant 3 : i32
        %get3A_1621 = arith.index_cast %get3A_1620 : i32 to index
        %get3A_1622 = arith.index_cast %mul3A_1607 : i32 to index
        %get3A_1623 = tpu.vector_load %arg18[%get3A_1621, %get3A_1622] {strides = array<i32>} : memref<8x4096xf32, #tpu.memory_space<vmem>>, vector<16xf32>,
        %get3A_1624 = arith.constant 4 : i32
        %get3A_1625 = arith.index_cast %get3A_1624 : i32 to index
        %get3A_1626 = arith.index_cast %mul3A_1607 : i32 to index
        %get3A_1627 = tpu.vector_load %arg18[%get3A_1625, %get3A_1626] {strides = array<i32>} : memref<8x4096xf32, #tpu.memory_space<vmem>>, vector<16xf32>,
        %get3A_1628 = arith.constant 5 : i32
        %get3A_1629 = arith.index_cast %get3A_1628 : i32 to index
        %get3A_1630 = arith.index_cast %mul3A_1607 : i32 to index
        %get3A_1631 = tpu.vector_load %arg18[%get3A_1629, %get3A_1630] {strides = array<i32>} : memref<8x4096xf32, #tpu.memory_space<vmem>>, vector<16xf32>,
        %get3A_1632 = arith.constant 6 : i32
        %get3A_1633 = arith.index_cast %get3A_1632 : i32 to index
        %get3A_1634 = arith.index_cast %mul3A_1607 : i32 to index
        %get3A_1635 = tpu.vector_load %arg18[%get3A_1633, %get3A_1634] {strides = array<i32>} : memref<8x4096xf32, #tpu.memory_space<vmem>>, vector<16xf32>,
        %get3A_1636 = arith.constant 7 : i32
        %get3A_1637 = arith.index_cast %get3A_1636 : i32 to index
        %get3A_1638 = arith.index_cast %mul3A_1607 : i32 to index
        %get3A_1639 = tpu.vector_load %arg18[%get3A_1637, %get3A_1638] {strides = array<i32>} : memref<8x4096xf32, #tpu.memory_space<vmem>>, vector<16xf32>,
        %mul3A_1640 = arith.mulf %get3A_1611, %gather3A_320 : vector<16xf32>
        %mul3A_1641 = arith.mulf %get3A_1615, %gather3A_323 : vector<16xf32>
        %add3A_1642 = arith.addf %mul3A_1640, %mul3A_1641 : vector<16xf32>
        %mul3A_1643 = arith.mulf %get3A_1619, %gather3A_326 : vector<16xf32>
        %add3A_1644 = arith.addf %add3A_1642, %mul3A_1643 : vector<16xf32>
        %mul3A_1645 = arith.mulf %get3A_1623, %gather3A_329 : vector<16xf32>
        %add3A_1646 = arith.addf %add3A_1644, %mul3A_1645 : vector<16xf32>
        %mul3A_1647 = arith.mulf %get3A_1627, %gather3A_332 : vector<16xf32>
        %add3A_1648 = arith.addf %add3A_1646, %mul3A_1647 : vector<16xf32>
        %mul3A_1649 = arith.mulf %get3A_1631, %gather3A_335 : vector<16xf32>
        %add3A_1650 = arith.addf %add3A_1648, %mul3A_1649 : vector<16xf32>
        %mul3A_1651 = arith.mulf %get3A_1635, %gather3A_338 : vector<16xf32>
        %add3A_1652 = arith.addf %add3A_1650, %mul3A_1651 : vector<16xf32>
        %mul3A_1653 = arith.mulf %get3A_1639, %gather3A_341 : vector<16xf32>
        %add3A_1654 = arith.addf %add3A_1652, %mul3A_1653 : vector<16xf32>
        %swap3A_1655 = arith.constant 0 : i32
        %swap3A_1656 = arith.index_cast %swap3A_1655 : i32 to index
        %swap3A_1657 = arith.index_cast %mul3A_1607 : i32 to index
        %swap3A_1658 = tpu.vector_load %arg22[%swap3A_1656, %swap3A_1657] {strides = array<i32>} : memref<4x4096xf32, #tpu.memory_space<vmem>>, vector<16xf32>,
        tpu.vector_store %arg22[%swap3A_1656, %swap3A_1657], %add3A_1654 {strides = array<i32>} : memref<4x4096xf32, #tpu.memory_space<vmem>>, vector<16xf32>,
        %mul3A_1659 = arith.mulf %get3A_1611, %gather3A_356 : vector<16xf32>
        %mul3A_1660 = arith.mulf %get3A_1615, %gather3A_359 : vector<16xf32>
        %add3A_1661 = arith.addf %mul3A_1659, %mul3A_1660 : vector<16xf32>
        %mul3A_1662 = arith.mulf %get3A_1619, %gather3A_362 : vector<16xf32>
        %add3A_1663 = arith.addf %add3A_1661, %mul3A_1662 : vector<16xf32>
        %mul3A_1664 = arith.mulf %get3A_1623, %gather3A_365 : vector<16xf32>
        %add3A_1665 = arith.addf %add3A_1663, %mul3A_1664 : vector<16xf32>
        %mul3A_1666 = arith.mulf %get3A_1627, %gather3A_368 : vector<16xf32>
        %add3A_1667 = arith.addf %add3A_1665, %mul3A_1666 : vector<16xf32>
        %mul3A_1668 = arith.mulf %get3A_1631, %gather3A_371 : vector<16xf32>
        %add3A_1669 = arith.addf %add3A_1667, %mul3A_1668 : vector<16xf32>
        %mul3A_1670 = arith.mulf %get3A_1635, %gather3A_374 : vector<16xf32>
        %add3A_1671 = arith.addf %add3A_1669, %mul3A_1670 : vector<16xf32>
        %mul3A_1672 = arith.mulf %get3A_1639, %gather3A_377 : vector<16xf32>
        %add3A_1673 = arith.addf %add3A_1671, %mul3A_1672 : vector<16xf32>
        %swap3A_1674 = arith.constant 1 : i32
        %swap3A_1675 = arith.index_cast %swap3A_1674 : i32 to index
        %swap3A_1676 = arith.index_cast %mul3A_1607 : i32 to index
        %swap3A_1677 = tpu.vector_load %arg22[%swap3A_1675, %swap3A_1676] {strides = array<i32>} : memref<4x4096xf32, #tpu.memory_space<vmem>>, vector<16xf32>,
        tpu.vector_store %arg22[%swap3A_1675, %swap3A_1676], %add3A_1673 {strides = array<i32>} : memref<4x4096xf32, #tpu.memory_space<vmem>>, vector<16xf32>,
        %mul3A_1678 = arith.mulf %get3A_1611, %gather3A_392 : vector<16xf32>
        %mul3A_1679 = arith.mulf %get3A_1615, %gather3A_395 : vector<16xf32>
        %add3A_1680 = arith.addf %mul3A_1678, %mul3A_1679 : vector<16xf32>
        %mul3A_1681 = arith.mulf %get3A_1619, %gather3A_398 : vector<16xf32>
        %add3A_1682 = arith.addf %add3A_1680, %mul3A_1681 : vector<16xf32>
        %mul3A_1683 = arith.mulf %get3A_1623, %gather3A_401 : vector<16xf32>
        %add3A_1684 = arith.addf %add3A_1682, %mul3A_1683 : vector<16xf32>
        %mul3A_1685 = arith.mulf %get3A_1627, %gather3A_404 : vector<16xf32>
        %add3A_1686 = arith.addf %add3A_1684, %mul3A_1685 : vector<16xf32>
        %mul3A_1687 = arith.mulf %get3A_1631, %gather3A_407 : vector<16xf32>
        %add3A_1688 = arith.addf %add3A_1686, %mul3A_1687 : vector<16xf32>
        %mul3A_1689 = arith.mulf %get3A_1635, %gather3A_410 : vector<16xf32>
        %add3A_1690 = arith.addf %add3A_1688, %mul3A_1689 : vector<16xf32>
        %mul3A_1691 = arith.mulf %get3A_1639, %gather3A_413 : vector<16xf32>
        %add3A_1692 = arith.addf %add3A_1690, %mul3A_1691 : vector<16xf32>
        %swap3A_1693 = arith.constant 2 : i32
        %swap3A_1694 = arith.index_cast %swap3A_1693 : i32 to index
        %swap3A_1695 = arith.index_cast %mul3A_1607 : i32 to index
        %swap3A_1696 = tpu.vector_load %arg22[%swap3A_1694, %swap3A_1695] {strides = array<i32>} : memref<4x4096xf32, #tpu.memory_space<vmem>>, vector<16xf32>,
        tpu.vector_store %arg22[%swap3A_1694, %swap3A_1695], %add3A_1692 {strides = array<i32>} : memref<4x4096xf32, #tpu.memory_space<vmem>>, vector<16xf32>,
        %mul3A_1697 = arith.mulf %get3A_1611, %gather3A_428 : vector<16xf32>
        %mul3A_1698 = arith.mulf %get3A_1615, %gather3A_431 : vector<16xf32>
        %add3A_1699 = arith.addf %mul3A_1697, %mul3A_1698 : vector<16xf32>
        %mul3A_1700 = arith.mulf %get3A_1619, %gather3A_434 : vector<16xf32>
        %add3A_1701 = arith.addf %add3A_1699, %mul3A_1700 : vector<16xf32>
        %mul3A_1702 = arith.mulf %get3A_1623, %gather3A_437 : vector<16xf32>
        %add3A_1703 = arith.addf %add3A_1701, %mul3A_1702 : vector<16xf32>
        %mul3A_1704 = arith.mulf %get3A_1627, %gather3A_440 : vector<16xf32>
        %add3A_1705 = arith.addf %add3A_1703, %mul3A_1704 : vector<16xf32>
        %mul3A_1706 = arith.mulf %get3A_1631, %gather3A_443 : vector<16xf32>
        %add3A_1707 = arith.addf %add3A_1705, %mul3A_1706 : vector<16xf32>
        %mul3A_1708 = arith.mulf %get3A_1635, %gather3A_446 : vector<16xf32>
        %add3A_1709 = arith.addf %add3A_1707, %mul3A_1708 : vector<16xf32>
        %mul3A_1710 = arith.mulf %get3A_1639, %gather3A_449 : vector<16xf32>
        %add3A_1711 = arith.addf %add3A_1709, %mul3A_1710 : vector<16xf32>
        %swap3A_1712 = arith.constant 3 : i32
        %swap3A_1713 = arith.index_cast %swap3A_1712 : i32 to index
        %swap3A_1714 = arith.index_cast %mul3A_1607 : i32 to index
        %swap3A_1715 = tpu.vector_load %arg22[%swap3A_1713, %swap3A_1714] {strides = array<i32>} : memref<4x4096xf32, #tpu.memory_space<vmem>>, vector<16xf32>,
        tpu.vector_store %arg22[%swap3A_1713, %swap3A_1714], %add3A_1711 {strides = array<i32>} : memref<4x4096xf32, #tpu.memory_space<vmem>>, vector<16xf32>,
      }
      %scan3A_455 = arith.constant 256 : i32
      %get3A = arith.constant 0 : i32
      %get3A_456 = arith.index_cast %get3A : i32 to index
      %get3A_457 = arith.constant 0 : index
      %get3A_458 = tpu.vector_load %arg20[%get3A_456, %get3A_457] {strides = array<i32>} : memref<8x64xf32, #tpu.memory_space<vmem>>, vector<16xf32>,
      %get3A_459 = arith.constant 1 : i32
      %get3A_460 = arith.index_cast %get3A_459 : i32 to index
      %get3A_461 = arith.constant 0 : index
      %get3A_462 = tpu.vector_load %arg20[%get3A_460, %get3A_461] {strides = array<i32>} : memref<8x64xf32, #tpu.memory_space<vmem>>, vector<16xf32>,
      %get3A_463 = arith.constant 2 : i32
      %get3A_464 = arith.index_cast %get3A_463 : i32 to index
      %get3A_465 = arith.constant 0 : index
      %get3A_466 = tpu.vector_load %arg20[%get3A_464, %get3A_465] {strides = array<i32>} : memref<8x64xf32, #tpu.memory_space<vmem>>, vector<16xf32>,
      %get3A_467 = arith.constant 3 : i32
      %get3A_468 = arith.index_cast %get3A_467 : i32 to index
      %get3A_469 = arith.constant 0 : index
      %get3A_470 = tpu.vector_load %arg20[%get3A_468, %get3A_469] {strides = array<i32>} : memref<8x64xf32, #tpu.memory_space<vmem>>, vector<16xf32>,
      %get3A_471 = arith.constant 4 : i32
      %get3A_472 = arith.index_cast %get3A_471 : i32 to index
      %get3A_473 = arith.constant 0 : index
      %get3A_474 = tpu.vector_load %arg20[%get3A_472, %get3A_473] {strides = array<i32>} : memref<8x64xf32, #tpu.memory_space<vmem>>, vector<16xf32>,
      %get3A_475 = arith.constant 5 : i32
      %get3A_476 = arith.index_cast %get3A_475 : i32 to index
      %get3A_477 = arith.constant 0 : index
      %get3A_478 = tpu.vector_load %arg20[%get3A_476, %get3A_477] {strides = array<i32>} : memref<8x64xf32, #tpu.memory_space<vmem>>, vector<16xf32>,
      %get3A_479 = arith.constant 6 : i32
      %get3A_480 = arith.index_cast %get3A_479 : i32 to index
      %get3A_481 = arith.constant 0 : index
      %get3A_482 = tpu.vector_load %arg20[%get3A_480, %get3A_481] {strides = array<i32>} : memref<8x64xf32, #tpu.memory_space<vmem>>, vector<16xf32>,
      %get3A_483 = arith.constant 7 : i32
      %get3A_484 = arith.index_cast %get3A_483 : i32 to index
      %get3A_485 = arith.constant 0 : index
      %get3A_486 = tpu.vector_load %arg20[%get3A_484, %get3A_485] {strides = array<i32>} : memref<8x64xf32, #tpu.memory_space<vmem>>, vector<16xf32>,
      %mul3A_487 = arith.mulf %get3A_458, %gather3A_320 : vector<16xf32>
      %mul3A_488 = arith.mulf %get3A_462, %gather3A_323 : vector<16xf32>
      %add3A_489 = arith.addf %mul3A_487, %mul3A_488 : vector<16xf32>
      %mul3A_490 = arith.mulf %get3A_466, %gather3A_326 : vector<16xf32>
      %add3A_491 = arith.addf %add3A_489, %mul3A_490 : vector<16xf32>
      %mul3A_492 = arith.mulf %get3A_470, %gather3A_329 : vector<16xf32>
      %add3A_493 = arith.addf %add3A_491, %mul3A_492 : vector<16xf32>
      %mul3A_494 = arith.mulf %get3A_474, %gather3A_332 : vector<16xf32>
      %add3A_495 = arith.addf %add3A_493, %mul3A_494 : vector<16xf32>
      %mul3A_496 = arith.mulf %get3A_478, %gather3A_335 : vector<16xf32>
      %add3A_497 = arith.addf %add3A_495, %mul3A_496 : vector<16xf32>
      %mul3A_498 = arith.mulf %get3A_482, %gather3A_338 : vector<16xf32>
      %add3A_499 = arith.addf %add3A_497, %mul3A_498 : vector<16xf32>
      %mul3A_500 = arith.mulf %get3A_486, %gather3A_341 : vector<16xf32>
      %add3A_501 = arith.addf %add3A_499, %mul3A_500 : vector<16xf32>
      %swap3A = arith.constant 0 : i32
      %swap3A_502 = arith.index_cast %swap3A : i32 to index
      %swap3A_503 = arith.constant 0 : index
      %swap3A_504 = tpu.vector_load %arg24[%swap3A_502, %swap3A_503] {strides = array<i32>} : memref<4x64xf32, #tpu.memory_space<vmem>>, vector<16xf32>,
      tpu.vector_store %arg24[%swap3A_502, %swap3A_503], %add3A_501 {strides = array<i32>} : memref<4x64xf32, #tpu.memory_space<vmem>>, vector<16xf32>,
      %mul3A_505 = arith.mulf %get3A_458, %gather3A_356 : vector<16xf32>
      %mul3A_506 = arith.mulf %get3A_462, %gather3A_359 : vector<16xf32>
      %add3A_507 = arith.addf %mul3A_505, %mul3A_506 : vector<16xf32>
      %mul3A_508 = arith.mulf %get3A_466, %gather3A_362 : vector<16xf32>
      %add3A_509 = arith.addf %add3A_507, %mul3A_508 : vector<16xf32>
      %mul3A_510 = arith.mulf %get3A_470, %gather3A_365 : vector<16xf32>
      %add3A_511 = arith.addf %add3A_509, %mul3A_510 : vector<16xf32>
      %mul3A_512 = arith.mulf %get3A_474, %gather3A_368 : vector<16xf32>
      %add3A_513 = arith.addf %add3A_511, %mul3A_512 : vector<16xf32>
      %mul3A_514 = arith.mulf %get3A_478, %gather3A_371 : vector<16xf32>
      %add3A_515 = arith.addf %add3A_513, %mul3A_514 : vector<16xf32>
      %mul3A_516 = arith.mulf %get3A_482, %gather3A_374 : vector<16xf32>
      %add3A_517 = arith.addf %add3A_515, %mul3A_516 : vector<16xf32>
      %mul3A_518 = arith.mulf %get3A_486, %gather3A_377 : vector<16xf32>
      %add3A_519 = arith.addf %add3A_517, %mul3A_518 : vector<16xf32>
      %swap3A_520 = arith.constant 1 : i32
      %swap3A_521 = arith.index_cast %swap3A_520 : i32 to index
      %swap3A_522 = arith.constant 0 : index
      %swap3A_523 = tpu.vector_load %arg24[%swap3A_521, %swap3A_522] {strides = array<i32>} : memref<4x64xf32, #tpu.memory_space<vmem>>, vector<16xf32>,
      tpu.vector_store %arg24[%swap3A_521, %swap3A_522], %add3A_519 {strides = array<i32>} : memref<4x64xf32, #tpu.memory_space<vmem>>, vector<16xf32>,
      %mul3A_524 = arith.mulf %get3A_458, %gather3A_392 : vector<16xf32>
      %mul3A_525 = arith.mulf %get3A_462, %gather3A_395 : vector<16xf32>
      %add3A_526 = arith.addf %mul3A_524, %mul3A_525 : vector<16xf32>
      %mul3A_527 = arith.mulf %get3A_466, %gather3A_398 : vector<16xf32>
      %add3A_528 = arith.addf %add3A_526, %mul3A_527 : vector<16xf32>
      %mul3A_529 = arith.mulf %get3A_470, %gather3A_401 : vector<16xf32>
      %add3A_530 = arith.addf %add3A_528, %mul3A_529 : vector<16xf32>
      %mul3A_531 = arith.mulf %get3A_474, %gather3A_404 : vector<16xf32>
      %add3A_532 = arith.addf %add3A_530, %mul3A_531 : vector<16xf32>
      %mul3A_533 = arith.mulf %get3A_478, %gather3A_407 : vector<16xf32>
      %add3A_534 = arith.addf %add3A_532, %mul3A_533 : vector<16xf32>
      %mul3A_535 = arith.mulf %get3A_482, %gather3A_410 : vector<16xf32>
      %add3A_536 = arith.addf %add3A_534, %mul3A_535 : vector<16xf32>
      %mul3A_537 = arith.mulf %get3A_486, %gather3A_413 : vector<16xf32>
      %add3A_538 = arith.addf %add3A_536, %mul3A_537 : vector<16xf32>
      %swap3A_539 = arith.constant 2 : i32
      %swap3A_540 = arith.index_cast %swap3A_539 : i32 to index
      %swap3A_541 = arith.constant 0 : index
      %swap3A_542 = tpu.vector_load %arg24[%swap3A_540, %swap3A_541] {strides = array<i32>} : memref<4x64xf32, #tpu.memory_space<vmem>>, vector<16xf32>,
      tpu.vector_store %arg24[%swap3A_540, %swap3A_541], %add3A_538 {strides = array<i32>} : memref<4x64xf32, #tpu.memory_space<vmem>>, vector<16xf32>,
      %mul3A_543 = arith.mulf %get3A_458, %gather3A_428 : vector<16xf32>
      %mul3A_544 = arith.mulf %get3A_462, %gather3A_431 : vector<16xf32>
      %add3A_545 = arith.addf %mul3A_543, %mul3A_544 : vector<16xf32>
      %mul3A_546 = arith.mulf %get3A_466, %gather3A_434 : vector<16xf32>
      %add3A_547 = arith.addf %add3A_545, %mul3A_546 : vector<16xf32>
      %mul3A_548 = arith.mulf %get3A_470, %gather3A_437 : vector<16xf32>
      %add3A_549 = arith.addf %add3A_547, %mul3A_548 : vector<16xf32>
      %mul3A_550 = arith.mulf %get3A_474, %gather3A_440 : vector<16xf32>
      %add3A_551 = arith.addf %add3A_549, %mul3A_550 : vector<16xf32>
      %mul3A_552 = arith.mulf %get3A_478, %gather3A_443 : vector<16xf32>
      %add3A_553 = arith.addf %add3A_551, %mul3A_552 : vector<16xf32>
      %mul3A_554 = arith.mulf %get3A_482, %gather3A_446 : vector<16xf32>
      %add3A_555 = arith.addf %add3A_553, %mul3A_554 : vector<16xf32>
      %mul3A_556 = arith.mulf %get3A_486, %gather3A_449 : vector<16xf32>
      %add3A_557 = arith.addf %add3A_555, %mul3A_556 : vector<16xf32>
      %swap3A_558 = arith.constant 3 : i32
      %swap3A_559 = arith.index_cast %swap3A_558 : i32 to index
      %swap3A_560 = arith.constant 0 : index
      %swap3A_561 = tpu.vector_load %arg24[%swap3A_559, %swap3A_560] {strides = array<i32>} : memref<4x64xf32, #tpu.memory_space<vmem>>, vector<16xf32>,
      tpu.vector_store %arg24[%swap3A_559, %swap3A_560], %add3A_557 {strides = array<i32>} : memref<4x64xf32, #tpu.memory_space<vmem>>, vector<16xf32>,
      %get3A_562 = arith.constant 0 : i32
      %get3A_563 = arith.index_cast %get3A_562 : i32 to index
      %get3A_564 = arith.constant 16 : index
      %get3A_565 = tpu.vector_load %arg20[%get3A_563, %get3A_564] {strides = array<i32>} : memref<8x64xf32, #tpu.memory_space<vmem>>, vector<16xf32>,
      %get3A_566 = arith.constant 1 : i32
      %get3A_567 = arith.index_cast %get3A_566 : i32 to index
      %get3A_568 = arith.constant 16 : index
      %get3A_569 = tpu.vector_load %arg20[%get3A_567, %get3A_568] {strides = array<i32>} : memref<8x64xf32, #tpu.memory_space<vmem>>, vector<16xf32>,
      %get3A_570 = arith.constant 2 : i32
      %get3A_571 = arith.index_cast %get3A_570 : i32 to index
      %get3A_572 = arith.constant 16 : index
      %get3A_573 = tpu.vector_load %arg20[%get3A_571, %get3A_572] {strides = array<i32>} : memref<8x64xf32, #tpu.memory_space<vmem>>, vector<16xf32>,
      %get3A_574 = arith.constant 3 : i32
      %get3A_575 = arith.index_cast %get3A_574 : i32 to index
      %get3A_576 = arith.constant 16 : index
      %get3A_577 = tpu.vector_load %arg20[%get3A_575, %get3A_576] {strides = array<i32>} : memref<8x64xf32, #tpu.memory_space<vmem>>, vector<16xf32>,
      %get3A_578 = arith.constant 4 : i32
      %get3A_579 = arith.index_cast %get3A_578 : i32 to index
      %get3A_580 = arith.constant 16 : index
      %get3A_581 = tpu.vector_load %arg20[%get3A_579, %get3A_580] {strides = array<i32>} : memref<8x64xf32, #tpu.memory_space<vmem>>, vector<16xf32>,
      %get3A_582 = arith.constant 5 : i32
      %get3A_583 = arith.index_cast %get3A_582 : i32 to index
      %get3A_584 = arith.constant 16 : index
      %get3A_585 = tpu.vector_load %arg20[%get3A_583, %get3A_584] {strides = array<i32>} : memref<8x64xf32, #tpu.memory_space<vmem>>, vector<16xf32>,
      %get3A_586 = arith.constant 6 : i32
      %get3A_587 = arith.index_cast %get3A_586 : i32 to index
      %get3A_588 = arith.constant 16 : index
      %get3A_589 = tpu.vector_load %arg20[%get3A_587, %get3A_588] {strides = array<i32>} : memref<8x64xf32, #tpu.memory_space<vmem>>, vector<16xf32>,
      %get3A_590 = arith.constant 7 : i32
      %get3A_591 = arith.index_cast %get3A_590 : i32 to index
      %get3A_592 = arith.constant 16 : index
      %get3A_593 = tpu.vector_load %arg20[%get3A_591, %get3A_592] {strides = array<i32>} : memref<8x64xf32, #tpu.memory_space<vmem>>, vector<16xf32>,
      %mul3A_594 = arith.mulf %get3A_565, %gather3A_320 : vector<16xf32>
      %mul3A_595 = arith.mulf %get3A_569, %gather3A_323 : vector<16xf32>
      %add3A_596 = arith.addf %mul3A_594, %mul3A_595 : vector<16xf32>
      %mul3A_597 = arith.mulf %get3A_573, %gather3A_326 : vector<16xf32>
      %add3A_598 = arith.addf %add3A_596, %mul3A_597 : vector<16xf32>
      %mul3A_599 = arith.mulf %get3A_577, %gather3A_329 : vector<16xf32>
      %add3A_600 = arith.addf %add3A_598, %mul3A_599 : vector<16xf32>
      %mul3A_601 = arith.mulf %get3A_581, %gather3A_332 : vector<16xf32>
      %add3A_602 = arith.addf %add3A_600, %mul3A_601 : vector<16xf32>
      %mul3A_603 = arith.mulf %get3A_585, %gather3A_335 : vector<16xf32>
      %add3A_604 = arith.addf %add3A_602, %mul3A_603 : vector<16xf32>
      %mul3A_605 = arith.mulf %get3A_589, %gather3A_338 : vector<16xf32>
      %add3A_606 = arith.addf %add3A_604, %mul3A_605 : vector<16xf32>
      %mul3A_607 = arith.mulf %get3A_593, %gather3A_341 : vector<16xf32>
      %add3A_608 = arith.addf %add3A_606, %mul3A_607 : vector<16xf32>
      %swap3A_609 = arith.constant 0 : i32
      %swap3A_610 = arith.index_cast %swap3A_609 : i32 to index
      %swap3A_611 = arith.constant 16 : index
      %swap3A_612 = tpu.vector_load %arg24[%swap3A_610, %swap3A_611] {strides = array<i32>} : memref<4x64xf32, #tpu.memory_space<vmem>>, vector<16xf32>,
      tpu.vector_store %arg24[%swap3A_610, %swap3A_611], %add3A_608 {strides = array<i32>} : memref<4x64xf32, #tpu.memory_space<vmem>>, vector<16xf32>,
      %mul3A_613 = arith.mulf %get3A_565, %gather3A_356 : vector<16xf32>
      %mul3A_614 = arith.mulf %get3A_569, %gather3A_359 : vector<16xf32>
      %add3A_615 = arith.addf %mul3A_613, %mul3A_614 : vector<16xf32>
      %mul3A_616 = arith.mulf %get3A_573, %gather3A_362 : vector<16xf32>
      %add3A_617 = arith.addf %add3A_615, %mul3A_616 : vector<16xf32>
      %mul3A_618 = arith.mulf %get3A_577, %gather3A_365 : vector<16xf32>
      %add3A_619 = arith.addf %add3A_617, %mul3A_618 : vector<16xf32>
      %mul3A_620 = arith.mulf %get3A_581, %gather3A_368 : vector<16xf32>
      %add3A_621 = arith.addf %add3A_619, %mul3A_620 : vector<16xf32>
      %mul3A_622 = arith.mulf %get3A_585, %gather3A_371 : vector<16xf32>
      %add3A_623 = arith.addf %add3A_621, %mul3A_622 : vector<16xf32>
      %mul3A_624 = arith.mulf %get3A_589, %gather3A_374 : vector<16xf32>
      %add3A_625 = arith.addf %add3A_623, %mul3A_624 : vector<16xf32>
      %mul3A_626 = arith.mulf %get3A_593, %gather3A_377 : vector<16xf32>
      %add3A_627 = arith.addf %add3A_625, %mul3A_626 : vector<16xf32>
      %swap3A_628 = arith.constant 1 : i32
      %swap3A_629 = arith.index_cast %swap3A_628 : i32 to index
      %swap3A_630 = arith.constant 16 : index
      %swap3A_631 = tpu.vector_load %arg24[%swap3A_629, %swap3A_630] {strides = array<i32>} : memref<4x64xf32, #tpu.memory_space<vmem>>, vector<16xf32>,
      tpu.vector_store %arg24[%swap3A_629, %swap3A_630], %add3A_627 {strides = array<i32>} : memref<4x64xf32, #tpu.memory_space<vmem>>, vector<16xf32>,
      %mul3A_632 = arith.mulf %get3A_565, %gather3A_392 : vector<16xf32>
      %mul3A_633 = arith.mulf %get3A_569, %gather3A_395 : vector<16xf32>
      %add3A_634 = arith.addf %mul3A_632, %mul3A_633 : vector<16xf32>
      %mul3A_635 = arith.mulf %get3A_573, %gather3A_398 : vector<16xf32>
      %add3A_636 = arith.addf %add3A_634, %mul3A_635 : vector<16xf32>
      %mul3A_637 = arith.mulf %get3A_577, %gather3A_401 : vector<16xf32>
      %add3A_638 = arith.addf %add3A_636, %mul3A_637 : vector<16xf32>
      %mul3A_639 = arith.mulf %get3A_581, %gather3A_404 : vector<16xf32>
      %add3A_640 = arith.addf %add3A_638, %mul3A_639 : vector<16xf32>
      %mul3A_641 = arith.mulf %get3A_585, %gather3A_407 : vector<16xf32>
      %add3A_642 = arith.addf %add3A_640, %mul3A_641 : vector<16xf32>
      %mul3A_643 = arith.mulf %get3A_589, %gather3A_410 : vector<16xf32>
      %add3A_644 = arith.addf %add3A_642, %mul3A_643 : vector<16xf32>
      %mul3A_645 = arith.mulf %get3A_593, %gather3A_413 : vector<16xf32>
      %add3A_646 = arith.addf %add3A_644, %mul3A_645 : vector<16xf32>
      %swap3A_647 = arith.constant 2 : i32
      %swap3A_648 = arith.index_cast %swap3A_647 : i32 to index
      %swap3A_649 = arith.constant 16 : index
      %swap3A_650 = tpu.vector_load %arg24[%swap3A_648, %swap3A_649] {strides = array<i32>} : memref<4x64xf32, #tpu.memory_space<vmem>>, vector<16xf32>,
      tpu.vector_store %arg24[%swap3A_648, %swap3A_649], %add3A_646 {strides = array<i32>} : memref<4x64xf32, #tpu.memory_space<vmem>>, vector<16xf32>,
      %mul3A_651 = arith.mulf %get3A_565, %gather3A_428 : vector<16xf32>
      %mul3A_652 = arith.mulf %get3A_569, %gather3A_431 : vector<16xf32>
      %add3A_653 = arith.addf %mul3A_651, %mul3A_652 : vector<16xf32>
      %mul3A_654 = arith.mulf %get3A_573, %gather3A_434 : vector<16xf32>
      %add3A_655 = arith.addf %add3A_653, %mul3A_654 : vector<16xf32>
      %mul3A_656 = arith.mulf %get3A_577, %gather3A_437 : vector<16xf32>
      %add3A_657 = arith.addf %add3A_655, %mul3A_656 : vector<16xf32>
      %mul3A_658 = arith.mulf %get3A_581, %gather3A_440 : vector<16xf32>
      %add3A_659 = arith.addf %add3A_657, %mul3A_658 : vector<16xf32>
      %mul3A_660 = arith.mulf %get3A_585, %gather3A_443 : vector<16xf32>
      %add3A_661 = arith.addf %add3A_659, %mul3A_660 : vector<16xf32>
      %mul3A_662 = arith.mulf %get3A_589, %gather3A_446 : vector<16xf32>
      %add3A_663 = arith.addf %add3A_661, %mul3A_662 : vector<16xf32>
      %mul3A_664 = arith.mulf %get3A_593, %gather3A_449 : vector<16xf32>
      %add3A_665 = arith.addf %add3A_663, %mul3A_664 : vector<16xf32>
      %swap3A_666 = arith.constant 3 : i32
      %swap3A_667 = arith.index_cast %swap3A_666 : i32 to index
      %swap3A_668 = arith.constant 16 : index
      %swap3A_669 = tpu.vector_load %arg24[%swap3A_667, %swap3A_668] {strides = array<i32>} : memref<4x64xf32, #tpu.memory_space<vmem>>, vector<16xf32>,
      tpu.vector_store %arg24[%swap3A_667, %swap3A_668], %add3A_665 {strides = array<i32>} : memref<4x64xf32, #tpu.memory_space<vmem>>, vector<16xf32>,
      %get3A_670 = arith.constant 0 : i32
      %get3A_671 = arith.index_cast %get3A_670 : i32 to index
      %get3A_672 = arith.constant 32 : index
      %get3A_673 = tpu.vector_load %arg20[%get3A_671, %get3A_672] {strides = array<i32>} : memref<8x64xf32, #tpu.memory_space<vmem>>, vector<16xf32>,
      %get3A_674 = arith.constant 1 : i32
      %get3A_675 = arith.index_cast %get3A_674 : i32 to index
      %get3A_676 = arith.constant 32 : index
      %get3A_677 = tpu.vector_load %arg20[%get3A_675, %get3A_676] {strides = array<i32>} : memref<8x64xf32, #tpu.memory_space<vmem>>, vector<16xf32>,
      %get3A_678 = arith.constant 2 : i32
      %get3A_679 = arith.index_cast %get3A_678 : i32 to index
      %get3A_680 = arith.constant 32 : index
      %get3A_681 = tpu.vector_load %arg20[%get3A_679, %get3A_680] {strides = array<i32>} : memref<8x64xf32, #tpu.memory_space<vmem>>, vector<16xf32>,
      %get3A_682 = arith.constant 3 : i32
      %get3A_683 = arith.index_cast %get3A_682 : i32 to index
      %get3A_684 = arith.constant 32 : index
      %get3A_685 = tpu.vector_load %arg20[%get3A_683, %get3A_684] {strides = array<i32>} : memref<8x64xf32, #tpu.memory_space<vmem>>, vector<16xf32>,
      %get3A_686 = arith.constant 4 : i32
      %get3A_687 = arith.index_cast %get3A_686 : i32 to index
      %get3A_688 = arith.constant 32 : index
      %get3A_689 = tpu.vector_load %arg20[%get3A_687, %get3A_688] {strides = array<i32>} : memref<8x64xf32, #tpu.memory_space<vmem>>, vector<16xf32>,
      %get3A_690 = arith.constant 5 : i32
      %get3A_691 = arith.index_cast %get3A_690 : i32 to index
      %get3A_692 = arith.constant 32 : index
      %get3A_693 = tpu.vector_load %arg20[%get3A_691, %get3A_692] {strides = array<i32>} : memref<8x64xf32, #tpu.memory_space<vmem>>, vector<16xf32>,
      %get3A_694 = arith.constant 6 : i32
      %get3A_695 = arith.index_cast %get3A_694 : i32 to index
      %get3A_696 = arith.constant 32 : index
      %get3A_697 = tpu.vector_load %arg20[%get3A_695, %get3A_696] {strides = array<i32>} : memref<8x64xf32, #tpu.memory_space<vmem>>, vector<16xf32>,
      %get3A_698 = arith.constant 7 : i32
      %get3A_699 = arith.index_cast %get3A_698 : i32 to index
      %get3A_700 = arith.constant 32 : index
      %get3A_701 = tpu.vector_load %arg20[%get3A_699, %get3A_700] {strides = array<i32>} : memref<8x64xf32, #tpu.memory_space<vmem>>, vector<16xf32>,
      %mul3A_702 = arith.mulf %get3A_673, %gather3A_320 : vector<16xf32>
      %mul3A_703 = arith.mulf %get3A_677, %gather3A_323 : vector<16xf32>
      %add3A_704 = arith.addf %mul3A_702, %mul3A_703 : vector<16xf32>
      %mul3A_705 = arith.mulf %get3A_681, %gather3A_326 : vector<16xf32>
      %add3A_706 = arith.addf %add3A_704, %mul3A_705 : vector<16xf32>
      %mul3A_707 = arith.mulf %get3A_685, %gather3A_329 : vector<16xf32>
      %add3A_708 = arith.addf %add3A_706, %mul3A_707 : vector<16xf32>
      %mul3A_709 = arith.mulf %get3A_689, %gather3A_332 : vector<16xf32>
      %add3A_710 = arith.addf %add3A_708, %mul3A_709 : vector<16xf32>
      %mul3A_711 = arith.mulf %get3A_693, %gather3A_335 : vector<16xf32>
      %add3A_712 = arith.addf %add3A_710, %mul3A_711 : vector<16xf32>
      %mul3A_713 = arith.mulf %get3A_697, %gather3A_338 : vector<16xf32>
      %add3A_714 = arith.addf %add3A_712, %mul3A_713 : vector<16xf32>
      %mul3A_715 = arith.mulf %get3A_701, %gather3A_341 : vector<16xf32>
      %add3A_716 = arith.addf %add3A_714, %mul3A_715 : vector<16xf32>
      %swap3A_717 = arith.constant 0 : i32
      %swap3A_718 = arith.index_cast %swap3A_717 : i32 to index
      %swap3A_719 = arith.constant 32 : index
      %swap3A_720 = tpu.vector_load %arg24[%swap3A_718, %swap3A_719] {strides = array<i32>} : memref<4x64xf32, #tpu.memory_space<vmem>>, vector<16xf32>,
      tpu.vector_store %arg24[%swap3A_718, %swap3A_719], %add3A_716 {strides = array<i32>} : memref<4x64xf32, #tpu.memory_space<vmem>>, vector<16xf32>,
      %mul3A_721 = arith.mulf %get3A_673, %gather3A_356 : vector<16xf32>
      %mul3A_722 = arith.mulf %get3A_677, %gather3A_359 : vector<16xf32>
      %add3A_723 = arith.addf %mul3A_721, %mul3A_722 : vector<16xf32>
      %mul3A_724 = arith.mulf %get3A_681, %gather3A_362 : vector<16xf32>
      %add3A_725 = arith.addf %add3A_723, %mul3A_724 : vector<16xf32>
      %mul3A_726 = arith.mulf %get3A_685, %gather3A_365 : vector<16xf32>
      %add3A_727 = arith.addf %add3A_725, %mul3A_726 : vector<16xf32>
      %mul3A_728 = arith.mulf %get3A_689, %gather3A_368 : vector<16xf32>
      %add3A_729 = arith.addf %add3A_727, %mul3A_728 : vector<16xf32>
      %mul3A_730 = arith.mulf %get3A_693, %gather3A_371 : vector<16xf32>
      %add3A_731 = arith.addf %add3A_729, %mul3A_730 : vector<16xf32>
      %mul3A_732 = arith.mulf %get3A_697, %gather3A_374 : vector<16xf32>
      %add3A_733 = arith.addf %add3A_731, %mul3A_732 : vector<16xf32>
      %mul3A_734 = arith.mulf %get3A_701, %gather3A_377 : vector<16xf32>
      %add3A_735 = arith.addf %add3A_733, %mul3A_734 : vector<16xf32>
      %swap3A_736 = arith.constant 1 : i32
      %swap3A_737 = arith.index_cast %swap3A_736 : i32 to index
      %swap3A_738 = arith.constant 32 : index
      %swap3A_739 = tpu.vector_load %arg24[%swap3A_737, %swap3A_738] {strides = array<i32>} : memref<4x64xf32, #tpu.memory_space<vmem>>, vector<16xf32>,
      tpu.vector_store %arg24[%swap3A_737, %swap3A_738], %add3A_735 {strides = array<i32>} : memref<4x64xf32, #tpu.memory_space<vmem>>, vector<16xf32>,
      %mul3A_740 = arith.mulf %get3A_673, %gather3A_392 : vector<16xf32>
      %mul3A_741 = arith.mulf %get3A_677, %gather3A_395 : vector<16xf32>
      %add3A_742 = arith.addf %mul3A_740, %mul3A_741 : vector<16xf32>
      %mul3A_743 = arith.mulf %get3A_681, %gather3A_398 : vector<16xf32>
      %add3A_744 = arith.addf %add3A_742, %mul3A_743 : vector<16xf32>
      %mul3A_745 = arith.mulf %get3A_685, %gather3A_401 : vector<16xf32>
      %add3A_746 = arith.addf %add3A_744, %mul3A_745 : vector<16xf32>
      %mul3A_747 = arith.mulf %get3A_689, %gather3A_404 : vector<16xf32>
      %add3A_748 = arith.addf %add3A_746, %mul3A_747 : vector<16xf32>
      %mul3A_749 = arith.mulf %get3A_693, %gather3A_407 : vector<16xf32>
      %add3A_750 = arith.addf %add3A_748, %mul3A_749 : vector<16xf32>
      %mul3A_751 = arith.mulf %get3A_697, %gather3A_410 : vector<16xf32>
      %add3A_752 = arith.addf %add3A_750, %mul3A_751 : vector<16xf32>
      %mul3A_753 = arith.mulf %get3A_701, %gather3A_413 : vector<16xf32>
      %add3A_754 = arith.addf %add3A_752, %mul3A_753 : vector<16xf32>
      %swap3A_755 = arith.constant 2 : i32
      %swap3A_756 = arith.index_cast %swap3A_755 : i32 to index
      %swap3A_757 = arith.constant 32 : index
      %swap3A_758 = tpu.vector_load %arg24[%swap3A_756, %swap3A_757] {strides = array<i32>} : memref<4x64xf32, #tpu.memory_space<vmem>>, vector<16xf32>,
      tpu.vector_store %arg24[%swap3A_756, %swap3A_757], %add3A_754 {strides = array<i32>} : memref<4x64xf32, #tpu.memory_space<vmem>>, vector<16xf32>,
      %mul3A_759 = arith.mulf %get3A_673, %gather3A_428 : vector<16xf32>
      %mul3A_760 = arith.mulf %get3A_677, %gather3A_431 : vector<16xf32>
      %add3A_761 = arith.addf %mul3A_759, %mul3A_760 : vector<16xf32>
      %mul3A_762 = arith.mulf %get3A_681, %gather3A_434 : vector<16xf32>
      %add3A_763 = arith.addf %add3A_761, %mul3A_762 : vector<16xf32>
      %mul3A_764 = arith.mulf %get3A_685, %gather3A_437 : vector<16xf32>
      %add3A_765 = arith.addf %add3A_763, %mul3A_764 : vector<16xf32>
      %mul3A_766 = arith.mulf %get3A_689, %gather3A_440 : vector<16xf32>
      %add3A_767 = arith.addf %add3A_765, %mul3A_766 : vector<16xf32>
      %mul3A_768 = arith.mulf %get3A_693, %gather3A_443 : vector<16xf32>
      %add3A_769 = arith.addf %add3A_767, %mul3A_768 : vector<16xf32>
      %mul3A_770 = arith.mulf %get3A_697, %gather3A_446 : vector<16xf32>
      %add3A_771 = arith.addf %add3A_769, %mul3A_770 : vector<16xf32>
      %mul3A_772 = arith.mulf %get3A_701, %gather3A_449 : vector<16xf32>
      %add3A_773 = arith.addf %add3A_771, %mul3A_772 : vector<16xf32>
      %swap3A_774 = arith.constant 3 : i32
      %swap3A_775 = arith.index_cast %swap3A_774 : i32 to index
      %swap3A_776 = arith.constant 32 : index
      %swap3A_777 = tpu.vector_load %arg24[%swap3A_775, %swap3A_776] {strides = array<i32>} : memref<4x64xf32, #tpu.memory_space<vmem>>, vector<16xf32>,
      tpu.vector_store %arg24[%swap3A_775, %swap3A_776], %add3A_773 {strides = array<i32>} : memref<4x64xf32, #tpu.memory_space<vmem>>, vector<16xf32>,
      %get3A_778 = arith.constant 0 : i32
      %get3A_779 = arith.index_cast %get3A_778 : i32 to index
      %get3A_780 = arith.constant 48 : index
      %get3A_781 = tpu.vector_load %arg20[%get3A_779, %get3A_780] {strides = array<i32>} : memref<8x64xf32, #tpu.memory_space<vmem>>, vector<16xf32>,
      %get3A_782 = arith.constant 1 : i32
      %get3A_783 = arith.index_cast %get3A_782 : i32 to index
      %get3A_784 = arith.constant 48 : index
      %get3A_785 = tpu.vector_load %arg20[%get3A_783, %get3A_784] {strides = array<i32>} : memref<8x64xf32, #tpu.memory_space<vmem>>, vector<16xf32>,
      %get3A_786 = arith.constant 2 : i32
      %get3A_787 = arith.index_cast %get3A_786 : i32 to index
      %get3A_788 = arith.constant 48 : index
      %get3A_789 = tpu.vector_load %arg20[%get3A_787, %get3A_788] {strides = array<i32>} : memref<8x64xf32, #tpu.memory_space<vmem>>, vector<16xf32>,
      %get3A_790 = arith.constant 3 : i32
      %get3A_791 = arith.index_cast %get3A_790 : i32 to index
      %get3A_792 = arith.constant 48 : index
      %get3A_793 = tpu.vector_load %arg20[%get3A_791, %get3A_792] {strides = array<i32>} : memref<8x64xf32, #tpu.memory_space<vmem>>, vector<16xf32>,
      %get3A_794 = arith.constant 4 : i32
      %get3A_795 = arith.index_cast %get3A_794 : i32 to index
      %get3A_796 = arith.constant 48 : index
      %get3A_797 = tpu.vector_load %arg20[%get3A_795, %get3A_796] {strides = array<i32>} : memref<8x64xf32, #tpu.memory_space<vmem>>, vector<16xf32>,
      %get3A_798 = arith.constant 5 : i32
      %get3A_799 = arith.index_cast %get3A_798 : i32 to index
      %get3A_800 = arith.constant 48 : index
      %get3A_801 = tpu.vector_load %arg20[%get3A_799, %get3A_800] {strides = array<i32>} : memref<8x64xf32, #tpu.memory_space<vmem>>, vector<16xf32>,
      %get3A_802 = arith.constant 6 : i32
      %get3A_803 = arith.index_cast %get3A_802 : i32 to index
      %get3A_804 = arith.constant 48 : index
      %get3A_805 = tpu.vector_load %arg20[%get3A_803, %get3A_804] {strides = array<i32>} : memref<8x64xf32, #tpu.memory_space<vmem>>, vector<16xf32>,
      %get3A_806 = arith.constant 7 : i32
      %get3A_807 = arith.index_cast %get3A_806 : i32 to index
      %get3A_808 = arith.constant 48 : index
      %get3A_809 = tpu.vector_load %arg20[%get3A_807, %get3A_808] {strides = array<i32>} : memref<8x64xf32, #tpu.memory_space<vmem>>, vector<16xf32>,
      %mul3A_810 = arith.mulf %get3A_781, %gather3A_320 : vector<16xf32>
      %mul3A_811 = arith.mulf %get3A_785, %gather3A_323 : vector<16xf32>
      %add3A_812 = arith.addf %mul3A_810, %mul3A_811 : vector<16xf32>
      %mul3A_813 = arith.mulf %get3A_789, %gather3A_326 : vector<16xf32>
      %add3A_814 = arith.addf %add3A_812, %mul3A_813 : vector<16xf32>
      %mul3A_815 = arith.mulf %get3A_793, %gather3A_329 : vector<16xf32>
      %add3A_816 = arith.addf %add3A_814, %mul3A_815 : vector<16xf32>
      %mul3A_817 = arith.mulf %get3A_797, %gather3A_332 : vector<16xf32>
      %add3A_818 = arith.addf %add3A_816, %mul3A_817 : vector<16xf32>
      %mul3A_819 = arith.mulf %get3A_801, %gather3A_335 : vector<16xf32>
      %add3A_820 = arith.addf %add3A_818, %mul3A_819 : vector<16xf32>
      %mul3A_821 = arith.mulf %get3A_805, %gather3A_338 : vector<16xf32>
      %add3A_822 = arith.addf %add3A_820, %mul3A_821 : vector<16xf32>
      %mul3A_823 = arith.mulf %get3A_809, %gather3A_341 : vector<16xf32>
      %add3A_824 = arith.addf %add3A_822, %mul3A_823 : vector<16xf32>
      %swap3A_825 = arith.constant 0 : i32
      %swap3A_826 = arith.index_cast %swap3A_825 : i32 to index
      %swap3A_827 = arith.constant 48 : index
      %swap3A_828 = tpu.vector_load %arg24[%swap3A_826, %swap3A_827] {strides = array<i32>} : memref<4x64xf32, #tpu.memory_space<vmem>>, vector<16xf32>,
      tpu.vector_store %arg24[%swap3A_826, %swap3A_827], %add3A_824 {strides = array<i32>} : memref<4x64xf32, #tpu.memory_space<vmem>>, vector<16xf32>,
      %mul3A_829 = arith.mulf %get3A_781, %gather3A_356 : vector<16xf32>
      %mul3A_830 = arith.mulf %get3A_785, %gather3A_359 : vector<16xf32>
      %add3A_831 = arith.addf %mul3A_829, %mul3A_830 : vector<16xf32>
      %mul3A_832 = arith.mulf %get3A_789, %gather3A_362 : vector<16xf32>
      %add3A_833 = arith.addf %add3A_831, %mul3A_832 : vector<16xf32>
      %mul3A_834 = arith.mulf %get3A_793, %gather3A_365 : vector<16xf32>
      %add3A_835 = arith.addf %add3A_833, %mul3A_834 : vector<16xf32>
      %mul3A_836 = arith.mulf %get3A_797, %gather3A_368 : vector<16xf32>
      %add3A_837 = arith.addf %add3A_835, %mul3A_836 : vector<16xf32>
      %mul3A_838 = arith.mulf %get3A_801, %gather3A_371 : vector<16xf32>
      %add3A_839 = arith.addf %add3A_837, %mul3A_838 : vector<16xf32>
      %mul3A_840 = arith.mulf %get3A_805, %gather3A_374 : vector<16xf32>
      %add3A_841 = arith.addf %add3A_839, %mul3A_840 : vector<16xf32>
      %mul3A_842 = arith.mulf %get3A_809, %gather3A_377 : vector<16xf32>
      %add3A_843 = arith.addf %add3A_841, %mul3A_842 : vector<16xf32>
      %swap3A_844 = arith.constant 1 : i32
      %swap3A_845 = arith.index_cast %swap3A_844 : i32 to index
      %swap3A_846 = arith.constant 48 : index
      %swap3A_847 = tpu.vector_load %arg24[%swap3A_845, %swap3A_846] {strides = array<i32>} : memref<4x64xf32, #tpu.memory_space<vmem>>, vector<16xf32>,
      tpu.vector_store %arg24[%swap3A_845, %swap3A_846], %add3A_843 {strides = array<i32>} : memref<4x64xf32, #tpu.memory_space<vmem>>, vector<16xf32>,
      %mul3A_848 = arith.mulf %get3A_781, %gather3A_392 : vector<16xf32>
      %mul3A_849 = arith.mulf %get3A_785, %gather3A_395 : vector<16xf32>
      %add3A_850 = arith.addf %mul3A_848, %mul3A_849 : vector<16xf32>
      %mul3A_851 = arith.mulf %get3A_789, %gather3A_398 : vector<16xf32>
      %add3A_852 = arith.addf %add3A_850, %mul3A_851 : vector<16xf32>
      %mul3A_853 = arith.mulf %get3A_793, %gather3A_401 : vector<16xf32>
      %add3A_854 = arith.addf %add3A_852, %mul3A_853 : vector<16xf32>
      %mul3A_855 = arith.mulf %get3A_797, %gather3A_404 : vector<16xf32>
      %add3A_856 = arith.addf %add3A_854, %mul3A_855 : vector<16xf32>
      %mul3A_857 = arith.mulf %get3A_801, %gather3A_407 : vector<16xf32>
      %add3A_858 = arith.addf %add3A_856, %mul3A_857 : vector<16xf32>
      %mul3A_859 = arith.mulf %get3A_805, %gather3A_410 : vector<16xf32>
      %add3A_860 = arith.addf %add3A_858, %mul3A_859 : vector<16xf32>
      %mul3A_861 = arith.mulf %get3A_809, %gather3A_413 : vector<16xf32>
      %add3A_862 = arith.addf %add3A_860, %mul3A_861 : vector<16xf32>
      %swap3A_863 = arith.constant 2 : i32
      %swap3A_864 = arith.index_cast %swap3A_863 : i32 to index
      %swap3A_865 = arith.constant 48 : index
      %swap3A_866 = tpu.vector_load %arg24[%swap3A_864, %swap3A_865] {strides = array<i32>} : memref<4x64xf32, #tpu.memory_space<vmem>>, vector<16xf32>,
      tpu.vector_store %arg24[%swap3A_864, %swap3A_865], %add3A_862 {strides = array<i32>} : memref<4x64xf32, #tpu.memory_space<vmem>>, vector<16xf32>,
      %mul3A_867 = arith.mulf %get3A_781, %gather3A_428 : vector<16xf32>
      %mul3A_868 = arith.mulf %get3A_785, %gather3A_431 : vector<16xf32>
      %add3A_869 = arith.addf %mul3A_867, %mul3A_868 : vector<16xf32>
      %mul3A_870 = arith.mulf %get3A_789, %gather3A_434 : vector<16xf32>
      %add3A_871 = arith.addf %add3A_869, %mul3A_870 : vector<16xf32>
      %mul3A_872 = arith.mulf %get3A_793, %gather3A_437 : vector<16xf32>
      %add3A_873 = arith.addf %add3A_871, %mul3A_872 : vector<16xf32>
      %mul3A_874 = arith.mulf %get3A_797, %gather3A_440 : vector<16xf32>
      %add3A_875 = arith.addf %add3A_873, %mul3A_874 : vector<16xf32>
      %mul3A_876 = arith.mulf %get3A_801, %gather3A_443 : vector<16xf32>
      %add3A_877 = arith.addf %add3A_875, %mul3A_876 : vector<16xf32>
      %mul3A_878 = arith.mulf %get3A_805, %gather3A_446 : vector<16xf32>
      %add3A_879 = arith.addf %add3A_877, %mul3A_878 : vector<16xf32>
      %mul3A_880 = arith.mulf %get3A_809, %gather3A_449 : vector<16xf32>
      %add3A_881 = arith.addf %add3A_879, %mul3A_880 : vector<16xf32>
      %swap3A_882 = arith.constant 3 : i32
      %swap3A_883 = arith.index_cast %swap3A_882 : i32 to index
      %swap3A_884 = arith.constant 48 : index
      %swap3A_885 = tpu.vector_load %arg24[%swap3A_883, %swap3A_884] {strides = array<i32>} : memref<4x64xf32, #tpu.memory_space<vmem>>, vector<16xf32>,
      tpu.vector_store %arg24[%swap3A_883, %swap3A_884], %add3A_881 {strides = array<i32>} : memref<4x64xf32, #tpu.memory_space<vmem>>, vector<16xf32>,
      %add3A_886 = arith.constant 2 : i32
      %add3A_887 = arith.addi %mul3A_292, %add3A_886 : i32
      %min3A_888 = arith.constant 27 : i32
      %min3A_889 = arith.minsi %add3A_887, %min3A_888 : i32
      %dma_start3A_890 = arith.constant 0 : i32
      %dma_start3A_891 = tpu.memref_slice %arg17[%min3A_889, %dma_start3A_890] : memref<28x8xi32, #tpu.memory_space<vmem>> -> memref<1x8xi32, #tpu.memory_space<vmem>>
      %dma_start3A_892 = tpu.memref_squeeze %dma_start3A_891 : memref<1x8xi32, #tpu.memory_space<vmem>> -> memref<8xi32, #tpu.memory_space<vmem>>
      %dma_start3A_893 = arith.constant 0 : i32
      %dma_start3A_894 = arith.constant 0 : i32
      %dma_start3A_895 = tpu.memref_slice %arg8[%dma_start3A_893, %dma_start3A_894] : memref<800x4096xf32, #tpu.memory_space<hbm>> -> memref<800x4096xf32, #tpu.memory_space<hbm>>
      tpu.enqueue_indirect_dma source(%dma_start3A_895 : memref<800x4096xf32, #tpu.memory_space<hbm>>) target(%arg18 : memref<8x4096xf32, #tpu.memory_space<vmem>>) offsets(%dma_start3A_892 : memref<8xi32, #tpu.memory_space<vmem>>) semaphore(%arg26 : memref<!tpu.dma_semaphore, #tpu.memory_space<semaphore_mem>>)
      %dma_start3A_896 = arith.constant 0 : i32
      %dma_start3A_897 = tpu.memref_slice %arg17[%min3A_889, %dma_start3A_896] : memref<28x8xi32, #tpu.memory_space<vmem>> -> memref<1x8xi32, #tpu.memory_space<vmem>>
      %dma_start3A_898 = tpu.memref_squeeze %dma_start3A_897 : memref<1x8xi32, #tpu.memory_space<vmem>> -> memref<8xi32, #tpu.memory_space<vmem>>
      %dma_start3A_899 = arith.constant 0 : i32
      %dma_start3A_900 = arith.constant 0 : i32
      %dma_start3A_901 = tpu.memref_slice %arg7[%dma_start3A_899, %dma_start3A_900] : memref<800x64xf32, #tpu.memory_space<hbm>> -> memref<800x64xf32, #tpu.memory_space<hbm>>
      tpu.enqueue_indirect_dma source(%dma_start3A_901 : memref<800x64xf32, #tpu.memory_space<hbm>>) target(%arg20 : memref<8x64xf32, #tpu.memory_space<vmem>>) offsets(%dma_start3A_898 : memref<8xi32, #tpu.memory_space<vmem>>) semaphore(%arg26 : memref<!tpu.dma_semaphore, #tpu.memory_space<semaphore_mem>>)
      %gt3A = arith.constant 0 : i32
      %gt3A_902 = arith.cmpi sgt, %squeeze3A, %gt3A : i32
      %convert_element_type3A_903 = arith.extui %gt3A_902 : i1 to i32
      %cond3A_904 = arith.constant 0 : i32
      %cond3A_905 = arith.cmpi ne, %convert_element_type3A_903, %cond3A_904 : i32
      scf.if %cond3A_905 {
        %dma_start3A_1605 = arith.constant 0 : i32
        %dma_start3A_1606 = arith.constant 0 : i32
        %dma_start3A_1607 = tpu.memref_slice %arg22[%dma_start3A_1605, %dma_start3A_1606] : memref<4x4096xf32, #tpu.memory_space<vmem>> -> memref<1x4096xf32, #tpu.memory_space<vmem>>
        %dma_start3A_1608 = tpu.memref_squeeze %dma_start3A_1607 : memref<1x4096xf32, #tpu.memory_space<vmem>> -> memref<4096xf32, #tpu.memory_space<vmem>>
        %dma_start3A_1609 = arith.constant 0 : i32
        %dma_start3A_1610 = tpu.memref_slice %arg10[%squeeze3A_317, %dma_start3A_1609] : memref<3200x4096xf32, #tpu.memory_space<hbm>> -> memref<1x4096xf32, #tpu.memory_space<hbm>>
        %dma_start3A_1611 = tpu.memref_squeeze %dma_start3A_1610 : memref<1x4096xf32, #tpu.memory_space<hbm>> -> memref<4096xf32, #tpu.memory_space<hbm>>
        %dma_start3A_1612 = arith.constant 0 : i32
        %dma_start3A_1613 = tpu.memref_slice %arg10[%squeeze3A_317, %dma_start3A_1612] : memref<3200x4096xf32, #tpu.memory_space<hbm>> -> memref<1x4096xf32, #tpu.memory_space<hbm>>
        %dma_start3A_1614 = tpu.memref_squeeze %dma_start3A_1613 : memref<1x4096xf32, #tpu.memory_space<hbm>> -> memref<4096xf32, #tpu.memory_space<hbm>>
        %dma_start3A_1615 = arith.constant 0 : i32
        %dma_start3A_1616 = tpu.memref_slice %arg22[%dma_start3A_1605, %dma_start3A_1615] : memref<4x4096xf32, #tpu.memory_space<vmem>> -> memref<1x4096xf32, #tpu.memory_space<vmem>>
        %dma_start3A_1617 = tpu.memref_squeeze %dma_start3A_1616 : memref<1x4096xf32, #tpu.memory_space<vmem>> -> memref<4096xf32, #tpu.memory_space<vmem>>
        tpu.enqueue_dma source(%dma_start3A_1617 : memref<4096xf32, #tpu.memory_space<vmem>>) target(%dma_start3A_1614 : memref<4096xf32, #tpu.memory_space<hbm>>) target_semaphore(%arg28 : memref<!tpu.dma_semaphore, #tpu.memory_space<semaphore_mem>>)
        %dma_start3A_1618 = arith.constant 0 : i32
        %dma_start3A_1619 = arith.constant 0 : i32
        %dma_start3A_1620 = tpu.memref_slice %arg24[%dma_start3A_1618, %dma_start3A_1619] : memref<4x64xf32, #tpu.memory_space<vmem>> -> memref<1x64xf32, #tpu.memory_space<vmem>>
        %dma_start3A_1621 = tpu.memref_squeeze %dma_start3A_1620 : memref<1x64xf32, #tpu.memory_space<vmem>> -> memref<64xf32, #tpu.memory_space<vmem>>
        %dma_start3A_1622 = arith.constant 0 : i32
        %dma_start3A_1623 = tpu.memref_slice %arg9[%squeeze3A_317, %dma_start3A_1622] : memref<3200x64xf32, #tpu.memory_space<hbm>> -> memref<1x64xf32, #tpu.memory_space<hbm>>
        %dma_start3A_1624 = tpu.memref_squeeze %dma_start3A_1623 : memref<1x64xf32, #tpu.memory_space<hbm>> -> memref<64xf32, #tpu.memory_space<hbm>>
        %dma_start3A_1625 = arith.constant 0 : i32
        %dma_start3A_1626 = tpu.memref_slice %arg9[%squeeze3A_317, %dma_start3A_1625] : memref<3200x64xf32, #tpu.memory_space<hbm>> -> memref<1x64xf32, #tpu.memory_space<hbm>>
        %dma_start3A_1627 = tpu.memref_squeeze %dma_start3A_1626 : memref<1x64xf32, #tpu.memory_space<hbm>> -> memref<64xf32, #tpu.memory_space<hbm>>
        %dma_start3A_1628 = arith.constant 0 : i32
        %dma_start3A_1629 = tpu.memref_slice %arg24[%dma_start3A_1618, %dma_start3A_1628] : memref<4x64xf32, #tpu.memory_space<vmem>> -> memref<1x64xf32, #tpu.memory_space<vmem>>
        %dma_start3A_1630 = tpu.memref_squeeze %dma_start3A_1629 : memref<1x64xf32, #tpu.memory_space<vmem>> -> memref<64xf32, #tpu.memory_space<vmem>>
        tpu.enqueue_dma source(%dma_start3A_1630 : memref<64xf32, #tpu.memory_space<vmem>>) target(%dma_start3A_1627 : memref<64xf32, #tpu.memory_space<hbm>>) target_semaphore(%arg28 : memref<!tpu.dma_semaphore, #tpu.memory_space<semaphore_mem>>)
      } else {
      }
      %not3A = arith.constant true
      %not3A_906 = arith.xori %gt3A_902, %not3A : i1
      %convert_element_type3A_907 = arith.extui %not3A_906 : i1 to i32
      %cond3A_908 = arith.constant 0 : i32
      %cond3A_909 = arith.cmpi ne, %convert_element_type3A_907, %cond3A_908 : i32
      scf.if %cond3A_909 {
        %dma_start3A_1605 = arith.constant 0 : i32
        %dma_start3A_1606 = arith.constant 0 : i32
        %dma_start3A_1607 = tpu.memref_slice %arg22[%dma_start3A_1605, %dma_start3A_1606] : memref<4x4096xf32, #tpu.memory_space<vmem>> -> memref<1x4096xf32, #tpu.memory_space<vmem>>
        %dma_start3A_1608 = tpu.memref_squeeze %dma_start3A_1607 : memref<1x4096xf32, #tpu.memory_space<vmem>> -> memref<4096xf32, #tpu.memory_space<vmem>>
        %dma_start3A_1609 = arith.constant 0 : i32
        %dma_start3A_1610 = tpu.memref_slice %arg12[%add3A, %dma_start3A_1609] : memref<32x4096xf32, #tpu.memory_space<hbm>> -> memref<1x4096xf32, #tpu.memory_space<hbm>>
        %dma_start3A_1611 = tpu.memref_squeeze %dma_start3A_1610 : memref<1x4096xf32, #tpu.memory_space<hbm>> -> memref<4096xf32, #tpu.memory_space<hbm>>
        %dma_start3A_1612 = arith.constant 0 : i32
        %dma_start3A_1613 = tpu.memref_slice %arg12[%add3A, %dma_start3A_1612] : memref<32x4096xf32, #tpu.memory_space<hbm>> -> memref<1x4096xf32, #tpu.memory_space<hbm>>
        %dma_start3A_1614 = tpu.memref_squeeze %dma_start3A_1613 : memref<1x4096xf32, #tpu.memory_space<hbm>> -> memref<4096xf32, #tpu.memory_space<hbm>>
        %dma_start3A_1615 = arith.constant 0 : i32
        %dma_start3A_1616 = tpu.memref_slice %arg22[%dma_start3A_1605, %dma_start3A_1615] : memref<4x4096xf32, #tpu.memory_space<vmem>> -> memref<1x4096xf32, #tpu.memory_space<vmem>>
        %dma_start3A_1617 = tpu.memref_squeeze %dma_start3A_1616 : memref<1x4096xf32, #tpu.memory_space<vmem>> -> memref<4096xf32, #tpu.memory_space<vmem>>
        tpu.enqueue_dma source(%dma_start3A_1617 : memref<4096xf32, #tpu.memory_space<vmem>>) target(%dma_start3A_1614 : memref<4096xf32, #tpu.memory_space<hbm>>) target_semaphore(%arg28 : memref<!tpu.dma_semaphore, #tpu.memory_space<semaphore_mem>>)
        %dma_start3A_1618 = arith.constant 0 : i32
        %dma_start3A_1619 = arith.constant 0 : i32
        %dma_start3A_1620 = tpu.memref_slice %arg24[%dma_start3A_1618, %dma_start3A_1619] : memref<4x64xf32, #tpu.memory_space<vmem>> -> memref<1x64xf32, #tpu.memory_space<vmem>>
        %dma_start3A_1621 = tpu.memref_squeeze %dma_start3A_1620 : memref<1x64xf32, #tpu.memory_space<vmem>> -> memref<64xf32, #tpu.memory_space<vmem>>
        %dma_start3A_1622 = arith.constant 0 : i32
        %dma_start3A_1623 = tpu.memref_slice %arg11[%add3A, %dma_start3A_1622] : memref<32x64xf32, #tpu.memory_space<hbm>> -> memref<1x64xf32, #tpu.memory_space<hbm>>
        %dma_start3A_1624 = tpu.memref_squeeze %dma_start3A_1623 : memref<1x64xf32, #tpu.memory_space<hbm>> -> memref<64xf32, #tpu.memory_space<hbm>>
        %dma_start3A_1625 = arith.constant 0 : i32
        %dma_start3A_1626 = tpu.memref_slice %arg11[%add3A, %dma_start3A_1625] : memref<32x64xf32, #tpu.memory_space<hbm>> -> memref<1x64xf32, #tpu.memory_space<hbm>>
        %dma_start3A_1627 = tpu.memref_squeeze %dma_start3A_1626 : memref<1x64xf32, #tpu.memory_space<hbm>> -> memref<64xf32, #tpu.memory_space<hbm>>
        %dma_start3A_1628 = arith.constant 0 : i32
        %dma_start3A_1629 = tpu.memref_slice %arg24[%dma_start3A_1618, %dma_start3A_1628] : memref<4x64xf32, #tpu.memory_space<vmem>> -> memref<1x64xf32, #tpu.memory_space<vmem>>
        %dma_start3A_1630 = tpu.memref_squeeze %dma_start3A_1629 : memref<1x64xf32, #tpu.memory_space<vmem>> -> memref<64xf32, #tpu.memory_space<vmem>>
        tpu.enqueue_dma source(%dma_start3A_1630 : memref<64xf32, #tpu.memory_space<vmem>>) target(%dma_start3A_1627 : memref<64xf32, #tpu.memory_space<hbm>>) target_semaphore(%arg28 : memref<!tpu.dma_semaphore, #tpu.memory_space<semaphore_mem>>)
      } else {
      }
      %gt3A_910 = arith.constant 1 : i32
      %gt3A_911 = arith.cmpi sgt, %squeeze3A, %gt3A_910 : i32
      %convert_element_type3A_912 = arith.extui %gt3A_911 : i1 to i32
      %cond3A_913 = arith.constant 0 : i32
      %cond3A_914 = arith.cmpi ne, %convert_element_type3A_912, %cond3A_913 : i32
      scf.if %cond3A_914 {
        %dma_start3A_1605 = arith.constant 1 : i32
        %dma_start3A_1606 = arith.constant 0 : i32
        %dma_start3A_1607 = tpu.memref_slice %arg22[%dma_start3A_1605, %dma_start3A_1606] : memref<4x4096xf32, #tpu.memory_space<vmem>> -> memref<1x4096xf32, #tpu.memory_space<vmem>>
        %dma_start3A_1608 = tpu.memref_squeeze %dma_start3A_1607 : memref<1x4096xf32, #tpu.memory_space<vmem>> -> memref<4096xf32, #tpu.memory_space<vmem>>
        %dma_start3A_1609 = arith.constant 0 : i32
        %dma_start3A_1610 = tpu.memref_slice %arg10[%squeeze3A_353, %dma_start3A_1609] : memref<3200x4096xf32, #tpu.memory_space<hbm>> -> memref<1x4096xf32, #tpu.memory_space<hbm>>
        %dma_start3A_1611 = tpu.memref_squeeze %dma_start3A_1610 : memref<1x4096xf32, #tpu.memory_space<hbm>> -> memref<4096xf32, #tpu.memory_space<hbm>>
        %dma_start3A_1612 = arith.constant 0 : i32
        %dma_start3A_1613 = tpu.memref_slice %arg10[%squeeze3A_353, %dma_start3A_1612] : memref<3200x4096xf32, #tpu.memory_space<hbm>> -> memref<1x4096xf32, #tpu.memory_space<hbm>>
        %dma_start3A_1614 = tpu.memref_squeeze %dma_start3A_1613 : memref<1x4096xf32, #tpu.memory_space<hbm>> -> memref<4096xf32, #tpu.memory_space<hbm>>
        %dma_start3A_1615 = arith.constant 0 : i32
        %dma_start3A_1616 = tpu.memref_slice %arg22[%dma_start3A_1605, %dma_start3A_1615] : memref<4x4096xf32, #tpu.memory_space<vmem>> -> memref<1x4096xf32, #tpu.memory_space<vmem>>
        %dma_start3A_1617 = tpu.memref_squeeze %dma_start3A_1616 : memref<1x4096xf32, #tpu.memory_space<vmem>> -> memref<4096xf32, #tpu.memory_space<vmem>>
        tpu.enqueue_dma source(%dma_start3A_1617 : memref<4096xf32, #tpu.memory_space<vmem>>) target(%dma_start3A_1614 : memref<4096xf32, #tpu.memory_space<hbm>>) target_semaphore(%arg28 : memref<!tpu.dma_semaphore, #tpu.memory_space<semaphore_mem>>)
        %dma_start3A_1618 = arith.constant 1 : i32
        %dma_start3A_1619 = arith.constant 0 : i32
        %dma_start3A_1620 = tpu.memref_slice %arg24[%dma_start3A_1618, %dma_start3A_1619] : memref<4x64xf32, #tpu.memory_space<vmem>> -> memref<1x64xf32, #tpu.memory_space<vmem>>
        %dma_start3A_1621 = tpu.memref_squeeze %dma_start3A_1620 : memref<1x64xf32, #tpu.memory_space<vmem>> -> memref<64xf32, #tpu.memory_space<vmem>>
        %dma_start3A_1622 = arith.constant 0 : i32
        %dma_start3A_1623 = tpu.memref_slice %arg9[%squeeze3A_353, %dma_start3A_1622] : memref<3200x64xf32, #tpu.memory_space<hbm>> -> memref<1x64xf32, #tpu.memory_space<hbm>>
        %dma_start3A_1624 = tpu.memref_squeeze %dma_start3A_1623 : memref<1x64xf32, #tpu.memory_space<hbm>> -> memref<64xf32, #tpu.memory_space<hbm>>
        %dma_start3A_1625 = arith.constant 0 : i32
        %dma_start3A_1626 = tpu.memref_slice %arg9[%squeeze3A_353, %dma_start3A_1625] : memref<3200x64xf32, #tpu.memory_space<hbm>> -> memref<1x64xf32, #tpu.memory_space<hbm>>
        %dma_start3A_1627 = tpu.memref_squeeze %dma_start3A_1626 : memref<1x64xf32, #tpu.memory_space<hbm>> -> memref<64xf32, #tpu.memory_space<hbm>>
        %dma_start3A_1628 = arith.constant 0 : i32
        %dma_start3A_1629 = tpu.memref_slice %arg24[%dma_start3A_1618, %dma_start3A_1628] : memref<4x64xf32, #tpu.memory_space<vmem>> -> memref<1x64xf32, #tpu.memory_space<vmem>>
        %dma_start3A_1630 = tpu.memref_squeeze %dma_start3A_1629 : memref<1x64xf32, #tpu.memory_space<vmem>> -> memref<64xf32, #tpu.memory_space<vmem>>
        tpu.enqueue_dma source(%dma_start3A_1630 : memref<64xf32, #tpu.memory_space<vmem>>) target(%dma_start3A_1627 : memref<64xf32, #tpu.memory_space<hbm>>) target_semaphore(%arg28 : memref<!tpu.dma_semaphore, #tpu.memory_space<semaphore_mem>>)
      } else {
      }
      %not3A_915 = arith.constant true
      %not3A_916 = arith.xori %gt3A_911, %not3A_915 : i1
      %convert_element_type3A_917 = arith.extui %not3A_916 : i1 to i32
      %cond3A_918 = arith.constant 0 : i32
      %cond3A_919 = arith.cmpi ne, %convert_element_type3A_917, %cond3A_918 : i32
      scf.if %cond3A_919 {
        %dma_start3A_1605 = arith.constant 1 : i32
        %dma_start3A_1606 = arith.constant 0 : i32
        %dma_start3A_1607 = tpu.memref_slice %arg22[%dma_start3A_1605, %dma_start3A_1606] : memref<4x4096xf32, #tpu.memory_space<vmem>> -> memref<1x4096xf32, #tpu.memory_space<vmem>>
        %dma_start3A_1608 = tpu.memref_squeeze %dma_start3A_1607 : memref<1x4096xf32, #tpu.memory_space<vmem>> -> memref<4096xf32, #tpu.memory_space<vmem>>
        %dma_start3A_1609 = arith.constant 0 : i32
        %dma_start3A_1610 = tpu.memref_slice %arg12[%add3A, %dma_start3A_1609] : memref<32x4096xf32, #tpu.memory_space<hbm>> -> memref<1x4096xf32, #tpu.memory_space<hbm>>
        %dma_start3A_1611 = tpu.memref_squeeze %dma_start3A_1610 : memref<1x4096xf32, #tpu.memory_space<hbm>> -> memref<4096xf32, #tpu.memory_space<hbm>>
        %dma_start3A_1612 = arith.constant 0 : i32
        %dma_start3A_1613 = tpu.memref_slice %arg12[%add3A, %dma_start3A_1612] : memref<32x4096xf32, #tpu.memory_space<hbm>> -> memref<1x4096xf32, #tpu.memory_space<hbm>>
        %dma_start3A_1614 = tpu.memref_squeeze %dma_start3A_1613 : memref<1x4096xf32, #tpu.memory_space<hbm>> -> memref<4096xf32, #tpu.memory_space<hbm>>
        %dma_start3A_1615 = arith.constant 0 : i32
        %dma_start3A_1616 = tpu.memref_slice %arg22[%dma_start3A_1605, %dma_start3A_1615] : memref<4x4096xf32, #tpu.memory_space<vmem>> -> memref<1x4096xf32, #tpu.memory_space<vmem>>
        %dma_start3A_1617 = tpu.memref_squeeze %dma_start3A_1616 : memref<1x4096xf32, #tpu.memory_space<vmem>> -> memref<4096xf32, #tpu.memory_space<vmem>>
        tpu.enqueue_dma source(%dma_start3A_1617 : memref<4096xf32, #tpu.memory_space<vmem>>) target(%dma_start3A_1614 : memref<4096xf32, #tpu.memory_space<hbm>>) target_semaphore(%arg28 : memref<!tpu.dma_semaphore, #tpu.memory_space<semaphore_mem>>)
        %dma_start3A_1618 = arith.constant 1 : i32
        %dma_start3A_1619 = arith.constant 0 : i32
        %dma_start3A_1620 = tpu.memref_slice %arg24[%dma_start3A_1618, %dma_start3A_1619] : memref<4x64xf32, #tpu.memory_space<vmem>> -> memref<1x64xf32, #tpu.memory_space<vmem>>
        %dma_start3A_1621 = tpu.memref_squeeze %dma_start3A_1620 : memref<1x64xf32, #tpu.memory_space<vmem>> -> memref<64xf32, #tpu.memory_space<vmem>>
        %dma_start3A_1622 = arith.constant 0 : i32
        %dma_start3A_1623 = tpu.memref_slice %arg11[%add3A, %dma_start3A_1622] : memref<32x64xf32, #tpu.memory_space<hbm>> -> memref<1x64xf32, #tpu.memory_space<hbm>>
        %dma_start3A_1624 = tpu.memref_squeeze %dma_start3A_1623 : memref<1x64xf32, #tpu.memory_space<hbm>> -> memref<64xf32, #tpu.memory_space<hbm>>
        %dma_start3A_1625 = arith.constant 0 : i32
        %dma_start3A_1626 = tpu.memref_slice %arg11[%add3A, %dma_start3A_1625] : memref<32x64xf32, #tpu.memory_space<hbm>> -> memref<1x64xf32, #tpu.memory_space<hbm>>
        %dma_start3A_1627 = tpu.memref_squeeze %dma_start3A_1626 : memref<1x64xf32, #tpu.memory_space<hbm>> -> memref<64xf32, #tpu.memory_space<hbm>>
        %dma_start3A_1628 = arith.constant 0 : i32
        %dma_start3A_1629 = tpu.memref_slice %arg24[%dma_start3A_1618, %dma_start3A_1628] : memref<4x64xf32, #tpu.memory_space<vmem>> -> memref<1x64xf32, #tpu.memory_space<vmem>>
        %dma_start3A_1630 = tpu.memref_squeeze %dma_start3A_1629 : memref<1x64xf32, #tpu.memory_space<vmem>> -> memref<64xf32, #tpu.memory_space<vmem>>
        tpu.enqueue_dma source(%dma_start3A_1630 : memref<64xf32, #tpu.memory_space<vmem>>) target(%dma_start3A_1627 : memref<64xf32, #tpu.memory_space<hbm>>) target_semaphore(%arg28 : memref<!tpu.dma_semaphore, #tpu.memory_space<semaphore_mem>>)
      } else {
      }
      %gt3A_920 = arith.constant 2 : i32
      %gt3A_921 = arith.cmpi sgt, %squeeze3A, %gt3A_920 : i32
      %convert_element_type3A_922 = arith.extui %gt3A_921 : i1 to i32
      %cond3A_923 = arith.constant 0 : i32
      %cond3A_924 = arith.cmpi ne, %convert_element_type3A_922, %cond3A_923 : i32
      scf.if %cond3A_924 {
        %dma_start3A_1605 = arith.constant 2 : i32
        %dma_start3A_1606 = arith.constant 0 : i32
        %dma_start3A_1607 = tpu.memref_slice %arg22[%dma_start3A_1605, %dma_start3A_1606] : memref<4x4096xf32, #tpu.memory_space<vmem>> -> memref<1x4096xf32, #tpu.memory_space<vmem>>
        %dma_start3A_1608 = tpu.memref_squeeze %dma_start3A_1607 : memref<1x4096xf32, #tpu.memory_space<vmem>> -> memref<4096xf32, #tpu.memory_space<vmem>>
        %dma_start3A_1609 = arith.constant 0 : i32
        %dma_start3A_1610 = tpu.memref_slice %arg10[%squeeze3A_389, %dma_start3A_1609] : memref<3200x4096xf32, #tpu.memory_space<hbm>> -> memref<1x4096xf32, #tpu.memory_space<hbm>>
        %dma_start3A_1611 = tpu.memref_squeeze %dma_start3A_1610 : memref<1x4096xf32, #tpu.memory_space<hbm>> -> memref<4096xf32, #tpu.memory_space<hbm>>
        %dma_start3A_1612 = arith.constant 0 : i32
        %dma_start3A_1613 = tpu.memref_slice %arg10[%squeeze3A_389, %dma_start3A_1612] : memref<3200x4096xf32, #tpu.memory_space<hbm>> -> memref<1x4096xf32, #tpu.memory_space<hbm>>
        %dma_start3A_1614 = tpu.memref_squeeze %dma_start3A_1613 : memref<1x4096xf32, #tpu.memory_space<hbm>> -> memref<4096xf32, #tpu.memory_space<hbm>>
        %dma_start3A_1615 = arith.constant 0 : i32
        %dma_start3A_1616 = tpu.memref_slice %arg22[%dma_start3A_1605, %dma_start3A_1615] : memref<4x4096xf32, #tpu.memory_space<vmem>> -> memref<1x4096xf32, #tpu.memory_space<vmem>>
        %dma_start3A_1617 = tpu.memref_squeeze %dma_start3A_1616 : memref<1x4096xf32, #tpu.memory_space<vmem>> -> memref<4096xf32, #tpu.memory_space<vmem>>
        tpu.enqueue_dma source(%dma_start3A_1617 : memref<4096xf32, #tpu.memory_space<vmem>>) target(%dma_start3A_1614 : memref<4096xf32, #tpu.memory_space<hbm>>) target_semaphore(%arg28 : memref<!tpu.dma_semaphore, #tpu.memory_space<semaphore_mem>>)
        %dma_start3A_1618 = arith.constant 2 : i32
        %dma_start3A_1619 = arith.constant 0 : i32
        %dma_start3A_1620 = tpu.memref_slice %arg24[%dma_start3A_1618, %dma_start3A_1619] : memref<4x64xf32, #tpu.memory_space<vmem>> -> memref<1x64xf32, #tpu.memory_space<vmem>>
        %dma_start3A_1621 = tpu.memref_squeeze %dma_start3A_1620 : memref<1x64xf32, #tpu.memory_space<vmem>> -> memref<64xf32, #tpu.memory_space<vmem>>
        %dma_start3A_1622 = arith.constant 0 : i32
        %dma_start3A_1623 = tpu.memref_slice %arg9[%squeeze3A_389, %dma_start3A_1622] : memref<3200x64xf32, #tpu.memory_space<hbm>> -> memref<1x64xf32, #tpu.memory_space<hbm>>
        %dma_start3A_1624 = tpu.memref_squeeze %dma_start3A_1623 : memref<1x64xf32, #tpu.memory_space<hbm>> -> memref<64xf32, #tpu.memory_space<hbm>>
        %dma_start3A_1625 = arith.constant 0 : i32
        %dma_start3A_1626 = tpu.memref_slice %arg9[%squeeze3A_389, %dma_start3A_1625] : memref<3200x64xf32, #tpu.memory_space<hbm>> -> memref<1x64xf32, #tpu.memory_space<hbm>>
        %dma_start3A_1627 = tpu.memref_squeeze %dma_start3A_1626 : memref<1x64xf32, #tpu.memory_space<hbm>> -> memref<64xf32, #tpu.memory_space<hbm>>
        %dma_start3A_1628 = arith.constant 0 : i32
        %dma_start3A_1629 = tpu.memref_slice %arg24[%dma_start3A_1618, %dma_start3A_1628] : memref<4x64xf32, #tpu.memory_space<vmem>> -> memref<1x64xf32, #tpu.memory_space<vmem>>
        %dma_start3A_1630 = tpu.memref_squeeze %dma_start3A_1629 : memref<1x64xf32, #tpu.memory_space<vmem>> -> memref<64xf32, #tpu.memory_space<vmem>>
        tpu.enqueue_dma source(%dma_start3A_1630 : memref<64xf32, #tpu.memory_space<vmem>>) target(%dma_start3A_1627 : memref<64xf32, #tpu.memory_space<hbm>>) target_semaphore(%arg28 : memref<!tpu.dma_semaphore, #tpu.memory_space<semaphore_mem>>)
      } else {
      }
      %not3A_925 = arith.constant true
      %not3A_926 = arith.xori %gt3A_921, %not3A_925 : i1
      %convert_element_type3A_927 = arith.extui %not3A_926 : i1 to i32
      %cond3A_928 = arith.constant 0 : i32
      %cond3A_929 = arith.cmpi ne, %convert_element_type3A_927, %cond3A_928 : i32
      scf.if %cond3A_929 {
        %dma_start3A_1605 = arith.constant 2 : i32
        %dma_start3A_1606 = arith.constant 0 : i32
        %dma_start3A_1607 = tpu.memref_slice %arg22[%dma_start3A_1605, %dma_start3A_1606] : memref<4x4096xf32, #tpu.memory_space<vmem>> -> memref<1x4096xf32, #tpu.memory_space<vmem>>
        %dma_start3A_1608 = tpu.memref_squeeze %dma_start3A_1607 : memref<1x4096xf32, #tpu.memory_space<vmem>> -> memref<4096xf32, #tpu.memory_space<vmem>>
        %dma_start3A_1609 = arith.constant 0 : i32
        %dma_start3A_1610 = tpu.memref_slice %arg12[%add3A, %dma_start3A_1609] : memref<32x4096xf32, #tpu.memory_space<hbm>> -> memref<1x4096xf32, #tpu.memory_space<hbm>>
        %dma_start3A_1611 = tpu.memref_squeeze %dma_start3A_1610 : memref<1x4096xf32, #tpu.memory_space<hbm>> -> memref<4096xf32, #tpu.memory_space<hbm>>
        %dma_start3A_1612 = arith.constant 0 : i32
        %dma_start3A_1613 = tpu.memref_slice %arg12[%add3A, %dma_start3A_1612] : memref<32x4096xf32, #tpu.memory_space<hbm>> -> memref<1x4096xf32, #tpu.memory_space<hbm>>
        %dma_start3A_1614 = tpu.memref_squeeze %dma_start3A_1613 : memref<1x4096xf32, #tpu.memory_space<hbm>> -> memref<4096xf32, #tpu.memory_space<hbm>>
        %dma_start3A_1615 = arith.constant 0 : i32
        %dma_start3A_1616 = tpu.memref_slice %arg22[%dma_start3A_1605, %dma_start3A_1615] : memref<4x4096xf32, #tpu.memory_space<vmem>> -> memref<1x4096xf32, #tpu.memory_space<vmem>>
        %dma_start3A_1617 = tpu.memref_squeeze %dma_start3A_1616 : memref<1x4096xf32, #tpu.memory_space<vmem>> -> memref<4096xf32, #tpu.memory_space<vmem>>
        tpu.enqueue_dma source(%dma_start3A_1617 : memref<4096xf32, #tpu.memory_space<vmem>>) target(%dma_start3A_1614 : memref<4096xf32, #tpu.memory_space<hbm>>) target_semaphore(%arg28 : memref<!tpu.dma_semaphore, #tpu.memory_space<semaphore_mem>>)
        %dma_start3A_1618 = arith.constant 2 : i32
        %dma_start3A_1619 = arith.constant 0 : i32
        %dma_start3A_1620 = tpu.memref_slice %arg24[%dma_start3A_1618, %dma_start3A_1619] : memref<4x64xf32, #tpu.memory_space<vmem>> -> memref<1x64xf32, #tpu.memory_space<vmem>>
        %dma_start3A_1621 = tpu.memref_squeeze %dma_start3A_1620 : memref<1x64xf32, #tpu.memory_space<vmem>> -> memref<64xf32, #tpu.memory_space<vmem>>
        %dma_start3A_1622 = arith.constant 0 : i32
        %dma_start3A_1623 = tpu.memref_slice %arg11[%add3A, %dma_start3A_1622] : memref<32x64xf32, #tpu.memory_space<hbm>> -> memref<1x64xf32, #tpu.memory_space<hbm>>
        %dma_start3A_1624 = tpu.memref_squeeze %dma_start3A_1623 : memref<1x64xf32, #tpu.memory_space<hbm>> -> memref<64xf32, #tpu.memory_space<hbm>>
        %dma_start3A_1625 = arith.constant 0 : i32
        %dma_start3A_1626 = tpu.memref_slice %arg11[%add3A, %dma_start3A_1625] : memref<32x64xf32, #tpu.memory_space<hbm>> -> memref<1x64xf32, #tpu.memory_space<hbm>>
        %dma_start3A_1627 = tpu.memref_squeeze %dma_start3A_1626 : memref<1x64xf32, #tpu.memory_space<hbm>> -> memref<64xf32, #tpu.memory_space<hbm>>
        %dma_start3A_1628 = arith.constant 0 : i32
        %dma_start3A_1629 = tpu.memref_slice %arg24[%dma_start3A_1618, %dma_start3A_1628] : memref<4x64xf32, #tpu.memory_space<vmem>> -> memref<1x64xf32, #tpu.memory_space<vmem>>
        %dma_start3A_1630 = tpu.memref_squeeze %dma_start3A_1629 : memref<1x64xf32, #tpu.memory_space<vmem>> -> memref<64xf32, #tpu.memory_space<vmem>>
        tpu.enqueue_dma source(%dma_start3A_1630 : memref<64xf32, #tpu.memory_space<vmem>>) target(%dma_start3A_1627 : memref<64xf32, #tpu.memory_space<hbm>>) target_semaphore(%arg28 : memref<!tpu.dma_semaphore, #tpu.memory_space<semaphore_mem>>)
      } else {
      }
      %gt3A_930 = arith.constant 3 : i32
      %gt3A_931 = arith.cmpi sgt, %squeeze3A, %gt3A_930 : i32
      %convert_element_type3A_932 = arith.extui %gt3A_931 : i1 to i32
      %cond3A_933 = arith.constant 0 : i32
      %cond3A_934 = arith.cmpi ne, %convert_element_type3A_932, %cond3A_933 : i32
      scf.if %cond3A_934 {
        %dma_start3A_1605 = arith.constant 3 : i32
        %dma_start3A_1606 = arith.constant 0 : i32
        %dma_start3A_1607 = tpu.memref_slice %arg22[%dma_start3A_1605, %dma_start3A_1606] : memref<4x4096xf32, #tpu.memory_space<vmem>> -> memref<1x4096xf32, #tpu.memory_space<vmem>>
        %dma_start3A_1608 = tpu.memref_squeeze %dma_start3A_1607 : memref<1x4096xf32, #tpu.memory_space<vmem>> -> memref<4096xf32, #tpu.memory_space<vmem>>
        %dma_start3A_1609 = arith.constant 0 : i32
        %dma_start3A_1610 = tpu.memref_slice %arg10[%squeeze3A_425, %dma_start3A_1609] : memref<3200x4096xf32, #tpu.memory_space<hbm>> -> memref<1x4096xf32, #tpu.memory_space<hbm>>
        %dma_start3A_1611 = tpu.memref_squeeze %dma_start3A_1610 : memref<1x4096xf32, #tpu.memory_space<hbm>> -> memref<4096xf32, #tpu.memory_space<hbm>>
        %dma_start3A_1612 = arith.constant 0 : i32
        %dma_start3A_1613 = tpu.memref_slice %arg10[%squeeze3A_425, %dma_start3A_1612] : memref<3200x4096xf32, #tpu.memory_space<hbm>> -> memref<1x4096xf32, #tpu.memory_space<hbm>>
        %dma_start3A_1614 = tpu.memref_squeeze %dma_start3A_1613 : memref<1x4096xf32, #tpu.memory_space<hbm>> -> memref<4096xf32, #tpu.memory_space<hbm>>
        %dma_start3A_1615 = arith.constant 0 : i32
        %dma_start3A_1616 = tpu.memref_slice %arg22[%dma_start3A_1605, %dma_start3A_1615] : memref<4x4096xf32, #tpu.memory_space<vmem>> -> memref<1x4096xf32, #tpu.memory_space<vmem>>
        %dma_start3A_1617 = tpu.memref_squeeze %dma_start3A_1616 : memref<1x4096xf32, #tpu.memory_space<vmem>> -> memref<4096xf32, #tpu.memory_space<vmem>>
        tpu.enqueue_dma source(%dma_start3A_1617 : memref<4096xf32, #tpu.memory_space<vmem>>) target(%dma_start3A_1614 : memref<4096xf32, #tpu.memory_space<hbm>>) target_semaphore(%arg28 : memref<!tpu.dma_semaphore, #tpu.memory_space<semaphore_mem>>)
        %dma_start3A_1618 = arith.constant 3 : i32
        %dma_start3A_1619 = arith.constant 0 : i32
        %dma_start3A_1620 = tpu.memref_slice %arg24[%dma_start3A_1618, %dma_start3A_1619] : memref<4x64xf32, #tpu.memory_space<vmem>> -> memref<1x64xf32, #tpu.memory_space<vmem>>
        %dma_start3A_1621 = tpu.memref_squeeze %dma_start3A_1620 : memref<1x64xf32, #tpu.memory_space<vmem>> -> memref<64xf32, #tpu.memory_space<vmem>>
        %dma_start3A_1622 = arith.constant 0 : i32
        %dma_start3A_1623 = tpu.memref_slice %arg9[%squeeze3A_425, %dma_start3A_1622] : memref<3200x64xf32, #tpu.memory_space<hbm>> -> memref<1x64xf32, #tpu.memory_space<hbm>>
        %dma_start3A_1624 = tpu.memref_squeeze %dma_start3A_1623 : memref<1x64xf32, #tpu.memory_space<hbm>> -> memref<64xf32, #tpu.memory_space<hbm>>
        %dma_start3A_1625 = arith.constant 0 : i32
        %dma_start3A_1626 = tpu.memref_slice %arg9[%squeeze3A_425, %dma_start3A_1625] : memref<3200x64xf32, #tpu.memory_space<hbm>> -> memref<1x64xf32, #tpu.memory_space<hbm>>
        %dma_start3A_1627 = tpu.memref_squeeze %dma_start3A_1626 : memref<1x64xf32, #tpu.memory_space<hbm>> -> memref<64xf32, #tpu.memory_space<hbm>>
        %dma_start3A_1628 = arith.constant 0 : i32
        %dma_start3A_1629 = tpu.memref_slice %arg24[%dma_start3A_1618, %dma_start3A_1628] : memref<4x64xf32, #tpu.memory_space<vmem>> -> memref<1x64xf32, #tpu.memory_space<vmem>>
        %dma_start3A_1630 = tpu.memref_squeeze %dma_start3A_1629 : memref<1x64xf32, #tpu.memory_space<vmem>> -> memref<64xf32, #tpu.memory_space<vmem>>
        tpu.enqueue_dma source(%dma_start3A_1630 : memref<64xf32, #tpu.memory_space<vmem>>) target(%dma_start3A_1627 : memref<64xf32, #tpu.memory_space<hbm>>) target_semaphore(%arg28 : memref<!tpu.dma_semaphore, #tpu.memory_space<semaphore_mem>>)
      } else {
      }
      %not3A_935 = arith.constant true
      %not3A_936 = arith.xori %gt3A_931, %not3A_935 : i1
      %convert_element_type3A_937 = arith.extui %not3A_936 : i1 to i32
      %cond3A_938 = arith.constant 0 : i32
      %cond3A_939 = arith.cmpi ne, %convert_element_type3A_937, %cond3A_938 : i32
      scf.if %cond3A_939 {
        %dma_start3A_1605 = arith.constant 3 : i32
        %dma_start3A_1606 = arith.constant 0 : i32
        %dma_start3A_1607 = tpu.memref_slice %arg22[%dma_start3A_1605, %dma_start3A_1606] : memref<4x4096xf32, #tpu.memory_space<vmem>> -> memref<1x4096xf32, #tpu.memory_space<vmem>>
        %dma_start3A_1608 = tpu.memref_squeeze %dma_start3A_1607 : memref<1x4096xf32, #tpu.memory_space<vmem>> -> memref<4096xf32, #tpu.memory_space<vmem>>
        %dma_start3A_1609 = arith.constant 0 : i32
        %dma_start3A_1610 = tpu.memref_slice %arg12[%add3A, %dma_start3A_1609] : memref<32x4096xf32, #tpu.memory_space<hbm>> -> memref<1x4096xf32, #tpu.memory_space<hbm>>
        %dma_start3A_1611 = tpu.memref_squeeze %dma_start3A_1610 : memref<1x4096xf32, #tpu.memory_space<hbm>> -> memref<4096xf32, #tpu.memory_space<hbm>>
        %dma_start3A_1612 = arith.constant 0 : i32
        %dma_start3A_1613 = tpu.memref_slice %arg12[%add3A, %dma_start3A_1612] : memref<32x4096xf32, #tpu.memory_space<hbm>> -> memref<1x4096xf32, #tpu.memory_space<hbm>>
        %dma_start3A_1614 = tpu.memref_squeeze %dma_start3A_1613 : memref<1x4096xf32, #tpu.memory_space<hbm>> -> memref<4096xf32, #tpu.memory_space<hbm>>
        %dma_start3A_1615 = arith.constant 0 : i32
        %dma_start3A_1616 = tpu.memref_slice %arg22[%dma_start3A_1605, %dma_start3A_1615] : memref<4x4096xf32, #tpu.memory_space<vmem>> -> memref<1x4096xf32, #tpu.memory_space<vmem>>
        %dma_start3A_1617 = tpu.memref_squeeze %dma_start3A_1616 : memref<1x4096xf32, #tpu.memory_space<vmem>> -> memref<4096xf32, #tpu.memory_space<vmem>>
        tpu.enqueue_dma source(%dma_start3A_1617 : memref<4096xf32, #tpu.memory_space<vmem>>) target(%dma_start3A_1614 : memref<4096xf32, #tpu.memory_space<hbm>>) target_semaphore(%arg28 : memref<!tpu.dma_semaphore, #tpu.memory_space<semaphore_mem>>)
        %dma_start3A_1618 = arith.constant 3 : i32
        %dma_start3A_1619 = arith.constant 0 : i32
        %dma_start3A_1620 = tpu.memref_slice %arg24[%dma_start3A_1618, %dma_start3A_1619] : memref<4x64xf32, #tpu.memory_space<vmem>> -> memref<1x64xf32, #tpu.memory_space<vmem>>
        %dma_start3A_1621 = tpu.memref_squeeze %dma_start3A_1620 : memref<1x64xf32, #tpu.memory_space<vmem>> -> memref<64xf32, #tpu.memory_space<vmem>>
        %dma_start3A_1622 = arith.constant 0 : i32
        %dma_start3A_1623 = tpu.memref_slice %arg11[%add3A, %dma_start3A_1622] : memref<32x64xf32, #tpu.memory_space<hbm>> -> memref<1x64xf32, #tpu.memory_space<hbm>>
        %dma_start3A_1624 = tpu.memref_squeeze %dma_start3A_1623 : memref<1x64xf32, #tpu.memory_space<hbm>> -> memref<64xf32, #tpu.memory_space<hbm>>
        %dma_start3A_1625 = arith.constant 0 : i32
        %dma_start3A_1626 = tpu.memref_slice %arg11[%add3A, %dma_start3A_1625] : memref<32x64xf32, #tpu.memory_space<hbm>> -> memref<1x64xf32, #tpu.memory_space<hbm>>
        %dma_start3A_1627 = tpu.memref_squeeze %dma_start3A_1626 : memref<1x64xf32, #tpu.memory_space<hbm>> -> memref<64xf32, #tpu.memory_space<hbm>>
        %dma_start3A_1628 = arith.constant 0 : i32
        %dma_start3A_1629 = tpu.memref_slice %arg24[%dma_start3A_1618, %dma_start3A_1628] : memref<4x64xf32, #tpu.memory_space<vmem>> -> memref<1x64xf32, #tpu.memory_space<vmem>>
        %dma_start3A_1630 = tpu.memref_squeeze %dma_start3A_1629 : memref<1x64xf32, #tpu.memory_space<vmem>> -> memref<64xf32, #tpu.memory_space<vmem>>
        tpu.enqueue_dma source(%dma_start3A_1630 : memref<64xf32, #tpu.memory_space<vmem>>) target(%dma_start3A_1627 : memref<64xf32, #tpu.memory_space<hbm>>) target_semaphore(%arg28 : memref<!tpu.dma_semaphore, #tpu.memory_space<semaphore_mem>>)
      } else {
      }
      %mul3A_940 = arith.constant 2 : i32
      %mul3A_941 = arith.muli %mul3A_940, %scan3A_290 : i32
      %add3A_942 = arith.constant 1 : i32
      %add3A_943 = arith.addi %mul3A_941, %add3A_942 : i32
      %dma_wait3A_944 = arith.constant 0 : i32
      %dma_wait3A_945 = tpu.memref_slice %arg17[%add3A_943, %dma_wait3A_944] : memref<28x8xi32, #tpu.memory_space<vmem>> -> memref<1x8xi32, #tpu.memory_space<vmem>>
      %dma_wait3A_946 = tpu.memref_squeeze %dma_wait3A_945 : memref<1x8xi32, #tpu.memory_space<vmem>> -> memref<8xi32, #tpu.memory_space<vmem>>
      %dma_wait3A_947 = arith.constant 0 : i32
      %dma_wait3A_948 = arith.constant 0 : i32
      %dma_wait3A_949 = tpu.memref_slice %arg8[%dma_wait3A_947, %dma_wait3A_948] : memref<800x4096xf32, #tpu.memory_space<hbm>> -> memref<800x4096xf32, #tpu.memory_space<hbm>>
      tpu.wait_indirect_dma semaphore(%arg27 : memref<!tpu.dma_semaphore, #tpu.memory_space<semaphore_mem>>) src(%dma_wait3A_949 : memref<800x4096xf32, #tpu.memory_space<hbm>>) dst(%arg19 : memref<8x4096xf32, #tpu.memory_space<vmem>>)
      %dma_wait3A_950 = arith.constant 0 : i32
      %dma_wait3A_951 = tpu.memref_slice %arg17[%add3A_943, %dma_wait3A_950] : memref<28x8xi32, #tpu.memory_space<vmem>> -> memref<1x8xi32, #tpu.memory_space<vmem>>
      %dma_wait3A_952 = tpu.memref_squeeze %dma_wait3A_951 : memref<1x8xi32, #tpu.memory_space<vmem>> -> memref<8xi32, #tpu.memory_space<vmem>>
      %dma_wait3A_953 = arith.constant 0 : i32
      %dma_wait3A_954 = arith.constant 0 : i32
      %dma_wait3A_955 = tpu.memref_slice %arg7[%dma_wait3A_953, %dma_wait3A_954] : memref<800x64xf32, #tpu.memory_space<hbm>> -> memref<800x64xf32, #tpu.memory_space<hbm>>
      tpu.wait_indirect_dma semaphore(%arg27 : memref<!tpu.dma_semaphore, #tpu.memory_space<semaphore_mem>>) src(%dma_wait3A_955 : memref<800x64xf32, #tpu.memory_space<hbm>>) dst(%arg21 : memref<8x64xf32, #tpu.memory_space<vmem>>)
      %ge3A_956 = arith.constant 2 : i32
      %ge3A_957 = arith.cmpi sge, %add3A_943, %ge3A_956 : i32
      %convert_element_type3A_958 = arith.extui %ge3A_957 : i1 to i32
      %cond3A_959 = arith.constant 0 : i32
      %cond3A_960 = arith.cmpi ne, %convert_element_type3A_958, %cond3A_959 : i32
      scf.if %cond3A_960 {
        %dma_wait3A_1605 = arith.constant 0 : i32
        %dma_wait3A_1606 = arith.constant 0 : i32
        %dma_wait3A_1607 = arith.constant 0 : i32
        %dma_wait3A_1608 = tpu.memref_slice %arg23[%dma_wait3A_1605, %dma_wait3A_1607] : memref<4x4096xf32, #tpu.memory_space<vmem>> -> memref<1x4096xf32, #tpu.memory_space<vmem>>
        %dma_wait3A_1609 = tpu.memref_squeeze %dma_wait3A_1608 : memref<1x4096xf32, #tpu.memory_space<vmem>> -> memref<4096xf32, #tpu.memory_space<vmem>>
        %dma_wait3A_1610 = arith.constant 0 : i32
        %dma_wait3A_1611 = tpu.memref_slice %arg10[%dma_wait3A_1606, %dma_wait3A_1610] : memref<3200x4096xf32, #tpu.memory_space<hbm>> -> memref<1x4096xf32, #tpu.memory_space<hbm>>
        %dma_wait3A_1612 = tpu.memref_squeeze %dma_wait3A_1611 : memref<1x4096xf32, #tpu.memory_space<hbm>> -> memref<4096xf32, #tpu.memory_space<hbm>>
        %dma_wait3A_1613 = arith.constant 0 : i32
        %dma_wait3A_1614 = tpu.memref_slice %arg10[%dma_wait3A_1606, %dma_wait3A_1613] : memref<3200x4096xf32, #tpu.memory_space<hbm>> -> memref<1x4096xf32, #tpu.memory_space<hbm>>
        %dma_wait3A_1615 = tpu.memref_squeeze %dma_wait3A_1614 : memref<1x4096xf32, #tpu.memory_space<hbm>> -> memref<4096xf32, #tpu.memory_space<hbm>>
        %dma_wait3A_1616 = arith.constant 0 : i32
        %dma_wait3A_1617 = tpu.memref_slice %arg23[%dma_wait3A_1605, %dma_wait3A_1616] : memref<4x4096xf32, #tpu.memory_space<vmem>> -> memref<1x4096xf32, #tpu.memory_space<vmem>>
        %dma_wait3A_1618 = tpu.memref_squeeze %dma_wait3A_1617 : memref<1x4096xf32, #tpu.memory_space<vmem>> -> memref<4096xf32, #tpu.memory_space<vmem>>
        tpu.wait_dma2 semaphore(%arg29 : memref<!tpu.dma_semaphore, #tpu.memory_space<semaphore_mem>>) src(%dma_wait3A_1618 : memref<4096xf32, #tpu.memory_space<vmem>>) dst(%dma_wait3A_1615 : memref<4096xf32, #tpu.memory_space<hbm>>)
        %dma_wait3A_1619 = arith.constant 0 : i32
        %dma_wait3A_1620 = arith.constant 0 : i32
        %dma_wait3A_1621 = arith.constant 0 : i32
        %dma_wait3A_1622 = tpu.memref_slice %arg25[%dma_wait3A_1619, %dma_wait3A_1621] : memref<4x64xf32, #tpu.memory_space<vmem>> -> memref<1x64xf32, #tpu.memory_space<vmem>>
        %dma_wait3A_1623 = tpu.memref_squeeze %dma_wait3A_1622 : memref<1x64xf32, #tpu.memory_space<vmem>> -> memref<64xf32, #tpu.memory_space<vmem>>
        %dma_wait3A_1624 = arith.constant 0 : i32
        %dma_wait3A_1625 = tpu.memref_slice %arg9[%dma_wait3A_1620, %dma_wait3A_1624] : memref<3200x64xf32, #tpu.memory_space<hbm>> -> memref<1x64xf32, #tpu.memory_space<hbm>>
        %dma_wait3A_1626 = tpu.memref_squeeze %dma_wait3A_1625 : memref<1x64xf32, #tpu.memory_space<hbm>> -> memref<64xf32, #tpu.memory_space<hbm>>
        %dma_wait3A_1627 = arith.constant 0 : i32
        %dma_wait3A_1628 = tpu.memref_slice %arg9[%dma_wait3A_1620, %dma_wait3A_1627] : memref<3200x64xf32, #tpu.memory_space<hbm>> -> memref<1x64xf32, #tpu.memory_space<hbm>>
        %dma_wait3A_1629 = tpu.memref_squeeze %dma_wait3A_1628 : memref<1x64xf32, #tpu.memory_space<hbm>> -> memref<64xf32, #tpu.memory_space<hbm>>
        %dma_wait3A_1630 = arith.constant 0 : i32
        %dma_wait3A_1631 = tpu.memref_slice %arg25[%dma_wait3A_1619, %dma_wait3A_1630] : memref<4x64xf32, #tpu.memory_space<vmem>> -> memref<1x64xf32, #tpu.memory_space<vmem>>
        %dma_wait3A_1632 = tpu.memref_squeeze %dma_wait3A_1631 : memref<1x64xf32, #tpu.memory_space<vmem>> -> memref<64xf32, #tpu.memory_space<vmem>>
        tpu.wait_dma2 semaphore(%arg29 : memref<!tpu.dma_semaphore, #tpu.memory_space<semaphore_mem>>) src(%dma_wait3A_1632 : memref<64xf32, #tpu.memory_space<vmem>>) dst(%dma_wait3A_1629 : memref<64xf32, #tpu.memory_space<hbm>>)
        %dma_wait3A_1633 = arith.constant 1 : i32
        %dma_wait3A_1634 = arith.constant 0 : i32
        %dma_wait3A_1635 = arith.constant 0 : i32
        %dma_wait3A_1636 = tpu.memref_slice %arg23[%dma_wait3A_1633, %dma_wait3A_1635] : memref<4x4096xf32, #tpu.memory_space<vmem>> -> memref<1x4096xf32, #tpu.memory_space<vmem>>
        %dma_wait3A_1637 = tpu.memref_squeeze %dma_wait3A_1636 : memref<1x4096xf32, #tpu.memory_space<vmem>> -> memref<4096xf32, #tpu.memory_space<vmem>>
        %dma_wait3A_1638 = arith.constant 0 : i32
        %dma_wait3A_1639 = tpu.memref_slice %arg10[%dma_wait3A_1634, %dma_wait3A_1638] : memref<3200x4096xf32, #tpu.memory_space<hbm>> -> memref<1x4096xf32, #tpu.memory_space<hbm>>
        %dma_wait3A_1640 = tpu.memref_squeeze %dma_wait3A_1639 : memref<1x4096xf32, #tpu.memory_space<hbm>> -> memref<4096xf32, #tpu.memory_space<hbm>>
        %dma_wait3A_1641 = arith.constant 0 : i32
        %dma_wait3A_1642 = tpu.memref_slice %arg10[%dma_wait3A_1634, %dma_wait3A_1641] : memref<3200x4096xf32, #tpu.memory_space<hbm>> -> memref<1x4096xf32, #tpu.memory_space<hbm>>
        %dma_wait3A_1643 = tpu.memref_squeeze %dma_wait3A_1642 : memref<1x4096xf32, #tpu.memory_space<hbm>> -> memref<4096xf32, #tpu.memory_space<hbm>>
        %dma_wait3A_1644 = arith.constant 0 : i32
        %dma_wait3A_1645 = tpu.memref_slice %arg23[%dma_wait3A_1633, %dma_wait3A_1644] : memref<4x4096xf32, #tpu.memory_space<vmem>> -> memref<1x4096xf32, #tpu.memory_space<vmem>>
        %dma_wait3A_1646 = tpu.memref_squeeze %dma_wait3A_1645 : memref<1x4096xf32, #tpu.memory_space<vmem>> -> memref<4096xf32, #tpu.memory_space<vmem>>
        tpu.wait_dma2 semaphore(%arg29 : memref<!tpu.dma_semaphore, #tpu.memory_space<semaphore_mem>>) src(%dma_wait3A_1646 : memref<4096xf32, #tpu.memory_space<vmem>>) dst(%dma_wait3A_1643 : memref<4096xf32, #tpu.memory_space<hbm>>)
        %dma_wait3A_1647 = arith.constant 1 : i32
        %dma_wait3A_1648 = arith.constant 0 : i32
        %dma_wait3A_1649 = arith.constant 0 : i32
        %dma_wait3A_1650 = tpu.memref_slice %arg25[%dma_wait3A_1647, %dma_wait3A_1649] : memref<4x64xf32, #tpu.memory_space<vmem>> -> memref<1x64xf32, #tpu.memory_space<vmem>>
        %dma_wait3A_1651 = tpu.memref_squeeze %dma_wait3A_1650 : memref<1x64xf32, #tpu.memory_space<vmem>> -> memref<64xf32, #tpu.memory_space<vmem>>
        %dma_wait3A_1652 = arith.constant 0 : i32
        %dma_wait3A_1653 = tpu.memref_slice %arg9[%dma_wait3A_1648, %dma_wait3A_1652] : memref<3200x64xf32, #tpu.memory_space<hbm>> -> memref<1x64xf32, #tpu.memory_space<hbm>>
        %dma_wait3A_1654 = tpu.memref_squeeze %dma_wait3A_1653 : memref<1x64xf32, #tpu.memory_space<hbm>> -> memref<64xf32, #tpu.memory_space<hbm>>
        %dma_wait3A_1655 = arith.constant 0 : i32
        %dma_wait3A_1656 = tpu.memref_slice %arg9[%dma_wait3A_1648, %dma_wait3A_1655] : memref<3200x64xf32, #tpu.memory_space<hbm>> -> memref<1x64xf32, #tpu.memory_space<hbm>>
        %dma_wait3A_1657 = tpu.memref_squeeze %dma_wait3A_1656 : memref<1x64xf32, #tpu.memory_space<hbm>> -> memref<64xf32, #tpu.memory_space<hbm>>
        %dma_wait3A_1658 = arith.constant 0 : i32
        %dma_wait3A_1659 = tpu.memref_slice %arg25[%dma_wait3A_1647, %dma_wait3A_1658] : memref<4x64xf32, #tpu.memory_space<vmem>> -> memref<1x64xf32, #tpu.memory_space<vmem>>
        %dma_wait3A_1660 = tpu.memref_squeeze %dma_wait3A_1659 : memref<1x64xf32, #tpu.memory_space<vmem>> -> memref<64xf32, #tpu.memory_space<vmem>>
        tpu.wait_dma2 semaphore(%arg29 : memref<!tpu.dma_semaphore, #tpu.memory_space<semaphore_mem>>) src(%dma_wait3A_1660 : memref<64xf32, #tpu.memory_space<vmem>>) dst(%dma_wait3A_1657 : memref<64xf32, #tpu.memory_space<hbm>>)
        %dma_wait3A_1661 = arith.constant 2 : i32
        %dma_wait3A_1662 = arith.constant 0 : i32
        %dma_wait3A_1663 = arith.constant 0 : i32
        %dma_wait3A_1664 = tpu.memref_slice %arg23[%dma_wait3A_1661, %dma_wait3A_1663] : memref<4x4096xf32, #tpu.memory_space<vmem>> -> memref<1x4096xf32, #tpu.memory_space<vmem>>
        %dma_wait3A_1665 = tpu.memref_squeeze %dma_wait3A_1664 : memref<1x4096xf32, #tpu.memory_space<vmem>> -> memref<4096xf32, #tpu.memory_space<vmem>>
        %dma_wait3A_1666 = arith.constant 0 : i32
        %dma_wait3A_1667 = tpu.memref_slice %arg10[%dma_wait3A_1662, %dma_wait3A_1666] : memref<3200x4096xf32, #tpu.memory_space<hbm>> -> memref<1x4096xf32, #tpu.memory_space<hbm>>
        %dma_wait3A_1668 = tpu.memref_squeeze %dma_wait3A_1667 : memref<1x4096xf32, #tpu.memory_space<hbm>> -> memref<4096xf32, #tpu.memory_space<hbm>>
        %dma_wait3A_1669 = arith.constant 0 : i32
        %dma_wait3A_1670 = tpu.memref_slice %arg10[%dma_wait3A_1662, %dma_wait3A_1669] : memref<3200x4096xf32, #tpu.memory_space<hbm>> -> memref<1x4096xf32, #tpu.memory_space<hbm>>
        %dma_wait3A_1671 = tpu.memref_squeeze %dma_wait3A_1670 : memref<1x4096xf32, #tpu.memory_space<hbm>> -> memref<4096xf32, #tpu.memory_space<hbm>>
        %dma_wait3A_1672 = arith.constant 0 : i32
        %dma_wait3A_1673 = tpu.memref_slice %arg23[%dma_wait3A_1661, %dma_wait3A_1672] : memref<4x4096xf32, #tpu.memory_space<vmem>> -> memref<1x4096xf32, #tpu.memory_space<vmem>>
        %dma_wait3A_1674 = tpu.memref_squeeze %dma_wait3A_1673 : memref<1x4096xf32, #tpu.memory_space<vmem>> -> memref<4096xf32, #tpu.memory_space<vmem>>
        tpu.wait_dma2 semaphore(%arg29 : memref<!tpu.dma_semaphore, #tpu.memory_space<semaphore_mem>>) src(%dma_wait3A_1674 : memref<4096xf32, #tpu.memory_space<vmem>>) dst(%dma_wait3A_1671 : memref<4096xf32, #tpu.memory_space<hbm>>)
        %dma_wait3A_1675 = arith.constant 2 : i32
        %dma_wait3A_1676 = arith.constant 0 : i32
        %dma_wait3A_1677 = arith.constant 0 : i32
        %dma_wait3A_1678 = tpu.memref_slice %arg25[%dma_wait3A_1675, %dma_wait3A_1677] : memref<4x64xf32, #tpu.memory_space<vmem>> -> memref<1x64xf32, #tpu.memory_space<vmem>>
        %dma_wait3A_1679 = tpu.memref_squeeze %dma_wait3A_1678 : memref<1x64xf32, #tpu.memory_space<vmem>> -> memref<64xf32, #tpu.memory_space<vmem>>
        %dma_wait3A_1680 = arith.constant 0 : i32
        %dma_wait3A_1681 = tpu.memref_slice %arg9[%dma_wait3A_1676, %dma_wait3A_1680] : memref<3200x64xf32, #tpu.memory_space<hbm>> -> memref<1x64xf32, #tpu.memory_space<hbm>>
        %dma_wait3A_1682 = tpu.memref_squeeze %dma_wait3A_1681 : memref<1x64xf32, #tpu.memory_space<hbm>> -> memref<64xf32, #tpu.memory_space<hbm>>
        %dma_wait3A_1683 = arith.constant 0 : i32
        %dma_wait3A_1684 = tpu.memref_slice %arg9[%dma_wait3A_1676, %dma_wait3A_1683] : memref<3200x64xf32, #tpu.memory_space<hbm>> -> memref<1x64xf32, #tpu.memory_space<hbm>>
        %dma_wait3A_1685 = tpu.memref_squeeze %dma_wait3A_1684 : memref<1x64xf32, #tpu.memory_space<hbm>> -> memref<64xf32, #tpu.memory_space<hbm>>
        %dma_wait3A_1686 = arith.constant 0 : i32
        %dma_wait3A_1687 = tpu.memref_slice %arg25[%dma_wait3A_1675, %dma_wait3A_1686] : memref<4x64xf32, #tpu.memory_space<vmem>> -> memref<1x64xf32, #tpu.memory_space<vmem>>
        %dma_wait3A_1688 = tpu.memref_squeeze %dma_wait3A_1687 : memref<1x64xf32, #tpu.memory_space<vmem>> -> memref<64xf32, #tpu.memory_space<vmem>>
        tpu.wait_dma2 semaphore(%arg29 : memref<!tpu.dma_semaphore, #tpu.memory_space<semaphore_mem>>) src(%dma_wait3A_1688 : memref<64xf32, #tpu.memory_space<vmem>>) dst(%dma_wait3A_1685 : memref<64xf32, #tpu.memory_space<hbm>>)
        %dma_wait3A_1689 = arith.constant 3 : i32
        %dma_wait3A_1690 = arith.constant 0 : i32
        %dma_wait3A_1691 = arith.constant 0 : i32
        %dma_wait3A_1692 = tpu.memref_slice %arg23[%dma_wait3A_1689, %dma_wait3A_1691] : memref<4x4096xf32, #tpu.memory_space<vmem>> -> memref<1x4096xf32, #tpu.memory_space<vmem>>
        %dma_wait3A_1693 = tpu.memref_squeeze %dma_wait3A_1692 : memref<1x4096xf32, #tpu.memory_space<vmem>> -> memref<4096xf32, #tpu.memory_space<vmem>>
        %dma_wait3A_1694 = arith.constant 0 : i32
        %dma_wait3A_1695 = tpu.memref_slice %arg10[%dma_wait3A_1690, %dma_wait3A_1694] : memref<3200x4096xf32, #tpu.memory_space<hbm>> -> memref<1x4096xf32, #tpu.memory_space<hbm>>
        %dma_wait3A_1696 = tpu.memref_squeeze %dma_wait3A_1695 : memref<1x4096xf32, #tpu.memory_space<hbm>> -> memref<4096xf32, #tpu.memory_space<hbm>>
        %dma_wait3A_1697 = arith.constant 0 : i32
        %dma_wait3A_1698 = tpu.memref_slice %arg10[%dma_wait3A_1690, %dma_wait3A_1697] : memref<3200x4096xf32, #tpu.memory_space<hbm>> -> memref<1x4096xf32, #tpu.memory_space<hbm>>
        %dma_wait3A_1699 = tpu.memref_squeeze %dma_wait3A_1698 : memref<1x4096xf32, #tpu.memory_space<hbm>> -> memref<4096xf32, #tpu.memory_space<hbm>>
        %dma_wait3A_1700 = arith.constant 0 : i32
        %dma_wait3A_1701 = tpu.memref_slice %arg23[%dma_wait3A_1689, %dma_wait3A_1700] : memref<4x4096xf32, #tpu.memory_space<vmem>> -> memref<1x4096xf32, #tpu.memory_space<vmem>>
        %dma_wait3A_1702 = tpu.memref_squeeze %dma_wait3A_1701 : memref<1x4096xf32, #tpu.memory_space<vmem>> -> memref<4096xf32, #tpu.memory_space<vmem>>
        tpu.wait_dma2 semaphore(%arg29 : memref<!tpu.dma_semaphore, #tpu.memory_space<semaphore_mem>>) src(%dma_wait3A_1702 : memref<4096xf32, #tpu.memory_space<vmem>>) dst(%dma_wait3A_1699 : memref<4096xf32, #tpu.memory_space<hbm>>)
        %dma_wait3A_1703 = arith.constant 3 : i32
        %dma_wait3A_1704 = arith.constant 0 : i32
        %dma_wait3A_1705 = arith.constant 0 : i32
        %dma_wait3A_1706 = tpu.memref_slice %arg25[%dma_wait3A_1703, %dma_wait3A_1705] : memref<4x64xf32, #tpu.memory_space<vmem>> -> memref<1x64xf32, #tpu.memory_space<vmem>>
        %dma_wait3A_1707 = tpu.memref_squeeze %dma_wait3A_1706 : memref<1x64xf32, #tpu.memory_space<vmem>> -> memref<64xf32, #tpu.memory_space<vmem>>
        %dma_wait3A_1708 = arith.constant 0 : i32
        %dma_wait3A_1709 = tpu.memref_slice %arg9[%dma_wait3A_1704, %dma_wait3A_1708] : memref<3200x64xf32, #tpu.memory_space<hbm>> -> memref<1x64xf32, #tpu.memory_space<hbm>>
        %dma_wait3A_1710 = tpu.memref_squeeze %dma_wait3A_1709 : memref<1x64xf32, #tpu.memory_space<hbm>> -> memref<64xf32, #tpu.memory_space<hbm>>
        %dma_wait3A_1711 = arith.constant 0 : i32
        %dma_wait3A_1712 = tpu.memref_slice %arg9[%dma_wait3A_1704, %dma_wait3A_1711] : memref<3200x64xf32, #tpu.memory_space<hbm>> -> memref<1x64xf32, #tpu.memory_space<hbm>>
        %dma_wait3A_1713 = tpu.memref_squeeze %dma_wait3A_1712 : memref<1x64xf32, #tpu.memory_space<hbm>> -> memref<64xf32, #tpu.memory_space<hbm>>
        %dma_wait3A_1714 = arith.constant 0 : i32
        %dma_wait3A_1715 = tpu.memref_slice %arg25[%dma_wait3A_1703, %dma_wait3A_1714] : memref<4x64xf32, #tpu.memory_space<vmem>> -> memref<1x64xf32, #tpu.memory_space<vmem>>
        %dma_wait3A_1716 = tpu.memref_squeeze %dma_wait3A_1715 : memref<1x64xf32, #tpu.memory_space<vmem>> -> memref<64xf32, #tpu.memory_space<vmem>>
        tpu.wait_dma2 semaphore(%arg29 : memref<!tpu.dma_semaphore, #tpu.memory_space<semaphore_mem>>) src(%dma_wait3A_1716 : memref<64xf32, #tpu.memory_space<vmem>>) dst(%dma_wait3A_1713 : memref<64xf32, #tpu.memory_space<hbm>>)
      } else {
      }
      %broadcast_in_dim3A_961 = vector.broadcast %add3A_943 : i32 to vector<16xi32>
      %gather3A_962 = tpu.vector_load_idx %arg15[%broadcast_in_dim3A_961] : memref<28xi32, #tpu.memory_space<vmem>>[vector<16xi32>], vector<16xi32>,
      %broadcast_in_dim3A_963 = vector.broadcast %add3A_943 : i32 to vector<16xi32>
      %gather3A_964 = tpu.vector_load_idx %arg16[%broadcast_in_dim3A_963] : memref<28xi32, #tpu.memory_space<vmem>>[vector<16xi32>], vector<16xi32>,
      %slice3A_965 = vector.extract_strided_slice %gather3A_964 {offsets = [0], sizes = [1], strides = [1]} : vector<16xi32> to vector<1xi32>
      %squeeze3A_966 = vector.extract %slice3A_965[0] : i32 from vector<1xi32>
      %add3A_967 = arith.constant 0 : i32
      %add3A_968 = vector.broadcast %add3A_967 : i32 to vector<16xi32>
      %add3A_969 = arith.addi %gather3A_962, %add3A_968 : vector<16xi32>
      %jit3A_970 = arith.constant 0 : i32
      %jit3A_971 = arith.constant 3199 : i32
      %max3A_972 = vector.broadcast %jit3A_970 : i32 to vector<16xi32>
      %max3A_973 = arith.maxsi %max3A_972, %add3A_969 : vector<16xi32>
      %min3A_974 = vector.broadcast %jit3A_971 : i32 to vector<16xi32>
      %min3A_975 = arith.minsi %min3A_974, %max3A_973 : vector<16xi32>
      %gather3A_976 = tpu.vector_load_idx %arg14[%min3A_975] : memref<3200xi32, #tpu.memory_space<vmem>>[vector<16xi32>], vector<16xi32>,
      %slice3A_977 = vector.extract_strided_slice %gather3A_976 {offsets = [0], sizes = [1], strides = [1]} : vector<16xi32> to vector<1xi32>
      %squeeze3A_978 = vector.extract %slice3A_977[0] : i32 from vector<1xi32>
      %broadcast_in_dim3A_979 = arith.constant 0 : i32
      %broadcast_in_dim3A_980 = vector.broadcast %broadcast_in_dim3A_979 : i32 to vector<16xi32>
      %gather3A_981 = tpu.vector_load_idx %arg13[%gather3A_976, %broadcast_in_dim3A_980] : memref<3200x8xf32, #tpu.memory_space<vmem>>[vector<16xi32>, vector<16xi32>], vector<16xf32>,
      %broadcast_in_dim3A_982 = arith.constant 1 : i32
      %broadcast_in_dim3A_983 = vector.broadcast %broadcast_in_dim3A_982 : i32 to vector<16xi32>
      %gather3A_984 = tpu.vector_load_idx %arg13[%gather3A_976, %broadcast_in_dim3A_983] : memref<3200x8xf32, #tpu.memory_space<vmem>>[vector<16xi32>, vector<16xi32>], vector<16xf32>,
      %broadcast_in_dim3A_985 = arith.constant 2 : i32
      %broadcast_in_dim3A_986 = vector.broadcast %broadcast_in_dim3A_985 : i32 to vector<16xi32>
      %gather3A_987 = tpu.vector_load_idx %arg13[%gather3A_976, %broadcast_in_dim3A_986] : memref<3200x8xf32, #tpu.memory_space<vmem>>[vector<16xi32>, vector<16xi32>], vector<16xf32>,
      %broadcast_in_dim3A_988 = arith.constant 3 : i32
      %broadcast_in_dim3A_989 = vector.broadcast %broadcast_in_dim3A_988 : i32 to vector<16xi32>
      %gather3A_990 = tpu.vector_load_idx %arg13[%gather3A_976, %broadcast_in_dim3A_989] : memref<3200x8xf32, #tpu.memory_space<vmem>>[vector<16xi32>, vector<16xi32>], vector<16xf32>,
      %broadcast_in_dim3A_991 = arith.constant 4 : i32
      %broadcast_in_dim3A_992 = vector.broadcast %broadcast_in_dim3A_991 : i32 to vector<16xi32>
      %gather3A_993 = tpu.vector_load_idx %arg13[%gather3A_976, %broadcast_in_dim3A_992] : memref<3200x8xf32, #tpu.memory_space<vmem>>[vector<16xi32>, vector<16xi32>], vector<16xf32>,
      %broadcast_in_dim3A_994 = arith.constant 5 : i32
      %broadcast_in_dim3A_995 = vector.broadcast %broadcast_in_dim3A_994 : i32 to vector<16xi32>
      %gather3A_996 = tpu.vector_load_idx %arg13[%gather3A_976, %broadcast_in_dim3A_995] : memref<3200x8xf32, #tpu.memory_space<vmem>>[vector<16xi32>, vector<16xi32>], vector<16xf32>,
      %broadcast_in_dim3A_997 = arith.constant 6 : i32
      %broadcast_in_dim3A_998 = vector.broadcast %broadcast_in_dim3A_997 : i32 to vector<16xi32>
      %gather3A_999 = tpu.vector_load_idx %arg13[%gather3A_976, %broadcast_in_dim3A_998] : memref<3200x8xf32, #tpu.memory_space<vmem>>[vector<16xi32>, vector<16xi32>], vector<16xf32>,
      %broadcast_in_dim3A_1000 = arith.constant 7 : i32
      %broadcast_in_dim3A_1001 = vector.broadcast %broadcast_in_dim3A_1000 : i32 to vector<16xi32>
      %gather3A_1002 = tpu.vector_load_idx %arg13[%gather3A_976, %broadcast_in_dim3A_1001] : memref<3200x8xf32, #tpu.memory_space<vmem>>[vector<16xi32>, vector<16xi32>], vector<16xf32>,
      %add3A_1003 = arith.constant 1 : i32
      %add3A_1004 = vector.broadcast %add3A_1003 : i32 to vector<16xi32>
      %add3A_1005 = arith.addi %gather3A_962, %add3A_1004 : vector<16xi32>
      %jit3A_1006 = arith.constant 0 : i32
      %jit3A_1007 = arith.constant 3199 : i32
      %max3A_1008 = vector.broadcast %jit3A_1006 : i32 to vector<16xi32>
      %max3A_1009 = arith.maxsi %max3A_1008, %add3A_1005 : vector<16xi32>
      %min3A_1010 = vector.broadcast %jit3A_1007 : i32 to vector<16xi32>
      %min3A_1011 = arith.minsi %min3A_1010, %max3A_1009 : vector<16xi32>
      %gather3A_1012 = tpu.vector_load_idx %arg14[%min3A_1011] : memref<3200xi32, #tpu.memory_space<vmem>>[vector<16xi32>], vector<16xi32>,
      %slice3A_1013 = vector.extract_strided_slice %gather3A_1012 {offsets = [0], sizes = [1], strides = [1]} : vector<16xi32> to vector<1xi32>
      %squeeze3A_1014 = vector.extract %slice3A_1013[0] : i32 from vector<1xi32>
      %broadcast_in_dim3A_1015 = arith.constant 0 : i32
      %broadcast_in_dim3A_1016 = vector.broadcast %broadcast_in_dim3A_1015 : i32 to vector<16xi32>
      %gather3A_1017 = tpu.vector_load_idx %arg13[%gather3A_1012, %broadcast_in_dim3A_1016] : memref<3200x8xf32, #tpu.memory_space<vmem>>[vector<16xi32>, vector<16xi32>], vector<16xf32>,
      %broadcast_in_dim3A_1018 = arith.constant 1 : i32
      %broadcast_in_dim3A_1019 = vector.broadcast %broadcast_in_dim3A_1018 : i32 to vector<16xi32>
      %gather3A_1020 = tpu.vector_load_idx %arg13[%gather3A_1012, %broadcast_in_dim3A_1019] : memref<3200x8xf32, #tpu.memory_space<vmem>>[vector<16xi32>, vector<16xi32>], vector<16xf32>,
      %broadcast_in_dim3A_1021 = arith.constant 2 : i32
      %broadcast_in_dim3A_1022 = vector.broadcast %broadcast_in_dim3A_1021 : i32 to vector<16xi32>
      %gather3A_1023 = tpu.vector_load_idx %arg13[%gather3A_1012, %broadcast_in_dim3A_1022] : memref<3200x8xf32, #tpu.memory_space<vmem>>[vector<16xi32>, vector<16xi32>], vector<16xf32>,
      %broadcast_in_dim3A_1024 = arith.constant 3 : i32
      %broadcast_in_dim3A_1025 = vector.broadcast %broadcast_in_dim3A_1024 : i32 to vector<16xi32>
      %gather3A_1026 = tpu.vector_load_idx %arg13[%gather3A_1012, %broadcast_in_dim3A_1025] : memref<3200x8xf32, #tpu.memory_space<vmem>>[vector<16xi32>, vector<16xi32>], vector<16xf32>,
      %broadcast_in_dim3A_1027 = arith.constant 4 : i32
      %broadcast_in_dim3A_1028 = vector.broadcast %broadcast_in_dim3A_1027 : i32 to vector<16xi32>
      %gather3A_1029 = tpu.vector_load_idx %arg13[%gather3A_1012, %broadcast_in_dim3A_1028] : memref<3200x8xf32, #tpu.memory_space<vmem>>[vector<16xi32>, vector<16xi32>], vector<16xf32>,
      %broadcast_in_dim3A_1030 = arith.constant 5 : i32
      %broadcast_in_dim3A_1031 = vector.broadcast %broadcast_in_dim3A_1030 : i32 to vector<16xi32>
      %gather3A_1032 = tpu.vector_load_idx %arg13[%gather3A_1012, %broadcast_in_dim3A_1031] : memref<3200x8xf32, #tpu.memory_space<vmem>>[vector<16xi32>, vector<16xi32>], vector<16xf32>,
      %broadcast_in_dim3A_1033 = arith.constant 6 : i32
      %broadcast_in_dim3A_1034 = vector.broadcast %broadcast_in_dim3A_1033 : i32 to vector<16xi32>
      %gather3A_1035 = tpu.vector_load_idx %arg13[%gather3A_1012, %broadcast_in_dim3A_1034] : memref<3200x8xf32, #tpu.memory_space<vmem>>[vector<16xi32>, vector<16xi32>], vector<16xf32>,
      %broadcast_in_dim3A_1036 = arith.constant 7 : i32
      %broadcast_in_dim3A_1037 = vector.broadcast %broadcast_in_dim3A_1036 : i32 to vector<16xi32>
      %gather3A_1038 = tpu.vector_load_idx %arg13[%gather3A_1012, %broadcast_in_dim3A_1037] : memref<3200x8xf32, #tpu.memory_space<vmem>>[vector<16xi32>, vector<16xi32>], vector<16xf32>,
      %add3A_1039 = arith.constant 2 : i32
      %add3A_1040 = vector.broadcast %add3A_1039 : i32 to vector<16xi32>
      %add3A_1041 = arith.addi %gather3A_962, %add3A_1040 : vector<16xi32>
      %jit3A_1042 = arith.constant 0 : i32
      %jit3A_1043 = arith.constant 3199 : i32
      %max3A_1044 = vector.broadcast %jit3A_1042 : i32 to vector<16xi32>
      %max3A_1045 = arith.maxsi %max3A_1044, %add3A_1041 : vector<16xi32>
      %min3A_1046 = vector.broadcast %jit3A_1043 : i32 to vector<16xi32>
      %min3A_1047 = arith.minsi %min3A_1046, %max3A_1045 : vector<16xi32>
      %gather3A_1048 = tpu.vector_load_idx %arg14[%min3A_1047] : memref<3200xi32, #tpu.memory_space<vmem>>[vector<16xi32>], vector<16xi32>,
      %slice3A_1049 = vector.extract_strided_slice %gather3A_1048 {offsets = [0], sizes = [1], strides = [1]} : vector<16xi32> to vector<1xi32>
      %squeeze3A_1050 = vector.extract %slice3A_1049[0] : i32 from vector<1xi32>
      %broadcast_in_dim3A_1051 = arith.constant 0 : i32
      %broadcast_in_dim3A_1052 = vector.broadcast %broadcast_in_dim3A_1051 : i32 to vector<16xi32>
      %gather3A_1053 = tpu.vector_load_idx %arg13[%gather3A_1048, %broadcast_in_dim3A_1052] : memref<3200x8xf32, #tpu.memory_space<vmem>>[vector<16xi32>, vector<16xi32>], vector<16xf32>,
      %broadcast_in_dim3A_1054 = arith.constant 1 : i32
      %broadcast_in_dim3A_1055 = vector.broadcast %broadcast_in_dim3A_1054 : i32 to vector<16xi32>
      %gather3A_1056 = tpu.vector_load_idx %arg13[%gather3A_1048, %broadcast_in_dim3A_1055] : memref<3200x8xf32, #tpu.memory_space<vmem>>[vector<16xi32>, vector<16xi32>], vector<16xf32>,
      %broadcast_in_dim3A_1057 = arith.constant 2 : i32
      %broadcast_in_dim3A_1058 = vector.broadcast %broadcast_in_dim3A_1057 : i32 to vector<16xi32>
      %gather3A_1059 = tpu.vector_load_idx %arg13[%gather3A_1048, %broadcast_in_dim3A_1058] : memref<3200x8xf32, #tpu.memory_space<vmem>>[vector<16xi32>, vector<16xi32>], vector<16xf32>,
      %broadcast_in_dim3A_1060 = arith.constant 3 : i32
      %broadcast_in_dim3A_1061 = vector.broadcast %broadcast_in_dim3A_1060 : i32 to vector<16xi32>
      %gather3A_1062 = tpu.vector_load_idx %arg13[%gather3A_1048, %broadcast_in_dim3A_1061] : memref<3200x8xf32, #tpu.memory_space<vmem>>[vector<16xi32>, vector<16xi32>], vector<16xf32>,
      %broadcast_in_dim3A_1063 = arith.constant 4 : i32
      %broadcast_in_dim3A_1064 = vector.broadcast %broadcast_in_dim3A_1063 : i32 to vector<16xi32>
      %gather3A_1065 = tpu.vector_load_idx %arg13[%gather3A_1048, %broadcast_in_dim3A_1064] : memref<3200x8xf32, #tpu.memory_space<vmem>>[vector<16xi32>, vector<16xi32>], vector<16xf32>,
      %broadcast_in_dim3A_1066 = arith.constant 5 : i32
      %broadcast_in_dim3A_1067 = vector.broadcast %broadcast_in_dim3A_1066 : i32 to vector<16xi32>
      %gather3A_1068 = tpu.vector_load_idx %arg13[%gather3A_1048, %broadcast_in_dim3A_1067] : memref<3200x8xf32, #tpu.memory_space<vmem>>[vector<16xi32>, vector<16xi32>], vector<16xf32>,
      %broadcast_in_dim3A_1069 = arith.constant 6 : i32
      %broadcast_in_dim3A_1070 = vector.broadcast %broadcast_in_dim3A_1069 : i32 to vector<16xi32>
      %gather3A_1071 = tpu.vector_load_idx %arg13[%gather3A_1048, %broadcast_in_dim3A_1070] : memref<3200x8xf32, #tpu.memory_space<vmem>>[vector<16xi32>, vector<16xi32>], vector<16xf32>,
      %broadcast_in_dim3A_1072 = arith.constant 7 : i32
      %broadcast_in_dim3A_1073 = vector.broadcast %broadcast_in_dim3A_1072 : i32 to vector<16xi32>
      %gather3A_1074 = tpu.vector_load_idx %arg13[%gather3A_1048, %broadcast_in_dim3A_1073] : memref<3200x8xf32, #tpu.memory_space<vmem>>[vector<16xi32>, vector<16xi32>], vector<16xf32>,
      %add3A_1075 = arith.constant 3 : i32
      %add3A_1076 = vector.broadcast %add3A_1075 : i32 to vector<16xi32>
      %add3A_1077 = arith.addi %gather3A_962, %add3A_1076 : vector<16xi32>
      %jit3A_1078 = arith.constant 0 : i32
      %jit3A_1079 = arith.constant 3199 : i32
      %max3A_1080 = vector.broadcast %jit3A_1078 : i32 to vector<16xi32>
      %max3A_1081 = arith.maxsi %max3A_1080, %add3A_1077 : vector<16xi32>
      %min3A_1082 = vector.broadcast %jit3A_1079 : i32 to vector<16xi32>
      %min3A_1083 = arith.minsi %min3A_1082, %max3A_1081 : vector<16xi32>
      %gather3A_1084 = tpu.vector_load_idx %arg14[%min3A_1083] : memref<3200xi32, #tpu.memory_space<vmem>>[vector<16xi32>], vector<16xi32>,
      %slice3A_1085 = vector.extract_strided_slice %gather3A_1084 {offsets = [0], sizes = [1], strides = [1]} : vector<16xi32> to vector<1xi32>
      %squeeze3A_1086 = vector.extract %slice3A_1085[0] : i32 from vector<1xi32>
      %broadcast_in_dim3A_1087 = arith.constant 0 : i32
      %broadcast_in_dim3A_1088 = vector.broadcast %broadcast_in_dim3A_1087 : i32 to vector<16xi32>
      %gather3A_1089 = tpu.vector_load_idx %arg13[%gather3A_1084, %broadcast_in_dim3A_1088] : memref<3200x8xf32, #tpu.memory_space<vmem>>[vector<16xi32>, vector<16xi32>], vector<16xf32>,
      %broadcast_in_dim3A_1090 = arith.constant 1 : i32
      %broadcast_in_dim3A_1091 = vector.broadcast %broadcast_in_dim3A_1090 : i32 to vector<16xi32>
      %gather3A_1092 = tpu.vector_load_idx %arg13[%gather3A_1084, %broadcast_in_dim3A_1091] : memref<3200x8xf32, #tpu.memory_space<vmem>>[vector<16xi32>, vector<16xi32>], vector<16xf32>,
      %broadcast_in_dim3A_1093 = arith.constant 2 : i32
      %broadcast_in_dim3A_1094 = vector.broadcast %broadcast_in_dim3A_1093 : i32 to vector<16xi32>
      %gather3A_1095 = tpu.vector_load_idx %arg13[%gather3A_1084, %broadcast_in_dim3A_1094] : memref<3200x8xf32, #tpu.memory_space<vmem>>[vector<16xi32>, vector<16xi32>], vector<16xf32>,
      %broadcast_in_dim3A_1096 = arith.constant 3 : i32
      %broadcast_in_dim3A_1097 = vector.broadcast %broadcast_in_dim3A_1096 : i32 to vector<16xi32>
      %gather3A_1098 = tpu.vector_load_idx %arg13[%gather3A_1084, %broadcast_in_dim3A_1097] : memref<3200x8xf32, #tpu.memory_space<vmem>>[vector<16xi32>, vector<16xi32>], vector<16xf32>,
      %broadcast_in_dim3A_1099 = arith.constant 4 : i32
      %broadcast_in_dim3A_1100 = vector.broadcast %broadcast_in_dim3A_1099 : i32 to vector<16xi32>
      %gather3A_1101 = tpu.vector_load_idx %arg13[%gather3A_1084, %broadcast_in_dim3A_1100] : memref<3200x8xf32, #tpu.memory_space<vmem>>[vector<16xi32>, vector<16xi32>], vector<16xf32>,
      %broadcast_in_dim3A_1102 = arith.constant 5 : i32
      %broadcast_in_dim3A_1103 = vector.broadcast %broadcast_in_dim3A_1102 : i32 to vector<16xi32>
      %gather3A_1104 = tpu.vector_load_idx %arg13[%gather3A_1084, %broadcast_in_dim3A_1103] : memref<3200x8xf32, #tpu.memory_space<vmem>>[vector<16xi32>, vector<16xi32>], vector<16xf32>,
      %broadcast_in_dim3A_1105 = arith.constant 6 : i32
      %broadcast_in_dim3A_1106 = vector.broadcast %broadcast_in_dim3A_1105 : i32 to vector<16xi32>
      %gather3A_1107 = tpu.vector_load_idx %arg13[%gather3A_1084, %broadcast_in_dim3A_1106] : memref<3200x8xf32, #tpu.memory_space<vmem>>[vector<16xi32>, vector<16xi32>], vector<16xf32>,
      %broadcast_in_dim3A_1108 = arith.constant 7 : i32
      %broadcast_in_dim3A_1109 = vector.broadcast %broadcast_in_dim3A_1108 : i32 to vector<16xi32>
      %gather3A_1110 = tpu.vector_load_idx %arg13[%gather3A_1084, %broadcast_in_dim3A_1109] : memref<3200x8xf32, #tpu.memory_space<vmem>>[vector<16xi32>, vector<16xi32>], vector<16xf32>,
      %scan3A_1111 = arith.constant 0 : i32
      %scan3A_1112 = arith.constant 0 : i32
      %scan3A_1113 = arith.constant 256 : i32
      %scan3A_1114 = arith.addi %scan3A_1112, %scan3A_1113 : i32
      %scan3A_1115 = arith.constant 1 : i32
      scf.for %scan3A_1605 = %scan3A_1112 to %scan3A_1114 step %scan3A_1115  : i32 {
        %mul3A_1606 = arith.constant 16 : i32
        %mul3A_1607 = arith.muli %scan3A_1605, %mul3A_1606 : i32
        %get3A_1608 = arith.constant 0 : i32
        %get3A_1609 = arith.index_cast %get3A_1608 : i32 to index
        %get3A_1610 = arith.index_cast %mul3A_1607 : i32 to index
        %get3A_1611 = tpu.vector_load %arg19[%get3A_1609, %get3A_1610] {strides = array<i32>} : memref<8x4096xf32, #tpu.memory_space<vmem>>, vector<16xf32>,
        %get3A_1612 = arith.constant 1 : i32
        %get3A_1613 = arith.index_cast %get3A_1612 : i32 to index
        %get3A_1614 = arith.index_cast %mul3A_1607 : i32 to index
        %get3A_1615 = tpu.vector_load %arg19[%get3A_1613, %get3A_1614] {strides = array<i32>} : memref<8x4096xf32, #tpu.memory_space<vmem>>, vector<16xf32>,
        %get3A_1616 = arith.constant 2 : i32
        %get3A_1617 = arith.index_cast %get3A_1616 : i32 to index
        %get3A_1618 = arith.index_cast %mul3A_1607 : i32 to index
        %get3A_1619 = tpu.vector_load %arg19[%get3A_1617, %get3A_1618] {strides = array<i32>} : memref<8x4096xf32, #tpu.memory_space<vmem>>, vector<16xf32>,
        %get3A_1620 = arith.constant 3 : i32
        %get3A_1621 = arith.index_cast %get3A_1620 : i32 to index
        %get3A_1622 = arith.index_cast %mul3A_1607 : i32 to index
        %get3A_1623 = tpu.vector_load %arg19[%get3A_1621, %get3A_1622] {strides = array<i32>} : memref<8x4096xf32, #tpu.memory_space<vmem>>, vector<16xf32>,
        %get3A_1624 = arith.constant 4 : i32
        %get3A_1625 = arith.index_cast %get3A_1624 : i32 to index
        %get3A_1626 = arith.index_cast %mul3A_1607 : i32 to index
        %get3A_1627 = tpu.vector_load %arg19[%get3A_1625, %get3A_1626] {strides = array<i32>} : memref<8x4096xf32, #tpu.memory_space<vmem>>, vector<16xf32>,
        %get3A_1628 = arith.constant 5 : i32
        %get3A_1629 = arith.index_cast %get3A_1628 : i32 to index
        %get3A_1630 = arith.index_cast %mul3A_1607 : i32 to index
        %get3A_1631 = tpu.vector_load %arg19[%get3A_1629, %get3A_1630] {strides = array<i32>} : memref<8x4096xf32, #tpu.memory_space<vmem>>, vector<16xf32>,
        %get3A_1632 = arith.constant 6 : i32
        %get3A_1633 = arith.index_cast %get3A_1632 : i32 to index
        %get3A_1634 = arith.index_cast %mul3A_1607 : i32 to index
        %get3A_1635 = tpu.vector_load %arg19[%get3A_1633, %get3A_1634] {strides = array<i32>} : memref<8x4096xf32, #tpu.memory_space<vmem>>, vector<16xf32>,
        %get3A_1636 = arith.constant 7 : i32
        %get3A_1637 = arith.index_cast %get3A_1636 : i32 to index
        %get3A_1638 = arith.index_cast %mul3A_1607 : i32 to index
        %get3A_1639 = tpu.vector_load %arg19[%get3A_1637, %get3A_1638] {strides = array<i32>} : memref<8x4096xf32, #tpu.memory_space<vmem>>, vector<16xf32>,
        %mul3A_1640 = arith.mulf %get3A_1611, %gather3A_981 : vector<16xf32>
        %mul3A_1641 = arith.mulf %get3A_1615, %gather3A_984 : vector<16xf32>
        %add3A_1642 = arith.addf %mul3A_1640, %mul3A_1641 : vector<16xf32>
        %mul3A_1643 = arith.mulf %get3A_1619, %gather3A_987 : vector<16xf32>
        %add3A_1644 = arith.addf %add3A_1642, %mul3A_1643 : vector<16xf32>
        %mul3A_1645 = arith.mulf %get3A_1623, %gather3A_990 : vector<16xf32>
        %add3A_1646 = arith.addf %add3A_1644, %mul3A_1645 : vector<16xf32>
        %mul3A_1647 = arith.mulf %get3A_1627, %gather3A_993 : vector<16xf32>
        %add3A_1648 = arith.addf %add3A_1646, %mul3A_1647 : vector<16xf32>
        %mul3A_1649 = arith.mulf %get3A_1631, %gather3A_996 : vector<16xf32>
        %add3A_1650 = arith.addf %add3A_1648, %mul3A_1649 : vector<16xf32>
        %mul3A_1651 = arith.mulf %get3A_1635, %gather3A_999 : vector<16xf32>
        %add3A_1652 = arith.addf %add3A_1650, %mul3A_1651 : vector<16xf32>
        %mul3A_1653 = arith.mulf %get3A_1639, %gather3A_1002 : vector<16xf32>
        %add3A_1654 = arith.addf %add3A_1652, %mul3A_1653 : vector<16xf32>
        %swap3A_1655 = arith.constant 0 : i32
        %swap3A_1656 = arith.index_cast %swap3A_1655 : i32 to index
        %swap3A_1657 = arith.index_cast %mul3A_1607 : i32 to index
        %swap3A_1658 = tpu.vector_load %arg23[%swap3A_1656, %swap3A_1657] {strides = array<i32>} : memref<4x4096xf32, #tpu.memory_space<vmem>>, vector<16xf32>,
        tpu.vector_store %arg23[%swap3A_1656, %swap3A_1657], %add3A_1654 {strides = array<i32>} : memref<4x4096xf32, #tpu.memory_space<vmem>>, vector<16xf32>,
        %mul3A_1659 = arith.mulf %get3A_1611, %gather3A_1017 : vector<16xf32>
        %mul3A_1660 = arith.mulf %get3A_1615, %gather3A_1020 : vector<16xf32>
        %add3A_1661 = arith.addf %mul3A_1659, %mul3A_1660 : vector<16xf32>
        %mul3A_1662 = arith.mulf %get3A_1619, %gather3A_1023 : vector<16xf32>
        %add3A_1663 = arith.addf %add3A_1661, %mul3A_1662 : vector<16xf32>
        %mul3A_1664 = arith.mulf %get3A_1623, %gather3A_1026 : vector<16xf32>
        %add3A_1665 = arith.addf %add3A_1663, %mul3A_1664 : vector<16xf32>
        %mul3A_1666 = arith.mulf %get3A_1627, %gather3A_1029 : vector<16xf32>
        %add3A_1667 = arith.addf %add3A_1665, %mul3A_1666 : vector<16xf32>
        %mul3A_1668 = arith.mulf %get3A_1631, %gather3A_1032 : vector<16xf32>
        %add3A_1669 = arith.addf %add3A_1667, %mul3A_1668 : vector<16xf32>
        %mul3A_1670 = arith.mulf %get3A_1635, %gather3A_1035 : vector<16xf32>
        %add3A_1671 = arith.addf %add3A_1669, %mul3A_1670 : vector<16xf32>
        %mul3A_1672 = arith.mulf %get3A_1639, %gather3A_1038 : vector<16xf32>
        %add3A_1673 = arith.addf %add3A_1671, %mul3A_1672 : vector<16xf32>
        %swap3A_1674 = arith.constant 1 : i32
        %swap3A_1675 = arith.index_cast %swap3A_1674 : i32 to index
        %swap3A_1676 = arith.index_cast %mul3A_1607 : i32 to index
        %swap3A_1677 = tpu.vector_load %arg23[%swap3A_1675, %swap3A_1676] {strides = array<i32>} : memref<4x4096xf32, #tpu.memory_space<vmem>>, vector<16xf32>,
        tpu.vector_store %arg23[%swap3A_1675, %swap3A_1676], %add3A_1673 {strides = array<i32>} : memref<4x4096xf32, #tpu.memory_space<vmem>>, vector<16xf32>,
        %mul3A_1678 = arith.mulf %get3A_1611, %gather3A_1053 : vector<16xf32>
        %mul3A_1679 = arith.mulf %get3A_1615, %gather3A_1056 : vector<16xf32>
        %add3A_1680 = arith.addf %mul3A_1678, %mul3A_1679 : vector<16xf32>
        %mul3A_1681 = arith.mulf %get3A_1619, %gather3A_1059 : vector<16xf32>
        %add3A_1682 = arith.addf %add3A_1680, %mul3A_1681 : vector<16xf32>
        %mul3A_1683 = arith.mulf %get3A_1623, %gather3A_1062 : vector<16xf32>
        %add3A_1684 = arith.addf %add3A_1682, %mul3A_1683 : vector<16xf32>
        %mul3A_1685 = arith.mulf %get3A_1627, %gather3A_1065 : vector<16xf32>
        %add3A_1686 = arith.addf %add3A_1684, %mul3A_1685 : vector<16xf32>
        %mul3A_1687 = arith.mulf %get3A_1631, %gather3A_1068 : vector<16xf32>
        %add3A_1688 = arith.addf %add3A_1686, %mul3A_1687 : vector<16xf32>
        %mul3A_1689 = arith.mulf %get3A_1635, %gather3A_1071 : vector<16xf32>
        %add3A_1690 = arith.addf %add3A_1688, %mul3A_1689 : vector<16xf32>
        %mul3A_1691 = arith.mulf %get3A_1639, %gather3A_1074 : vector<16xf32>
        %add3A_1692 = arith.addf %add3A_1690, %mul3A_1691 : vector<16xf32>
        %swap3A_1693 = arith.constant 2 : i32
        %swap3A_1694 = arith.index_cast %swap3A_1693 : i32 to index
        %swap3A_1695 = arith.index_cast %mul3A_1607 : i32 to index
        %swap3A_1696 = tpu.vector_load %arg23[%swap3A_1694, %swap3A_1695] {strides = array<i32>} : memref<4x4096xf32, #tpu.memory_space<vmem>>, vector<16xf32>,
        tpu.vector_store %arg23[%swap3A_1694, %swap3A_1695], %add3A_1692 {strides = array<i32>} : memref<4x4096xf32, #tpu.memory_space<vmem>>, vector<16xf32>,
        %mul3A_1697 = arith.mulf %get3A_1611, %gather3A_1089 : vector<16xf32>
        %mul3A_1698 = arith.mulf %get3A_1615, %gather3A_1092 : vector<16xf32>
        %add3A_1699 = arith.addf %mul3A_1697, %mul3A_1698 : vector<16xf32>
        %mul3A_1700 = arith.mulf %get3A_1619, %gather3A_1095 : vector<16xf32>
        %add3A_1701 = arith.addf %add3A_1699, %mul3A_1700 : vector<16xf32>
        %mul3A_1702 = arith.mulf %get3A_1623, %gather3A_1098 : vector<16xf32>
        %add3A_1703 = arith.addf %add3A_1701, %mul3A_1702 : vector<16xf32>
        %mul3A_1704 = arith.mulf %get3A_1627, %gather3A_1101 : vector<16xf32>
        %add3A_1705 = arith.addf %add3A_1703, %mul3A_1704 : vector<16xf32>
        %mul3A_1706 = arith.mulf %get3A_1631, %gather3A_1104 : vector<16xf32>
        %add3A_1707 = arith.addf %add3A_1705, %mul3A_1706 : vector<16xf32>
        %mul3A_1708 = arith.mulf %get3A_1635, %gather3A_1107 : vector<16xf32>
        %add3A_1709 = arith.addf %add3A_1707, %mul3A_1708 : vector<16xf32>
        %mul3A_1710 = arith.mulf %get3A_1639, %gather3A_1110 : vector<16xf32>
        %add3A_1711 = arith.addf %add3A_1709, %mul3A_1710 : vector<16xf32>
        %swap3A_1712 = arith.constant 3 : i32
        %swap3A_1713 = arith.index_cast %swap3A_1712 : i32 to index
        %swap3A_1714 = arith.index_cast %mul3A_1607 : i32 to index
        %swap3A_1715 = tpu.vector_load %arg23[%swap3A_1713, %swap3A_1714] {strides = array<i32>} : memref<4x4096xf32, #tpu.memory_space<vmem>>, vector<16xf32>,
        tpu.vector_store %arg23[%swap3A_1713, %swap3A_1714], %add3A_1711 {strides = array<i32>} : memref<4x4096xf32, #tpu.memory_space<vmem>>, vector<16xf32>,
      }
      %scan3A_1116 = arith.constant 256 : i32
      %get3A_1117 = arith.constant 0 : i32
      %get3A_1118 = arith.index_cast %get3A_1117 : i32 to index
      %get3A_1119 = arith.constant 0 : index
      %get3A_1120 = tpu.vector_load %arg21[%get3A_1118, %get3A_1119] {strides = array<i32>} : memref<8x64xf32, #tpu.memory_space<vmem>>, vector<16xf32>,
      %get3A_1121 = arith.constant 1 : i32
      %get3A_1122 = arith.index_cast %get3A_1121 : i32 to index
      %get3A_1123 = arith.constant 0 : index
      %get3A_1124 = tpu.vector_load %arg21[%get3A_1122, %get3A_1123] {strides = array<i32>} : memref<8x64xf32, #tpu.memory_space<vmem>>, vector<16xf32>,
      %get3A_1125 = arith.constant 2 : i32
      %get3A_1126 = arith.index_cast %get3A_1125 : i32 to index
      %get3A_1127 = arith.constant 0 : index
      %get3A_1128 = tpu.vector_load %arg21[%get3A_1126, %get3A_1127] {strides = array<i32>} : memref<8x64xf32, #tpu.memory_space<vmem>>, vector<16xf32>,
      %get3A_1129 = arith.constant 3 : i32
      %get3A_1130 = arith.index_cast %get3A_1129 : i32 to index
      %get3A_1131 = arith.constant 0 : index
      %get3A_1132 = tpu.vector_load %arg21[%get3A_1130, %get3A_1131] {strides = array<i32>} : memref<8x64xf32, #tpu.memory_space<vmem>>, vector<16xf32>,
      %get3A_1133 = arith.constant 4 : i32
      %get3A_1134 = arith.index_cast %get3A_1133 : i32 to index
      %get3A_1135 = arith.constant 0 : index
      %get3A_1136 = tpu.vector_load %arg21[%get3A_1134, %get3A_1135] {strides = array<i32>} : memref<8x64xf32, #tpu.memory_space<vmem>>, vector<16xf32>,
      %get3A_1137 = arith.constant 5 : i32
      %get3A_1138 = arith.index_cast %get3A_1137 : i32 to index
      %get3A_1139 = arith.constant 0 : index
      %get3A_1140 = tpu.vector_load %arg21[%get3A_1138, %get3A_1139] {strides = array<i32>} : memref<8x64xf32, #tpu.memory_space<vmem>>, vector<16xf32>,
      %get3A_1141 = arith.constant 6 : i32
      %get3A_1142 = arith.index_cast %get3A_1141 : i32 to index
      %get3A_1143 = arith.constant 0 : index
      %get3A_1144 = tpu.vector_load %arg21[%get3A_1142, %get3A_1143] {strides = array<i32>} : memref<8x64xf32, #tpu.memory_space<vmem>>, vector<16xf32>,
      %get3A_1145 = arith.constant 7 : i32
      %get3A_1146 = arith.index_cast %get3A_1145 : i32 to index
      %get3A_1147 = arith.constant 0 : index
      %get3A_1148 = tpu.vector_load %arg21[%get3A_1146, %get3A_1147] {strides = array<i32>} : memref<8x64xf32, #tpu.memory_space<vmem>>, vector<16xf32>,
      %mul3A_1149 = arith.mulf %get3A_1120, %gather3A_981 : vector<16xf32>
      %mul3A_1150 = arith.mulf %get3A_1124, %gather3A_984 : vector<16xf32>
      %add3A_1151 = arith.addf %mul3A_1149, %mul3A_1150 : vector<16xf32>
      %mul3A_1152 = arith.mulf %get3A_1128, %gather3A_987 : vector<16xf32>
      %add3A_1153 = arith.addf %add3A_1151, %mul3A_1152 : vector<16xf32>
      %mul3A_1154 = arith.mulf %get3A_1132, %gather3A_990 : vector<16xf32>
      %add3A_1155 = arith.addf %add3A_1153, %mul3A_1154 : vector<16xf32>
      %mul3A_1156 = arith.mulf %get3A_1136, %gather3A_993 : vector<16xf32>
      %add3A_1157 = arith.addf %add3A_1155, %mul3A_1156 : vector<16xf32>
      %mul3A_1158 = arith.mulf %get3A_1140, %gather3A_996 : vector<16xf32>
      %add3A_1159 = arith.addf %add3A_1157, %mul3A_1158 : vector<16xf32>
      %mul3A_1160 = arith.mulf %get3A_1144, %gather3A_999 : vector<16xf32>
      %add3A_1161 = arith.addf %add3A_1159, %mul3A_1160 : vector<16xf32>
      %mul3A_1162 = arith.mulf %get3A_1148, %gather3A_1002 : vector<16xf32>
      %add3A_1163 = arith.addf %add3A_1161, %mul3A_1162 : vector<16xf32>
      %swap3A_1164 = arith.constant 0 : i32
      %swap3A_1165 = arith.index_cast %swap3A_1164 : i32 to index
      %swap3A_1166 = arith.constant 0 : index
      %swap3A_1167 = tpu.vector_load %arg25[%swap3A_1165, %swap3A_1166] {strides = array<i32>} : memref<4x64xf32, #tpu.memory_space<vmem>>, vector<16xf32>,
      tpu.vector_store %arg25[%swap3A_1165, %swap3A_1166], %add3A_1163 {strides = array<i32>} : memref<4x64xf32, #tpu.memory_space<vmem>>, vector<16xf32>,
      %mul3A_1168 = arith.mulf %get3A_1120, %gather3A_1017 : vector<16xf32>
      %mul3A_1169 = arith.mulf %get3A_1124, %gather3A_1020 : vector<16xf32>
      %add3A_1170 = arith.addf %mul3A_1168, %mul3A_1169 : vector<16xf32>
      %mul3A_1171 = arith.mulf %get3A_1128, %gather3A_1023 : vector<16xf32>
      %add3A_1172 = arith.addf %add3A_1170, %mul3A_1171 : vector<16xf32>
      %mul3A_1173 = arith.mulf %get3A_1132, %gather3A_1026 : vector<16xf32>
      %add3A_1174 = arith.addf %add3A_1172, %mul3A_1173 : vector<16xf32>
      %mul3A_1175 = arith.mulf %get3A_1136, %gather3A_1029 : vector<16xf32>
      %add3A_1176 = arith.addf %add3A_1174, %mul3A_1175 : vector<16xf32>
      %mul3A_1177 = arith.mulf %get3A_1140, %gather3A_1032 : vector<16xf32>
      %add3A_1178 = arith.addf %add3A_1176, %mul3A_1177 : vector<16xf32>
      %mul3A_1179 = arith.mulf %get3A_1144, %gather3A_1035 : vector<16xf32>
      %add3A_1180 = arith.addf %add3A_1178, %mul3A_1179 : vector<16xf32>
      %mul3A_1181 = arith.mulf %get3A_1148, %gather3A_1038 : vector<16xf32>
      %add3A_1182 = arith.addf %add3A_1180, %mul3A_1181 : vector<16xf32>
      %swap3A_1183 = arith.constant 1 : i32
      %swap3A_1184 = arith.index_cast %swap3A_1183 : i32 to index
      %swap3A_1185 = arith.constant 0 : index
      %swap3A_1186 = tpu.vector_load %arg25[%swap3A_1184, %swap3A_1185] {strides = array<i32>} : memref<4x64xf32, #tpu.memory_space<vmem>>, vector<16xf32>,
      tpu.vector_store %arg25[%swap3A_1184, %swap3A_1185], %add3A_1182 {strides = array<i32>} : memref<4x64xf32, #tpu.memory_space<vmem>>, vector<16xf32>,
      %mul3A_1187 = arith.mulf %get3A_1120, %gather3A_1053 : vector<16xf32>
      %mul3A_1188 = arith.mulf %get3A_1124, %gather3A_1056 : vector<16xf32>
      %add3A_1189 = arith.addf %mul3A_1187, %mul3A_1188 : vector<16xf32>
      %mul3A_1190 = arith.mulf %get3A_1128, %gather3A_1059 : vector<16xf32>
      %add3A_1191 = arith.addf %add3A_1189, %mul3A_1190 : vector<16xf32>
      %mul3A_1192 = arith.mulf %get3A_1132, %gather3A_1062 : vector<16xf32>
      %add3A_1193 = arith.addf %add3A_1191, %mul3A_1192 : vector<16xf32>
      %mul3A_1194 = arith.mulf %get3A_1136, %gather3A_1065 : vector<16xf32>
      %add3A_1195 = arith.addf %add3A_1193, %mul3A_1194 : vector<16xf32>
      %mul3A_1196 = arith.mulf %get3A_1140, %gather3A_1068 : vector<16xf32>
      %add3A_1197 = arith.addf %add3A_1195, %mul3A_1196 : vector<16xf32>
      %mul3A_1198 = arith.mulf %get3A_1144, %gather3A_1071 : vector<16xf32>
      %add3A_1199 = arith.addf %add3A_1197, %mul3A_1198 : vector<16xf32>
      %mul3A_1200 = arith.mulf %get3A_1148, %gather3A_1074 : vector<16xf32>
      %add3A_1201 = arith.addf %add3A_1199, %mul3A_1200 : vector<16xf32>
      %swap3A_1202 = arith.constant 2 : i32
      %swap3A_1203 = arith.index_cast %swap3A_1202 : i32 to index
      %swap3A_1204 = arith.constant 0 : index
      %swap3A_1205 = tpu.vector_load %arg25[%swap3A_1203, %swap3A_1204] {strides = array<i32>} : memref<4x64xf32, #tpu.memory_space<vmem>>, vector<16xf32>,
      tpu.vector_store %arg25[%swap3A_1203, %swap3A_1204], %add3A_1201 {strides = array<i32>} : memref<4x64xf32, #tpu.memory_space<vmem>>, vector<16xf32>,
      %mul3A_1206 = arith.mulf %get3A_1120, %gather3A_1089 : vector<16xf32>
      %mul3A_1207 = arith.mulf %get3A_1124, %gather3A_1092 : vector<16xf32>
      %add3A_1208 = arith.addf %mul3A_1206, %mul3A_1207 : vector<16xf32>
      %mul3A_1209 = arith.mulf %get3A_1128, %gather3A_1095 : vector<16xf32>
      %add3A_1210 = arith.addf %add3A_1208, %mul3A_1209 : vector<16xf32>
      %mul3A_1211 = arith.mulf %get3A_1132, %gather3A_1098 : vector<16xf32>
      %add3A_1212 = arith.addf %add3A_1210, %mul3A_1211 : vector<16xf32>
      %mul3A_1213 = arith.mulf %get3A_1136, %gather3A_1101 : vector<16xf32>
      %add3A_1214 = arith.addf %add3A_1212, %mul3A_1213 : vector<16xf32>
      %mul3A_1215 = arith.mulf %get3A_1140, %gather3A_1104 : vector<16xf32>
      %add3A_1216 = arith.addf %add3A_1214, %mul3A_1215 : vector<16xf32>
      %mul3A_1217 = arith.mulf %get3A_1144, %gather3A_1107 : vector<16xf32>
      %add3A_1218 = arith.addf %add3A_1216, %mul3A_1217 : vector<16xf32>
      %mul3A_1219 = arith.mulf %get3A_1148, %gather3A_1110 : vector<16xf32>
      %add3A_1220 = arith.addf %add3A_1218, %mul3A_1219 : vector<16xf32>
      %swap3A_1221 = arith.constant 3 : i32
      %swap3A_1222 = arith.index_cast %swap3A_1221 : i32 to index
      %swap3A_1223 = arith.constant 0 : index
      %swap3A_1224 = tpu.vector_load %arg25[%swap3A_1222, %swap3A_1223] {strides = array<i32>} : memref<4x64xf32, #tpu.memory_space<vmem>>, vector<16xf32>,
      tpu.vector_store %arg25[%swap3A_1222, %swap3A_1223], %add3A_1220 {strides = array<i32>} : memref<4x64xf32, #tpu.memory_space<vmem>>, vector<16xf32>,
      %get3A_1225 = arith.constant 0 : i32
      %get3A_1226 = arith.index_cast %get3A_1225 : i32 to index
      %get3A_1227 = arith.constant 16 : index
      %get3A_1228 = tpu.vector_load %arg21[%get3A_1226, %get3A_1227] {strides = array<i32>} : memref<8x64xf32, #tpu.memory_space<vmem>>, vector<16xf32>,
      %get3A_1229 = arith.constant 1 : i32
      %get3A_1230 = arith.index_cast %get3A_1229 : i32 to index
      %get3A_1231 = arith.constant 16 : index
      %get3A_1232 = tpu.vector_load %arg21[%get3A_1230, %get3A_1231] {strides = array<i32>} : memref<8x64xf32, #tpu.memory_space<vmem>>, vector<16xf32>,
      %get3A_1233 = arith.constant 2 : i32
      %get3A_1234 = arith.index_cast %get3A_1233 : i32 to index
      %get3A_1235 = arith.constant 16 : index
      %get3A_1236 = tpu.vector_load %arg21[%get3A_1234, %get3A_1235] {strides = array<i32>} : memref<8x64xf32, #tpu.memory_space<vmem>>, vector<16xf32>,
      %get3A_1237 = arith.constant 3 : i32
      %get3A_1238 = arith.index_cast %get3A_1237 : i32 to index
      %get3A_1239 = arith.constant 16 : index
      %get3A_1240 = tpu.vector_load %arg21[%get3A_1238, %get3A_1239] {strides = array<i32>} : memref<8x64xf32, #tpu.memory_space<vmem>>, vector<16xf32>,
      %get3A_1241 = arith.constant 4 : i32
      %get3A_1242 = arith.index_cast %get3A_1241 : i32 to index
      %get3A_1243 = arith.constant 16 : index
      %get3A_1244 = tpu.vector_load %arg21[%get3A_1242, %get3A_1243] {strides = array<i32>} : memref<8x64xf32, #tpu.memory_space<vmem>>, vector<16xf32>,
      %get3A_1245 = arith.constant 5 : i32
      %get3A_1246 = arith.index_cast %get3A_1245 : i32 to index
      %get3A_1247 = arith.constant 16 : index
      %get3A_1248 = tpu.vector_load %arg21[%get3A_1246, %get3A_1247] {strides = array<i32>} : memref<8x64xf32, #tpu.memory_space<vmem>>, vector<16xf32>,
      %get3A_1249 = arith.constant 6 : i32
      %get3A_1250 = arith.index_cast %get3A_1249 : i32 to index
      %get3A_1251 = arith.constant 16 : index
      %get3A_1252 = tpu.vector_load %arg21[%get3A_1250, %get3A_1251] {strides = array<i32>} : memref<8x64xf32, #tpu.memory_space<vmem>>, vector<16xf32>,
      %get3A_1253 = arith.constant 7 : i32
      %get3A_1254 = arith.index_cast %get3A_1253 : i32 to index
      %get3A_1255 = arith.constant 16 : index
      %get3A_1256 = tpu.vector_load %arg21[%get3A_1254, %get3A_1255] {strides = array<i32>} : memref<8x64xf32, #tpu.memory_space<vmem>>, vector<16xf32>,
      %mul3A_1257 = arith.mulf %get3A_1228, %gather3A_981 : vector<16xf32>
      %mul3A_1258 = arith.mulf %get3A_1232, %gather3A_984 : vector<16xf32>
      %add3A_1259 = arith.addf %mul3A_1257, %mul3A_1258 : vector<16xf32>
      %mul3A_1260 = arith.mulf %get3A_1236, %gather3A_987 : vector<16xf32>
      %add3A_1261 = arith.addf %add3A_1259, %mul3A_1260 : vector<16xf32>
      %mul3A_1262 = arith.mulf %get3A_1240, %gather3A_990 : vector<16xf32>
      %add3A_1263 = arith.addf %add3A_1261, %mul3A_1262 : vector<16xf32>
      %mul3A_1264 = arith.mulf %get3A_1244, %gather3A_993 : vector<16xf32>
      %add3A_1265 = arith.addf %add3A_1263, %mul3A_1264 : vector<16xf32>
      %mul3A_1266 = arith.mulf %get3A_1248, %gather3A_996 : vector<16xf32>
      %add3A_1267 = arith.addf %add3A_1265, %mul3A_1266 : vector<16xf32>
      %mul3A_1268 = arith.mulf %get3A_1252, %gather3A_999 : vector<16xf32>
      %add3A_1269 = arith.addf %add3A_1267, %mul3A_1268 : vector<16xf32>
      %mul3A_1270 = arith.mulf %get3A_1256, %gather3A_1002 : vector<16xf32>
      %add3A_1271 = arith.addf %add3A_1269, %mul3A_1270 : vector<16xf32>
      %swap3A_1272 = arith.constant 0 : i32
      %swap3A_1273 = arith.index_cast %swap3A_1272 : i32 to index
      %swap3A_1274 = arith.constant 16 : index
      %swap3A_1275 = tpu.vector_load %arg25[%swap3A_1273, %swap3A_1274] {strides = array<i32>} : memref<4x64xf32, #tpu.memory_space<vmem>>, vector<16xf32>,
      tpu.vector_store %arg25[%swap3A_1273, %swap3A_1274], %add3A_1271 {strides = array<i32>} : memref<4x64xf32, #tpu.memory_space<vmem>>, vector<16xf32>,
      %mul3A_1276 = arith.mulf %get3A_1228, %gather3A_1017 : vector<16xf32>
      %mul3A_1277 = arith.mulf %get3A_1232, %gather3A_1020 : vector<16xf32>
      %add3A_1278 = arith.addf %mul3A_1276, %mul3A_1277 : vector<16xf32>
      %mul3A_1279 = arith.mulf %get3A_1236, %gather3A_1023 : vector<16xf32>
      %add3A_1280 = arith.addf %add3A_1278, %mul3A_1279 : vector<16xf32>
      %mul3A_1281 = arith.mulf %get3A_1240, %gather3A_1026 : vector<16xf32>
      %add3A_1282 = arith.addf %add3A_1280, %mul3A_1281 : vector<16xf32>
      %mul3A_1283 = arith.mulf %get3A_1244, %gather3A_1029 : vector<16xf32>
      %add3A_1284 = arith.addf %add3A_1282, %mul3A_1283 : vector<16xf32>
      %mul3A_1285 = arith.mulf %get3A_1248, %gather3A_1032 : vector<16xf32>
      %add3A_1286 = arith.addf %add3A_1284, %mul3A_1285 : vector<16xf32>
      %mul3A_1287 = arith.mulf %get3A_1252, %gather3A_1035 : vector<16xf32>
      %add3A_1288 = arith.addf %add3A_1286, %mul3A_1287 : vector<16xf32>
      %mul3A_1289 = arith.mulf %get3A_1256, %gather3A_1038 : vector<16xf32>
      %add3A_1290 = arith.addf %add3A_1288, %mul3A_1289 : vector<16xf32>
      %swap3A_1291 = arith.constant 1 : i32
      %swap3A_1292 = arith.index_cast %swap3A_1291 : i32 to index
      %swap3A_1293 = arith.constant 16 : index
      %swap3A_1294 = tpu.vector_load %arg25[%swap3A_1292, %swap3A_1293] {strides = array<i32>} : memref<4x64xf32, #tpu.memory_space<vmem>>, vector<16xf32>,
      tpu.vector_store %arg25[%swap3A_1292, %swap3A_1293], %add3A_1290 {strides = array<i32>} : memref<4x64xf32, #tpu.memory_space<vmem>>, vector<16xf32>,
      %mul3A_1295 = arith.mulf %get3A_1228, %gather3A_1053 : vector<16xf32>
      %mul3A_1296 = arith.mulf %get3A_1232, %gather3A_1056 : vector<16xf32>
      %add3A_1297 = arith.addf %mul3A_1295, %mul3A_1296 : vector<16xf32>
      %mul3A_1298 = arith.mulf %get3A_1236, %gather3A_1059 : vector<16xf32>
      %add3A_1299 = arith.addf %add3A_1297, %mul3A_1298 : vector<16xf32>
      %mul3A_1300 = arith.mulf %get3A_1240, %gather3A_1062 : vector<16xf32>
      %add3A_1301 = arith.addf %add3A_1299, %mul3A_1300 : vector<16xf32>
      %mul3A_1302 = arith.mulf %get3A_1244, %gather3A_1065 : vector<16xf32>
      %add3A_1303 = arith.addf %add3A_1301, %mul3A_1302 : vector<16xf32>
      %mul3A_1304 = arith.mulf %get3A_1248, %gather3A_1068 : vector<16xf32>
      %add3A_1305 = arith.addf %add3A_1303, %mul3A_1304 : vector<16xf32>
      %mul3A_1306 = arith.mulf %get3A_1252, %gather3A_1071 : vector<16xf32>
      %add3A_1307 = arith.addf %add3A_1305, %mul3A_1306 : vector<16xf32>
      %mul3A_1308 = arith.mulf %get3A_1256, %gather3A_1074 : vector<16xf32>
      %add3A_1309 = arith.addf %add3A_1307, %mul3A_1308 : vector<16xf32>
      %swap3A_1310 = arith.constant 2 : i32
      %swap3A_1311 = arith.index_cast %swap3A_1310 : i32 to index
      %swap3A_1312 = arith.constant 16 : index
      %swap3A_1313 = tpu.vector_load %arg25[%swap3A_1311, %swap3A_1312] {strides = array<i32>} : memref<4x64xf32, #tpu.memory_space<vmem>>, vector<16xf32>,
      tpu.vector_store %arg25[%swap3A_1311, %swap3A_1312], %add3A_1309 {strides = array<i32>} : memref<4x64xf32, #tpu.memory_space<vmem>>, vector<16xf32>,
      %mul3A_1314 = arith.mulf %get3A_1228, %gather3A_1089 : vector<16xf32>
      %mul3A_1315 = arith.mulf %get3A_1232, %gather3A_1092 : vector<16xf32>
      %add3A_1316 = arith.addf %mul3A_1314, %mul3A_1315 : vector<16xf32>
      %mul3A_1317 = arith.mulf %get3A_1236, %gather3A_1095 : vector<16xf32>
      %add3A_1318 = arith.addf %add3A_1316, %mul3A_1317 : vector<16xf32>
      %mul3A_1319 = arith.mulf %get3A_1240, %gather3A_1098 : vector<16xf32>
      %add3A_1320 = arith.addf %add3A_1318, %mul3A_1319 : vector<16xf32>
      %mul3A_1321 = arith.mulf %get3A_1244, %gather3A_1101 : vector<16xf32>
      %add3A_1322 = arith.addf %add3A_1320, %mul3A_1321 : vector<16xf32>
      %mul3A_1323 = arith.mulf %get3A_1248, %gather3A_1104 : vector<16xf32>
      %add3A_1324 = arith.addf %add3A_1322, %mul3A_1323 : vector<16xf32>
      %mul3A_1325 = arith.mulf %get3A_1252, %gather3A_1107 : vector<16xf32>
      %add3A_1326 = arith.addf %add3A_1324, %mul3A_1325 : vector<16xf32>
      %mul3A_1327 = arith.mulf %get3A_1256, %gather3A_1110 : vector<16xf32>
      %add3A_1328 = arith.addf %add3A_1326, %mul3A_1327 : vector<16xf32>
      %swap3A_1329 = arith.constant 3 : i32
      %swap3A_1330 = arith.index_cast %swap3A_1329 : i32 to index
      %swap3A_1331 = arith.constant 16 : index
      %swap3A_1332 = tpu.vector_load %arg25[%swap3A_1330, %swap3A_1331] {strides = array<i32>} : memref<4x64xf32, #tpu.memory_space<vmem>>, vector<16xf32>,
      tpu.vector_store %arg25[%swap3A_1330, %swap3A_1331], %add3A_1328 {strides = array<i32>} : memref<4x64xf32, #tpu.memory_space<vmem>>, vector<16xf32>,
      %get3A_1333 = arith.constant 0 : i32
      %get3A_1334 = arith.index_cast %get3A_1333 : i32 to index
      %get3A_1335 = arith.constant 32 : index
      %get3A_1336 = tpu.vector_load %arg21[%get3A_1334, %get3A_1335] {strides = array<i32>} : memref<8x64xf32, #tpu.memory_space<vmem>>, vector<16xf32>,
      %get3A_1337 = arith.constant 1 : i32
      %get3A_1338 = arith.index_cast %get3A_1337 : i32 to index
      %get3A_1339 = arith.constant 32 : index
      %get3A_1340 = tpu.vector_load %arg21[%get3A_1338, %get3A_1339] {strides = array<i32>} : memref<8x64xf32, #tpu.memory_space<vmem>>, vector<16xf32>,
      %get3A_1341 = arith.constant 2 : i32
      %get3A_1342 = arith.index_cast %get3A_1341 : i32 to index
      %get3A_1343 = arith.constant 32 : index
      %get3A_1344 = tpu.vector_load %arg21[%get3A_1342, %get3A_1343] {strides = array<i32>} : memref<8x64xf32, #tpu.memory_space<vmem>>, vector<16xf32>,
      %get3A_1345 = arith.constant 3 : i32
      %get3A_1346 = arith.index_cast %get3A_1345 : i32 to index
      %get3A_1347 = arith.constant 32 : index
      %get3A_1348 = tpu.vector_load %arg21[%get3A_1346, %get3A_1347] {strides = array<i32>} : memref<8x64xf32, #tpu.memory_space<vmem>>, vector<16xf32>,
      %get3A_1349 = arith.constant 4 : i32
      %get3A_1350 = arith.index_cast %get3A_1349 : i32 to index
      %get3A_1351 = arith.constant 32 : index
      %get3A_1352 = tpu.vector_load %arg21[%get3A_1350, %get3A_1351] {strides = array<i32>} : memref<8x64xf32, #tpu.memory_space<vmem>>, vector<16xf32>,
      %get3A_1353 = arith.constant 5 : i32
      %get3A_1354 = arith.index_cast %get3A_1353 : i32 to index
      %get3A_1355 = arith.constant 32 : index
      %get3A_1356 = tpu.vector_load %arg21[%get3A_1354, %get3A_1355] {strides = array<i32>} : memref<8x64xf32, #tpu.memory_space<vmem>>, vector<16xf32>,
      %get3A_1357 = arith.constant 6 : i32
      %get3A_1358 = arith.index_cast %get3A_1357 : i32 to index
      %get3A_1359 = arith.constant 32 : index
      %get3A_1360 = tpu.vector_load %arg21[%get3A_1358, %get3A_1359] {strides = array<i32>} : memref<8x64xf32, #tpu.memory_space<vmem>>, vector<16xf32>,
      %get3A_1361 = arith.constant 7 : i32
      %get3A_1362 = arith.index_cast %get3A_1361 : i32 to index
      %get3A_1363 = arith.constant 32 : index
      %get3A_1364 = tpu.vector_load %arg21[%get3A_1362, %get3A_1363] {strides = array<i32>} : memref<8x64xf32, #tpu.memory_space<vmem>>, vector<16xf32>,
      %mul3A_1365 = arith.mulf %get3A_1336, %gather3A_981 : vector<16xf32>
      %mul3A_1366 = arith.mulf %get3A_1340, %gather3A_984 : vector<16xf32>
      %add3A_1367 = arith.addf %mul3A_1365, %mul3A_1366 : vector<16xf32>
      %mul3A_1368 = arith.mulf %get3A_1344, %gather3A_987 : vector<16xf32>
      %add3A_1369 = arith.addf %add3A_1367, %mul3A_1368 : vector<16xf32>
      %mul3A_1370 = arith.mulf %get3A_1348, %gather3A_990 : vector<16xf32>
      %add3A_1371 = arith.addf %add3A_1369, %mul3A_1370 : vector<16xf32>
      %mul3A_1372 = arith.mulf %get3A_1352, %gather3A_993 : vector<16xf32>
      %add3A_1373 = arith.addf %add3A_1371, %mul3A_1372 : vector<16xf32>
      %mul3A_1374 = arith.mulf %get3A_1356, %gather3A_996 : vector<16xf32>
      %add3A_1375 = arith.addf %add3A_1373, %mul3A_1374 : vector<16xf32>
      %mul3A_1376 = arith.mulf %get3A_1360, %gather3A_999 : vector<16xf32>
      %add3A_1377 = arith.addf %add3A_1375, %mul3A_1376 : vector<16xf32>
      %mul3A_1378 = arith.mulf %get3A_1364, %gather3A_1002 : vector<16xf32>
      %add3A_1379 = arith.addf %add3A_1377, %mul3A_1378 : vector<16xf32>
      %swap3A_1380 = arith.constant 0 : i32
      %swap3A_1381 = arith.index_cast %swap3A_1380 : i32 to index
      %swap3A_1382 = arith.constant 32 : index
      %swap3A_1383 = tpu.vector_load %arg25[%swap3A_1381, %swap3A_1382] {strides = array<i32>} : memref<4x64xf32, #tpu.memory_space<vmem>>, vector<16xf32>,
      tpu.vector_store %arg25[%swap3A_1381, %swap3A_1382], %add3A_1379 {strides = array<i32>} : memref<4x64xf32, #tpu.memory_space<vmem>>, vector<16xf32>,
      %mul3A_1384 = arith.mulf %get3A_1336, %gather3A_1017 : vector<16xf32>
      %mul3A_1385 = arith.mulf %get3A_1340, %gather3A_1020 : vector<16xf32>
      %add3A_1386 = arith.addf %mul3A_1384, %mul3A_1385 : vector<16xf32>
      %mul3A_1387 = arith.mulf %get3A_1344, %gather3A_1023 : vector<16xf32>
      %add3A_1388 = arith.addf %add3A_1386, %mul3A_1387 : vector<16xf32>
      %mul3A_1389 = arith.mulf %get3A_1348, %gather3A_1026 : vector<16xf32>
      %add3A_1390 = arith.addf %add3A_1388, %mul3A_1389 : vector<16xf32>
      %mul3A_1391 = arith.mulf %get3A_1352, %gather3A_1029 : vector<16xf32>
      %add3A_1392 = arith.addf %add3A_1390, %mul3A_1391 : vector<16xf32>
      %mul3A_1393 = arith.mulf %get3A_1356, %gather3A_1032 : vector<16xf32>
      %add3A_1394 = arith.addf %add3A_1392, %mul3A_1393 : vector<16xf32>
      %mul3A_1395 = arith.mulf %get3A_1360, %gather3A_1035 : vector<16xf32>
      %add3A_1396 = arith.addf %add3A_1394, %mul3A_1395 : vector<16xf32>
      %mul3A_1397 = arith.mulf %get3A_1364, %gather3A_1038 : vector<16xf32>
      %add3A_1398 = arith.addf %add3A_1396, %mul3A_1397 : vector<16xf32>
      %swap3A_1399 = arith.constant 1 : i32
      %swap3A_1400 = arith.index_cast %swap3A_1399 : i32 to index
      %swap3A_1401 = arith.constant 32 : index
      %swap3A_1402 = tpu.vector_load %arg25[%swap3A_1400, %swap3A_1401] {strides = array<i32>} : memref<4x64xf32, #tpu.memory_space<vmem>>, vector<16xf32>,
      tpu.vector_store %arg25[%swap3A_1400, %swap3A_1401], %add3A_1398 {strides = array<i32>} : memref<4x64xf32, #tpu.memory_space<vmem>>, vector<16xf32>,
      %mul3A_1403 = arith.mulf %get3A_1336, %gather3A_1053 : vector<16xf32>
      %mul3A_1404 = arith.mulf %get3A_1340, %gather3A_1056 : vector<16xf32>
      %add3A_1405 = arith.addf %mul3A_1403, %mul3A_1404 : vector<16xf32>
      %mul3A_1406 = arith.mulf %get3A_1344, %gather3A_1059 : vector<16xf32>
      %add3A_1407 = arith.addf %add3A_1405, %mul3A_1406 : vector<16xf32>
      %mul3A_1408 = arith.mulf %get3A_1348, %gather3A_1062 : vector<16xf32>
      %add3A_1409 = arith.addf %add3A_1407, %mul3A_1408 : vector<16xf32>
      %mul3A_1410 = arith.mulf %get3A_1352, %gather3A_1065 : vector<16xf32>
      %add3A_1411 = arith.addf %add3A_1409, %mul3A_1410 : vector<16xf32>
      %mul3A_1412 = arith.mulf %get3A_1356, %gather3A_1068 : vector<16xf32>
      %add3A_1413 = arith.addf %add3A_1411, %mul3A_1412 : vector<16xf32>
      %mul3A_1414 = arith.mulf %get3A_1360, %gather3A_1071 : vector<16xf32>
      %add3A_1415 = arith.addf %add3A_1413, %mul3A_1414 : vector<16xf32>
      %mul3A_1416 = arith.mulf %get3A_1364, %gather3A_1074 : vector<16xf32>
      %add3A_1417 = arith.addf %add3A_1415, %mul3A_1416 : vector<16xf32>
      %swap3A_1418 = arith.constant 2 : i32
      %swap3A_1419 = arith.index_cast %swap3A_1418 : i32 to index
      %swap3A_1420 = arith.constant 32 : index
      %swap3A_1421 = tpu.vector_load %arg25[%swap3A_1419, %swap3A_1420] {strides = array<i32>} : memref<4x64xf32, #tpu.memory_space<vmem>>, vector<16xf32>,
      tpu.vector_store %arg25[%swap3A_1419, %swap3A_1420], %add3A_1417 {strides = array<i32>} : memref<4x64xf32, #tpu.memory_space<vmem>>, vector<16xf32>,
      %mul3A_1422 = arith.mulf %get3A_1336, %gather3A_1089 : vector<16xf32>
      %mul3A_1423 = arith.mulf %get3A_1340, %gather3A_1092 : vector<16xf32>
      %add3A_1424 = arith.addf %mul3A_1422, %mul3A_1423 : vector<16xf32>
      %mul3A_1425 = arith.mulf %get3A_1344, %gather3A_1095 : vector<16xf32>
      %add3A_1426 = arith.addf %add3A_1424, %mul3A_1425 : vector<16xf32>
      %mul3A_1427 = arith.mulf %get3A_1348, %gather3A_1098 : vector<16xf32>
      %add3A_1428 = arith.addf %add3A_1426, %mul3A_1427 : vector<16xf32>
      %mul3A_1429 = arith.mulf %get3A_1352, %gather3A_1101 : vector<16xf32>
      %add3A_1430 = arith.addf %add3A_1428, %mul3A_1429 : vector<16xf32>
      %mul3A_1431 = arith.mulf %get3A_1356, %gather3A_1104 : vector<16xf32>
      %add3A_1432 = arith.addf %add3A_1430, %mul3A_1431 : vector<16xf32>
      %mul3A_1433 = arith.mulf %get3A_1360, %gather3A_1107 : vector<16xf32>
      %add3A_1434 = arith.addf %add3A_1432, %mul3A_1433 : vector<16xf32>
      %mul3A_1435 = arith.mulf %get3A_1364, %gather3A_1110 : vector<16xf32>
      %add3A_1436 = arith.addf %add3A_1434, %mul3A_1435 : vector<16xf32>
      %swap3A_1437 = arith.constant 3 : i32
      %swap3A_1438 = arith.index_cast %swap3A_1437 : i32 to index
      %swap3A_1439 = arith.constant 32 : index
      %swap3A_1440 = tpu.vector_load %arg25[%swap3A_1438, %swap3A_1439] {strides = array<i32>} : memref<4x64xf32, #tpu.memory_space<vmem>>, vector<16xf32>,
      tpu.vector_store %arg25[%swap3A_1438, %swap3A_1439], %add3A_1436 {strides = array<i32>} : memref<4x64xf32, #tpu.memory_space<vmem>>, vector<16xf32>,
      %get3A_1441 = arith.constant 0 : i32
      %get3A_1442 = arith.index_cast %get3A_1441 : i32 to index
      %get3A_1443 = arith.constant 48 : index
      %get3A_1444 = tpu.vector_load %arg21[%get3A_1442, %get3A_1443] {strides = array<i32>} : memref<8x64xf32, #tpu.memory_space<vmem>>, vector<16xf32>,
      %get3A_1445 = arith.constant 1 : i32
      %get3A_1446 = arith.index_cast %get3A_1445 : i32 to index
      %get3A_1447 = arith.constant 48 : index
      %get3A_1448 = tpu.vector_load %arg21[%get3A_1446, %get3A_1447] {strides = array<i32>} : memref<8x64xf32, #tpu.memory_space<vmem>>, vector<16xf32>,
      %get3A_1449 = arith.constant 2 : i32
      %get3A_1450 = arith.index_cast %get3A_1449 : i32 to index
      %get3A_1451 = arith.constant 48 : index
      %get3A_1452 = tpu.vector_load %arg21[%get3A_1450, %get3A_1451] {strides = array<i32>} : memref<8x64xf32, #tpu.memory_space<vmem>>, vector<16xf32>,
      %get3A_1453 = arith.constant 3 : i32
      %get3A_1454 = arith.index_cast %get3A_1453 : i32 to index
      %get3A_1455 = arith.constant 48 : index
      %get3A_1456 = tpu.vector_load %arg21[%get3A_1454, %get3A_1455] {strides = array<i32>} : memref<8x64xf32, #tpu.memory_space<vmem>>, vector<16xf32>,
      %get3A_1457 = arith.constant 4 : i32
      %get3A_1458 = arith.index_cast %get3A_1457 : i32 to index
      %get3A_1459 = arith.constant 48 : index
      %get3A_1460 = tpu.vector_load %arg21[%get3A_1458, %get3A_1459] {strides = array<i32>} : memref<8x64xf32, #tpu.memory_space<vmem>>, vector<16xf32>,
      %get3A_1461 = arith.constant 5 : i32
      %get3A_1462 = arith.index_cast %get3A_1461 : i32 to index
      %get3A_1463 = arith.constant 48 : index
      %get3A_1464 = tpu.vector_load %arg21[%get3A_1462, %get3A_1463] {strides = array<i32>} : memref<8x64xf32, #tpu.memory_space<vmem>>, vector<16xf32>,
      %get3A_1465 = arith.constant 6 : i32
      %get3A_1466 = arith.index_cast %get3A_1465 : i32 to index
      %get3A_1467 = arith.constant 48 : index
      %get3A_1468 = tpu.vector_load %arg21[%get3A_1466, %get3A_1467] {strides = array<i32>} : memref<8x64xf32, #tpu.memory_space<vmem>>, vector<16xf32>,
      %get3A_1469 = arith.constant 7 : i32
      %get3A_1470 = arith.index_cast %get3A_1469 : i32 to index
      %get3A_1471 = arith.constant 48 : index
      %get3A_1472 = tpu.vector_load %arg21[%get3A_1470, %get3A_1471] {strides = array<i32>} : memref<8x64xf32, #tpu.memory_space<vmem>>, vector<16xf32>,
      %mul3A_1473 = arith.mulf %get3A_1444, %gather3A_981 : vector<16xf32>
      %mul3A_1474 = arith.mulf %get3A_1448, %gather3A_984 : vector<16xf32>
      %add3A_1475 = arith.addf %mul3A_1473, %mul3A_1474 : vector<16xf32>
      %mul3A_1476 = arith.mulf %get3A_1452, %gather3A_987 : vector<16xf32>
      %add3A_1477 = arith.addf %add3A_1475, %mul3A_1476 : vector<16xf32>
      %mul3A_1478 = arith.mulf %get3A_1456, %gather3A_990 : vector<16xf32>
      %add3A_1479 = arith.addf %add3A_1477, %mul3A_1478 : vector<16xf32>
      %mul3A_1480 = arith.mulf %get3A_1460, %gather3A_993 : vector<16xf32>
      %add3A_1481 = arith.addf %add3A_1479, %mul3A_1480 : vector<16xf32>
      %mul3A_1482 = arith.mulf %get3A_1464, %gather3A_996 : vector<16xf32>
      %add3A_1483 = arith.addf %add3A_1481, %mul3A_1482 : vector<16xf32>
      %mul3A_1484 = arith.mulf %get3A_1468, %gather3A_999 : vector<16xf32>
      %add3A_1485 = arith.addf %add3A_1483, %mul3A_1484 : vector<16xf32>
      %mul3A_1486 = arith.mulf %get3A_1472, %gather3A_1002 : vector<16xf32>
      %add3A_1487 = arith.addf %add3A_1485, %mul3A_1486 : vector<16xf32>
      %swap3A_1488 = arith.constant 0 : i32
      %swap3A_1489 = arith.index_cast %swap3A_1488 : i32 to index
      %swap3A_1490 = arith.constant 48 : index
      %swap3A_1491 = tpu.vector_load %arg25[%swap3A_1489, %swap3A_1490] {strides = array<i32>} : memref<4x64xf32, #tpu.memory_space<vmem>>, vector<16xf32>,
      tpu.vector_store %arg25[%swap3A_1489, %swap3A_1490], %add3A_1487 {strides = array<i32>} : memref<4x64xf32, #tpu.memory_space<vmem>>, vector<16xf32>,
      %mul3A_1492 = arith.mulf %get3A_1444, %gather3A_1017 : vector<16xf32>
      %mul3A_1493 = arith.mulf %get3A_1448, %gather3A_1020 : vector<16xf32>
      %add3A_1494 = arith.addf %mul3A_1492, %mul3A_1493 : vector<16xf32>
      %mul3A_1495 = arith.mulf %get3A_1452, %gather3A_1023 : vector<16xf32>
      %add3A_1496 = arith.addf %add3A_1494, %mul3A_1495 : vector<16xf32>
      %mul3A_1497 = arith.mulf %get3A_1456, %gather3A_1026 : vector<16xf32>
      %add3A_1498 = arith.addf %add3A_1496, %mul3A_1497 : vector<16xf32>
      %mul3A_1499 = arith.mulf %get3A_1460, %gather3A_1029 : vector<16xf32>
      %add3A_1500 = arith.addf %add3A_1498, %mul3A_1499 : vector<16xf32>
      %mul3A_1501 = arith.mulf %get3A_1464, %gather3A_1032 : vector<16xf32>
      %add3A_1502 = arith.addf %add3A_1500, %mul3A_1501 : vector<16xf32>
      %mul3A_1503 = arith.mulf %get3A_1468, %gather3A_1035 : vector<16xf32>
      %add3A_1504 = arith.addf %add3A_1502, %mul3A_1503 : vector<16xf32>
      %mul3A_1505 = arith.mulf %get3A_1472, %gather3A_1038 : vector<16xf32>
      %add3A_1506 = arith.addf %add3A_1504, %mul3A_1505 : vector<16xf32>
      %swap3A_1507 = arith.constant 1 : i32
      %swap3A_1508 = arith.index_cast %swap3A_1507 : i32 to index
      %swap3A_1509 = arith.constant 48 : index
      %swap3A_1510 = tpu.vector_load %arg25[%swap3A_1508, %swap3A_1509] {strides = array<i32>} : memref<4x64xf32, #tpu.memory_space<vmem>>, vector<16xf32>,
      tpu.vector_store %arg25[%swap3A_1508, %swap3A_1509], %add3A_1506 {strides = array<i32>} : memref<4x64xf32, #tpu.memory_space<vmem>>, vector<16xf32>,
      %mul3A_1511 = arith.mulf %get3A_1444, %gather3A_1053 : vector<16xf32>
      %mul3A_1512 = arith.mulf %get3A_1448, %gather3A_1056 : vector<16xf32>
      %add3A_1513 = arith.addf %mul3A_1511, %mul3A_1512 : vector<16xf32>
      %mul3A_1514 = arith.mulf %get3A_1452, %gather3A_1059 : vector<16xf32>
      %add3A_1515 = arith.addf %add3A_1513, %mul3A_1514 : vector<16xf32>
      %mul3A_1516 = arith.mulf %get3A_1456, %gather3A_1062 : vector<16xf32>
      %add3A_1517 = arith.addf %add3A_1515, %mul3A_1516 : vector<16xf32>
      %mul3A_1518 = arith.mulf %get3A_1460, %gather3A_1065 : vector<16xf32>
      %add3A_1519 = arith.addf %add3A_1517, %mul3A_1518 : vector<16xf32>
      %mul3A_1520 = arith.mulf %get3A_1464, %gather3A_1068 : vector<16xf32>
      %add3A_1521 = arith.addf %add3A_1519, %mul3A_1520 : vector<16xf32>
      %mul3A_1522 = arith.mulf %get3A_1468, %gather3A_1071 : vector<16xf32>
      %add3A_1523 = arith.addf %add3A_1521, %mul3A_1522 : vector<16xf32>
      %mul3A_1524 = arith.mulf %get3A_1472, %gather3A_1074 : vector<16xf32>
      %add3A_1525 = arith.addf %add3A_1523, %mul3A_1524 : vector<16xf32>
      %swap3A_1526 = arith.constant 2 : i32
      %swap3A_1527 = arith.index_cast %swap3A_1526 : i32 to index
      %swap3A_1528 = arith.constant 48 : index
      %swap3A_1529 = tpu.vector_load %arg25[%swap3A_1527, %swap3A_1528] {strides = array<i32>} : memref<4x64xf32, #tpu.memory_space<vmem>>, vector<16xf32>,
      tpu.vector_store %arg25[%swap3A_1527, %swap3A_1528], %add3A_1525 {strides = array<i32>} : memref<4x64xf32, #tpu.memory_space<vmem>>, vector<16xf32>,
      %mul3A_1530 = arith.mulf %get3A_1444, %gather3A_1089 : vector<16xf32>
      %mul3A_1531 = arith.mulf %get3A_1448, %gather3A_1092 : vector<16xf32>
      %add3A_1532 = arith.addf %mul3A_1530, %mul3A_1531 : vector<16xf32>
      %mul3A_1533 = arith.mulf %get3A_1452, %gather3A_1095 : vector<16xf32>
      %add3A_1534 = arith.addf %add3A_1532, %mul3A_1533 : vector<16xf32>
      %mul3A_1535 = arith.mulf %get3A_1456, %gather3A_1098 : vector<16xf32>
      %add3A_1536 = arith.addf %add3A_1534, %mul3A_1535 : vector<16xf32>
      %mul3A_1537 = arith.mulf %get3A_1460, %gather3A_1101 : vector<16xf32>
      %add3A_1538 = arith.addf %add3A_1536, %mul3A_1537 : vector<16xf32>
      %mul3A_1539 = arith.mulf %get3A_1464, %gather3A_1104 : vector<16xf32>
      %add3A_1540 = arith.addf %add3A_1538, %mul3A_1539 : vector<16xf32>
      %mul3A_1541 = arith.mulf %get3A_1468, %gather3A_1107 : vector<16xf32>
      %add3A_1542 = arith.addf %add3A_1540, %mul3A_1541 : vector<16xf32>
      %mul3A_1543 = arith.mulf %get3A_1472, %gather3A_1110 : vector<16xf32>
      %add3A_1544 = arith.addf %add3A_1542, %mul3A_1543 : vector<16xf32>
      %swap3A_1545 = arith.constant 3 : i32
      %swap3A_1546 = arith.index_cast %swap3A_1545 : i32 to index
      %swap3A_1547 = arith.constant 48 : index
      %swap3A_1548 = tpu.vector_load %arg25[%swap3A_1546, %swap3A_1547] {strides = array<i32>} : memref<4x64xf32, #tpu.memory_space<vmem>>, vector<16xf32>,
      tpu.vector_store %arg25[%swap3A_1546, %swap3A_1547], %add3A_1544 {strides = array<i32>} : memref<4x64xf32, #tpu.memory_space<vmem>>, vector<16xf32>,
      %add3A_1549 = arith.constant 2 : i32
      %add3A_1550 = arith.addi %add3A_943, %add3A_1549 : i32
      %min3A_1551 = arith.constant 27 : i32
      %min3A_1552 = arith.minsi %add3A_1550, %min3A_1551 : i32
      %dma_start3A_1553 = arith.constant 0 : i32
      %dma_start3A_1554 = tpu.memref_slice %arg17[%min3A_1552, %dma_start3A_1553] : memref<28x8xi32, #tpu.memory_space<vmem>> -> memref<1x8xi32, #tpu.memory_space<vmem>>
      %dma_start3A_1555 = tpu.memref_squeeze %dma_start3A_1554 : memref<1x8xi32, #tpu.memory_space<vmem>> -> memref<8xi32, #tpu.memory_space<vmem>>
      %dma_start3A_1556 = arith.constant 0 : i32
      %dma_start3A_1557 = arith.constant 0 : i32
      %dma_start3A_1558 = tpu.memref_slice %arg8[%dma_start3A_1556, %dma_start3A_1557] : memref<800x4096xf32, #tpu.memory_space<hbm>> -> memref<800x4096xf32, #tpu.memory_space<hbm>>
      tpu.enqueue_indirect_dma source(%dma_start3A_1558 : memref<800x4096xf32, #tpu.memory_space<hbm>>) target(%arg19 : memref<8x4096xf32, #tpu.memory_space<vmem>>) offsets(%dma_start3A_1555 : memref<8xi32, #tpu.memory_space<vmem>>) semaphore(%arg27 : memref<!tpu.dma_semaphore, #tpu.memory_space<semaphore_mem>>)
      %dma_start3A_1559 = arith.constant 0 : i32
      %dma_start3A_1560 = tpu.memref_slice %arg17[%min3A_1552, %dma_start3A_1559] : memref<28x8xi32, #tpu.memory_space<vmem>> -> memref<1x8xi32, #tpu.memory_space<vmem>>
      %dma_start3A_1561 = tpu.memref_squeeze %dma_start3A_1560 : memref<1x8xi32, #tpu.memory_space<vmem>> -> memref<8xi32, #tpu.memory_space<vmem>>
      %dma_start3A_1562 = arith.constant 0 : i32
      %dma_start3A_1563 = arith.constant 0 : i32
      %dma_start3A_1564 = tpu.memref_slice %arg7[%dma_start3A_1562, %dma_start3A_1563] : memref<800x64xf32, #tpu.memory_space<hbm>> -> memref<800x64xf32, #tpu.memory_space<hbm>>
      tpu.enqueue_indirect_dma source(%dma_start3A_1564 : memref<800x64xf32, #tpu.memory_space<hbm>>) target(%arg21 : memref<8x64xf32, #tpu.memory_space<vmem>>) offsets(%dma_start3A_1561 : memref<8xi32, #tpu.memory_space<vmem>>) semaphore(%arg27 : memref<!tpu.dma_semaphore, #tpu.memory_space<semaphore_mem>>)
      %gt3A_1565 = arith.constant 0 : i32
      %gt3A_1566 = arith.cmpi sgt, %squeeze3A_966, %gt3A_1565 : i32
      %convert_element_type3A_1567 = arith.extui %gt3A_1566 : i1 to i32
      %cond3A_1568 = arith.constant 0 : i32
      %cond3A_1569 = arith.cmpi ne, %convert_element_type3A_1567, %cond3A_1568 : i32
      scf.if %cond3A_1569 {
        %dma_start3A_1605 = arith.constant 0 : i32
        %dma_start3A_1606 = arith.constant 0 : i32
        %dma_start3A_1607 = tpu.memref_slice %arg23[%dma_start3A_1605, %dma_start3A_1606] : memref<4x4096xf32, #tpu.memory_space<vmem>> -> memref<1x4096xf32, #tpu.memory_space<vmem>>
        %dma_start3A_1608 = tpu.memref_squeeze %dma_start3A_1607 : memref<1x4096xf32, #tpu.memory_space<vmem>> -> memref<4096xf32, #tpu.memory_space<vmem>>
        %dma_start3A_1609 = arith.constant 0 : i32
        %dma_start3A_1610 = tpu.memref_slice %arg10[%squeeze3A_978, %dma_start3A_1609] : memref<3200x4096xf32, #tpu.memory_space<hbm>> -> memref<1x4096xf32, #tpu.memory_space<hbm>>
        %dma_start3A_1611 = tpu.memref_squeeze %dma_start3A_1610 : memref<1x4096xf32, #tpu.memory_space<hbm>> -> memref<4096xf32, #tpu.memory_space<hbm>>
        %dma_start3A_1612 = arith.constant 0 : i32
        %dma_start3A_1613 = tpu.memref_slice %arg10[%squeeze3A_978, %dma_start3A_1612] : memref<3200x4096xf32, #tpu.memory_space<hbm>> -> memref<1x4096xf32, #tpu.memory_space<hbm>>
        %dma_start3A_1614 = tpu.memref_squeeze %dma_start3A_1613 : memref<1x4096xf32, #tpu.memory_space<hbm>> -> memref<4096xf32, #tpu.memory_space<hbm>>
        %dma_start3A_1615 = arith.constant 0 : i32
        %dma_start3A_1616 = tpu.memref_slice %arg23[%dma_start3A_1605, %dma_start3A_1615] : memref<4x4096xf32, #tpu.memory_space<vmem>> -> memref<1x4096xf32, #tpu.memory_space<vmem>>
        %dma_start3A_1617 = tpu.memref_squeeze %dma_start3A_1616 : memref<1x4096xf32, #tpu.memory_space<vmem>> -> memref<4096xf32, #tpu.memory_space<vmem>>
        tpu.enqueue_dma source(%dma_start3A_1617 : memref<4096xf32, #tpu.memory_space<vmem>>) target(%dma_start3A_1614 : memref<4096xf32, #tpu.memory_space<hbm>>) target_semaphore(%arg29 : memref<!tpu.dma_semaphore, #tpu.memory_space<semaphore_mem>>)
        %dma_start3A_1618 = arith.constant 0 : i32
        %dma_start3A_1619 = arith.constant 0 : i32
        %dma_start3A_1620 = tpu.memref_slice %arg25[%dma_start3A_1618, %dma_start3A_1619] : memref<4x64xf32, #tpu.memory_space<vmem>> -> memref<1x64xf32, #tpu.memory_space<vmem>>
        %dma_start3A_1621 = tpu.memref_squeeze %dma_start3A_1620 : memref<1x64xf32, #tpu.memory_space<vmem>> -> memref<64xf32, #tpu.memory_space<vmem>>
        %dma_start3A_1622 = arith.constant 0 : i32
        %dma_start3A_1623 = tpu.memref_slice %arg9[%squeeze3A_978, %dma_start3A_1622] : memref<3200x64xf32, #tpu.memory_space<hbm>> -> memref<1x64xf32, #tpu.memory_space<hbm>>
        %dma_start3A_1624 = tpu.memref_squeeze %dma_start3A_1623 : memref<1x64xf32, #tpu.memory_space<hbm>> -> memref<64xf32, #tpu.memory_space<hbm>>
        %dma_start3A_1625 = arith.constant 0 : i32
        %dma_start3A_1626 = tpu.memref_slice %arg9[%squeeze3A_978, %dma_start3A_1625] : memref<3200x64xf32, #tpu.memory_space<hbm>> -> memref<1x64xf32, #tpu.memory_space<hbm>>
        %dma_start3A_1627 = tpu.memref_squeeze %dma_start3A_1626 : memref<1x64xf32, #tpu.memory_space<hbm>> -> memref<64xf32, #tpu.memory_space<hbm>>
        %dma_start3A_1628 = arith.constant 0 : i32
        %dma_start3A_1629 = tpu.memref_slice %arg25[%dma_start3A_1618, %dma_start3A_1628] : memref<4x64xf32, #tpu.memory_space<vmem>> -> memref<1x64xf32, #tpu.memory_space<vmem>>
        %dma_start3A_1630 = tpu.memref_squeeze %dma_start3A_1629 : memref<1x64xf32, #tpu.memory_space<vmem>> -> memref<64xf32, #tpu.memory_space<vmem>>
        tpu.enqueue_dma source(%dma_start3A_1630 : memref<64xf32, #tpu.memory_space<vmem>>) target(%dma_start3A_1627 : memref<64xf32, #tpu.memory_space<hbm>>) target_semaphore(%arg29 : memref<!tpu.dma_semaphore, #tpu.memory_space<semaphore_mem>>)
      } else {
      }
      %not3A_1570 = arith.constant true
      %not3A_1571 = arith.xori %gt3A_1566, %not3A_1570 : i1
      %convert_element_type3A_1572 = arith.extui %not3A_1571 : i1 to i32
      %cond3A_1573 = arith.constant 0 : i32
      %cond3A_1574 = arith.cmpi ne, %convert_element_type3A_1572, %cond3A_1573 : i32
      scf.if %cond3A_1574 {
        %dma_start3A_1605 = arith.constant 0 : i32
        %dma_start3A_1606 = arith.constant 0 : i32
        %dma_start3A_1607 = tpu.memref_slice %arg23[%dma_start3A_1605, %dma_start3A_1606] : memref<4x4096xf32, #tpu.memory_space<vmem>> -> memref<1x4096xf32, #tpu.memory_space<vmem>>
        %dma_start3A_1608 = tpu.memref_squeeze %dma_start3A_1607 : memref<1x4096xf32, #tpu.memory_space<vmem>> -> memref<4096xf32, #tpu.memory_space<vmem>>
        %dma_start3A_1609 = arith.constant 0 : i32
        %dma_start3A_1610 = tpu.memref_slice %arg12[%add3A, %dma_start3A_1609] : memref<32x4096xf32, #tpu.memory_space<hbm>> -> memref<1x4096xf32, #tpu.memory_space<hbm>>
        %dma_start3A_1611 = tpu.memref_squeeze %dma_start3A_1610 : memref<1x4096xf32, #tpu.memory_space<hbm>> -> memref<4096xf32, #tpu.memory_space<hbm>>
        %dma_start3A_1612 = arith.constant 0 : i32
        %dma_start3A_1613 = tpu.memref_slice %arg12[%add3A, %dma_start3A_1612] : memref<32x4096xf32, #tpu.memory_space<hbm>> -> memref<1x4096xf32, #tpu.memory_space<hbm>>
        %dma_start3A_1614 = tpu.memref_squeeze %dma_start3A_1613 : memref<1x4096xf32, #tpu.memory_space<hbm>> -> memref<4096xf32, #tpu.memory_space<hbm>>
        %dma_start3A_1615 = arith.constant 0 : i32
        %dma_start3A_1616 = tpu.memref_slice %arg23[%dma_start3A_1605, %dma_start3A_1615] : memref<4x4096xf32, #tpu.memory_space<vmem>> -> memref<1x4096xf32, #tpu.memory_space<vmem>>
        %dma_start3A_1617 = tpu.memref_squeeze %dma_start3A_1616 : memref<1x4096xf32, #tpu.memory_space<vmem>> -> memref<4096xf32, #tpu.memory_space<vmem>>
        tpu.enqueue_dma source(%dma_start3A_1617 : memref<4096xf32, #tpu.memory_space<vmem>>) target(%dma_start3A_1614 : memref<4096xf32, #tpu.memory_space<hbm>>) target_semaphore(%arg29 : memref<!tpu.dma_semaphore, #tpu.memory_space<semaphore_mem>>)
        %dma_start3A_1618 = arith.constant 0 : i32
        %dma_start3A_1619 = arith.constant 0 : i32
        %dma_start3A_1620 = tpu.memref_slice %arg25[%dma_start3A_1618, %dma_start3A_1619] : memref<4x64xf32, #tpu.memory_space<vmem>> -> memref<1x64xf32, #tpu.memory_space<vmem>>
        %dma_start3A_1621 = tpu.memref_squeeze %dma_start3A_1620 : memref<1x64xf32, #tpu.memory_space<vmem>> -> memref<64xf32, #tpu.memory_space<vmem>>
        %dma_start3A_1622 = arith.constant 0 : i32
        %dma_start3A_1623 = tpu.memref_slice %arg11[%add3A, %dma_start3A_1622] : memref<32x64xf32, #tpu.memory_space<hbm>> -> memref<1x64xf32, #tpu.memory_space<hbm>>
        %dma_start3A_1624 = tpu.memref_squeeze %dma_start3A_1623 : memref<1x64xf32, #tpu.memory_space<hbm>> -> memref<64xf32, #tpu.memory_space<hbm>>
        %dma_start3A_1625 = arith.constant 0 : i32
        %dma_start3A_1626 = tpu.memref_slice %arg11[%add3A, %dma_start3A_1625] : memref<32x64xf32, #tpu.memory_space<hbm>> -> memref<1x64xf32, #tpu.memory_space<hbm>>
        %dma_start3A_1627 = tpu.memref_squeeze %dma_start3A_1626 : memref<1x64xf32, #tpu.memory_space<hbm>> -> memref<64xf32, #tpu.memory_space<hbm>>
        %dma_start3A_1628 = arith.constant 0 : i32
        %dma_start3A_1629 = tpu.memref_slice %arg25[%dma_start3A_1618, %dma_start3A_1628] : memref<4x64xf32, #tpu.memory_space<vmem>> -> memref<1x64xf32, #tpu.memory_space<vmem>>
        %dma_start3A_1630 = tpu.memref_squeeze %dma_start3A_1629 : memref<1x64xf32, #tpu.memory_space<vmem>> -> memref<64xf32, #tpu.memory_space<vmem>>
        tpu.enqueue_dma source(%dma_start3A_1630 : memref<64xf32, #tpu.memory_space<vmem>>) target(%dma_start3A_1627 : memref<64xf32, #tpu.memory_space<hbm>>) target_semaphore(%arg29 : memref<!tpu.dma_semaphore, #tpu.memory_space<semaphore_mem>>)
      } else {
      }
      %gt3A_1575 = arith.constant 1 : i32
      %gt3A_1576 = arith.cmpi sgt, %squeeze3A_966, %gt3A_1575 : i32
      %convert_element_type3A_1577 = arith.extui %gt3A_1576 : i1 to i32
      %cond3A_1578 = arith.constant 0 : i32
      %cond3A_1579 = arith.cmpi ne, %convert_element_type3A_1577, %cond3A_1578 : i32
      scf.if %cond3A_1579 {
        %dma_start3A_1605 = arith.constant 1 : i32
        %dma_start3A_1606 = arith.constant 0 : i32
        %dma_start3A_1607 = tpu.memref_slice %arg23[%dma_start3A_1605, %dma_start3A_1606] : memref<4x4096xf32, #tpu.memory_space<vmem>> -> memref<1x4096xf32, #tpu.memory_space<vmem>>
        %dma_start3A_1608 = tpu.memref_squeeze %dma_start3A_1607 : memref<1x4096xf32, #tpu.memory_space<vmem>> -> memref<4096xf32, #tpu.memory_space<vmem>>
        %dma_start3A_1609 = arith.constant 0 : i32
        %dma_start3A_1610 = tpu.memref_slice %arg10[%squeeze3A_1014, %dma_start3A_1609] : memref<3200x4096xf32, #tpu.memory_space<hbm>> -> memref<1x4096xf32, #tpu.memory_space<hbm>>
        %dma_start3A_1611 = tpu.memref_squeeze %dma_start3A_1610 : memref<1x4096xf32, #tpu.memory_space<hbm>> -> memref<4096xf32, #tpu.memory_space<hbm>>
        %dma_start3A_1612 = arith.constant 0 : i32
        %dma_start3A_1613 = tpu.memref_slice %arg10[%squeeze3A_1014, %dma_start3A_1612] : memref<3200x4096xf32, #tpu.memory_space<hbm>> -> memref<1x4096xf32, #tpu.memory_space<hbm>>
        %dma_start3A_1614 = tpu.memref_squeeze %dma_start3A_1613 : memref<1x4096xf32, #tpu.memory_space<hbm>> -> memref<4096xf32, #tpu.memory_space<hbm>>
        %dma_start3A_1615 = arith.constant 0 : i32
        %dma_start3A_1616 = tpu.memref_slice %arg23[%dma_start3A_1605, %dma_start3A_1615] : memref<4x4096xf32, #tpu.memory_space<vmem>> -> memref<1x4096xf32, #tpu.memory_space<vmem>>
        %dma_start3A_1617 = tpu.memref_squeeze %dma_start3A_1616 : memref<1x4096xf32, #tpu.memory_space<vmem>> -> memref<4096xf32, #tpu.memory_space<vmem>>
        tpu.enqueue_dma source(%dma_start3A_1617 : memref<4096xf32, #tpu.memory_space<vmem>>) target(%dma_start3A_1614 : memref<4096xf32, #tpu.memory_space<hbm>>) target_semaphore(%arg29 : memref<!tpu.dma_semaphore, #tpu.memory_space<semaphore_mem>>)
        %dma_start3A_1618 = arith.constant 1 : i32
        %dma_start3A_1619 = arith.constant 0 : i32
        %dma_start3A_1620 = tpu.memref_slice %arg25[%dma_start3A_1618, %dma_start3A_1619] : memref<4x64xf32, #tpu.memory_space<vmem>> -> memref<1x64xf32, #tpu.memory_space<vmem>>
        %dma_start3A_1621 = tpu.memref_squeeze %dma_start3A_1620 : memref<1x64xf32, #tpu.memory_space<vmem>> -> memref<64xf32, #tpu.memory_space<vmem>>
        %dma_start3A_1622 = arith.constant 0 : i32
        %dma_start3A_1623 = tpu.memref_slice %arg9[%squeeze3A_1014, %dma_start3A_1622] : memref<3200x64xf32, #tpu.memory_space<hbm>> -> memref<1x64xf32, #tpu.memory_space<hbm>>
        %dma_start3A_1624 = tpu.memref_squeeze %dma_start3A_1623 : memref<1x64xf32, #tpu.memory_space<hbm>> -> memref<64xf32, #tpu.memory_space<hbm>>
        %dma_start3A_1625 = arith.constant 0 : i32
        %dma_start3A_1626 = tpu.memref_slice %arg9[%squeeze3A_1014, %dma_start3A_1625] : memref<3200x64xf32, #tpu.memory_space<hbm>> -> memref<1x64xf32, #tpu.memory_space<hbm>>
        %dma_start3A_1627 = tpu.memref_squeeze %dma_start3A_1626 : memref<1x64xf32, #tpu.memory_space<hbm>> -> memref<64xf32, #tpu.memory_space<hbm>>
        %dma_start3A_1628 = arith.constant 0 : i32
        %dma_start3A_1629 = tpu.memref_slice %arg25[%dma_start3A_1618, %dma_start3A_1628] : memref<4x64xf32, #tpu.memory_space<vmem>> -> memref<1x64xf32, #tpu.memory_space<vmem>>
        %dma_start3A_1630 = tpu.memref_squeeze %dma_start3A_1629 : memref<1x64xf32, #tpu.memory_space<vmem>> -> memref<64xf32, #tpu.memory_space<vmem>>
        tpu.enqueue_dma source(%dma_start3A_1630 : memref<64xf32, #tpu.memory_space<vmem>>) target(%dma_start3A_1627 : memref<64xf32, #tpu.memory_space<hbm>>) target_semaphore(%arg29 : memref<!tpu.dma_semaphore, #tpu.memory_space<semaphore_mem>>)
      } else {
      }
      %not3A_1580 = arith.constant true
      %not3A_1581 = arith.xori %gt3A_1576, %not3A_1580 : i1
      %convert_element_type3A_1582 = arith.extui %not3A_1581 : i1 to i32
      %cond3A_1583 = arith.constant 0 : i32
      %cond3A_1584 = arith.cmpi ne, %convert_element_type3A_1582, %cond3A_1583 : i32
      scf.if %cond3A_1584 {
        %dma_start3A_1605 = arith.constant 1 : i32
        %dma_start3A_1606 = arith.constant 0 : i32
        %dma_start3A_1607 = tpu.memref_slice %arg23[%dma_start3A_1605, %dma_start3A_1606] : memref<4x4096xf32, #tpu.memory_space<vmem>> -> memref<1x4096xf32, #tpu.memory_space<vmem>>
        %dma_start3A_1608 = tpu.memref_squeeze %dma_start3A_1607 : memref<1x4096xf32, #tpu.memory_space<vmem>> -> memref<4096xf32, #tpu.memory_space<vmem>>
        %dma_start3A_1609 = arith.constant 0 : i32
        %dma_start3A_1610 = tpu.memref_slice %arg12[%add3A, %dma_start3A_1609] : memref<32x4096xf32, #tpu.memory_space<hbm>> -> memref<1x4096xf32, #tpu.memory_space<hbm>>
        %dma_start3A_1611 = tpu.memref_squeeze %dma_start3A_1610 : memref<1x4096xf32, #tpu.memory_space<hbm>> -> memref<4096xf32, #tpu.memory_space<hbm>>
        %dma_start3A_1612 = arith.constant 0 : i32
        %dma_start3A_1613 = tpu.memref_slice %arg12[%add3A, %dma_start3A_1612] : memref<32x4096xf32, #tpu.memory_space<hbm>> -> memref<1x4096xf32, #tpu.memory_space<hbm>>
        %dma_start3A_1614 = tpu.memref_squeeze %dma_start3A_1613 : memref<1x4096xf32, #tpu.memory_space<hbm>> -> memref<4096xf32, #tpu.memory_space<hbm>>
        %dma_start3A_1615 = arith.constant 0 : i32
        %dma_start3A_1616 = tpu.memref_slice %arg23[%dma_start3A_1605, %dma_start3A_1615] : memref<4x4096xf32, #tpu.memory_space<vmem>> -> memref<1x4096xf32, #tpu.memory_space<vmem>>
        %dma_start3A_1617 = tpu.memref_squeeze %dma_start3A_1616 : memref<1x4096xf32, #tpu.memory_space<vmem>> -> memref<4096xf32, #tpu.memory_space<vmem>>
        tpu.enqueue_dma source(%dma_start3A_1617 : memref<4096xf32, #tpu.memory_space<vmem>>) target(%dma_start3A_1614 : memref<4096xf32, #tpu.memory_space<hbm>>) target_semaphore(%arg29 : memref<!tpu.dma_semaphore, #tpu.memory_space<semaphore_mem>>)
        %dma_start3A_1618 = arith.constant 1 : i32
        %dma_start3A_1619 = arith.constant 0 : i32
        %dma_start3A_1620 = tpu.memref_slice %arg25[%dma_start3A_1618, %dma_start3A_1619] : memref<4x64xf32, #tpu.memory_space<vmem>> -> memref<1x64xf32, #tpu.memory_space<vmem>>
        %dma_start3A_1621 = tpu.memref_squeeze %dma_start3A_1620 : memref<1x64xf32, #tpu.memory_space<vmem>> -> memref<64xf32, #tpu.memory_space<vmem>>
        %dma_start3A_1622 = arith.constant 0 : i32
        %dma_start3A_1623 = tpu.memref_slice %arg11[%add3A, %dma_start3A_1622] : memref<32x64xf32, #tpu.memory_space<hbm>> -> memref<1x64xf32, #tpu.memory_space<hbm>>
        %dma_start3A_1624 = tpu.memref_squeeze %dma_start3A_1623 : memref<1x64xf32, #tpu.memory_space<hbm>> -> memref<64xf32, #tpu.memory_space<hbm>>
        %dma_start3A_1625 = arith.constant 0 : i32
        %dma_start3A_1626 = tpu.memref_slice %arg11[%add3A, %dma_start3A_1625] : memref<32x64xf32, #tpu.memory_space<hbm>> -> memref<1x64xf32, #tpu.memory_space<hbm>>
        %dma_start3A_1627 = tpu.memref_squeeze %dma_start3A_1626 : memref<1x64xf32, #tpu.memory_space<hbm>> -> memref<64xf32, #tpu.memory_space<hbm>>
        %dma_start3A_1628 = arith.constant 0 : i32
        %dma_start3A_1629 = tpu.memref_slice %arg25[%dma_start3A_1618, %dma_start3A_1628] : memref<4x64xf32, #tpu.memory_space<vmem>> -> memref<1x64xf32, #tpu.memory_space<vmem>>
        %dma_start3A_1630 = tpu.memref_squeeze %dma_start3A_1629 : memref<1x64xf32, #tpu.memory_space<vmem>> -> memref<64xf32, #tpu.memory_space<vmem>>
        tpu.enqueue_dma source(%dma_start3A_1630 : memref<64xf32, #tpu.memory_space<vmem>>) target(%dma_start3A_1627 : memref<64xf32, #tpu.memory_space<hbm>>) target_semaphore(%arg29 : memref<!tpu.dma_semaphore, #tpu.memory_space<semaphore_mem>>)
      } else {
      }
      %gt3A_1585 = arith.constant 2 : i32
      %gt3A_1586 = arith.cmpi sgt, %squeeze3A_966, %gt3A_1585 : i32
      %convert_element_type3A_1587 = arith.extui %gt3A_1586 : i1 to i32
      %cond3A_1588 = arith.constant 0 : i32
      %cond3A_1589 = arith.cmpi ne, %convert_element_type3A_1587, %cond3A_1588 : i32
      scf.if %cond3A_1589 {
        %dma_start3A_1605 = arith.constant 2 : i32
        %dma_start3A_1606 = arith.constant 0 : i32
        %dma_start3A_1607 = tpu.memref_slice %arg23[%dma_start3A_1605, %dma_start3A_1606] : memref<4x4096xf32, #tpu.memory_space<vmem>> -> memref<1x4096xf32, #tpu.memory_space<vmem>>
        %dma_start3A_1608 = tpu.memref_squeeze %dma_start3A_1607 : memref<1x4096xf32, #tpu.memory_space<vmem>> -> memref<4096xf32, #tpu.memory_space<vmem>>
        %dma_start3A_1609 = arith.constant 0 : i32
        %dma_start3A_1610 = tpu.memref_slice %arg10[%squeeze3A_1050, %dma_start3A_1609] : memref<3200x4096xf32, #tpu.memory_space<hbm>> -> memref<1x4096xf32, #tpu.memory_space<hbm>>
        %dma_start3A_1611 = tpu.memref_squeeze %dma_start3A_1610 : memref<1x4096xf32, #tpu.memory_space<hbm>> -> memref<4096xf32, #tpu.memory_space<hbm>>
        %dma_start3A_1612 = arith.constant 0 : i32
        %dma_start3A_1613 = tpu.memref_slice %arg10[%squeeze3A_1050, %dma_start3A_1612] : memref<3200x4096xf32, #tpu.memory_space<hbm>> -> memref<1x4096xf32, #tpu.memory_space<hbm>>
        %dma_start3A_1614 = tpu.memref_squeeze %dma_start3A_1613 : memref<1x4096xf32, #tpu.memory_space<hbm>> -> memref<4096xf32, #tpu.memory_space<hbm>>
        %dma_start3A_1615 = arith.constant 0 : i32
        %dma_start3A_1616 = tpu.memref_slice %arg23[%dma_start3A_1605, %dma_start3A_1615] : memref<4x4096xf32, #tpu.memory_space<vmem>> -> memref<1x4096xf32, #tpu.memory_space<vmem>>
        %dma_start3A_1617 = tpu.memref_squeeze %dma_start3A_1616 : memref<1x4096xf32, #tpu.memory_space<vmem>> -> memref<4096xf32, #tpu.memory_space<vmem>>
        tpu.enqueue_dma source(%dma_start3A_1617 : memref<4096xf32, #tpu.memory_space<vmem>>) target(%dma_start3A_1614 : memref<4096xf32, #tpu.memory_space<hbm>>) target_semaphore(%arg29 : memref<!tpu.dma_semaphore, #tpu.memory_space<semaphore_mem>>)
        %dma_start3A_1618 = arith.constant 2 : i32
        %dma_start3A_1619 = arith.constant 0 : i32
        %dma_start3A_1620 = tpu.memref_slice %arg25[%dma_start3A_1618, %dma_start3A_1619] : memref<4x64xf32, #tpu.memory_space<vmem>> -> memref<1x64xf32, #tpu.memory_space<vmem>>
        %dma_start3A_1621 = tpu.memref_squeeze %dma_start3A_1620 : memref<1x64xf32, #tpu.memory_space<vmem>> -> memref<64xf32, #tpu.memory_space<vmem>>
        %dma_start3A_1622 = arith.constant 0 : i32
        %dma_start3A_1623 = tpu.memref_slice %arg9[%squeeze3A_1050, %dma_start3A_1622] : memref<3200x64xf32, #tpu.memory_space<hbm>> -> memref<1x64xf32, #tpu.memory_space<hbm>>
        %dma_start3A_1624 = tpu.memref_squeeze %dma_start3A_1623 : memref<1x64xf32, #tpu.memory_space<hbm>> -> memref<64xf32, #tpu.memory_space<hbm>>
        %dma_start3A_1625 = arith.constant 0 : i32
        %dma_start3A_1626 = tpu.memref_slice %arg9[%squeeze3A_1050, %dma_start3A_1625] : memref<3200x64xf32, #tpu.memory_space<hbm>> -> memref<1x64xf32, #tpu.memory_space<hbm>>
        %dma_start3A_1627 = tpu.memref_squeeze %dma_start3A_1626 : memref<1x64xf32, #tpu.memory_space<hbm>> -> memref<64xf32, #tpu.memory_space<hbm>>
        %dma_start3A_1628 = arith.constant 0 : i32
        %dma_start3A_1629 = tpu.memref_slice %arg25[%dma_start3A_1618, %dma_start3A_1628] : memref<4x64xf32, #tpu.memory_space<vmem>> -> memref<1x64xf32, #tpu.memory_space<vmem>>
        %dma_start3A_1630 = tpu.memref_squeeze %dma_start3A_1629 : memref<1x64xf32, #tpu.memory_space<vmem>> -> memref<64xf32, #tpu.memory_space<vmem>>
        tpu.enqueue_dma source(%dma_start3A_1630 : memref<64xf32, #tpu.memory_space<vmem>>) target(%dma_start3A_1627 : memref<64xf32, #tpu.memory_space<hbm>>) target_semaphore(%arg29 : memref<!tpu.dma_semaphore, #tpu.memory_space<semaphore_mem>>)
      } else {
      }
      %not3A_1590 = arith.constant true
      %not3A_1591 = arith.xori %gt3A_1586, %not3A_1590 : i1
      %convert_element_type3A_1592 = arith.extui %not3A_1591 : i1 to i32
      %cond3A_1593 = arith.constant 0 : i32
      %cond3A_1594 = arith.cmpi ne, %convert_element_type3A_1592, %cond3A_1593 : i32
      scf.if %cond3A_1594 {
        %dma_start3A_1605 = arith.constant 2 : i32
        %dma_start3A_1606 = arith.constant 0 : i32
        %dma_start3A_1607 = tpu.memref_slice %arg23[%dma_start3A_1605, %dma_start3A_1606] : memref<4x4096xf32, #tpu.memory_space<vmem>> -> memref<1x4096xf32, #tpu.memory_space<vmem>>
        %dma_start3A_1608 = tpu.memref_squeeze %dma_start3A_1607 : memref<1x4096xf32, #tpu.memory_space<vmem>> -> memref<4096xf32, #tpu.memory_space<vmem>>
        %dma_start3A_1609 = arith.constant 0 : i32
        %dma_start3A_1610 = tpu.memref_slice %arg12[%add3A, %dma_start3A_1609] : memref<32x4096xf32, #tpu.memory_space<hbm>> -> memref<1x4096xf32, #tpu.memory_space<hbm>>
        %dma_start3A_1611 = tpu.memref_squeeze %dma_start3A_1610 : memref<1x4096xf32, #tpu.memory_space<hbm>> -> memref<4096xf32, #tpu.memory_space<hbm>>
        %dma_start3A_1612 = arith.constant 0 : i32
        %dma_start3A_1613 = tpu.memref_slice %arg12[%add3A, %dma_start3A_1612] : memref<32x4096xf32, #tpu.memory_space<hbm>> -> memref<1x4096xf32, #tpu.memory_space<hbm>>
        %dma_start3A_1614 = tpu.memref_squeeze %dma_start3A_1613 : memref<1x4096xf32, #tpu.memory_space<hbm>> -> memref<4096xf32, #tpu.memory_space<hbm>>
        %dma_start3A_1615 = arith.constant 0 : i32
        %dma_start3A_1616 = tpu.memref_slice %arg23[%dma_start3A_1605, %dma_start3A_1615] : memref<4x4096xf32, #tpu.memory_space<vmem>> -> memref<1x4096xf32, #tpu.memory_space<vmem>>
        %dma_start3A_1617 = tpu.memref_squeeze %dma_start3A_1616 : memref<1x4096xf32, #tpu.memory_space<vmem>> -> memref<4096xf32, #tpu.memory_space<vmem>>
        tpu.enqueue_dma source(%dma_start3A_1617 : memref<4096xf32, #tpu.memory_space<vmem>>) target(%dma_start3A_1614 : memref<4096xf32, #tpu.memory_space<hbm>>) target_semaphore(%arg29 : memref<!tpu.dma_semaphore, #tpu.memory_space<semaphore_mem>>)
        %dma_start3A_1618 = arith.constant 2 : i32
        %dma_start3A_1619 = arith.constant 0 : i32
        %dma_start3A_1620 = tpu.memref_slice %arg25[%dma_start3A_1618, %dma_start3A_1619] : memref<4x64xf32, #tpu.memory_space<vmem>> -> memref<1x64xf32, #tpu.memory_space<vmem>>
        %dma_start3A_1621 = tpu.memref_squeeze %dma_start3A_1620 : memref<1x64xf32, #tpu.memory_space<vmem>> -> memref<64xf32, #tpu.memory_space<vmem>>
        %dma_start3A_1622 = arith.constant 0 : i32
        %dma_start3A_1623 = tpu.memref_slice %arg11[%add3A, %dma_start3A_1622] : memref<32x64xf32, #tpu.memory_space<hbm>> -> memref<1x64xf32, #tpu.memory_space<hbm>>
        %dma_start3A_1624 = tpu.memref_squeeze %dma_start3A_1623 : memref<1x64xf32, #tpu.memory_space<hbm>> -> memref<64xf32, #tpu.memory_space<hbm>>
        %dma_start3A_1625 = arith.constant 0 : i32
        %dma_start3A_1626 = tpu.memref_slice %arg11[%add3A, %dma_start3A_1625] : memref<32x64xf32, #tpu.memory_space<hbm>> -> memref<1x64xf32, #tpu.memory_space<hbm>>
        %dma_start3A_1627 = tpu.memref_squeeze %dma_start3A_1626 : memref<1x64xf32, #tpu.memory_space<hbm>> -> memref<64xf32, #tpu.memory_space<hbm>>
        %dma_start3A_1628 = arith.constant 0 : i32
        %dma_start3A_1629 = tpu.memref_slice %arg25[%dma_start3A_1618, %dma_start3A_1628] : memref<4x64xf32, #tpu.memory_space<vmem>> -> memref<1x64xf32, #tpu.memory_space<vmem>>
        %dma_start3A_1630 = tpu.memref_squeeze %dma_start3A_1629 : memref<1x64xf32, #tpu.memory_space<vmem>> -> memref<64xf32, #tpu.memory_space<vmem>>
        tpu.enqueue_dma source(%dma_start3A_1630 : memref<64xf32, #tpu.memory_space<vmem>>) target(%dma_start3A_1627 : memref<64xf32, #tpu.memory_space<hbm>>) target_semaphore(%arg29 : memref<!tpu.dma_semaphore, #tpu.memory_space<semaphore_mem>>)
      } else {
      }
      %gt3A_1595 = arith.constant 3 : i32
      %gt3A_1596 = arith.cmpi sgt, %squeeze3A_966, %gt3A_1595 : i32
      %convert_element_type3A_1597 = arith.extui %gt3A_1596 : i1 to i32
      %cond3A_1598 = arith.constant 0 : i32
      %cond3A_1599 = arith.cmpi ne, %convert_element_type3A_1597, %cond3A_1598 : i32
      scf.if %cond3A_1599 {
        %dma_start3A_1605 = arith.constant 3 : i32
        %dma_start3A_1606 = arith.constant 0 : i32
        %dma_start3A_1607 = tpu.memref_slice %arg23[%dma_start3A_1605, %dma_start3A_1606] : memref<4x4096xf32, #tpu.memory_space<vmem>> -> memref<1x4096xf32, #tpu.memory_space<vmem>>
        %dma_start3A_1608 = tpu.memref_squeeze %dma_start3A_1607 : memref<1x4096xf32, #tpu.memory_space<vmem>> -> memref<4096xf32, #tpu.memory_space<vmem>>
        %dma_start3A_1609 = arith.constant 0 : i32
        %dma_start3A_1610 = tpu.memref_slice %arg10[%squeeze3A_1086, %dma_start3A_1609] : memref<3200x4096xf32, #tpu.memory_space<hbm>> -> memref<1x4096xf32, #tpu.memory_space<hbm>>
        %dma_start3A_1611 = tpu.memref_squeeze %dma_start3A_1610 : memref<1x4096xf32, #tpu.memory_space<hbm>> -> memref<4096xf32, #tpu.memory_space<hbm>>
        %dma_start3A_1612 = arith.constant 0 : i32
        %dma_start3A_1613 = tpu.memref_slice %arg10[%squeeze3A_1086, %dma_start3A_1612] : memref<3200x4096xf32, #tpu.memory_space<hbm>> -> memref<1x4096xf32, #tpu.memory_space<hbm>>
        %dma_start3A_1614 = tpu.memref_squeeze %dma_start3A_1613 : memref<1x4096xf32, #tpu.memory_space<hbm>> -> memref<4096xf32, #tpu.memory_space<hbm>>
        %dma_start3A_1615 = arith.constant 0 : i32
        %dma_start3A_1616 = tpu.memref_slice %arg23[%dma_start3A_1605, %dma_start3A_1615] : memref<4x4096xf32, #tpu.memory_space<vmem>> -> memref<1x4096xf32, #tpu.memory_space<vmem>>
        %dma_start3A_1617 = tpu.memref_squeeze %dma_start3A_1616 : memref<1x4096xf32, #tpu.memory_space<vmem>> -> memref<4096xf32, #tpu.memory_space<vmem>>
        tpu.enqueue_dma source(%dma_start3A_1617 : memref<4096xf32, #tpu.memory_space<vmem>>) target(%dma_start3A_1614 : memref<4096xf32, #tpu.memory_space<hbm>>) target_semaphore(%arg29 : memref<!tpu.dma_semaphore, #tpu.memory_space<semaphore_mem>>)
        %dma_start3A_1618 = arith.constant 3 : i32
        %dma_start3A_1619 = arith.constant 0 : i32
        %dma_start3A_1620 = tpu.memref_slice %arg25[%dma_start3A_1618, %dma_start3A_1619] : memref<4x64xf32, #tpu.memory_space<vmem>> -> memref<1x64xf32, #tpu.memory_space<vmem>>
        %dma_start3A_1621 = tpu.memref_squeeze %dma_start3A_1620 : memref<1x64xf32, #tpu.memory_space<vmem>> -> memref<64xf32, #tpu.memory_space<vmem>>
        %dma_start3A_1622 = arith.constant 0 : i32
        %dma_start3A_1623 = tpu.memref_slice %arg9[%squeeze3A_1086, %dma_start3A_1622] : memref<3200x64xf32, #tpu.memory_space<hbm>> -> memref<1x64xf32, #tpu.memory_space<hbm>>
        %dma_start3A_1624 = tpu.memref_squeeze %dma_start3A_1623 : memref<1x64xf32, #tpu.memory_space<hbm>> -> memref<64xf32, #tpu.memory_space<hbm>>
        %dma_start3A_1625 = arith.constant 0 : i32
        %dma_start3A_1626 = tpu.memref_slice %arg9[%squeeze3A_1086, %dma_start3A_1625] : memref<3200x64xf32, #tpu.memory_space<hbm>> -> memref<1x64xf32, #tpu.memory_space<hbm>>
        %dma_start3A_1627 = tpu.memref_squeeze %dma_start3A_1626 : memref<1x64xf32, #tpu.memory_space<hbm>> -> memref<64xf32, #tpu.memory_space<hbm>>
        %dma_start3A_1628 = arith.constant 0 : i32
        %dma_start3A_1629 = tpu.memref_slice %arg25[%dma_start3A_1618, %dma_start3A_1628] : memref<4x64xf32, #tpu.memory_space<vmem>> -> memref<1x64xf32, #tpu.memory_space<vmem>>
        %dma_start3A_1630 = tpu.memref_squeeze %dma_start3A_1629 : memref<1x64xf32, #tpu.memory_space<vmem>> -> memref<64xf32, #tpu.memory_space<vmem>>
        tpu.enqueue_dma source(%dma_start3A_1630 : memref<64xf32, #tpu.memory_space<vmem>>) target(%dma_start3A_1627 : memref<64xf32, #tpu.memory_space<hbm>>) target_semaphore(%arg29 : memref<!tpu.dma_semaphore, #tpu.memory_space<semaphore_mem>>)
      } else {
      }
      %not3A_1600 = arith.constant true
      %not3A_1601 = arith.xori %gt3A_1596, %not3A_1600 : i1
      %convert_element_type3A_1602 = arith.extui %not3A_1601 : i1 to i32
      %cond3A_1603 = arith.constant 0 : i32
      %cond3A_1604 = arith.cmpi ne, %convert_element_type3A_1602, %cond3A_1603 : i32
      scf.if %cond3A_1604 {
        %dma_start3A_1605 = arith.constant 3 : i32
        %dma_start3A_1606 = arith.constant 0 : i32
        %dma_start3A_1607 = tpu.memref_slice %arg23[%dma_start3A_1605, %dma_start3A_1606] : memref<4x4096xf32, #tpu.memory_space<vmem>> -> memref<1x4096xf32, #tpu.memory_space<vmem>>
        %dma_start3A_1608 = tpu.memref_squeeze %dma_start3A_1607 : memref<1x4096xf32, #tpu.memory_space<vmem>> -> memref<4096xf32, #tpu.memory_space<vmem>>
        %dma_start3A_1609 = arith.constant 0 : i32
        %dma_start3A_1610 = tpu.memref_slice %arg12[%add3A, %dma_start3A_1609] : memref<32x4096xf32, #tpu.memory_space<hbm>> -> memref<1x4096xf32, #tpu.memory_space<hbm>>
        %dma_start3A_1611 = tpu.memref_squeeze %dma_start3A_1610 : memref<1x4096xf32, #tpu.memory_space<hbm>> -> memref<4096xf32, #tpu.memory_space<hbm>>
        %dma_start3A_1612 = arith.constant 0 : i32
        %dma_start3A_1613 = tpu.memref_slice %arg12[%add3A, %dma_start3A_1612] : memref<32x4096xf32, #tpu.memory_space<hbm>> -> memref<1x4096xf32, #tpu.memory_space<hbm>>
        %dma_start3A_1614 = tpu.memref_squeeze %dma_start3A_1613 : memref<1x4096xf32, #tpu.memory_space<hbm>> -> memref<4096xf32, #tpu.memory_space<hbm>>
        %dma_start3A_1615 = arith.constant 0 : i32
        %dma_start3A_1616 = tpu.memref_slice %arg23[%dma_start3A_1605, %dma_start3A_1615] : memref<4x4096xf32, #tpu.memory_space<vmem>> -> memref<1x4096xf32, #tpu.memory_space<vmem>>
        %dma_start3A_1617 = tpu.memref_squeeze %dma_start3A_1616 : memref<1x4096xf32, #tpu.memory_space<vmem>> -> memref<4096xf32, #tpu.memory_space<vmem>>
        tpu.enqueue_dma source(%dma_start3A_1617 : memref<4096xf32, #tpu.memory_space<vmem>>) target(%dma_start3A_1614 : memref<4096xf32, #tpu.memory_space<hbm>>) target_semaphore(%arg29 : memref<!tpu.dma_semaphore, #tpu.memory_space<semaphore_mem>>)
        %dma_start3A_1618 = arith.constant 3 : i32
        %dma_start3A_1619 = arith.constant 0 : i32
        %dma_start3A_1620 = tpu.memref_slice %arg25[%dma_start3A_1618, %dma_start3A_1619] : memref<4x64xf32, #tpu.memory_space<vmem>> -> memref<1x64xf32, #tpu.memory_space<vmem>>
        %dma_start3A_1621 = tpu.memref_squeeze %dma_start3A_1620 : memref<1x64xf32, #tpu.memory_space<vmem>> -> memref<64xf32, #tpu.memory_space<vmem>>
        %dma_start3A_1622 = arith.constant 0 : i32
        %dma_start3A_1623 = tpu.memref_slice %arg11[%add3A, %dma_start3A_1622] : memref<32x64xf32, #tpu.memory_space<hbm>> -> memref<1x64xf32, #tpu.memory_space<hbm>>
        %dma_start3A_1624 = tpu.memref_squeeze %dma_start3A_1623 : memref<1x64xf32, #tpu.memory_space<hbm>> -> memref<64xf32, #tpu.memory_space<hbm>>
        %dma_start3A_1625 = arith.constant 0 : i32
        %dma_start3A_1626 = tpu.memref_slice %arg11[%add3A, %dma_start3A_1625] : memref<32x64xf32, #tpu.memory_space<hbm>> -> memref<1x64xf32, #tpu.memory_space<hbm>>
        %dma_start3A_1627 = tpu.memref_squeeze %dma_start3A_1626 : memref<1x64xf32, #tpu.memory_space<hbm>> -> memref<64xf32, #tpu.memory_space<hbm>>
        %dma_start3A_1628 = arith.constant 0 : i32
        %dma_start3A_1629 = tpu.memref_slice %arg25[%dma_start3A_1618, %dma_start3A_1628] : memref<4x64xf32, #tpu.memory_space<vmem>> -> memref<1x64xf32, #tpu.memory_space<vmem>>
        %dma_start3A_1630 = tpu.memref_squeeze %dma_start3A_1629 : memref<1x64xf32, #tpu.memory_space<vmem>> -> memref<64xf32, #tpu.memory_space<vmem>>
        tpu.enqueue_dma source(%dma_start3A_1630 : memref<64xf32, #tpu.memory_space<vmem>>) target(%dma_start3A_1627 : memref<64xf32, #tpu.memory_space<hbm>>) target_semaphore(%arg29 : memref<!tpu.dma_semaphore, #tpu.memory_space<semaphore_mem>>)
      } else {
      }
    }
    %scan3A_38 = arith.constant 14 : i32
    %dma_wait3A = arith.constant 0 : i32
    %dma_wait3A_39 = arith.constant 0 : i32
    %dma_wait3A_40 = tpu.memref_slice %arg17[%dma_wait3A, %dma_wait3A_39] : memref<28x8xi32, #tpu.memory_space<vmem>> -> memref<1x8xi32, #tpu.memory_space<vmem>>
    %dma_wait3A_41 = tpu.memref_squeeze %dma_wait3A_40 : memref<1x8xi32, #tpu.memory_space<vmem>> -> memref<8xi32, #tpu.memory_space<vmem>>
    %dma_wait3A_42 = arith.constant 0 : i32
    %dma_wait3A_43 = arith.constant 0 : i32
    %dma_wait3A_44 = tpu.memref_slice %arg8[%dma_wait3A_42, %dma_wait3A_43] : memref<800x4096xf32, #tpu.memory_space<hbm>> -> memref<800x4096xf32, #tpu.memory_space<hbm>>
    tpu.wait_indirect_dma semaphore(%arg26 : memref<!tpu.dma_semaphore, #tpu.memory_space<semaphore_mem>>) src(%dma_wait3A_44 : memref<800x4096xf32, #tpu.memory_space<hbm>>) dst(%arg18 : memref<8x4096xf32, #tpu.memory_space<vmem>>)
    %dma_wait3A_45 = arith.constant 0 : i32
    %dma_wait3A_46 = arith.constant 0 : i32
    %dma_wait3A_47 = tpu.memref_slice %arg17[%dma_wait3A_45, %dma_wait3A_46] : memref<28x8xi32, #tpu.memory_space<vmem>> -> memref<1x8xi32, #tpu.memory_space<vmem>>
    %dma_wait3A_48 = tpu.memref_squeeze %dma_wait3A_47 : memref<1x8xi32, #tpu.memory_space<vmem>> -> memref<8xi32, #tpu.memory_space<vmem>>
    %dma_wait3A_49 = arith.constant 0 : i32
    %dma_wait3A_50 = arith.constant 0 : i32
    %dma_wait3A_51 = tpu.memref_slice %arg7[%dma_wait3A_49, %dma_wait3A_50] : memref<800x64xf32, #tpu.memory_space<hbm>> -> memref<800x64xf32, #tpu.memory_space<hbm>>
    tpu.wait_indirect_dma semaphore(%arg26 : memref<!tpu.dma_semaphore, #tpu.memory_space<semaphore_mem>>) src(%dma_wait3A_51 : memref<800x64xf32, #tpu.memory_space<hbm>>) dst(%arg20 : memref<8x64xf32, #tpu.memory_space<vmem>>)
    %dma_wait3A_52 = arith.constant 0 : i32
    %dma_wait3A_53 = arith.constant 0 : i32
    %dma_wait3A_54 = arith.constant 0 : i32
    %dma_wait3A_55 = tpu.memref_slice %arg22[%dma_wait3A_52, %dma_wait3A_54] : memref<4x4096xf32, #tpu.memory_space<vmem>> -> memref<1x4096xf32, #tpu.memory_space<vmem>>
    %dma_wait3A_56 = tpu.memref_squeeze %dma_wait3A_55 : memref<1x4096xf32, #tpu.memory_space<vmem>> -> memref<4096xf32, #tpu.memory_space<vmem>>
    %dma_wait3A_57 = arith.constant 0 : i32
    %dma_wait3A_58 = tpu.memref_slice %arg10[%dma_wait3A_53, %dma_wait3A_57] : memref<3200x4096xf32, #tpu.memory_space<hbm>> -> memref<1x4096xf32, #tpu.memory_space<hbm>>
    %dma_wait3A_59 = tpu.memref_squeeze %dma_wait3A_58 : memref<1x4096xf32, #tpu.memory_space<hbm>> -> memref<4096xf32, #tpu.memory_space<hbm>>
    %dma_wait3A_60 = arith.constant 0 : i32
    %dma_wait3A_61 = tpu.memref_slice %arg10[%dma_wait3A_53, %dma_wait3A_60] : memref<3200x4096xf32, #tpu.memory_space<hbm>> -> memref<1x4096xf32, #tpu.memory_space<hbm>>
    %dma_wait3A_62 = tpu.memref_squeeze %dma_wait3A_61 : memref<1x4096xf32, #tpu.memory_space<hbm>> -> memref<4096xf32, #tpu.memory_space<hbm>>
    %dma_wait3A_63 = arith.constant 0 : i32
    %dma_wait3A_64 = tpu.memref_slice %arg22[%dma_wait3A_52, %dma_wait3A_63] : memref<4x4096xf32, #tpu.memory_space<vmem>> -> memref<1x4096xf32, #tpu.memory_space<vmem>>
    %dma_wait3A_65 = tpu.memref_squeeze %dma_wait3A_64 : memref<1x4096xf32, #tpu.memory_space<vmem>> -> memref<4096xf32, #tpu.memory_space<vmem>>
    tpu.wait_dma2 semaphore(%arg28 : memref<!tpu.dma_semaphore, #tpu.memory_space<semaphore_mem>>) src(%dma_wait3A_65 : memref<4096xf32, #tpu.memory_space<vmem>>) dst(%dma_wait3A_62 : memref<4096xf32, #tpu.memory_space<hbm>>)
    %dma_wait3A_66 = arith.constant 0 : i32
    %dma_wait3A_67 = arith.constant 0 : i32
    %dma_wait3A_68 = arith.constant 0 : i32
    %dma_wait3A_69 = tpu.memref_slice %arg24[%dma_wait3A_66, %dma_wait3A_68] : memref<4x64xf32, #tpu.memory_space<vmem>> -> memref<1x64xf32, #tpu.memory_space<vmem>>
    %dma_wait3A_70 = tpu.memref_squeeze %dma_wait3A_69 : memref<1x64xf32, #tpu.memory_space<vmem>> -> memref<64xf32, #tpu.memory_space<vmem>>
    %dma_wait3A_71 = arith.constant 0 : i32
    %dma_wait3A_72 = tpu.memref_slice %arg9[%dma_wait3A_67, %dma_wait3A_71] : memref<3200x64xf32, #tpu.memory_space<hbm>> -> memref<1x64xf32, #tpu.memory_space<hbm>>
    %dma_wait3A_73 = tpu.memref_squeeze %dma_wait3A_72 : memref<1x64xf32, #tpu.memory_space<hbm>> -> memref<64xf32, #tpu.memory_space<hbm>>
    %dma_wait3A_74 = arith.constant 0 : i32
    %dma_wait3A_75 = tpu.memref_slice %arg9[%dma_wait3A_67, %dma_wait3A_74] : memref<3200x64xf32, #tpu.memory_space<hbm>> -> memref<1x64xf32, #tpu.memory_space<hbm>>
    %dma_wait3A_76 = tpu.memref_squeeze %dma_wait3A_75 : memref<1x64xf32, #tpu.memory_space<hbm>> -> memref<64xf32, #tpu.memory_space<hbm>>
    %dma_wait3A_77 = arith.constant 0 : i32
    %dma_wait3A_78 = tpu.memref_slice %arg24[%dma_wait3A_66, %dma_wait3A_77] : memref<4x64xf32, #tpu.memory_space<vmem>> -> memref<1x64xf32, #tpu.memory_space<vmem>>
    %dma_wait3A_79 = tpu.memref_squeeze %dma_wait3A_78 : memref<1x64xf32, #tpu.memory_space<vmem>> -> memref<64xf32, #tpu.memory_space<vmem>>
    tpu.wait_dma2 semaphore(%arg28 : memref<!tpu.dma_semaphore, #tpu.memory_space<semaphore_mem>>) src(%dma_wait3A_79 : memref<64xf32, #tpu.memory_space<vmem>>) dst(%dma_wait3A_76 : memref<64xf32, #tpu.memory_space<hbm>>)
    %dma_wait3A_80 = arith.constant 1 : i32
    %dma_wait3A_81 = arith.constant 0 : i32
    %dma_wait3A_82 = arith.constant 0 : i32
    %dma_wait3A_83 = tpu.memref_slice %arg22[%dma_wait3A_80, %dma_wait3A_82] : memref<4x4096xf32, #tpu.memory_space<vmem>> -> memref<1x4096xf32, #tpu.memory_space<vmem>>
    %dma_wait3A_84 = tpu.memref_squeeze %dma_wait3A_83 : memref<1x4096xf32, #tpu.memory_space<vmem>> -> memref<4096xf32, #tpu.memory_space<vmem>>
    %dma_wait3A_85 = arith.constant 0 : i32
    %dma_wait3A_86 = tpu.memref_slice %arg10[%dma_wait3A_81, %dma_wait3A_85] : memref<3200x4096xf32, #tpu.memory_space<hbm>> -> memref<1x4096xf32, #tpu.memory_space<hbm>>
    %dma_wait3A_87 = tpu.memref_squeeze %dma_wait3A_86 : memref<1x4096xf32, #tpu.memory_space<hbm>> -> memref<4096xf32, #tpu.memory_space<hbm>>
    %dma_wait3A_88 = arith.constant 0 : i32
    %dma_wait3A_89 = tpu.memref_slice %arg10[%dma_wait3A_81, %dma_wait3A_88] : memref<3200x4096xf32, #tpu.memory_space<hbm>> -> memref<1x4096xf32, #tpu.memory_space<hbm>>
    %dma_wait3A_90 = tpu.memref_squeeze %dma_wait3A_89 : memref<1x4096xf32, #tpu.memory_space<hbm>> -> memref<4096xf32, #tpu.memory_space<hbm>>
    %dma_wait3A_91 = arith.constant 0 : i32
    %dma_wait3A_92 = tpu.memref_slice %arg22[%dma_wait3A_80, %dma_wait3A_91] : memref<4x4096xf32, #tpu.memory_space<vmem>> -> memref<1x4096xf32, #tpu.memory_space<vmem>>
    %dma_wait3A_93 = tpu.memref_squeeze %dma_wait3A_92 : memref<1x4096xf32, #tpu.memory_space<vmem>> -> memref<4096xf32, #tpu.memory_space<vmem>>
    tpu.wait_dma2 semaphore(%arg28 : memref<!tpu.dma_semaphore, #tpu.memory_space<semaphore_mem>>) src(%dma_wait3A_93 : memref<4096xf32, #tpu.memory_space<vmem>>) dst(%dma_wait3A_90 : memref<4096xf32, #tpu.memory_space<hbm>>)
    %dma_wait3A_94 = arith.constant 1 : i32
    %dma_wait3A_95 = arith.constant 0 : i32
    %dma_wait3A_96 = arith.constant 0 : i32
    %dma_wait3A_97 = tpu.memref_slice %arg24[%dma_wait3A_94, %dma_wait3A_96] : memref<4x64xf32, #tpu.memory_space<vmem>> -> memref<1x64xf32, #tpu.memory_space<vmem>>
    %dma_wait3A_98 = tpu.memref_squeeze %dma_wait3A_97 : memref<1x64xf32, #tpu.memory_space<vmem>> -> memref<64xf32, #tpu.memory_space<vmem>>
    %dma_wait3A_99 = arith.constant 0 : i32
    %dma_wait3A_100 = tpu.memref_slice %arg9[%dma_wait3A_95, %dma_wait3A_99] : memref<3200x64xf32, #tpu.memory_space<hbm>> -> memref<1x64xf32, #tpu.memory_space<hbm>>
    %dma_wait3A_101 = tpu.memref_squeeze %dma_wait3A_100 : memref<1x64xf32, #tpu.memory_space<hbm>> -> memref<64xf32, #tpu.memory_space<hbm>>
    %dma_wait3A_102 = arith.constant 0 : i32
    %dma_wait3A_103 = tpu.memref_slice %arg9[%dma_wait3A_95, %dma_wait3A_102] : memref<3200x64xf32, #tpu.memory_space<hbm>> -> memref<1x64xf32, #tpu.memory_space<hbm>>
    %dma_wait3A_104 = tpu.memref_squeeze %dma_wait3A_103 : memref<1x64xf32, #tpu.memory_space<hbm>> -> memref<64xf32, #tpu.memory_space<hbm>>
    %dma_wait3A_105 = arith.constant 0 : i32
    %dma_wait3A_106 = tpu.memref_slice %arg24[%dma_wait3A_94, %dma_wait3A_105] : memref<4x64xf32, #tpu.memory_space<vmem>> -> memref<1x64xf32, #tpu.memory_space<vmem>>
    %dma_wait3A_107 = tpu.memref_squeeze %dma_wait3A_106 : memref<1x64xf32, #tpu.memory_space<vmem>> -> memref<64xf32, #tpu.memory_space<vmem>>
    tpu.wait_dma2 semaphore(%arg28 : memref<!tpu.dma_semaphore, #tpu.memory_space<semaphore_mem>>) src(%dma_wait3A_107 : memref<64xf32, #tpu.memory_space<vmem>>) dst(%dma_wait3A_104 : memref<64xf32, #tpu.memory_space<hbm>>)
    %dma_wait3A_108 = arith.constant 2 : i32
    %dma_wait3A_109 = arith.constant 0 : i32
    %dma_wait3A_110 = arith.constant 0 : i32
    %dma_wait3A_111 = tpu.memref_slice %arg22[%dma_wait3A_108, %dma_wait3A_110] : memref<4x4096xf32, #tpu.memory_space<vmem>> -> memref<1x4096xf32, #tpu.memory_space<vmem>>
    %dma_wait3A_112 = tpu.memref_squeeze %dma_wait3A_111 : memref<1x4096xf32, #tpu.memory_space<vmem>> -> memref<4096xf32, #tpu.memory_space<vmem>>
    %dma_wait3A_113 = arith.constant 0 : i32
    %dma_wait3A_114 = tpu.memref_slice %arg10[%dma_wait3A_109, %dma_wait3A_113] : memref<3200x4096xf32, #tpu.memory_space<hbm>> -> memref<1x4096xf32, #tpu.memory_space<hbm>>
    %dma_wait3A_115 = tpu.memref_squeeze %dma_wait3A_114 : memref<1x4096xf32, #tpu.memory_space<hbm>> -> memref<4096xf32, #tpu.memory_space<hbm>>
    %dma_wait3A_116 = arith.constant 0 : i32
    %dma_wait3A_117 = tpu.memref_slice %arg10[%dma_wait3A_109, %dma_wait3A_116] : memref<3200x4096xf32, #tpu.memory_space<hbm>> -> memref<1x4096xf32, #tpu.memory_space<hbm>>
    %dma_wait3A_118 = tpu.memref_squeeze %dma_wait3A_117 : memref<1x4096xf32, #tpu.memory_space<hbm>> -> memref<4096xf32, #tpu.memory_space<hbm>>
    %dma_wait3A_119 = arith.constant 0 : i32
    %dma_wait3A_120 = tpu.memref_slice %arg22[%dma_wait3A_108, %dma_wait3A_119] : memref<4x4096xf32, #tpu.memory_space<vmem>> -> memref<1x4096xf32, #tpu.memory_space<vmem>>
    %dma_wait3A_121 = tpu.memref_squeeze %dma_wait3A_120 : memref<1x4096xf32, #tpu.memory_space<vmem>> -> memref<4096xf32, #tpu.memory_space<vmem>>
    tpu.wait_dma2 semaphore(%arg28 : memref<!tpu.dma_semaphore, #tpu.memory_space<semaphore_mem>>) src(%dma_wait3A_121 : memref<4096xf32, #tpu.memory_space<vmem>>) dst(%dma_wait3A_118 : memref<4096xf32, #tpu.memory_space<hbm>>)
    %dma_wait3A_122 = arith.constant 2 : i32
    %dma_wait3A_123 = arith.constant 0 : i32
    %dma_wait3A_124 = arith.constant 0 : i32
    %dma_wait3A_125 = tpu.memref_slice %arg24[%dma_wait3A_122, %dma_wait3A_124] : memref<4x64xf32, #tpu.memory_space<vmem>> -> memref<1x64xf32, #tpu.memory_space<vmem>>
    %dma_wait3A_126 = tpu.memref_squeeze %dma_wait3A_125 : memref<1x64xf32, #tpu.memory_space<vmem>> -> memref<64xf32, #tpu.memory_space<vmem>>
    %dma_wait3A_127 = arith.constant 0 : i32
    %dma_wait3A_128 = tpu.memref_slice %arg9[%dma_wait3A_123, %dma_wait3A_127] : memref<3200x64xf32, #tpu.memory_space<hbm>> -> memref<1x64xf32, #tpu.memory_space<hbm>>
    %dma_wait3A_129 = tpu.memref_squeeze %dma_wait3A_128 : memref<1x64xf32, #tpu.memory_space<hbm>> -> memref<64xf32, #tpu.memory_space<hbm>>
    %dma_wait3A_130 = arith.constant 0 : i32
    %dma_wait3A_131 = tpu.memref_slice %arg9[%dma_wait3A_123, %dma_wait3A_130] : memref<3200x64xf32, #tpu.memory_space<hbm>> -> memref<1x64xf32, #tpu.memory_space<hbm>>
    %dma_wait3A_132 = tpu.memref_squeeze %dma_wait3A_131 : memref<1x64xf32, #tpu.memory_space<hbm>> -> memref<64xf32, #tpu.memory_space<hbm>>
    %dma_wait3A_133 = arith.constant 0 : i32
    %dma_wait3A_134 = tpu.memref_slice %arg24[%dma_wait3A_122, %dma_wait3A_133] : memref<4x64xf32, #tpu.memory_space<vmem>> -> memref<1x64xf32, #tpu.memory_space<vmem>>
    %dma_wait3A_135 = tpu.memref_squeeze %dma_wait3A_134 : memref<1x64xf32, #tpu.memory_space<vmem>> -> memref<64xf32, #tpu.memory_space<vmem>>
    tpu.wait_dma2 semaphore(%arg28 : memref<!tpu.dma_semaphore, #tpu.memory_space<semaphore_mem>>) src(%dma_wait3A_135 : memref<64xf32, #tpu.memory_space<vmem>>) dst(%dma_wait3A_132 : memref<64xf32, #tpu.memory_space<hbm>>)
    %dma_wait3A_136 = arith.constant 3 : i32
    %dma_wait3A_137 = arith.constant 0 : i32
    %dma_wait3A_138 = arith.constant 0 : i32
    %dma_wait3A_139 = tpu.memref_slice %arg22[%dma_wait3A_136, %dma_wait3A_138] : memref<4x4096xf32, #tpu.memory_space<vmem>> -> memref<1x4096xf32, #tpu.memory_space<vmem>>
    %dma_wait3A_140 = tpu.memref_squeeze %dma_wait3A_139 : memref<1x4096xf32, #tpu.memory_space<vmem>> -> memref<4096xf32, #tpu.memory_space<vmem>>
    %dma_wait3A_141 = arith.constant 0 : i32
    %dma_wait3A_142 = tpu.memref_slice %arg10[%dma_wait3A_137, %dma_wait3A_141] : memref<3200x4096xf32, #tpu.memory_space<hbm>> -> memref<1x4096xf32, #tpu.memory_space<hbm>>
    %dma_wait3A_143 = tpu.memref_squeeze %dma_wait3A_142 : memref<1x4096xf32, #tpu.memory_space<hbm>> -> memref<4096xf32, #tpu.memory_space<hbm>>
    %dma_wait3A_144 = arith.constant 0 : i32
    %dma_wait3A_145 = tpu.memref_slice %arg10[%dma_wait3A_137, %dma_wait3A_144] : memref<3200x4096xf32, #tpu.memory_space<hbm>> -> memref<1x4096xf32, #tpu.memory_space<hbm>>
    %dma_wait3A_146 = tpu.memref_squeeze %dma_wait3A_145 : memref<1x4096xf32, #tpu.memory_space<hbm>> -> memref<4096xf32, #tpu.memory_space<hbm>>
    %dma_wait3A_147 = arith.constant 0 : i32
    %dma_wait3A_148 = tpu.memref_slice %arg22[%dma_wait3A_136, %dma_wait3A_147] : memref<4x4096xf32, #tpu.memory_space<vmem>> -> memref<1x4096xf32, #tpu.memory_space<vmem>>
    %dma_wait3A_149 = tpu.memref_squeeze %dma_wait3A_148 : memref<1x4096xf32, #tpu.memory_space<vmem>> -> memref<4096xf32, #tpu.memory_space<vmem>>
    tpu.wait_dma2 semaphore(%arg28 : memref<!tpu.dma_semaphore, #tpu.memory_space<semaphore_mem>>) src(%dma_wait3A_149 : memref<4096xf32, #tpu.memory_space<vmem>>) dst(%dma_wait3A_146 : memref<4096xf32, #tpu.memory_space<hbm>>)
    %dma_wait3A_150 = arith.constant 3 : i32
    %dma_wait3A_151 = arith.constant 0 : i32
    %dma_wait3A_152 = arith.constant 0 : i32
    %dma_wait3A_153 = tpu.memref_slice %arg24[%dma_wait3A_150, %dma_wait3A_152] : memref<4x64xf32, #tpu.memory_space<vmem>> -> memref<1x64xf32, #tpu.memory_space<vmem>>
    %dma_wait3A_154 = tpu.memref_squeeze %dma_wait3A_153 : memref<1x64xf32, #tpu.memory_space<vmem>> -> memref<64xf32, #tpu.memory_space<vmem>>
    %dma_wait3A_155 = arith.constant 0 : i32
    %dma_wait3A_156 = tpu.memref_slice %arg9[%dma_wait3A_151, %dma_wait3A_155] : memref<3200x64xf32, #tpu.memory_space<hbm>> -> memref<1x64xf32, #tpu.memory_space<hbm>>
    %dma_wait3A_157 = tpu.memref_squeeze %dma_wait3A_156 : memref<1x64xf32, #tpu.memory_space<hbm>> -> memref<64xf32, #tpu.memory_space<hbm>>
    %dma_wait3A_158 = arith.constant 0 : i32
    %dma_wait3A_159 = tpu.memref_slice %arg9[%dma_wait3A_151, %dma_wait3A_158] : memref<3200x64xf32, #tpu.memory_space<hbm>> -> memref<1x64xf32, #tpu.memory_space<hbm>>
    %dma_wait3A_160 = tpu.memref_squeeze %dma_wait3A_159 : memref<1x64xf32, #tpu.memory_space<hbm>> -> memref<64xf32, #tpu.memory_space<hbm>>
    %dma_wait3A_161 = arith.constant 0 : i32
    %dma_wait3A_162 = tpu.memref_slice %arg24[%dma_wait3A_150, %dma_wait3A_161] : memref<4x64xf32, #tpu.memory_space<vmem>> -> memref<1x64xf32, #tpu.memory_space<vmem>>
    %dma_wait3A_163 = tpu.memref_squeeze %dma_wait3A_162 : memref<1x64xf32, #tpu.memory_space<vmem>> -> memref<64xf32, #tpu.memory_space<vmem>>
    tpu.wait_dma2 semaphore(%arg28 : memref<!tpu.dma_semaphore, #tpu.memory_space<semaphore_mem>>) src(%dma_wait3A_163 : memref<64xf32, #tpu.memory_space<vmem>>) dst(%dma_wait3A_160 : memref<64xf32, #tpu.memory_space<hbm>>)
    %dma_wait3A_164 = arith.constant 0 : i32
    %dma_wait3A_165 = arith.constant 0 : i32
    %dma_wait3A_166 = tpu.memref_slice %arg17[%dma_wait3A_164, %dma_wait3A_165] : memref<28x8xi32, #tpu.memory_space<vmem>> -> memref<1x8xi32, #tpu.memory_space<vmem>>
    %dma_wait3A_167 = tpu.memref_squeeze %dma_wait3A_166 : memref<1x8xi32, #tpu.memory_space<vmem>> -> memref<8xi32, #tpu.memory_space<vmem>>
    %dma_wait3A_168 = arith.constant 0 : i32
    %dma_wait3A_169 = arith.constant 0 : i32
    %dma_wait3A_170 = tpu.memref_slice %arg8[%dma_wait3A_168, %dma_wait3A_169] : memref<800x4096xf32, #tpu.memory_space<hbm>> -> memref<800x4096xf32, #tpu.memory_space<hbm>>
    tpu.wait_indirect_dma semaphore(%arg27 : memref<!tpu.dma_semaphore, #tpu.memory_space<semaphore_mem>>) src(%dma_wait3A_170 : memref<800x4096xf32, #tpu.memory_space<hbm>>) dst(%arg19 : memref<8x4096xf32, #tpu.memory_space<vmem>>)
    %dma_wait3A_171 = arith.constant 0 : i32
    %dma_wait3A_172 = arith.constant 0 : i32
    %dma_wait3A_173 = tpu.memref_slice %arg17[%dma_wait3A_171, %dma_wait3A_172] : memref<28x8xi32, #tpu.memory_space<vmem>> -> memref<1x8xi32, #tpu.memory_space<vmem>>
    %dma_wait3A_174 = tpu.memref_squeeze %dma_wait3A_173 : memref<1x8xi32, #tpu.memory_space<vmem>> -> memref<8xi32, #tpu.memory_space<vmem>>
    %dma_wait3A_175 = arith.constant 0 : i32
    %dma_wait3A_176 = arith.constant 0 : i32
    %dma_wait3A_177 = tpu.memref_slice %arg7[%dma_wait3A_175, %dma_wait3A_176] : memref<800x64xf32, #tpu.memory_space<hbm>> -> memref<800x64xf32, #tpu.memory_space<hbm>>
    tpu.wait_indirect_dma semaphore(%arg27 : memref<!tpu.dma_semaphore, #tpu.memory_space<semaphore_mem>>) src(%dma_wait3A_177 : memref<800x64xf32, #tpu.memory_space<hbm>>) dst(%arg21 : memref<8x64xf32, #tpu.memory_space<vmem>>)
    %dma_wait3A_178 = arith.constant 0 : i32
    %dma_wait3A_179 = arith.constant 0 : i32
    %dma_wait3A_180 = arith.constant 0 : i32
    %dma_wait3A_181 = tpu.memref_slice %arg23[%dma_wait3A_178, %dma_wait3A_180] : memref<4x4096xf32, #tpu.memory_space<vmem>> -> memref<1x4096xf32, #tpu.memory_space<vmem>>
    %dma_wait3A_182 = tpu.memref_squeeze %dma_wait3A_181 : memref<1x4096xf32, #tpu.memory_space<vmem>> -> memref<4096xf32, #tpu.memory_space<vmem>>
    %dma_wait3A_183 = arith.constant 0 : i32
    %dma_wait3A_184 = tpu.memref_slice %arg10[%dma_wait3A_179, %dma_wait3A_183] : memref<3200x4096xf32, #tpu.memory_space<hbm>> -> memref<1x4096xf32, #tpu.memory_space<hbm>>
    %dma_wait3A_185 = tpu.memref_squeeze %dma_wait3A_184 : memref<1x4096xf32, #tpu.memory_space<hbm>> -> memref<4096xf32, #tpu.memory_space<hbm>>
    %dma_wait3A_186 = arith.constant 0 : i32
    %dma_wait3A_187 = tpu.memref_slice %arg10[%dma_wait3A_179, %dma_wait3A_186] : memref<3200x4096xf32, #tpu.memory_space<hbm>> -> memref<1x4096xf32, #tpu.memory_space<hbm>>
    %dma_wait3A_188 = tpu.memref_squeeze %dma_wait3A_187 : memref<1x4096xf32, #tpu.memory_space<hbm>> -> memref<4096xf32, #tpu.memory_space<hbm>>
    %dma_wait3A_189 = arith.constant 0 : i32
    %dma_wait3A_190 = tpu.memref_slice %arg23[%dma_wait3A_178, %dma_wait3A_189] : memref<4x4096xf32, #tpu.memory_space<vmem>> -> memref<1x4096xf32, #tpu.memory_space<vmem>>
    %dma_wait3A_191 = tpu.memref_squeeze %dma_wait3A_190 : memref<1x4096xf32, #tpu.memory_space<vmem>> -> memref<4096xf32, #tpu.memory_space<vmem>>
    tpu.wait_dma2 semaphore(%arg29 : memref<!tpu.dma_semaphore, #tpu.memory_space<semaphore_mem>>) src(%dma_wait3A_191 : memref<4096xf32, #tpu.memory_space<vmem>>) dst(%dma_wait3A_188 : memref<4096xf32, #tpu.memory_space<hbm>>)
    %dma_wait3A_192 = arith.constant 0 : i32
    %dma_wait3A_193 = arith.constant 0 : i32
    %dma_wait3A_194 = arith.constant 0 : i32
    %dma_wait3A_195 = tpu.memref_slice %arg25[%dma_wait3A_192, %dma_wait3A_194] : memref<4x64xf32, #tpu.memory_space<vmem>> -> memref<1x64xf32, #tpu.memory_space<vmem>>
    %dma_wait3A_196 = tpu.memref_squeeze %dma_wait3A_195 : memref<1x64xf32, #tpu.memory_space<vmem>> -> memref<64xf32, #tpu.memory_space<vmem>>
    %dma_wait3A_197 = arith.constant 0 : i32
    %dma_wait3A_198 = tpu.memref_slice %arg9[%dma_wait3A_193, %dma_wait3A_197] : memref<3200x64xf32, #tpu.memory_space<hbm>> -> memref<1x64xf32, #tpu.memory_space<hbm>>
    %dma_wait3A_199 = tpu.memref_squeeze %dma_wait3A_198 : memref<1x64xf32, #tpu.memory_space<hbm>> -> memref<64xf32, #tpu.memory_space<hbm>>
    %dma_wait3A_200 = arith.constant 0 : i32
    %dma_wait3A_201 = tpu.memref_slice %arg9[%dma_wait3A_193, %dma_wait3A_200] : memref<3200x64xf32, #tpu.memory_space<hbm>> -> memref<1x64xf32, #tpu.memory_space<hbm>>
    %dma_wait3A_202 = tpu.memref_squeeze %dma_wait3A_201 : memref<1x64xf32, #tpu.memory_space<hbm>> -> memref<64xf32, #tpu.memory_space<hbm>>
    %dma_wait3A_203 = arith.constant 0 : i32
    %dma_wait3A_204 = tpu.memref_slice %arg25[%dma_wait3A_192, %dma_wait3A_203] : memref<4x64xf32, #tpu.memory_space<vmem>> -> memref<1x64xf32, #tpu.memory_space<vmem>>
    %dma_wait3A_205 = tpu.memref_squeeze %dma_wait3A_204 : memref<1x64xf32, #tpu.memory_space<vmem>> -> memref<64xf32, #tpu.memory_space<vmem>>
    tpu.wait_dma2 semaphore(%arg29 : memref<!tpu.dma_semaphore, #tpu.memory_space<semaphore_mem>>) src(%dma_wait3A_205 : memref<64xf32, #tpu.memory_space<vmem>>) dst(%dma_wait3A_202 : memref<64xf32, #tpu.memory_space<hbm>>)
    %dma_wait3A_206 = arith.constant 1 : i32
    %dma_wait3A_207 = arith.constant 0 : i32
    %dma_wait3A_208 = arith.constant 0 : i32
    %dma_wait3A_209 = tpu.memref_slice %arg23[%dma_wait3A_206, %dma_wait3A_208] : memref<4x4096xf32, #tpu.memory_space<vmem>> -> memref<1x4096xf32, #tpu.memory_space<vmem>>
    %dma_wait3A_210 = tpu.memref_squeeze %dma_wait3A_209 : memref<1x4096xf32, #tpu.memory_space<vmem>> -> memref<4096xf32, #tpu.memory_space<vmem>>
    %dma_wait3A_211 = arith.constant 0 : i32
    %dma_wait3A_212 = tpu.memref_slice %arg10[%dma_wait3A_207, %dma_wait3A_211] : memref<3200x4096xf32, #tpu.memory_space<hbm>> -> memref<1x4096xf32, #tpu.memory_space<hbm>>
    %dma_wait3A_213 = tpu.memref_squeeze %dma_wait3A_212 : memref<1x4096xf32, #tpu.memory_space<hbm>> -> memref<4096xf32, #tpu.memory_space<hbm>>
    %dma_wait3A_214 = arith.constant 0 : i32
    %dma_wait3A_215 = tpu.memref_slice %arg10[%dma_wait3A_207, %dma_wait3A_214] : memref<3200x4096xf32, #tpu.memory_space<hbm>> -> memref<1x4096xf32, #tpu.memory_space<hbm>>
    %dma_wait3A_216 = tpu.memref_squeeze %dma_wait3A_215 : memref<1x4096xf32, #tpu.memory_space<hbm>> -> memref<4096xf32, #tpu.memory_space<hbm>>
    %dma_wait3A_217 = arith.constant 0 : i32
    %dma_wait3A_218 = tpu.memref_slice %arg23[%dma_wait3A_206, %dma_wait3A_217] : memref<4x4096xf32, #tpu.memory_space<vmem>> -> memref<1x4096xf32, #tpu.memory_space<vmem>>
    %dma_wait3A_219 = tpu.memref_squeeze %dma_wait3A_218 : memref<1x4096xf32, #tpu.memory_space<vmem>> -> memref<4096xf32, #tpu.memory_space<vmem>>
    tpu.wait_dma2 semaphore(%arg29 : memref<!tpu.dma_semaphore, #tpu.memory_space<semaphore_mem>>) src(%dma_wait3A_219 : memref<4096xf32, #tpu.memory_space<vmem>>) dst(%dma_wait3A_216 : memref<4096xf32, #tpu.memory_space<hbm>>)
    %dma_wait3A_220 = arith.constant 1 : i32
    %dma_wait3A_221 = arith.constant 0 : i32
    %dma_wait3A_222 = arith.constant 0 : i32
    %dma_wait3A_223 = tpu.memref_slice %arg25[%dma_wait3A_220, %dma_wait3A_222] : memref<4x64xf32, #tpu.memory_space<vmem>> -> memref<1x64xf32, #tpu.memory_space<vmem>>
    %dma_wait3A_224 = tpu.memref_squeeze %dma_wait3A_223 : memref<1x64xf32, #tpu.memory_space<vmem>> -> memref<64xf32, #tpu.memory_space<vmem>>
    %dma_wait3A_225 = arith.constant 0 : i32
    %dma_wait3A_226 = tpu.memref_slice %arg9[%dma_wait3A_221, %dma_wait3A_225] : memref<3200x64xf32, #tpu.memory_space<hbm>> -> memref<1x64xf32, #tpu.memory_space<hbm>>
    %dma_wait3A_227 = tpu.memref_squeeze %dma_wait3A_226 : memref<1x64xf32, #tpu.memory_space<hbm>> -> memref<64xf32, #tpu.memory_space<hbm>>
    %dma_wait3A_228 = arith.constant 0 : i32
    %dma_wait3A_229 = tpu.memref_slice %arg9[%dma_wait3A_221, %dma_wait3A_228] : memref<3200x64xf32, #tpu.memory_space<hbm>> -> memref<1x64xf32, #tpu.memory_space<hbm>>
    %dma_wait3A_230 = tpu.memref_squeeze %dma_wait3A_229 : memref<1x64xf32, #tpu.memory_space<hbm>> -> memref<64xf32, #tpu.memory_space<hbm>>
    %dma_wait3A_231 = arith.constant 0 : i32
    %dma_wait3A_232 = tpu.memref_slice %arg25[%dma_wait3A_220, %dma_wait3A_231] : memref<4x64xf32, #tpu.memory_space<vmem>> -> memref<1x64xf32, #tpu.memory_space<vmem>>
    %dma_wait3A_233 = tpu.memref_squeeze %dma_wait3A_232 : memref<1x64xf32, #tpu.memory_space<vmem>> -> memref<64xf32, #tpu.memory_space<vmem>>
    tpu.wait_dma2 semaphore(%arg29 : memref<!tpu.dma_semaphore, #tpu.memory_space<semaphore_mem>>) src(%dma_wait3A_233 : memref<64xf32, #tpu.memory_space<vmem>>) dst(%dma_wait3A_230 : memref<64xf32, #tpu.memory_space<hbm>>)
    %dma_wait3A_234 = arith.constant 2 : i32
    %dma_wait3A_235 = arith.constant 0 : i32
    %dma_wait3A_236 = arith.constant 0 : i32
    %dma_wait3A_237 = tpu.memref_slice %arg23[%dma_wait3A_234, %dma_wait3A_236] : memref<4x4096xf32, #tpu.memory_space<vmem>> -> memref<1x4096xf32, #tpu.memory_space<vmem>>
    %dma_wait3A_238 = tpu.memref_squeeze %dma_wait3A_237 : memref<1x4096xf32, #tpu.memory_space<vmem>> -> memref<4096xf32, #tpu.memory_space<vmem>>
    %dma_wait3A_239 = arith.constant 0 : i32
    %dma_wait3A_240 = tpu.memref_slice %arg10[%dma_wait3A_235, %dma_wait3A_239] : memref<3200x4096xf32, #tpu.memory_space<hbm>> -> memref<1x4096xf32, #tpu.memory_space<hbm>>
    %dma_wait3A_241 = tpu.memref_squeeze %dma_wait3A_240 : memref<1x4096xf32, #tpu.memory_space<hbm>> -> memref<4096xf32, #tpu.memory_space<hbm>>
    %dma_wait3A_242 = arith.constant 0 : i32
    %dma_wait3A_243 = tpu.memref_slice %arg10[%dma_wait3A_235, %dma_wait3A_242] : memref<3200x4096xf32, #tpu.memory_space<hbm>> -> memref<1x4096xf32, #tpu.memory_space<hbm>>
    %dma_wait3A_244 = tpu.memref_squeeze %dma_wait3A_243 : memref<1x4096xf32, #tpu.memory_space<hbm>> -> memref<4096xf32, #tpu.memory_space<hbm>>
    %dma_wait3A_245 = arith.constant 0 : i32
    %dma_wait3A_246 = tpu.memref_slice %arg23[%dma_wait3A_234, %dma_wait3A_245] : memref<4x4096xf32, #tpu.memory_space<vmem>> -> memref<1x4096xf32, #tpu.memory_space<vmem>>
    %dma_wait3A_247 = tpu.memref_squeeze %dma_wait3A_246 : memref<1x4096xf32, #tpu.memory_space<vmem>> -> memref<4096xf32, #tpu.memory_space<vmem>>
    tpu.wait_dma2 semaphore(%arg29 : memref<!tpu.dma_semaphore, #tpu.memory_space<semaphore_mem>>) src(%dma_wait3A_247 : memref<4096xf32, #tpu.memory_space<vmem>>) dst(%dma_wait3A_244 : memref<4096xf32, #tpu.memory_space<hbm>>)
    %dma_wait3A_248 = arith.constant 2 : i32
    %dma_wait3A_249 = arith.constant 0 : i32
    %dma_wait3A_250 = arith.constant 0 : i32
    %dma_wait3A_251 = tpu.memref_slice %arg25[%dma_wait3A_248, %dma_wait3A_250] : memref<4x64xf32, #tpu.memory_space<vmem>> -> memref<1x64xf32, #tpu.memory_space<vmem>>
    %dma_wait3A_252 = tpu.memref_squeeze %dma_wait3A_251 : memref<1x64xf32, #tpu.memory_space<vmem>> -> memref<64xf32, #tpu.memory_space<vmem>>
    %dma_wait3A_253 = arith.constant 0 : i32
    %dma_wait3A_254 = tpu.memref_slice %arg9[%dma_wait3A_249, %dma_wait3A_253] : memref<3200x64xf32, #tpu.memory_space<hbm>> -> memref<1x64xf32, #tpu.memory_space<hbm>>
    %dma_wait3A_255 = tpu.memref_squeeze %dma_wait3A_254 : memref<1x64xf32, #tpu.memory_space<hbm>> -> memref<64xf32, #tpu.memory_space<hbm>>
    %dma_wait3A_256 = arith.constant 0 : i32
    %dma_wait3A_257 = tpu.memref_slice %arg9[%dma_wait3A_249, %dma_wait3A_256] : memref<3200x64xf32, #tpu.memory_space<hbm>> -> memref<1x64xf32, #tpu.memory_space<hbm>>
    %dma_wait3A_258 = tpu.memref_squeeze %dma_wait3A_257 : memref<1x64xf32, #tpu.memory_space<hbm>> -> memref<64xf32, #tpu.memory_space<hbm>>
    %dma_wait3A_259 = arith.constant 0 : i32
    %dma_wait3A_260 = tpu.memref_slice %arg25[%dma_wait3A_248, %dma_wait3A_259] : memref<4x64xf32, #tpu.memory_space<vmem>> -> memref<1x64xf32, #tpu.memory_space<vmem>>
    %dma_wait3A_261 = tpu.memref_squeeze %dma_wait3A_260 : memref<1x64xf32, #tpu.memory_space<vmem>> -> memref<64xf32, #tpu.memory_space<vmem>>
    tpu.wait_dma2 semaphore(%arg29 : memref<!tpu.dma_semaphore, #tpu.memory_space<semaphore_mem>>) src(%dma_wait3A_261 : memref<64xf32, #tpu.memory_space<vmem>>) dst(%dma_wait3A_258 : memref<64xf32, #tpu.memory_space<hbm>>)
    %dma_wait3A_262 = arith.constant 3 : i32
    %dma_wait3A_263 = arith.constant 0 : i32
    %dma_wait3A_264 = arith.constant 0 : i32
    %dma_wait3A_265 = tpu.memref_slice %arg23[%dma_wait3A_262, %dma_wait3A_264] : memref<4x4096xf32, #tpu.memory_space<vmem>> -> memref<1x4096xf32, #tpu.memory_space<vmem>>
    %dma_wait3A_266 = tpu.memref_squeeze %dma_wait3A_265 : memref<1x4096xf32, #tpu.memory_space<vmem>> -> memref<4096xf32, #tpu.memory_space<vmem>>
    %dma_wait3A_267 = arith.constant 0 : i32
    %dma_wait3A_268 = tpu.memref_slice %arg10[%dma_wait3A_263, %dma_wait3A_267] : memref<3200x4096xf32, #tpu.memory_space<hbm>> -> memref<1x4096xf32, #tpu.memory_space<hbm>>
    %dma_wait3A_269 = tpu.memref_squeeze %dma_wait3A_268 : memref<1x4096xf32, #tpu.memory_space<hbm>> -> memref<4096xf32, #tpu.memory_space<hbm>>
    %dma_wait3A_270 = arith.constant 0 : i32
    %dma_wait3A_271 = tpu.memref_slice %arg10[%dma_wait3A_263, %dma_wait3A_270] : memref<3200x4096xf32, #tpu.memory_space<hbm>> -> memref<1x4096xf32, #tpu.memory_space<hbm>>
    %dma_wait3A_272 = tpu.memref_squeeze %dma_wait3A_271 : memref<1x4096xf32, #tpu.memory_space<hbm>> -> memref<4096xf32, #tpu.memory_space<hbm>>
    %dma_wait3A_273 = arith.constant 0 : i32
    %dma_wait3A_274 = tpu.memref_slice %arg23[%dma_wait3A_262, %dma_wait3A_273] : memref<4x4096xf32, #tpu.memory_space<vmem>> -> memref<1x4096xf32, #tpu.memory_space<vmem>>
    %dma_wait3A_275 = tpu.memref_squeeze %dma_wait3A_274 : memref<1x4096xf32, #tpu.memory_space<vmem>> -> memref<4096xf32, #tpu.memory_space<vmem>>
    tpu.wait_dma2 semaphore(%arg29 : memref<!tpu.dma_semaphore, #tpu.memory_space<semaphore_mem>>) src(%dma_wait3A_275 : memref<4096xf32, #tpu.memory_space<vmem>>) dst(%dma_wait3A_272 : memref<4096xf32, #tpu.memory_space<hbm>>)
    %dma_wait3A_276 = arith.constant 3 : i32
    %dma_wait3A_277 = arith.constant 0 : i32
    %dma_wait3A_278 = arith.constant 0 : i32
    %dma_wait3A_279 = tpu.memref_slice %arg25[%dma_wait3A_276, %dma_wait3A_278] : memref<4x64xf32, #tpu.memory_space<vmem>> -> memref<1x64xf32, #tpu.memory_space<vmem>>
    %dma_wait3A_280 = tpu.memref_squeeze %dma_wait3A_279 : memref<1x64xf32, #tpu.memory_space<vmem>> -> memref<64xf32, #tpu.memory_space<vmem>>
    %dma_wait3A_281 = arith.constant 0 : i32
    %dma_wait3A_282 = tpu.memref_slice %arg9[%dma_wait3A_277, %dma_wait3A_281] : memref<3200x64xf32, #tpu.memory_space<hbm>> -> memref<1x64xf32, #tpu.memory_space<hbm>>
    %dma_wait3A_283 = tpu.memref_squeeze %dma_wait3A_282 : memref<1x64xf32, #tpu.memory_space<hbm>> -> memref<64xf32, #tpu.memory_space<hbm>>
    %dma_wait3A_284 = arith.constant 0 : i32
    %dma_wait3A_285 = tpu.memref_slice %arg9[%dma_wait3A_277, %dma_wait3A_284] : memref<3200x64xf32, #tpu.memory_space<hbm>> -> memref<1x64xf32, #tpu.memory_space<hbm>>
    %dma_wait3A_286 = tpu.memref_squeeze %dma_wait3A_285 : memref<1x64xf32, #tpu.memory_space<hbm>> -> memref<64xf32, #tpu.memory_space<hbm>>
    %dma_wait3A_287 = arith.constant 0 : i32
    %dma_wait3A_288 = tpu.memref_slice %arg25[%dma_wait3A_276, %dma_wait3A_287] : memref<4x64xf32, #tpu.memory_space<vmem>> -> memref<1x64xf32, #tpu.memory_space<vmem>>
    %dma_wait3A_289 = tpu.memref_squeeze %dma_wait3A_288 : memref<1x64xf32, #tpu.memory_space<vmem>> -> memref<64xf32, #tpu.memory_space<vmem>>
    tpu.wait_dma2 semaphore(%arg29 : memref<!tpu.dma_semaphore, #tpu.memory_space<semaphore_mem>>) src(%dma_wait3A_289 : memref<64xf32, #tpu.memory_space<vmem>>) dst(%dma_wait3A_286 : memref<64xf32, #tpu.memory_space<hbm>>)
    return
  }
}

</mosaic_0001>

<sc_bundles>
// kernel: kernel.3.cloned.1.call-start
scs
__scs_entry_jumppad:
0x0: {  	(pc) =	sbr.rel $0x88, $3  }
0x1: {  	(tag) =	ssettag $0x0;
	lr =	simm.s32 $0x1  }
0x2: {  	[smem:$0x3F9D] =	sst lr;
	_ =	strace $0xD0000000  }
0x3: {  	_ = 	snop  }
0x4: {  	_ = 	snop  }
0x5: {  	_ = 	snop  }
0x6: {  	_ = 	snop  }
0x7: {  	_ = 	snop  }
__scs_overlays_trampoline_lowered:
0x8: {  	[smem:$0x3FAC] =	sst s0  }
0x9: {  	[smem:$0x3FAD] =	sst s1  }
0xa: {  	[smem:$0x3FAE] =	sst s2  }
0xb: {  	[smem:$0x3FAF] =	sst s3  }
0xc: {  	[smem:$0x3FB0] =	sst s4  }
0xd: {  	[smem:$0x3FB1] =	sst s5  }
0xe: {  	[smem:$0x3FB2] =	sst s6  }
0xf: {  	[smem:$0x3FB3] =	sst s7  }
0x10: {  	[smem:$0x3FB4] =	sst s8  }
0x11: {  	[smem:$0x3FB5] =	sst s9;
	s0 =	simm.s32 @!p0 $0x0  }
0x12: {  	s1 =	sld [smem:$0x3F9B];
	s0 =	simm.s32 @p0 $0x1  }
0x13: {  	[smem:$0x3FB6] =	sst s0;
	s0 =	simm.s32 @!p1 $0x0  }
0x14: {  	s2 =	sld [smem:$0x3F9A];
	s0 =	simm.s32 @p1 $0x1  }
0x15: {  	[smem:$0x3FB7] =	sst s0;
	s0 =	simm.s32 @!p2 $0x0  }
0x16: {  	s3 =	sld [smem:$0x3FDB];
	s0 =	simm.s32 @p2 $0x1  }
0x17: {  	s4 =	simm.s32 $0x1BF5;
	[smem:$0x3FB9] =	sst s0  }
0x18: {  	s0 =	sld [smem:$0x3F9C];
	_ =	swait.ge [sflag:s4], $0x0  }
0x19: {  	s7 =	sld [smem:$0x3F9D]  }
0x1a: {  	s8 =	sadd.s32 $0xFFFFE003, lr  }
0x1b: {  	s9 =	sadd.s32 $0xFFFFFEF7, lr;
	s5 =	simm.s32 $0xFFFFFFFF;
	p2 =	slt.u32 s8, $0xFFFFF086  }
0x1c: {  	p1 =	slt.u32 s9, $0xF7A;
	s5 =	simm.s32 @!p2 $0x0  }
0x1d: {  	s5 =	simm.s32 @p1 $0x1;
	p0 =	seq.s32 s7, s2  }
0x1e: {  	s7 =	smul.u32 @!p0 $0xF7A, s2;
	p2 =	seq.s32 @!p0 s5, $0x0  }
0x1f: {  	s9 =	smul.u32 $0xF7A, s1;
	s8 =	simm.s32 @!p0 $0x1BF5;
	p2 =	por !p2, p0  }
0x20: {  	[sflag:s8] =	ssyncset.s32 @!p0 $0xFFFFF086;
	s6 =	sadd.s32 @!p0 s3, s7;
	s7 =	simm.s32 @!p0 $0x108  }
0x21: {  	s3 =	sadd.s32 s3, s9;
	s6 =	sadd.s32 @!p0 $0x88, s6;
	s7 =	simm.s32 @p2 $0x1082  }
0x22: {  	[simem:s7], [sflag:s8] =	dma.local @!p0 [hbm:s6], $0xF7A  }
0x23: {  	s9 =	sor.u32 $0xD0000000, s2;
	s6 =	simm.s32 $0x108;
	_ =	swait.ge @!p0 [sflag:s8], $0x0  }
0x24: {  	s3 =	sadd.s32 $0x88, s3;
	s6 =	simm.s32 @!p1 $0x1082;
	[sflag:s4] =	ssyncset.s32 $0xFFFFF086  }
0x25: {  	[simem:s6], [sflag:s4] =	dma.local [hbm:s3], $0xF7A  }
0x26: {  	[smem:$0x3F9D] =	sst s1;
	(tag) =	ssettag s2;
	_ =	strace s9  }
0x27: {  	s1 =	sld [smem:$0x3FAD]  }
0x28: {  	s2 =	sld [smem:$0x3FAE]  }
0x29: {  	s4 =	sld [smem:$0x3FB0]  }
0x2a: {  	p0 =	seq.s32 s5, $0x0;
	s5 =	sld [smem:$0x3FB1]  }
0x2b: {  	s6 =	sld [smem:$0x3FB2]  }
0x2c: {  	s7 =	sld [smem:$0x3FB3]  }
0x2d: {  	s3 =	simm.s32 $0x108;
	s8 =	sld [smem:$0x3FB4]  }
0x2e: {  	s3 =	simm.s32 @!p0 $0x1082;
	s9 =	sld [smem:$0x3FB5]  }
0x2f: {  	lr =	sadd.s32 s0, s3;
	s0 =	sld [smem:$0x3FAC]  }
0x30: {  	s3 =	sld [smem:$0x3FAF]  }
0x31: {  	[smem:$0x3FB8] =	sst s10  }
0x32: {  	s10 =	sld [smem:$0x3FB6];
	_ =	sdelay $0x3  }
0x33: {  	p0 =	seq.s32 s10, $0x1;
	s10 =	sld [smem:$0x3FB8];
	_ =	sdelay $0x3  }
0x34: {  	[smem:$0x3FB8] =	sst s10  }
0x35: {  	s10 =	sld [smem:$0x3FB7];
	_ =	sdelay $0x3  }
0x36: {  	p1 =	seq.s32 s10, $0x1;
	s10 =	sld [smem:$0x3FB8];
	_ =	sdelay $0x3  }
0x37: {  	[smem:$0x3FB8] =	sst s10  }
0x38: {  	s10 =	sld [smem:$0x3FB9]  }
0x39: {  	_ = 	snop;
	(pc) =	sbr.ind lr, $3  }
0x3a: {  	_ = 	snop  }
0x3b: {  	_ = 	snop  }
0x3c: {  	p2 =	seq.s32 s10, $0x1;
	s10 =	sld [smem:$0x3FB8]  }
0x3d: {  	_ =	shalt  }
0x3e: {  	_ =	shalt  }
0x3f: {  	_ =	shalt  }
0x40: {  	_ =	shalt  }
0x41: {  	_ =	shalt  }
0x42: {  	_ =	shalt  }
0x43: {  	_ =	shalt  }
0x44: {  	_ =	shalt  }
0x45: {  	_ =	shalt  }
0x46: {  	_ =	shalt  }
0x47: {  	_ =	shalt  }
0x48: {  	_ =	shalt  }
0x49: {  	_ =	shalt  }
0x4a: {  	_ =	shalt  }
0x4b: {  	_ =	shalt  }
0x4c: {  	_ =	shalt  }
0x4d: {  	_ =	shalt  }
0x4e: {  	_ =	shalt  }
0x4f: {  	_ =	shalt  }
0x50: {  	_ =	shalt  }
0x51: {  	_ =	shalt  }
0x52: {  	_ =	shalt  }
0x53: {  	_ =	shalt  }
0x54: {  	_ =	shalt  }
0x55: {  	_ =	shalt  }
0x56: {  	_ =	shalt  }
0x57: {  	_ =	shalt  }
0x58: {  	_ =	shalt  }
0x59: {  	_ =	shalt  }
0x5a: {  	_ =	shalt  }
0x5b: {  	_ =	shalt  }
0x5c: {  	_ =	shalt  }
0x5d: {  	_ =	shalt  }
0x5e: {  	_ =	shalt  }
0x5f: {  	_ =	shalt  }
0x60: {  	_ =	shalt  }
0x61: {  	_ =	shalt  }
0x62: {  	_ =	shalt  }
0x63: {  	_ =	shalt  }
0x64: {  	_ =	shalt  }
0x65: {  	_ =	shalt  }
0x66: {  	_ =	shalt  }
0x67: {  	_ =	shalt  }
0x68: {  	_ =	shalt  }
0x69: {  	_ =	shalt  }
0x6a: {  	_ =	shalt  }
0x6b: {  	_ =	shalt  }
0x6c: {  	_ =	shalt  }
0x6d: {  	_ =	shalt  }
0x6e: {  	_ =	shalt  }
0x6f: {  	_ =	shalt  }
0x70: {  	_ =	shalt  }
0x71: {  	_ =	shalt  }
0x72: {  	_ =	shalt  }
0x73: {  	_ =	shalt  }
0x74: {  	_ =	shalt  }
0x75: {  	_ =	shalt  }
0x76: {  	_ =	shalt  }
0x77: {  	_ =	shalt  }
0x78: {  	_ =	shalt  }
0x79: {  	_ =	shalt  }
0x7a: {  	_ =	shalt  }
0x7b: {  	_ =	shalt  }
0x7c: {  	_ =	shalt  }
0x7d: {  	_ =	shalt  }
0x7e: {  	_ =	shalt  }
0x7f: {  	_ =	shalt  }
0x80: {  	_ =	shalt  }
0x81: {  	_ =	shalt  }
0x82: {  	_ =	shalt  }
0x83: {  	_ =	shalt  }
0x84: {  	_ =	shalt  }
0x85: {  	_ =	shalt  }
0x86: {  	_ =	shalt  }
0x87: {  	_ =	shalt  }
.Lfunc_end0:
.L_simem_size_0:
called_computation.1_lowered:
.L_overlay_start_0:
0x88: {  	s2 =	sld [smem:$0x3FD9]  }
0x89: {  	s3 =	sld [smem:$0x3FFE];
	_ =	sdelay $0x1  }
0x8a: {  	s1 =	srdreg.scid  }
0x8b: {  	s0 =	sand.u32 $0x1, s1  }
0x8c: {  	s14 =	sshll.u32 s0, $0xA;
	s2 =	sadd.s32 s3, s2  }
0x8d: {  	s2 =	sadd.s32 s2, s14  }
0x8e: {  	[smem:$0x3FC4] =	sst s2  }
0x8f: {  	_ = 	snop  }
0x90: {  	s2 =	sld [smem:$0x3FD0];
	_ =	sdelay $0x2  }
0x91: {  	s15 =	simm.s32 $0xA;
	s4 =	simm.s32 $0x10  }
0x92: {  	[smem:s4], [sflag:s15] =	dma.local [hbm:s2], $0x1  }
0x93: {  	_ =	swait.eq [sflag:s15], $0x1  }
0x94: {  	[sflag:s15] =	ssyncset.done $0x0  }
0x95: {  	s16 =	sld [smem:$0x10];
	[sflag:s15] =	ssyncadd.s32 $0xFFFFFFFF  }
0x96: {  	s17 =	sld [smem:$0x11];
	(tm) =	ssettm $0x1  }
0x97: {  	s18 =	sld [smem:$0x3FFB];
	_ =	sdelay $0x3  }
0x98: {  	_ =	strace s18  }
0x99: {  	s4 =	sld [smem:$0x3FFC];
	_ =	sdelay $0x3  }
0x9a: {  	_ =	strace s4  }
0x9b: {  	s4 =	sld [smem:$0x3FFD];
	_ =	sdelay $0x3  }
0x9c: {  	_ =	strace s4  }
0x9d: {  	_ =	strace $0x8FFFFFFF  }
0x9e: {  	s19 =	sld [smem:$0x3FDB];
	_ =	sdelay $0x1  }
0x9f: {  	s5 =	simm.s32 $_scs_section_size  }
0xa0: {  	s6 =	simm.s32 $_size__tile_overlayer_lowered;
	s7 =	simm.s32 $_tile_overlayer_lowered  }
0xa1: {  	s22 =	simm.s32 $0x1BFF;
	s21 =	sshll.u32 s7, $0x1;
	s4 =	sadd.s32 s5, s19  }
0xa2: {  	s8 =	simm.s32 $0x0;
	s20 =	sshll.u32 s6, $0x1;
	s6 =	sadd.s32 s21, s4  }
0xa3: {  	[timem:s8], [sflag:s22] =	dma.local [hbm:s6], s20  }
0xa4: {  	_ =	swait.ge [sflag:s22], s20  }
0xa5: {  	s5 =	ssub.s32 $0x0, s20;
	[sflag:s22] =	ssyncset.done $0x0  }
0xa6: {  	[sflag:s22] =	ssyncadd.s32 s5;
	_ =	sdelay $0x1  }
0xa7: {  	s23 =	simm.s32 $0x1B8B  }
0xa8: {  	_ =	swait.ge [sflag:s23], $0x1  }
0xa9: {  	[sflag:s23] =	ssyncset.done $0x0  }
0xaa: {  	s25 =	simm.s32 $0x1B8E;
	s24 =	sld [smem:$0x3FFE];
	[sflag:s23] =	ssyncadd.s32 $0xFFFFFFFF  }
0xab: {  	s26 =	simm.s32 $execute0_lowered;
	[smem:$0x3FD2] =	sst s25  }
0xac: {  	s6 =	sshll.u32 s26, $0x1;
	_ =	strace $0x80000046;
	[dreg:$0x1] =	wrdreg $0xFFFFFFFF  }
0xad: {  	s28 =	simm.s32 $_size_execute0_lowered;
	s4 =	sadd.s32 s4, s6;
	[dreg:$0x0] =	wrdreg $0x0  }
0xae: {  	s6 =	sshll.u32 s28, $0x1;
	[dreg:$0x2] =	wrdreg s4  }
0xaf: {  	[dreg:$0x3] =	wrdreg s6  }
0xb0: {  	[dreg:$0x4] =	wrdreg $0xC0  }
0xb1: {  	_ =	task [dreg:s8], $0x5FFFF  }
0xb2: {  	[dreg:$0x1] =	wrdreg $0xFFFFFFFF  }
0xb3: {  	[dreg:$0x0] =	wrdreg $0x60  }
0xb4: {  	[dreg:$0x2] =	wrdreg s24  }
0xb5: {  	[dreg:$0x3] =	wrdreg s16  }
0xb6: {  	[dreg:$0x4] =	wrdreg s17  }
0xb7: {  	[dreg:$0x5] =	wrdreg $0x9  }
0xb8: {  	_ =	task.clear_ibuf [dreg:s8], $0x6FFFF;
	_ =	strace $0x90000046  }
0xb9: {  	s29 =	simm.s32 $0x9;
	_ =	strace $0x80000048  }
0xba: {  	_ =	swait.ge [sflag:s29], $0x1  }
0xbb: {  	[sflag:s29] =	ssyncadd.s32 $0xFFFFFFFF  }
0xbc: {  	_ =	strace $0x90000048  }
0xbd: {  	_ =	sfence  }
0xbe: {  	s30 =	sld [smem:$0x0];
	_ =	sdelay $0x2  }
0xbf: {  	s31 =	sshll.u32 s1, $0xD;
	s1 =	sshrl.u32 s1, $0x2  }
0xc0: {  	s3 =	sand.u32 $0x4000, s31;
	s1 =	sadd.s32 s1, s30  }
0xc1: {  	s0 =	sor.u32 s3, s0;
	s1 =	sshll.u32 s1, $0x11  }
0xc2: {  	s0 =	sor.u32 s1, s0  }
0xc3: {  	s0 =	sadd.s32 $0x8F2B, s0  }
0xc4: {  	[sflag:s0] =	ssyncadd.remote.s32 $0x1  }
0xc5: {  	_ =	sfence.sel $0xFFFF  }
0xc6: {  	[dreg:$0x0] =	wrdreg $0xFFFFFFFF;
	(pc) =	sbr.abs _section_cstart, $3  }
0xc7: {  	[dreg:$0x1] =	wrdreg $0xFFFFFFFF  }
0xc8: {  	_ =	task.clear_ibuf [dreg:s8], $0x2FFFF;
	_ =	strace $0x9FFFFFFF  }
0xc9: {  	(tm) =	ssettm $0x7FFFFFFF  }
tec
execute0_lowered:
.L_overlay_start_1:
0x0: {  	(tag) =	ssettag $0x1  }
0x1: {  	s0 =	rddreg [dreg:$0x0]  }
0x2: {  	s2 =	rddreg [dreg:$0x1]  }
0x3: {  	s3 =	rddreg [dreg:$0x2]  }
0x4: {  	s1 =	srdreg.scid;
	s5 =	stileid.u32  }
0x5: {  	s4 =	simm.s32 $0x0;
	s16 =	simm.s32 $0x7080;
	s17 =	simm.s32 $0x70A0  }
0x6: {  	s19 =	simm.s32 $0x6400;
	s20 =	simm.s32 $0x8;
	s21 =	simm.s32 $0x71A0  }
0x7: {  	s18 =	simm.s32 $0x1D5A0;
	s15 =	simm.s32 $0x1F720;
	s28 =	simm.s32 $0x1E5A0  }
0x8: {  	s29 =	simm.s32 $0x1F760;
	s30 =	simm.s32 $0x0;
	s1 =	sand.u32 $0x1, s1  }
0x9: {  	s5 =	sshll.u32 s5, $0x1;
	[smem:$0x7FF] =	sst s4;
	s8 =	sadd.s32 $0x65400, s0  }
0xa: {  	s22 =	sadd.s32 $0x67C00, s0;
	_ =	strace $0x80000047;
	[dreg:$0x4] =	wrdreg s8  }
0xb: {  	s14 =	simm.s32 $0x175A0;
	s5 =	sor.u32 s1, s5;
	[dreg:$0x5] =	wrdreg s22  }
0xc: {  	s8 =	sadd.s32 $0x1400, s0;
	s1 =	ssub.s32 $0x2, s1;
	s22 =	simm.s32 $0x171A0  }
0xd: {  	s6 =	sshll.u32 s5, $0x2;
	s7 =	smul.u32 $0x1C, s5;
	s10 =	sshll.u32 s5, $0x3  }
0xe: {  	s5 =	sshll.u32 s5, $0x9;
	s23 =	sshrl.u32 s1, $0x1;
	s6 =	sadd.s32 s6, s0  }
0xf: {  	s10 =	sadd.s32 s10, s0;
	s1 =	ssub.s32 s1, s23;
	s23 =	simm.s32 $0x2  }
0x10: {  	s9 =	sadd.s32 s7, s0;
	s7 =	sadd.s32 $0x66200, s0;
	s0 =	sadd.s32 s5, s0  }
0x11: {  	s24 =	sadd.s32 $0x1200, s6;
	s25 =	sadd.s32 $0x1000, s6;
	s13 =	sadd.s32 $0x67E00, s10  }
0x12: {  	s31 =	smax.u32 s1, $0x1;
	s6 =	simm.s32 $0x70C0;
	[dreg:$0x6] =	wrdreg s24  }
0x13: {  	s5 =	simm.s32 $0x0;
	[dreg:$0x7] =	wrdreg s25;
	s26 =	sadd.s32 $0xC00, s9  }
0x14: {  	s12 =	sadd.s32 $0x68000, s0;
	[dreg:$0x9] =	wrdreg s31;
	s24 =	simm.s32 $0xF1A0  }
0x15: {  	v0 =	vlaneseq.u32;
	s25 =	simm.s32 $0x173A0;
	[dreg:$0x8] =	wrdreg s26;
	s26 =	simm.s32 $0x1  }
.LBB2_1:
0x16: {  	[dreg:$0xa] =	wrdreg s5  }
0x17: {  	s0 =	rddreg [dreg:$0x4];
	s1 =	simm.s32 $0x5  }
0x18: {  	[tilespmem:s4], [sflag:$0x5] =	stream.linear.gather [hbm4b:s0+s4], $0x6400, $0x38;
	[tilespmem:$0x1F7A0] =	vst v63  }
0x19: {  	_ =	swait.ge [sflag:s1], $0x6400  }
0x1a: {  	[sflag:s1] =	ssyncset.done $0x0  }
0x1b: {  	s9 =	rddreg [dreg:$0x6];
	[sflag:s1] =	ssyncadd.s32 $0xFFFF9C00  }
0x1c: {  	[tilespmem:s16], [sflag:$0x5] =	stream.linear.gather [hbm4b:s9+s4], $0x20, $0x38;
	[tilespmem:$0x1F7A0] =	vst v63  }
0x1d: {  	_ =	swait.ge [sflag:s1], $0x20  }
0x1e: {  	[sflag:s1] =	ssyncset.done $0x0  }
0x1f: {  	s10 =	rddreg [dreg:$0x7];
	[sflag:s1] =	ssyncadd.s32 $0xFFFFFFE0  }
0x20: {  	[tilespmem:s17], [sflag:$0x5] =	stream.linear.gather [hbm4b:s10+s4], $0x20, $0x38;
	[tilespmem:$0x1F7A0] =	vst v63  }
0x21: {  	_ =	swait.ge [sflag:s1], $0x20  }
0x22: {  	[sflag:s1] =	ssyncset.done $0x0  }
0x23: {  	s11 =	rddreg [dreg:$0x8];
	[sflag:s1] =	ssyncadd.s32 $0xFFFFFFE0  }
0x24: {  	[tilespmem:s6], [sflag:$0x5] =	stream.linear.gather [hbm4b:s11+s4], $0xE0, $0x38;
	[tilespmem:$0x1F7A0] =	vst v63  }
0x25: {  	_ =	swait.ge [sflag:s1], $0xE0  }
0x26: {  	[sflag:s1] =	ssyncset.done $0x0  }
0x27: {  	s31 =	rddreg [dreg:$0x5];
	[sflag:s1] =	ssyncadd.s32 $0xFFFFFF20  }
0x28: {  	[tilespmem:s21], [sflag:$0x5] =	stream.linear.gather [hbm4b:s31+s4], $0xC80, $0x38;
	[tilespmem:$0x1F7A0] =	vst v63  }
0x29: {  	_ =	swait.ge [sflag:s1], $0xC80  }
0x2a: {  	[sflag:s1] =	ssyncset.done $0x0  }
0x2b: {  	[sflag:s1] =	ssyncadd.s32 $0xFFFFF380  }
0x2c: {  	s5 =	simm.s32 $0x71A0;
	s0 =	simm.s32 $0x10;
	s1 =	simm.s32 $0x0;
	v1 =	vld [tilespmem:s21+$0x0]  }
.LBB2_2:
0x2d: {  	p0 =	sne.s32 s0, $0xC70;
	_ =	sdelay $0x3  }
.Ltmp0:
0x2e: {  	(pc) =	sbr.rel @p0 .LBB2_2-.Ltmp0, $4  }
0x2f: {  	_ = 	snop  }
0x30: {  	v2 =	vor.u32 s1, v0;
	s1 =	smov.u32 s0  }
0x31: {  	s5 =	sadd.s32 $0x10, s5;
	[tilespmem:v1+s19+$0x0] =	vst.idx.msk $0xffff, v2  }
0x32: {  	s0 =	sadd.s32 $0x10, s0;
	v1 =	vld [tilespmem:s5+$0x0]  }
0x33: {  	_ =	sdelay $0x6  }
0x34: {  	v2 =	vor.u32 s1, v0  }
0x35: {  	[tilespmem:v1+s19+$0x0] =	vst.idx.msk $0xffff, v2  }
0x36: {  	[tilespmem:s21], [sflag:$0x1] =	stream.indirect.gather [hbm4b:s8+s20], $0x1000, s6, s20, $0xb8;
	[tilespmem:$0x1F7A0] =	vst v63  }
0x37: {  	_ = 	snop  }
0x38: {  	[tilespmem:s22], [sflag:$0x1] =	stream.indirect.gather [hbm4b:s7+s20], $0x40, s6, s20, $0xb8;
	[tilespmem:$0x1F7A0] =	vst v63  }
0x39: {  	s0 =	simm.s32 $0x70C8  }
0x3a: {  	[tilespmem:s24], [sflag:$0x2] =	stream.indirect.gather [hbm4b:s8+s20], $0x1000, s0, s20, $0xb8;
	[tilespmem:$0x1F7A0] =	vst v63  }
0x3b: {  	s31 =	simm.s32 $0x0  }
0x3c: {  	[tilespmem:s25], [sflag:$0x2] =	stream.indirect.gather [hbm4b:s7+s20], $0x40, s0, s20, $0xb8;
	[tilespmem:$0x1F7A0] =	vst v63  }
.LBB2_4:
0x3d: {  	_ =	swait.ge [sflag:s26], $0x8000  }
0x3e: {  	[sflag:s26] =	ssyncset.done $0x0  }
0x3f: {  	[sflag:s26] =	ssyncadd.s32 $0xFFFF8000  }
0x40: {  	_ =	swait.ge [sflag:s26], $0x200  }
0x41: {  	p0 =	seq.s32 s31, $0x0;
	[sflag:s26] =	ssyncset.done $0x0  }
0x42: {  	s1 =	simm.s32 @!p0 $0x3;
	[sflag:s26] =	ssyncadd.s32 $0xFFFFFE00  }
0x43: {  	_ =	swait.ge @!p0 [sflag:s1], $0x1000  }
0x44: {  	[sflag:s1] =	ssyncset.done @!p0 $0x0  }
0x45: {  	[sflag:s1] =	ssyncadd.s32 @!p0 $0xFFFFF000  }
0x46: {  	_ =	swait.ge @!p0 [sflag:s1], $0x40  }
0x47: {  	[sflag:s1] =	ssyncset.done @!p0 $0x0  }
0x48: {  	[sflag:s1] =	ssyncadd.s32 @!p0 $0xFFFFFFC0  }
0x49: {  	_ =	swait.ge @!p0 [sflag:s1], $0x1000  }
0x4a: {  	[sflag:s1] =	ssyncset.done @!p0 $0x0  }
0x4b: {  	[sflag:s1] =	ssyncadd.s32 @!p0 $0xFFFFF000  }
0x4c: {  	_ =	swait.ge @!p0 [sflag:s1], $0x40  }
0x4d: {  	[sflag:s1] =	ssyncset.done @!p0 $0x0  }
0x4e: {  	[sflag:s1] =	ssyncadd.s32 @!p0 $0xFFFFFFC0  }
0x4f: {  	_ =	swait.ge @!p0 [sflag:s1], $0x1000  }
0x50: {  	[sflag:s1] =	ssyncset.done @!p0 $0x0  }
0x51: {  	[sflag:s1] =	ssyncadd.s32 @!p0 $0xFFFFF000  }
0x52: {  	s0 =	sshll.u32 s31, $0x1;
	_ =	swait.ge @!p0 [sflag:s1], $0x40  }
0x53: {  	v1 =	vmov s0;
	[sflag:s1] =	ssyncset.done @!p0 $0x0  }
0x54: {  	v1 =	vand.u32 $0xFFFFFFFE, v1;
	[sflag:s1] =	ssyncadd.s32 @!p0 $0xFFFFFFC0  }
0x55: {  	v2 =	vbroadcast v1, $0x0;
	_ =	swait.ge @!p0 [sflag:s1], $0x1000  }
0x56: {  	[sflag:s1] =	ssyncset.done @!p0 $0x0  }
0x57: {  	[sflag:s1] =	ssyncadd.s32 @!p0 $0xFFFFF000  }
0x58: {  	_ =	swait.ge @!p0 [sflag:s1], $0x40  }
0x59: {  	[sflag:s1] =	ssyncset.done @!p0 $0x0  }
0x5a: {  	[sflag:s1] =	ssyncadd.s32 @!p0 $0xFFFFFFC0  }
0x5b: {  	v3 =	vld.idx.msk [tilespmem:v2+s16+$0x0], $0xffff;
	_ =	sdelay $0x4  }
0x5c: {  	vm0 =	vgt.s32 v3, $0x0  }
0x5d: {  	v1 =	vnsel vm0, $0x0, v3  }
0x5e: {  	v4 =	vadd.s32 $0x1, v3;
	v1 =	vmin.u32 v1, $0xC7F  }
0x5f: {  	vm13 =	vgt.s32 v4, $0x0  }
0x60: {  	v4 =	vnsel vm13, $0x0, v4  }
0x61: {  	v4 =	vmin.u32 v4, $0xC7F;
	_ =	sdelay $0x1  }
0x62: {  	v1 =	vld.idx.msk [tilespmem:v1+s19+$0x0], $0xffff  }
0x63: {  	v8 =	vadd.s32 $0x2, v3  }
0x64: {  	vm14 =	vgt.s32 v8, $0x0  }
0x65: {  	v35 =	vld.idx.msk [tilespmem:v4+s19+$0x0], $0xffff;
	v4 =	vnsel vm14, $0x0, v8  }
0x66: {  	s1 =	simm.s32 $0x0;
	v34 =	vld.idx.msk [tilespmem:v2+s17+$0x0], $0xffff;
	v4 =	vmin.u32 v4, $0xC7F  }
0x67: {  	v29 =	vld [tilespmem:s1+$0x71A0];
	v5 =	vshll.u32 v1, $0x3  }
0x68: {  	v31 =	vld [tilespmem:s1+$0x81A0];
	v6 =	vor.u32 $0x1, v5  }
0x69: {  	v33 =	vld [tilespmem:s1+$0x91A0];
	v3 =	vadd.s32 $0x3, v3;
	v7 =	vor.u32 $0x2, v5  }
0x6a: {  	v44 =	vld [tilespmem:s1+$0xA1A0];
	vm15 =	vgt.s32 v3, $0x0;
	v9 =	vor.u32 $0x4, v5  }
0x6b: {  	v3 =	vnsel vm15, $0x0, v3;
	v2 =	vor.u32 $0x3, v5;
	v36 =	vld.idx.msk [tilespmem:v4+s19+$0x0], $0xffff  }
0x6c: {  	v4 =	vmin.u32 v3, $0xC7F;
	v16 =	vld.idx.msk [tilespmem:v5+s30+$0x0], $0xffff  }
0x6d: {  	v19 =	vld.idx.msk [tilespmem:v6+s30+$0x0], $0xffff;
	v6 =	vor.u32 $0x5, v5  }
0x6e: {  	v11 =	vor.u32 $0x6, v5;
	v13 =	vshll.u32 v35, $0x3;
	v10 =	vld.idx.msk [tilespmem:v7+s30+$0x0], $0xffff  }
0x6f: {  	v7 =	vld.idx.msk [tilespmem:v9+s30+$0x0], $0xffff;
	v9 =	vor.u32 $0x2, v13  }
0x70: {  	v14 =	vor.u32 $0x4, v13;
	v8 =	vld.idx.msk [tilespmem:v2+s30+$0x0], $0xffff  }
0x71: {  	v37 =	vld.idx.msk [tilespmem:v4+s19+$0x0], $0xffff  }
0x72: {  	v2 =	vor.u32 $0x7, v5;
	v5 =	vld.idx.msk [tilespmem:v6+s30+$0x0], $0xffff;
	v6 =	vor.u32 $0x1, v13  }
0x73: {  	v3 =	vld.idx.msk [tilespmem:v11+s30+$0x0], $0xffff;
	v11 =	vor.u32 $0x3, v13;
	v15 =	vshll.u32 v36, $0x3  }
0x74: {  	v4 =	vor.u32 $0x1, v15;
	v22 =	vld.idx.msk [tilespmem:v9+s30+$0x0], $0xffff  }
0x75: {  	v9 =	vld.idx.msk [tilespmem:v14+s30+$0x0], $0xffff;
	v14 =	vor.u32 $0x4, v15  }
0x76: {  	v24 =	vld.idx.msk [tilespmem:v13+s30+$0x0], $0xffff;
	v28 =	vshll.u32 v37, $0x3  }
0x77: {  	v27 =	vld.idx.msk [tilespmem:v6+s30+$0x0], $0xffff;
	v6 =	vor.u32 $0x2, v15  }
0x78: {  	v18 =	vor.u32 $0x3, v15;
	v12 =	vld.idx.msk [tilespmem:v11+s30+$0x0], $0xffff  }
0x79: {  	v20 =	vld.idx.msk [tilespmem:v4+s30+$0x0], $0xffff;
	v21 =	vor.u32 $0x1, v28  }
0x7a: {  	v4 =	vld.idx.msk [tilespmem:v14+s30+$0x0], $0xffff  }
0x7b: {  	v14 =	vor.u32 $0x2, v28;
	v25 =	vld.idx.msk [tilespmem:v28+s30+$0x0], $0xffff  }
0x7c: {  	v11 =	vld.idx.msk [tilespmem:v6+s30+$0x0], $0xffff  }
0x7d: {  	v6 =	vld.idx.msk [tilespmem:v18+s30+$0x0], $0xffff;
	v18 =	vor.u32 $0x3, v28  }
0x7e: {  	v30 =	vor.u32 $0x4, v28;
	v26 =	vld.idx.msk [tilespmem:v21+s30+$0x0], $0xffff  }
0x7f: {  	v47 =	vld [tilespmem:s1+$0xB1A0];
	v32 =	vor.u32 $0x5, v13  }
0x80: {  	v40 =	vor.u32 $0x6, v13;
	v41 =	vor.u32 $0x7, v13;
	v42 =	vor.u32 $0x5, v15;
	v23 =	vld.idx.msk [tilespmem:v14+s30+$0x0], $0xffff  }
0x81: {  	v43 =	vor.u32 $0x6, v15;
	v39 =	vmul.f32 v29, v16;
	v17 =	vld.idx.msk [tilespmem:v15+s30+$0x0], $0xffff;
	v14 =	vor.u32 $0x5, v28  }
0x82: {  	v46 =	vor.u32 $0x7, v15;
	v45 =	vmul.f32 v29, v24;
	v48 =	vmul.f32 v31, v19;
	v21 =	vld.idx.msk [tilespmem:v18+s30+$0x0], $0xffff  }
0x83: {  	v38 =	vor.u32 $0x6, v28;
	v15 =	vmul.f32 v29, v25;
	v18 =	vld.idx.msk [tilespmem:v30+s30+$0x0], $0xffff;
	v30 =	vmul.f32 v31, v26  }
0x84: {  	v50 =	vld [tilespmem:s1+$0xC1A0];
	v61 =	vmul.f32 v33, v10;
	v54 =	vmul.f32 v44, v8;
	v28 =	vor.u32 $0x7, v28  }
0x85: {  	v2 =	vld.idx.msk [tilespmem:v2+s30+$0x0], $0xffff;
	v49 =	vmul.f32 v31, v27;
	v15 =	vadd.f32 v30, v15;
	v30 =	vmul.f32 v33, v23  }
0x86: {  	v48 =	vadd.f32 v48, v39;
	v51 =	vmul.f32 v33, v22;
	v55 =	vmul.f32 v44, v12;
	v13 =	vld.idx.msk [tilespmem:v14+s30+$0x0], $0xffff  }
0x87: {  	v39 =	vld [tilespmem:s1+$0xD1A0];
	v45 =	vadd.f32 v49, v45;
	v30 =	vadd.f32 v30, v15;
	v62 =	vmul.f32 v44, v21  }
0x88: {  	v29 =	vmul.f32 v29, v17;
	v31 =	vmul.f32 v31, v20;
	v14 =	vld.idx.msk [tilespmem:v38+s30+$0x0], $0xffff  }
0x89: {  	v45 =	vadd.f32 v51, v45;
	v38 =	vld [tilespmem:s1+$0xE1A0];
	v63 =	vmul.f32 v47, v18;
	v30 =	vadd.f32 v62, v30  }
0x8a: {  	v58 =	vmul.f32 v47, v7;
	v29 =	vadd.f32 v31, v29;
	v31 =	vmul.f32 v33, v11;
	v15 =	vld.idx.msk [tilespmem:v28+s30+$0x0], $0xffff  }
0x8b: {  	v59 =	vadd.f32 v55, v45;
	v33 =	vld.idx.msk [tilespmem:v32+s30+$0x0], $0xffff;
	v56 =	vmul.f32 v50, v13;
	v30 =	vadd.f32 v63, v30  }
0x8c: {  	v28 =	vadd.f32 v61, v48;
	v31 =	vadd.f32 v31, v29;
	v29 =	vld.idx.msk [tilespmem:v42+s30+$0x0], $0xffff;
	v44 =	vmul.f32 v44, v6  }
0x8d: {  	v32 =	vld.idx.msk [tilespmem:v40+s30+$0x0], $0xffff;
	v61 =	vmul.f32 v47, v9;
	v60 =	vmul.f32 v39, v14;
	v30 =	vadd.f32 v56, v30  }
0x8e: {  	v47 =	vmul.f32 v47, v4;
	v57 =	vadd.f32 v54, v28;
	v62 =	vadd.f32 v44, v31;
	v31 =	vld.idx.msk [tilespmem:v43+s30+$0x0], $0xffff  }
0x8f: {  	v28 =	vld.idx.msk [tilespmem:v41+s30+$0x0], $0xffff;
	v42 =	vadd.f32 v61, v59;
	v63 =	vmul.f32 v38, v15;
	v45 =	vadd.f32 v60, v30  }
0x90: {  	s5 =	simm.s32 $0x10;
	v44 =	vmul.f32 v50, v5;
	v41 =	vadd.f32 v58, v57;
	v43 =	vadd.f32 v47, v62;
	v30 =	vld.idx.msk [tilespmem:v46+s30+$0x0], $0xffff  }
0x91: {  	s6 =	simm.s32 $0x80;
	v40 =	vld [tilespmem:s5+$0x71A0];
	v47 =	vmul.f32 v50, v29;
	v46 =	vmul.f32 v50, v33;
	v45 =	vadd.f32 v63, v45  }
.LBB2_5:
0x92: {  	p1 =	sne.s32 s6, $0x3FC0;
	v48 =	vld [tilespmem:s5+$0x81A0];
	v41 =	vadd.f32 v44, v41;
	v44 =	vmul.f32 v39, v3;
	v49 =	vmul.f32 v39, v32  }
0x93: {  	v39 =	vmul.f32 v39, v31;
	v42 =	vadd.f32 v46, v42;
	v43 =	vadd.f32 v47, v43;
	[tilespmem:s1+$0x1A5A0] =	vst v45  }
0x94: {  	v46 =	vmul.f32 v38, v28;
	v45 =	vld [tilespmem:s5+$0x91A0];
	v41 =	vadd.f32 v44, v41;
	v44 =	vmul.f32 v38, v2  }
0x95: {  	v38 =	vmul.f32 v38, v30;
	v42 =	vadd.f32 v49, v42;
	v39 =	vadd.f32 v39, v43  }
0x96: {  	v43 =	vld [tilespmem:s5+$0xA1A0];
	v47 =	vmul.f32 v40, v16;
	v49 =	vmul.f32 v40, v24;
	v41 =	vadd.f32 v44, v41  }
0x97: {  	v44 =	vmul.f32 v40, v25;
	v50 =	vmul.f32 v48, v26;
	v42 =	vadd.f32 v46, v42  }
0x98: {  	v51 =	vmul.f32 v48, v19;
	v52 =	vmul.f32 v48, v27;
	v38 =	vadd.f32 v38, v39;
	v46 =	vld [tilespmem:s5+$0xB1A0];
	[tilespmem:s1+$0x175A0] =	vst v41  }
0x99: {  	v40 =	vmul.f32 v40, v17;
	v39 =	vadd.f32 v50, v44;
	v41 =	vmul.f32 v45, v23;
	[tilespmem:s1+$0x185A0] =	vst v42  }
0x9a: {  	v42 =	vadd.f32 v51, v47;
	v44 =	vadd.f32 v52, v49;
	v47 =	vmul.f32 v48, v20;
	v50 =	vld [tilespmem:s5+$0xC1A0];
	[tilespmem:s1+$0x195A0] =	vst v38;
	s1 =	smov.u32 s5  }
0x9b: {  	v38 =	vmul.f32 v45, v10;
	v41 =	vadd.f32 v41, v39;
	v48 =	vmul.f32 v43, v21  }
0x9c: {  	v49 =	vmul.f32 v45, v22;
	v45 =	vmul.f32 v45, v11;
	v40 =	vadd.f32 v47, v40;
	v39 =	vld [tilespmem:s1+$0xD1A0]  }
0x9d: {  	v42 =	vadd.f32 v38, v42;
	v41 =	vadd.f32 v48, v41;
	v47 =	vmul.f32 v46, v18  }
0x9e: {  	v44 =	vadd.f32 v49, v44;
	v48 =	vmul.f32 v43, v8;
	v40 =	vadd.f32 v45, v40;
	v38 =	vld [tilespmem:s1+$0xE1A0]  }
0x9f: {  	v45 =	vmul.f32 v43, v12;
	v41 =	vadd.f32 v47, v41;
	v47 =	vmul.f32 v50, v13  }
0xa0: {  	v43 =	vmul.f32 v43, v6;
	v42 =	vadd.f32 v48, v42;
	v48 =	vmul.f32 v46, v7  }
.Ltmp1:
0xa1: {  	v45 =	vadd.f32 v45, v44;
	v44 =	vadd.f32 v47, v41;
	v47 =	vmul.f32 v39, v14;
	(pc) =	sbr.rel @p1 .LBB2_5-.Ltmp1, $4  }
0xa2: {  	v49 =	vmul.f32 v46, v9;
	v40 =	vadd.f32 v43, v40;
	v43 =	vmul.f32 v46, v4  }
0xa3: {  	v41 =	vadd.f32 v48, v42;
	v48 =	vadd.f32 v47, v44;
	v51 =	vmul.f32 v38, v15  }
0xa4: {  	s5 =	sshra.s32 s6, $0x2;
	v42 =	vadd.f32 v49, v45;
	v43 =	vadd.f32 v43, v40;
	v44 =	vmul.f32 v50, v5  }
0xa5: {  	s6 =	sadd.s32 $0x40, s6;
	v46 =	vmul.f32 v50, v33;
	v47 =	vmul.f32 v50, v29;
	v40 =	vld [tilespmem:s5+$0x71A0];
	v45 =	vadd.f32 v51, v48  }
0xa6: {  	v54 =	vmul.f32 v39, v3  }
0xa7: {  	v41 =	vadd.f32 v44, v41;
	v48 =	vld [tilespmem:s5+$0x81A0];
	v49 =	vmul.f32 v39, v32;
	v55 =	vmul.f32 v39, v31  }
0xa8: {  	v56 =	vmul.f32 v38, v2;
	v42 =	vadd.f32 v46, v42;
	v43 =	vadd.f32 v47, v43;
	[tilespmem:s1+$0x1A5A0] =	vst v45  }
0xa9: {  	v57 =	vmul.f32 v38, v28;
	v58 =	vmul.f32 v38, v30;
	v41 =	vadd.f32 v54, v41;
	v44 =	vld [tilespmem:s5+$0x91A0]  }
0xaa: {  	v47 =	vld [tilespmem:s5+$0xA1A0];
	v42 =	vadd.f32 v49, v42;
	v39 =	vadd.f32 v55, v43;
	v59 =	vmul.f32 v40, v16  }
0xab: {  	v60 =	vmul.f32 v40, v24;
	v41 =	vadd.f32 v56, v41;
	v61 =	vmul.f32 v40, v25  }
0xac: {  	v46 =	vld [tilespmem:s5+$0xB1A0];
	v62 =	vmul.f32 v40, v17;
	v50 =	vmul.f32 v48, v26;
	v42 =	vadd.f32 v57, v42  }
0xad: {  	v51 =	vmul.f32 v48, v19;
	v52 =	vmul.f32 v48, v27;
	v38 =	vadd.f32 v58, v39  }
0xae: {  	v48 =	vmul.f32 v48, v20;
	v63 =	vadd.f32 v50, v61;
	v53 =	vmul.f32 v44, v23  }
0xaf: {  	[tilespmem:s1+$0x175A0] =	vst v41;
	v54 =	vadd.f32 v51, v59;
	v56 =	vmul.f32 v44, v10;
	v58 =	vmul.f32 v47, v21  }
0xb0: {  	[tilespmem:s1+$0x185A0] =	vst v42;
	v55 =	vadd.f32 v52, v60;
	v59 =	vmul.f32 v44, v22;
	v44 =	vmul.f32 v44, v11  }
0xb1: {  	v39 =	vadd.f32 v48, v62;
	v60 =	vmul.f32 v46, v18;
	v61 =	vmul.f32 v47, v8;
	v43 =	vld [tilespmem:s5+$0xC1A0]  }
0xb2: {  	v62 =	vmul.f32 v47, v12;
	[tilespmem:s1+$0x195A0] =	vst v38;
	v57 =	vadd.f32 v53, v63;
	v42 =	vadd.f32 v56, v54  }
0xb3: {  	v47 =	vmul.f32 v47, v6;
	v50 =	vld [tilespmem:s5+$0xD1A0];
	v41 =	vadd.f32 v59, v55;
	v39 =	vadd.f32 v44, v39  }
0xb4: {  	v52 =	vld [tilespmem:s5+$0xE1A0];
	v53 =	vmul.f32 v46, v7;
	v55 =	vmul.f32 v46, v9;
	v38 =	vadd.f32 v58, v57  }
0xb5: {  	v46 =	vmul.f32 v46, v4;
	v42 =	vadd.f32 v61, v42;
	v41 =	vadd.f32 v62, v41  }
0xb6: {  	v39 =	vadd.f32 v47, v39;
	v38 =	vadd.f32 v60, v38;
	v63 =	vmul.f32 v43, v13  }
0xb7: {  	v42 =	vadd.f32 v53, v42;
	v56 =	vmul.f32 v43, v5;
	v41 =	vadd.f32 v55, v41  }
0xb8: {  	v39 =	vadd.f32 v46, v39;
	v57 =	vmul.f32 v43, v33;
	v43 =	vmul.f32 v43, v29  }
0xb9: {  	v54 =	vmul.f32 v50, v14;
	v58 =	vmul.f32 v52, v15;
	v38 =	vadd.f32 v63, v38  }
0xba: {  	v59 =	vmul.f32 v50, v3;
	v60 =	vmul.f32 v50, v32;
	v40 =	vadd.f32 v56, v42  }
0xbb: {  	v61 =	vmul.f32 v50, v31;
	v41 =	vadd.f32 v57, v41;
	v38 =	vadd.f32 v54, v38  }
0xbc: {  	v62 =	vmul.f32 v52, v2;
	v39 =	vadd.f32 v43, v39;
	v40 =	vadd.f32 v59, v40  }
0xbd: {  	v63 =	vmul.f32 v52, v28;
	v41 =	vadd.f32 v60, v41;
	v38 =	vadd.f32 v58, v38  }
0xbe: {  	v48 =	vmul.f32 v52, v30;
	v39 =	vadd.f32 v61, v39;
	v40 =	vadd.f32 v62, v40  }
0xbf: {  	v49 =	vadd.f32 v63, v41;
	[tilespmem:s5+$0x1A5A0] =	vst v38  }
0xc0: {  	v39 =	vadd.f32 v48, v39;
	[tilespmem:s5+$0x175A0] =	vst v40  }
0xc1: {  	[tilespmem:s5+$0x185A0] =	vst v49  }
0xc2: {  	[tilespmem:s5+$0x195A0] =	vst v39  }
0xc3: {  	v38 =	vld [tilespmem:$0x171A0]  }
0xc4: {  	v39 =	vld [tilespmem:$0x171E0]  }
0xc5: {  	v40 =	vld [tilespmem:$0x17220]  }
0xc6: {  	v41 =	vld [tilespmem:$0x17260]  }
0xc7: {  	v44 =	vld [tilespmem:$0x172A0]  }
0xc8: {  	v45 =	vld [tilespmem:$0x172E0]  }
0xc9: {  	v48 =	vld [tilespmem:$0x17320];
	v50 =	vmul.f32 v38, v16  }
0xca: {  	v51 =	vmul.f32 v39, v19;
	v52 =	vmul.f32 v40, v10  }
0xcb: {  	v53 =	vmul.f32 v41, v8;
	v54 =	vmul.f32 v38, v24  }
0xcc: {  	v55 =	vmul.f32 v39, v27;
	v56 =	vmul.f32 v44, v7  }
0xcd: {  	(v2sf) =	vpush v34, $0x0;
	v57 =	vmul.f32 v40, v22;
	v59 =	vmul.f32 v45, v5  }
0xce: {  	(v2sf) =	vpush v35, $0x0;
	v43 =	vld [tilespmem:$0x17360];
	v61 =	vmul.f32 v41, v12;
	v62 =	vmul.f32 v48, v3  }
0xcf: {  	(v2sf) =	vpush v36, $0x0;
	v63 =	vmul.f32 v44, v9;
	v49 =	vmul.f32 v38, v17  }
0xd0: {  	v42 =	vadd.f32 v51, v50;
	v46 =	vadd.f32 v55, v54;
	v50 =	vmul.f32 v39, v20  }
0xd1: {  	(v2sf) =	vpush v37, $0x0;
	v54 =	vmul.f32 v38, v25;
	v55 =	vmul.f32 v39, v26  }
0xd2: {  	v51 =	vmul.f32 v45, v33;
	v39 =	vld [tilespmem:$0x171F0];
	v42 =	vadd.f32 v52, v42;
	v60 =	vadd.f32 v57, v46  }
0xd3: {  	v52 =	vmul.f32 v43, v2;
	v57 =	vmul.f32 v41, v6;
	v36 =	vadd.f32 v55, v54  }
0xd4: {  	v55 =	vmul.f32 v48, v31;
	v42 =	vadd.f32 v53, v42;
	v35 =	vadd.f32 v61, v60  }
0xd5: {  	v37 =	vadd.f32 v50, v49;
	v53 =	vmul.f32 v40, v11;
	v61 =	vmul.f32 v41, v21;
	v41 =	vld [tilespmem:$0x17270]  }
0xd6: {  	v47 =	vld [tilespmem:$0x171B0];
	v60 =	vmul.f32 v45, v29;
	v58 =	vadd.f32 v56, v42;
	v35 =	vadd.f32 v63, v35  }
0xd7: {  	v56 =	vmul.f32 v48, v32;
	v37 =	vadd.f32 v53, v37;
	v63 =	vmul.f32 v39, v19  }
0xd8: {  	v53 =	vmul.f32 v44, v18;
	v48 =	vmul.f32 v48, v14;
	v34 =	vadd.f32 v59, v58  }
0xd9: {  	v35 =	vadd.f32 v51, v35;
	v58 =	vmul.f32 v40, v23;
	v37 =	vadd.f32 v57, v37  }
0xda: {  	v40 =	vld [tilespmem:$0x17230];
	v59 =	vmul.f32 v44, v4;
	v57 =	vmul.f32 v41, v8;
	v34 =	vadd.f32 v62, v34  }
0xdb: {  	v44 =	vld [tilespmem:$0x172B0];
	v35 =	vadd.f32 v56, v35;
	v36 =	vadd.f32 v58, v36;
	v62 =	vmul.f32 v47, v16  }
0xdc: {  	v37 =	vadd.f32 v59, v37;
	v56 =	vmul.f32 v45, v13;
	v58 =	vmul.f32 v43, v30  }
0xdd: {  	v45 =	vld [tilespmem:$0x172F0];
	v34 =	vadd.f32 v52, v34;
	v52 =	vmul.f32 v43, v28;
	v36 =	vadd.f32 v61, v36  }
0xde: {  	v50 =	vld [tilespmem:$0x17330];
	v37 =	vadd.f32 v60, v37;
	v60 =	vmul.f32 v47, v24;
	v61 =	vmul.f32 v39, v27  }
0xdf: {  	v42 =	vadd.f32 v63, v62;
	v43 =	vmul.f32 v43, v15;
	v54 =	vmul.f32 v40, v10  }
0xe0: {  	v59 =	vmul.f32 v44, v7;
	v63 =	vmul.f32 v40, v22;
	v36 =	vadd.f32 v53, v36  }
0xe1: {  	v35 =	vadd.f32 v52, v35;
	v37 =	vadd.f32 v55, v37;
	v53 =	vmul.f32 v41, v12  }
0xe2: {  	v55 =	vmul.f32 v44, v18;
	v42 =	vadd.f32 v54, v42;
	v62 =	vmul.f32 v45, v5  }
0xe3: {  	v54 =	vmul.f32 v50, v31;
	v38 =	vadd.f32 v56, v36;
	v36 =	vadd.f32 v58, v37  }
0xe4: {  	v37 =	vadd.f32 v61, v60;
	v56 =	vmul.f32 v47, v17;
	v58 =	vmul.f32 v50, v3  }
0xe5: {  	v60 =	vmul.f32 v40, v11;
	v47 =	vmul.f32 v47, v25;
	v42 =	vadd.f32 v57, v42  }
0xe6: {  	v51 =	vld [tilespmem:$0x17370];
	v57 =	vmul.f32 v39, v20;
	v39 =	vmul.f32 v39, v26;
	v38 =	vadd.f32 v48, v38  }
0xe7: {  	v40 =	vmul.f32 v40, v23;
	v48 =	vadd.f32 v63, v37;
	v42 =	vadd.f32 v59, v42  }
0xe8: {  	v63 =	vmul.f32 v45, v33;
	v59 =	vadd.f32 v57, v56;
	v39 =	vadd.f32 v39, v47  }
0xe9: {  	v52 =	vld [tilespmem:$0x171C0];
	v56 =	vmul.f32 v41, v6;
	v37 =	vadd.f32 v43, v38;
	v42 =	vadd.f32 v62, v42  }
0xea: {  	v47 =	vld [tilespmem:$0x17200];
	v61 =	vadd.f32 v53, v48;
	v62 =	vmul.f32 v44, v9;
	v38 =	vadd.f32 v60, v59  }
0xeb: {  	[tilespmem:$0x1F5E0] =	vst v35;
	v35 =	vld [tilespmem:$0x17390];
	v57 =	vmul.f32 v51, v2;
	v59 =	vmul.f32 v50, v32;
	v42 =	vadd.f32 v58, v42  }
0xec: {  	v48 =	vld [tilespmem:$0x17380];
	v46 =	vadd.f32 v62, v61;
	v38 =	vadd.f32 v56, v38;
	v58 =	vmul.f32 v44, v4  }
0xed: {  	v60 =	vmul.f32 v45, v29;
	v39 =	vadd.f32 v40, v39;
	v61 =	vmul.f32 v41, v21  }
0xee: {  	v41 =	vld [tilespmem:$0x17240];
	v56 =	vmul.f32 v52, v16;
	v46 =	vadd.f32 v63, v46;
	v43 =	vadd.f32 v58, v38  }
0xef: {  	v38 =	vadd.f32 v57, v42;
	v63 =	vmul.f32 v51, v28;
	v57 =	vmul.f32 v47, v19  }
0xf0: {  	v44 =	vld [tilespmem:$0x17280];
	v39 =	vadd.f32 v61, v39;
	v58 =	vmul.f32 v45, v13;
	v61 =	vmul.f32 v52, v24  }
0xf1: {  	v49 =	vmul.f32 v48, v2;
	v2 =	vmul.f32 v35, v2;
	v62 =	vadd.f32 v59, v46  }
0xf2: {  	v45 =	vld [tilespmem:$0x172C0];
	v43 =	vadd.f32 v60, v43;
	v39 =	vadd.f32 v55, v39;
	v59 =	vmul.f32 v50, v14  }
0xf3: {  	v40 =	vld [tilespmem:$0x17300];
	v46 =	vadd.f32 v57, v56;
	v60 =	vmul.f32 v41, v10;
	v56 =	vmul.f32 v41, v22  }
0xf4: {  	v42 =	vadd.f32 v63, v62;
	v43 =	vadd.f32 v54, v43;
	v62 =	vmul.f32 v47, v27  }
0xf5: {  	v55 =	vld [tilespmem:$0x17340];
	v39 =	vadd.f32 v58, v39;
	v54 =	vmul.f32 v51, v30;
	v63 =	vmul.f32 v44, v8  }
0xf6: {  	v51 =	vmul.f32 v51, v15;
	v58 =	vmul.f32 v44, v12;
	v46 =	vadd.f32 v60, v46  }
0xf7: {  	v57 =	vmul.f32 v45, v7;
	v39 =	vadd.f32 v59, v39;
	v50 =	vadd.f32 v62, v61  }
0xf8: {  	v43 =	vadd.f32 v54, v43;
	v59 =	vmul.f32 v40, v5;
	v54 =	vld [tilespmem:$0x171D0];
	v46 =	vadd.f32 v63, v46  }
0xf9: {  	v61 =	vmul.f32 v45, v9;
	v62 =	vmul.f32 v40, v33;
	v50 =	vadd.f32 v56, v50  }
0xfa: {  	v60 =	vmul.f32 v55, v3;
	v63 =	vmul.f32 v52, v17;
	v46 =	vadd.f32 v57, v46  }
0xfb: {  	v39 =	vadd.f32 v51, v39;
	v56 =	vmul.f32 v47, v20;
	v51 =	vld [tilespmem:$0x17210];
	v50 =	vadd.f32 v58, v50  }
0xfc: {  	v47 =	vmul.f32 v47, v26;
	v46 =	vadd.f32 v59, v46;
	v59 =	vmul.f32 v44, v6  }
0xfd: {  	v44 =	vmul.f32 v44, v21;
	v57 =	vmul.f32 v54, v16;
	v50 =	vadd.f32 v61, v50  }
0xfe: {  	v53 =	vmul.f32 v54, v24;
	v46 =	vadd.f32 v60, v46;
	v60 =	vmul.f32 v52, v25  }
0xff: {  	v61 =	vadd.f32 v56, v63;
	v50 =	vadd.f32 v62, v50;
	v62 =	vmul.f32 v41, v11  }
0x100: {  	v63 =	vmul.f32 v55, v32;
	v20 =	vmul.f32 v51, v20;
	v47 =	vadd.f32 v47, v60  }
0x101: {  	v41 =	vmul.f32 v41, v23;
	v46 =	vadd.f32 v49, v46;
	v58 =	vadd.f32 v62, v61  }
0x102: {  	v50 =	vadd.f32 v63, v50;
	v61 =	vmul.f32 v45, v4;
	v63 =	vmul.f32 v45, v18;
	v45 =	vld [tilespmem:$0x17290]  }
0x103: {  	v60 =	vmul.f32 v48, v28;
	v62 =	vmul.f32 v40, v29;
	v41 =	vadd.f32 v41, v47;
	v47 =	vld [tilespmem:$0x17250]  }
0x104: {  	v40 =	vmul.f32 v40, v13;
	v49 =	vadd.f32 v59, v58;
	v58 =	vmul.f32 v51, v19  }
0x105: {  	v50 =	vadd.f32 v60, v50;
	v60 =	vmul.f32 v55, v31;
	v41 =	vadd.f32 v44, v41  }
0x106: {  	v49 =	vadd.f32 v61, v49;
	v16 =	vadd.f32 v58, v57;
	v61 =	vmul.f32 v48, v30  }
0x107: {  	v44 =	vld [tilespmem:$0x172D0];
	v57 =	vmul.f32 v48, v15;
	v41 =	vadd.f32 v63, v41;
	v63 =	vmul.f32 v45, v8  }
0x108: {  	[tilespmem:$0x1F620] =	vst v36;
	v36 =	vmul.f32 v45, v6;
	v59 =	vmul.f32 v47, v10  }
0x109: {  	v49 =	vadd.f32 v62, v49;
	v62 =	vmul.f32 v55, v14;
	v40 =	vadd.f32 v40, v41;
	v41 =	vld [tilespmem:$0x17310]  }
0x10a: {  	v55 =	vmul.f32 v51, v27;
	v58 =	vmul.f32 v47, v22;
	v10 =	vadd.f32 v59, v16  }
0x10b: {  	[tilespmem:$0x1F5A0] =	vst v34;
	v22 =	vmul.f32 v54, v25;
	v34 =	vmul.f32 v47, v23  }
0x10c: {  	v19 =	vadd.f32 v60, v49;
	v56 =	vmul.f32 v44, v7;
	v8 =	vadd.f32 v63, v10  }
0x10d: {  	v24 =	vadd.f32 v55, v53;
	v25 =	vmul.f32 v44, v9;
	v49 =	vmul.f32 v44, v4  }
0x10e: {  	v63 =	vmul.f32 v54, v17;
	v7 =	vadd.f32 v56, v8;
	v60 =	vmul.f32 v41, v5  }
0x10f: {  	v19 =	vadd.f32 v61, v19;
	v61 =	vadd.f32 v58, v24;
	v24 =	vmul.f32 v51, v26  }
0x110: {  	v26 =	vmul.f32 v47, v11;
	v5 =	vadd.f32 v60, v7;
	v7 =	vadd.f32 v20, v63  }
0x111: {  	v59 =	vld [tilespmem:$0x17350];
	v16 =	vadd.f32 v62, v40;
	v62 =	vmul.f32 v45, v12;
	v12 =	vadd.f32 v24, v22  }
0x112: {  	v53 =	vmul.f32 v44, v18;
	v47 =	vmul.f32 v45, v21;
	v7 =	vadd.f32 v26, v7  }
0x113: {  	[tilespmem:$0x1F660] =	vst v37;
	v58 =	vmul.f32 v35, v28;
	v10 =	vadd.f32 v62, v61;
	v40 =	vadd.f32 v34, v12  }
0x114: {  	[tilespmem:$0x1F5B0] =	vst v38;
	v8 =	vadd.f32 v57, v16;
	v37 =	vmul.f32 v41, v33;
	v48 =	vadd.f32 v36, v7  }
0x115: {  	[tilespmem:$0x1F5F0] =	vst v42;
	v55 =	vmul.f32 v41, v29;
	v9 =	vadd.f32 v25, v10;
	v52 =	vadd.f32 v47, v40  }
0x116: {  	[tilespmem:$0x1F630] =	vst v43;
	v56 =	vmul.f32 v41, v13;
	v3 =	vmul.f32 v59, v3;
	v4 =	vadd.f32 v49, v48  }
0x117: {  	[tilespmem:$0x1F670] =	vst v39;
	v54 =	vmul.f32 v59, v32;
	v51 =	vadd.f32 v37, v9;
	v7 =	vadd.f32 v53, v52  }
0x118: {  	[tilespmem:$0x1F5C0] =	vst v46;
	v57 =	vmul.f32 v59, v31;
	v3 =	vadd.f32 v3, v5;
	v4 =	vadd.f32 v55, v4  }
0x119: {  	[tilespmem:$0x1F600] =	vst v50;
	v59 =	vmul.f32 v59, v14;
	v6 =	vadd.f32 v54, v51;
	v7 =	vadd.f32 v56, v7  }
0x11a: {  	[tilespmem:$0x1F640] =	vst v19;
	v60 =	vmul.f32 v35, v30;
	v2 =	vadd.f32 v2, v3;
	v3 =	vadd.f32 v57, v4  }
0x11b: {  	[tilespmem:$0x1F680] =	vst v8;
	v63 =	vmul.f32 v35, v15;
	v61 =	vadd.f32 v58, v6;
	v62 =	vadd.f32 v59, v7  }
0x11c: {  	[tilespmem:$0x1F5D0] =	vst v2;
	v2 =	vadd.f32 v60, v3  }
0x11d: {  	s10 =	smin.u32 s0, $0x19;
	s1 =	spop (v2sf);
	[tilespmem:$0x1F610] =	vst v61;
	v3 =	vadd.f32 v63, v62  }
0x11e: {  	s11 =	sshll.u32 s10, $0x3;
	p1 =	sgt.s32 s1, $0x0;
	[tilespmem:$0x1F650] =	vst v2  }
.Ltmp2:
0x11f: {  	s9 =	spop (v2sf);
	s5 =	sadd.s32 $0x70D0, s11;
	[tilespmem:$0x1F690] =	vst v3;
	(pc) =	sbr.rel @!p1 .LBB2_7-.Ltmp2, $4  }
0x120: {  	[tilespmem:s21], [sflag:$0x1] =	stream.indirect.gather [hbm4b:s8+s20], $0x1000, s5, s20, $0xb8;
	[tilespmem:$0x1F7A0] =	vst v63  }
0x121: {  	s6 =	spop (v2sf)  }
0x122: {  	[tilespmem:s22], [sflag:$0x1] =	stream.indirect.gather [hbm4b:s7+s20], $0x40, s5, s20, $0xb8;
	[tilespmem:$0x1F7A0] =	vst v63  }
0x123: {  	s5 =	spop (v2sf)  }
0x124: {  	(v2sf) =	vpush v1, $0x0;
	_ =	sdelay $0xe  }
0x125: {  	s10 =	spop (v2sf)  }
0x126: {  	p1 =	sne.s32 s1, $0x1;
	s11 =	sshll.u32 s10, $0x9  }
.Ltmp3:
0x127: {  	s10 =	sshll.u32 s10, $0x3;
	s11 =	sand.u32 $0x1FFFFE00, s11;
	(pc) =	sbr.rel @!p1 .LBB2_9-.Ltmp3, $4  }
0x128: {  	s10 =	sand.u32 $0x1FFFFFF8, s10;
	s11 =	sadd.s32 s3, s11  }
0x129: {  	[hbm4b:s11+s4] =	stream.linear.scatter [tilespmem:s14], [sflag:$0x3], $0x1000, $0x38;
	[tilespmem:$0x1F7A0] =	vst v63  }
0x12a: {  	s10 =	sadd.s32 s2, s10;
	s11 =	simm.s32 $0x1F5A0  }
0x12b: {  	[hbm4b:s10+s4] =	stream.linear.scatter [tilespmem:s11], [sflag:$0x3], $0x40, $0x38;
	[tilespmem:$0x1F7A0] =	vst v63  }
0x12c: {  	s10 =	sshll.u32 s9, $0x9  }
0x12d: {  	s10 =	sand.u32 $0x1FFFFE00, s10  }
0x12e: {  	s11 =	simm.s32 $0x185A0;
	p1 =	sgt.u32 s1, $0x2;
	s10 =	sadd.s32 s3, s10  }
0x12f: {  	[hbm4b:s10+s4] =	stream.linear.scatter [tilespmem:s11], [sflag:$0x3], $0x1000, $0x38;
	[tilespmem:$0x1F7A0] =	vst v63  }
.Ltmp4:
0x130: {  	_ = 	snop;
	(pc) =	sbr.rel @!p1 .LBB2_11-.Ltmp4, $4  }
0x131: {  	s10 =	sshll.u32 s9, $0x3  }
0x132: {  	s9 =	sand.u32 $0x1FFFFFF8, s10  }
0x133: {  	s11 =	simm.s32 $0x1F5E0;
	s9 =	sadd.s32 s2, s9  }
0x134: {  	[hbm4b:s9+s4] =	stream.linear.scatter [tilespmem:s11], [sflag:$0x3], $0x40, $0x38;
	[tilespmem:$0x1F7A0] =	vst v63  }
0x135: {  	s9 =	sshll.u32 s6, $0x9  }
0x136: {  	s9 =	sand.u32 $0x1FFFFE00, s9  }
0x137: {  	s10 =	simm.s32 $0x195A0;
	p1 =	seq.s32 s1, $0x3;
	s9 =	sadd.s32 s3, s9  }
0x138: {  	[hbm4b:s9+s4] =	stream.linear.scatter [tilespmem:s10], [sflag:$0x3], $0x1000, $0x38;
	[tilespmem:$0x1F7A0] =	vst v63  }
.Ltmp5:
0x139: {  	_ = 	snop;
	(pc) =	sbr.rel @p1 .LBB2_12-.Ltmp5, $4  }
0x13a: {  	s10 =	sshll.u32 s6, $0x3  }
0x13b: {  	s6 =	sand.u32 $0x1FFFFFF8, s10  }
0x13c: {  	s11 =	simm.s32 $0x1F620;
	s6 =	sadd.s32 s2, s6  }
0x13d: {  	[hbm4b:s6+s4] =	stream.linear.scatter [tilespmem:s11], [sflag:$0x3], $0x40, $0x38;
	[tilespmem:$0x1F7A0] =	vst v63  }
0x13e: {  	s1 =	sshll.u32 s5, $0x9  }
.Ltmp6:
0x13f: {  	s1 =	sand.u32 $0x1FFFFE00, s1;
	(pc) =	sbr.rel .LBB2_15-.Ltmp6, $4  }
0x140: {  	s6 =	simm.s32 $0x1A5A0;
	s11 =	sshll.u32 s5, $0x3;
	s1 =	sadd.s32 s3, s1  }
0x141: {  	[hbm4b:s1+s4] =	stream.linear.scatter [tilespmem:s6], [sflag:$0x3], $0x1000, $0x38;
	[tilespmem:$0x1F7A0] =	vst v63  }
0x142: {  	s1 =	sand.u32 $0x1FFFFFF8, s11  }
0x143: {  	s1 =	sadd.s32 s2, s1  }
.LBB2_7:
0x144: {  	s1 =	simm.s32 $0x175A0  }
0x145: {  	[hbm4b:s12+s4] =	stream.linear.scatter [tilespmem:s1], [sflag:$0x3], $0x1000, $0x38;
	[tilespmem:$0x1F7A0] =	vst v63  }
0x146: {  	s11 =	simm.s32 $0x1F5A0  }
0x147: {  	[hbm4b:s13+s4] =	stream.linear.scatter [tilespmem:s11], [sflag:$0x3], $0x40, $0x38;
	[tilespmem:$0x1F7A0] =	vst v63  }
.LBB2_9:
0x148: {  	s1 =	simm.s32 $0x185A0  }
0x149: {  	[hbm4b:s12+s4] =	stream.linear.scatter [tilespmem:s1], [sflag:$0x3], $0x1000, $0x38;
	[tilespmem:$0x1F7A0] =	vst v63  }
0x14a: {  	s11 =	simm.s32 $0x1F5E0  }
0x14b: {  	[hbm4b:s13+s4] =	stream.linear.scatter [tilespmem:s11], [sflag:$0x3], $0x40, $0x38;
	[tilespmem:$0x1F7A0] =	vst v63  }
.LBB2_11:
0x14c: {  	s1 =	simm.s32 $0x195A0  }
0x14d: {  	[hbm4b:s12+s4] =	stream.linear.scatter [tilespmem:s1], [sflag:$0x3], $0x1000, $0x38;
	[tilespmem:$0x1F7A0] =	vst v63  }
0x14e: {  	s11 =	simm.s32 $0x1F620  }
0x14f: {  	[hbm4b:s13+s4] =	stream.linear.scatter [tilespmem:s11], [sflag:$0x3], $0x40, $0x38;
	[tilespmem:$0x1F7A0] =	vst v63  }
.LBB2_12:
0x150: {  	s1 =	simm.s32 $0x1A5A0  }
0x151: {  	[hbm4b:s12+s4] =	stream.linear.scatter [tilespmem:s1], [sflag:$0x3], $0x1000, $0x38;
	[tilespmem:$0x1F7A0] =	vst v63  }
0x152: {  	s1 =	smov.u32 s13  }
.LBB2_15:
0x153: {  	s5 =	simm.s32 $0x1F660  }
0x154: {  	[hbm4b:s1+s4] =	stream.linear.scatter [tilespmem:s5], [sflag:$0x3], $0x40, $0x38;
	[tilespmem:$0x1F7A0] =	vst v63  }
0x155: {  	_ =	swait.ge [sflag:s23], $0x8000  }
0x156: {  	[sflag:s23] =	ssyncset.done $0x0  }
0x157: {  	[sflag:s23] =	ssyncadd.s32 $0xFFFF8000  }
0x158: {  	_ =	swait.ge [sflag:s23], $0x200  }
0x159: {  	[sflag:s23] =	ssyncset.done $0x0  }
0x15a: {  	s1 =	simm.s32 @!p0 $0x4;
	[sflag:s23] =	ssyncadd.s32 $0xFFFFFE00  }
0x15b: {  	_ =	swait.ge @!p0 [sflag:s1], $0x1000  }
0x15c: {  	[sflag:s1] =	ssyncset.done @!p0 $0x0  }
0x15d: {  	[sflag:s1] =	ssyncadd.s32 @!p0 $0xFFFFF000  }
0x15e: {  	_ =	swait.ge @!p0 [sflag:s1], $0x40  }
0x15f: {  	[sflag:s1] =	ssyncset.done @!p0 $0x0  }
0x160: {  	[sflag:s1] =	ssyncadd.s32 @!p0 $0xFFFFFFC0  }
0x161: {  	_ =	swait.ge @!p0 [sflag:s1], $0x1000  }
0x162: {  	[sflag:s1] =	ssyncset.done @!p0 $0x0  }
0x163: {  	[sflag:s1] =	ssyncadd.s32 @!p0 $0xFFFFF000  }
0x164: {  	_ =	swait.ge @!p0 [sflag:s1], $0x40  }
0x165: {  	[sflag:s1] =	ssyncset.done @!p0 $0x0  }
0x166: {  	[sflag:s1] =	ssyncadd.s32 @!p0 $0xFFFFFFC0  }
0x167: {  	_ =	swait.ge @!p0 [sflag:s1], $0x1000  }
0x168: {  	[sflag:s1] =	ssyncset.done @!p0 $0x0  }
0x169: {  	[sflag:s1] =	ssyncadd.s32 @!p0 $0xFFFFF000  }
0x16a: {  	_ =	swait.ge @!p0 [sflag:s1], $0x40  }
0x16b: {  	[sflag:s1] =	ssyncset.done @!p0 $0x0  }
0x16c: {  	[sflag:s1] =	ssyncadd.s32 @!p0 $0xFFFFFFC0  }
0x16d: {  	s10 =	sor.u32 $0x1, s0;
	_ =	swait.ge @!p0 [sflag:s1], $0x1000  }
0x16e: {  	v2 =	vmov s10;
	[sflag:s1] =	ssyncset.done @!p0 $0x0  }
0x16f: {  	[sflag:s1] =	ssyncadd.s32 @!p0 $0xFFFFF000  }
0x170: {  	_ =	swait.ge @!p0 [sflag:s1], $0x40  }
0x171: {  	[sflag:s1] =	ssyncset.done @!p0 $0x0  }
0x172: {  	[sflag:s1] =	ssyncadd.s32 @!p0 $0xFFFFFFC0  }
0x173: {  	v3 =	vld.idx.msk [tilespmem:v2+s16+$0x0], $0xffff;
	_ =	sdelay $0x4  }
0x174: {  	vm0 =	vgt.s32 v3, $0x0  }
0x175: {  	v1 =	vnsel vm0, $0x0, v3  }
0x176: {  	v4 =	vadd.s32 $0x1, v3;
	v1 =	vmin.u32 v1, $0xC7F  }
0x177: {  	vm13 =	vgt.s32 v4, $0x0  }
0x178: {  	v4 =	vnsel vm13, $0x0, v4  }
0x179: {  	v4 =	vmin.u32 v4, $0xC7F;
	_ =	sdelay $0x1  }
0x17a: {  	v1 =	vld.idx.msk [tilespmem:v1+s19+$0x0], $0xffff  }
0x17b: {  	v8 =	vadd.s32 $0x2, v3  }
0x17c: {  	vm14 =	vgt.s32 v8, $0x0  }
0x17d: {  	v35 =	vld.idx.msk [tilespmem:v4+s19+$0x0], $0xffff;
	v4 =	vnsel vm14, $0x0, v8  }
0x17e: {  	s1 =	simm.s32 $0x0;
	v34 =	vld.idx.msk [tilespmem:v2+s17+$0x0], $0xffff;
	v4 =	vmin.u32 v4, $0xC7F  }
0x17f: {  	v29 =	vld [tilespmem:s1+$0xF1A0];
	v5 =	vshll.u32 v1, $0x3  }
0x180: {  	v31 =	vld [tilespmem:s1+$0x101A0];
	v6 =	vor.u32 $0x1, v5  }
0x181: {  	v33 =	vld [tilespmem:s1+$0x111A0];
	v3 =	vadd.s32 $0x3, v3;
	v7 =	vor.u32 $0x2, v5  }
0x182: {  	v44 =	vld [tilespmem:s1+$0x121A0];
	vm15 =	vgt.s32 v3, $0x0;
	v9 =	vor.u32 $0x4, v5  }
0x183: {  	s11 =	simm.s32 $0x0;
	v3 =	vnsel vm15, $0x0, v3;
	v2 =	vor.u32 $0x3, v5;
	v36 =	vld.idx.msk [tilespmem:v4+s19+$0x0], $0xffff  }
0x184: {  	v4 =	vmin.u32 v3, $0xC7F;
	v16 =	vld.idx.msk [tilespmem:v5+s11+$0x0], $0xffff  }
0x185: {  	v19 =	vld.idx.msk [tilespmem:v6+s11+$0x0], $0xffff;
	v6 =	vor.u32 $0x5, v5  }
0x186: {  	v11 =	vor.u32 $0x6, v5;
	v13 =	vshll.u32 v35, $0x3;
	v10 =	vld.idx.msk [tilespmem:v7+s11+$0x0], $0xffff  }
0x187: {  	v7 =	vld.idx.msk [tilespmem:v9+s11+$0x0], $0xffff;
	v9 =	vor.u32 $0x2, v13  }
0x188: {  	v14 =	vor.u32 $0x4, v13;
	v8 =	vld.idx.msk [tilespmem:v2+s11+$0x0], $0xffff  }
0x189: {  	v37 =	vld.idx.msk [tilespmem:v4+s19+$0x0], $0xffff  }
0x18a: {  	v2 =	vor.u32 $0x7, v5;
	v5 =	vld.idx.msk [tilespmem:v6+s11+$0x0], $0xffff;
	v6 =	vor.u32 $0x1, v13  }
0x18b: {  	v3 =	vld.idx.msk [tilespmem:v11+s11+$0x0], $0xffff;
	v11 =	vor.u32 $0x3, v13;
	v15 =	vshll.u32 v36, $0x3  }
0x18c: {  	v4 =	vor.u32 $0x1, v15;
	v22 =	vld.idx.msk [tilespmem:v9+s11+$0x0], $0xffff  }
0x18d: {  	v9 =	vld.idx.msk [tilespmem:v14+s11+$0x0], $0xffff;
	v14 =	vor.u32 $0x4, v15  }
0x18e: {  	v24 =	vld.idx.msk [tilespmem:v13+s11+$0x0], $0xffff;
	v28 =	vshll.u32 v37, $0x3  }
0x18f: {  	v27 =	vld.idx.msk [tilespmem:v6+s11+$0x0], $0xffff;
	v6 =	vor.u32 $0x2, v15  }
0x190: {  	v18 =	vor.u32 $0x3, v15;
	v12 =	vld.idx.msk [tilespmem:v11+s11+$0x0], $0xffff  }
0x191: {  	v20 =	vld.idx.msk [tilespmem:v4+s11+$0x0], $0xffff;
	v21 =	vor.u32 $0x1, v28  }
0x192: {  	v4 =	vld.idx.msk [tilespmem:v14+s11+$0x0], $0xffff  }
0x193: {  	v14 =	vor.u32 $0x2, v28;
	v25 =	vld.idx.msk [tilespmem:v28+s11+$0x0], $0xffff  }
0x194: {  	v11 =	vld.idx.msk [tilespmem:v6+s11+$0x0], $0xffff  }
0x195: {  	v6 =	vld.idx.msk [tilespmem:v18+s11+$0x0], $0xffff;
	v18 =	vor.u32 $0x3, v28  }
0x196: {  	v30 =	vor.u32 $0x4, v28;
	v26 =	vld.idx.msk [tilespmem:v21+s11+$0x0], $0xffff  }
0x197: {  	v47 =	vld [tilespmem:s1+$0x131A0];
	v32 =	vor.u32 $0x5, v13  }
0x198: {  	v40 =	vor.u32 $0x6, v13;
	v41 =	vor.u32 $0x7, v13;
	v42 =	vor.u32 $0x5, v15;
	v23 =	vld.idx.msk [tilespmem:v14+s11+$0x0], $0xffff  }
0x199: {  	v43 =	vor.u32 $0x6, v15;
	v39 =	vmul.f32 v29, v16;
	v17 =	vld.idx.msk [tilespmem:v15+s11+$0x0], $0xffff;
	v14 =	vor.u32 $0x5, v28  }
0x19a: {  	v46 =	vor.u32 $0x7, v15;
	v45 =	vmul.f32 v29, v24;
	v48 =	vmul.f32 v31, v19;
	v21 =	vld.idx.msk [tilespmem:v18+s11+$0x0], $0xffff  }
0x19b: {  	v38 =	vor.u32 $0x6, v28;
	v15 =	vmul.f32 v29, v25;
	v18 =	vld.idx.msk [tilespmem:v30+s11+$0x0], $0xffff;
	v30 =	vmul.f32 v31, v26  }
0x19c: {  	v50 =	vld [tilespmem:s1+$0x141A0];
	v61 =	vmul.f32 v33, v10;
	v54 =	vmul.f32 v44, v8;
	v28 =	vor.u32 $0x7, v28  }
0x19d: {  	v2 =	vld.idx.msk [tilespmem:v2+s11+$0x0], $0xffff;
	v49 =	vmul.f32 v31, v27;
	v15 =	vadd.f32 v30, v15;
	v30 =	vmul.f32 v33, v23  }
0x19e: {  	v48 =	vadd.f32 v48, v39;
	v51 =	vmul.f32 v33, v22;
	v55 =	vmul.f32 v44, v12;
	v13 =	vld.idx.msk [tilespmem:v14+s11+$0x0], $0xffff  }
0x19f: {  	v39 =	vld [tilespmem:s1+$0x151A0];
	v45 =	vadd.f32 v49, v45;
	v30 =	vadd.f32 v30, v15;
	v62 =	vmul.f32 v44, v21  }
0x1a0: {  	v29 =	vmul.f32 v29, v17;
	v31 =	vmul.f32 v31, v20;
	v14 =	vld.idx.msk [tilespmem:v38+s11+$0x0], $0xffff  }
0x1a1: {  	v45 =	vadd.f32 v51, v45;
	v38 =	vld [tilespmem:s1+$0x161A0];
	v63 =	vmul.f32 v47, v18;
	v30 =	vadd.f32 v62, v30  }
0x1a2: {  	v58 =	vmul.f32 v47, v7;
	v29 =	vadd.f32 v31, v29;
	v31 =	vmul.f32 v33, v11;
	v15 =	vld.idx.msk [tilespmem:v28+s11+$0x0], $0xffff  }
0x1a3: {  	v59 =	vadd.f32 v55, v45;
	v33 =	vld.idx.msk [tilespmem:v32+s11+$0x0], $0xffff;
	v56 =	vmul.f32 v50, v13;
	v30 =	vadd.f32 v63, v30  }
0x1a4: {  	v28 =	vadd.f32 v61, v48;
	v31 =	vadd.f32 v31, v29;
	v29 =	vld.idx.msk [tilespmem:v42+s11+$0x0], $0xffff;
	v44 =	vmul.f32 v44, v6  }
0x1a5: {  	v32 =	vld.idx.msk [tilespmem:v40+s11+$0x0], $0xffff;
	v61 =	vmul.f32 v47, v9;
	v60 =	vmul.f32 v39, v14;
	v30 =	vadd.f32 v56, v30  }
0x1a6: {  	v47 =	vmul.f32 v47, v4;
	v57 =	vadd.f32 v54, v28;
	v62 =	vadd.f32 v44, v31;
	v31 =	vld.idx.msk [tilespmem:v43+s11+$0x0], $0xffff  }
0x1a7: {  	v28 =	vld.idx.msk [tilespmem:v41+s11+$0x0], $0xffff;
	v42 =	vadd.f32 v61, v59;
	v63 =	vmul.f32 v38, v15;
	v45 =	vadd.f32 v60, v30  }
0x1a8: {  	s5 =	simm.s32 $0x10;
	v44 =	vmul.f32 v50, v5;
	v41 =	vadd.f32 v58, v57;
	v43 =	vadd.f32 v47, v62;
	v30 =	vld.idx.msk [tilespmem:v46+s11+$0x0], $0xffff  }
0x1a9: {  	s6 =	simm.s32 $0x80;
	v40 =	vld [tilespmem:s5+$0xF1A0];
	v47 =	vmul.f32 v50, v29;
	v46 =	vmul.f32 v50, v33;
	v45 =	vadd.f32 v63, v45  }
.LBB2_16:
0x1aa: {  	p0 =	sne.s32 s6, $0x3FC0;
	v48 =	vld [tilespmem:s5+$0x101A0];
	v41 =	vadd.f32 v44, v41;
	v44 =	vmul.f32 v39, v3;
	v49 =	vmul.f32 v39, v32  }
0x1ab: {  	v39 =	vmul.f32 v39, v31;
	v42 =	vadd.f32 v46, v42;
	v43 =	vadd.f32 v47, v43;
	[tilespmem:s1+$0x1E5A0] =	vst v45  }
0x1ac: {  	v46 =	vmul.f32 v38, v28;
	v45 =	vld [tilespmem:s5+$0x111A0];
	v41 =	vadd.f32 v44, v41;
	v44 =	vmul.f32 v38, v2  }
0x1ad: {  	v38 =	vmul.f32 v38, v30;
	v42 =	vadd.f32 v49, v42;
	v39 =	vadd.f32 v39, v43  }
0x1ae: {  	v43 =	vld [tilespmem:s5+$0x121A0];
	v47 =	vmul.f32 v40, v16;
	v49 =	vmul.f32 v40, v24;
	v41 =	vadd.f32 v44, v41  }
0x1af: {  	v44 =	vmul.f32 v40, v25;
	v50 =	vmul.f32 v48, v26;
	v42 =	vadd.f32 v46, v42  }
0x1b0: {  	v51 =	vmul.f32 v48, v19;
	v52 =	vmul.f32 v48, v27;
	v38 =	vadd.f32 v38, v39;
	v46 =	vld [tilespmem:s5+$0x131A0];
	[tilespmem:s1+$0x1B5A0] =	vst v41  }
0x1b1: {  	v40 =	vmul.f32 v40, v17;
	v39 =	vadd.f32 v50, v44;
	v41 =	vmul.f32 v45, v23;
	[tilespmem:s1+$0x1C5A0] =	vst v42  }
0x1b2: {  	v42 =	vadd.f32 v51, v47;
	v44 =	vadd.f32 v52, v49;
	v47 =	vmul.f32 v48, v20;
	v50 =	vld [tilespmem:s5+$0x141A0];
	[tilespmem:s1+$0x1D5A0] =	vst v38;
	s1 =	smov.u32 s5  }
0x1b3: {  	v38 =	vmul.f32 v45, v10;
	v41 =	vadd.f32 v41, v39;
	v48 =	vmul.f32 v43, v21  }
0x1b4: {  	v49 =	vmul.f32 v45, v22;
	v45 =	vmul.f32 v45, v11;
	v40 =	vadd.f32 v47, v40;
	v39 =	vld [tilespmem:s1+$0x151A0]  }
0x1b5: {  	v42 =	vadd.f32 v38, v42;
	v41 =	vadd.f32 v48, v41;
	v47 =	vmul.f32 v46, v18  }
0x1b6: {  	v44 =	vadd.f32 v49, v44;
	v48 =	vmul.f32 v43, v8;
	v40 =	vadd.f32 v45, v40;
	v38 =	vld [tilespmem:s1+$0x161A0]  }
0x1b7: {  	v45 =	vmul.f32 v43, v12;
	v41 =	vadd.f32 v47, v41;
	v47 =	vmul.f32 v50, v13  }
0x1b8: {  	v43 =	vmul.f32 v43, v6;
	v42 =	vadd.f32 v48, v42;
	v48 =	vmul.f32 v46, v7  }
.Ltmp7:
0x1b9: {  	v45 =	vadd.f32 v45, v44;
	v44 =	vadd.f32 v47, v41;
	v47 =	vmul.f32 v39, v14;
	(pc) =	sbr.rel @p0 .LBB2_16-.Ltmp7, $4  }
0x1ba: {  	v49 =	vmul.f32 v46, v9;
	v40 =	vadd.f32 v43, v40;
	v43 =	vmul.f32 v46, v4  }
0x1bb: {  	v41 =	vadd.f32 v48, v42;
	v48 =	vadd.f32 v47, v44;
	v51 =	vmul.f32 v38, v15  }
0x1bc: {  	s5 =	sshra.s32 s6, $0x2;
	v42 =	vadd.f32 v49, v45;
	v43 =	vadd.f32 v43, v40;
	v44 =	vmul.f32 v50, v5  }
0x1bd: {  	s6 =	sadd.s32 $0x40, s6;
	v46 =	vmul.f32 v50, v33;
	v47 =	vmul.f32 v50, v29;
	v40 =	vld [tilespmem:s5+$0xF1A0];
	v45 =	vadd.f32 v51, v48  }
0x1be: {  	v54 =	vmul.f32 v39, v3  }
0x1bf: {  	v41 =	vadd.f32 v44, v41;
	v48 =	vld [tilespmem:s5+$0x101A0];
	v49 =	vmul.f32 v39, v32;
	v55 =	vmul.f32 v39, v31  }
0x1c0: {  	v56 =	vmul.f32 v38, v2;
	v42 =	vadd.f32 v46, v42;
	v43 =	vadd.f32 v47, v43;
	[tilespmem:s1+$0x1E5A0] =	vst v45  }
0x1c1: {  	v57 =	vmul.f32 v38, v28;
	v58 =	vmul.f32 v38, v30;
	v41 =	vadd.f32 v54, v41;
	v44 =	vld [tilespmem:s5+$0x111A0]  }
0x1c2: {  	v47 =	vld [tilespmem:s5+$0x121A0];
	v42 =	vadd.f32 v49, v42;
	v39 =	vadd.f32 v55, v43;
	v59 =	vmul.f32 v40, v16  }
0x1c3: {  	v60 =	vmul.f32 v40, v24;
	v41 =	vadd.f32 v56, v41;
	v61 =	vmul.f32 v40, v25  }
0x1c4: {  	v46 =	vld [tilespmem:s5+$0x131A0];
	v62 =	vmul.f32 v40, v17;
	v50 =	vmul.f32 v48, v26;
	v42 =	vadd.f32 v57, v42  }
0x1c5: {  	v51 =	vmul.f32 v48, v19;
	v52 =	vmul.f32 v48, v27;
	v38 =	vadd.f32 v58, v39  }
0x1c6: {  	v48 =	vmul.f32 v48, v20;
	v63 =	vadd.f32 v50, v61;
	v53 =	vmul.f32 v44, v23  }
0x1c7: {  	[tilespmem:s1+$0x1B5A0] =	vst v41;
	v54 =	vadd.f32 v51, v59;
	v56 =	vmul.f32 v44, v10;
	v58 =	vmul.f32 v47, v21  }
0x1c8: {  	[tilespmem:s1+$0x1C5A0] =	vst v42;
	v55 =	vadd.f32 v52, v60;
	v59 =	vmul.f32 v44, v22;
	v44 =	vmul.f32 v44, v11  }
0x1c9: {  	v39 =	vadd.f32 v48, v62;
	v60 =	vmul.f32 v46, v18;
	v61 =	vmul.f32 v47, v8;
	v43 =	vld [tilespmem:s5+$0x141A0]  }
0x1ca: {  	v62 =	vmul.f32 v47, v12;
	[tilespmem:s1+$0x1D5A0] =	vst v38;
	v57 =	vadd.f32 v53, v63;
	v42 =	vadd.f32 v56, v54  }
0x1cb: {  	v47 =	vmul.f32 v47, v6;
	v50 =	vld [tilespmem:s5+$0x151A0];
	v41 =	vadd.f32 v59, v55;
	v39 =	vadd.f32 v44, v39  }
0x1cc: {  	v52 =	vld [tilespmem:s5+$0x161A0];
	v53 =	vmul.f32 v46, v7;
	v55 =	vmul.f32 v46, v9;
	v38 =	vadd.f32 v58, v57  }
0x1cd: {  	v46 =	vmul.f32 v46, v4;
	v42 =	vadd.f32 v61, v42;
	v41 =	vadd.f32 v62, v41  }
0x1ce: {  	v39 =	vadd.f32 v47, v39;
	v38 =	vadd.f32 v60, v38;
	v63 =	vmul.f32 v43, v13  }
0x1cf: {  	v42 =	vadd.f32 v53, v42;
	v56 =	vmul.f32 v43, v5;
	v41 =	vadd.f32 v55, v41  }
0x1d0: {  	v39 =	vadd.f32 v46, v39;
	v57 =	vmul.f32 v43, v33;
	v43 =	vmul.f32 v43, v29  }
0x1d1: {  	v54 =	vmul.f32 v50, v14;
	v58 =	vmul.f32 v52, v15;
	v38 =	vadd.f32 v63, v38  }
0x1d2: {  	v59 =	vmul.f32 v50, v3;
	v60 =	vmul.f32 v50, v32;
	v40 =	vadd.f32 v56, v42  }
0x1d3: {  	v61 =	vmul.f32 v50, v31;
	v41 =	vadd.f32 v57, v41;
	v38 =	vadd.f32 v54, v38  }
0x1d4: {  	v62 =	vmul.f32 v52, v2;
	v39 =	vadd.f32 v43, v39;
	v40 =	vadd.f32 v59, v40  }
0x1d5: {  	v63 =	vmul.f32 v52, v28;
	v41 =	vadd.f32 v60, v41;
	v38 =	vadd.f32 v58, v38  }
0x1d6: {  	v48 =	vmul.f32 v52, v30;
	v39 =	vadd.f32 v61, v39;
	v40 =	vadd.f32 v62, v40  }
0x1d7: {  	v49 =	vadd.f32 v63, v41;
	[tilespmem:s5+$0x1E5A0] =	vst v38  }
0x1d8: {  	v39 =	vadd.f32 v48, v39;
	[tilespmem:s5+$0x1B5A0] =	vst v40  }
0x1d9: {  	[tilespmem:s5+$0x1C5A0] =	vst v49  }
0x1da: {  	[tilespmem:s5+$0x1D5A0] =	vst v39  }
0x1db: {  	v38 =	vld [tilespmem:$0x173A0]  }
0x1dc: {  	v39 =	vld [tilespmem:$0x173E0]  }
0x1dd: {  	v40 =	vld [tilespmem:$0x17420]  }
0x1de: {  	v41 =	vld [tilespmem:$0x17460]  }
0x1df: {  	v44 =	vld [tilespmem:$0x174A0]  }
0x1e0: {  	v45 =	vld [tilespmem:$0x174E0]  }
0x1e1: {  	v48 =	vld [tilespmem:$0x17520];
	v50 =	vmul.f32 v38, v16  }
0x1e2: {  	v51 =	vmul.f32 v39, v19;
	v52 =	vmul.f32 v40, v10  }
0x1e3: {  	v53 =	vmul.f32 v41, v8;
	v54 =	vmul.f32 v38, v24  }
0x1e4: {  	v55 =	vmul.f32 v39, v27;
	v56 =	vmul.f32 v44, v7  }
0x1e5: {  	(v2sf) =	vpush v34, $0x0;
	v57 =	vmul.f32 v40, v22;
	v59 =	vmul.f32 v45, v5  }
0x1e6: {  	(v2sf) =	vpush v35, $0x0;
	v43 =	vld [tilespmem:$0x17560];
	v61 =	vmul.f32 v41, v12;
	v62 =	vmul.f32 v48, v3  }
0x1e7: {  	(v2sf) =	vpush v36, $0x0;
	v63 =	vmul.f32 v44, v9;
	v49 =	vmul.f32 v38, v17  }
0x1e8: {  	v42 =	vadd.f32 v51, v50;
	v46 =	vadd.f32 v55, v54;
	v50 =	vmul.f32 v39, v20  }
0x1e9: {  	(v2sf) =	vpush v37, $0x0;
	v54 =	vmul.f32 v38, v25;
	v55 =	vmul.f32 v39, v26  }
0x1ea: {  	v51 =	vmul.f32 v45, v33;
	v39 =	vld [tilespmem:$0x173F0];
	v42 =	vadd.f32 v52, v42;
	v60 =	vadd.f32 v57, v46  }
0x1eb: {  	v52 =	vmul.f32 v43, v2;
	v57 =	vmul.f32 v41, v6;
	v36 =	vadd.f32 v55, v54  }
0x1ec: {  	v55 =	vmul.f32 v48, v31;
	v42 =	vadd.f32 v53, v42;
	v35 =	vadd.f32 v61, v60  }
0x1ed: {  	v37 =	vadd.f32 v50, v49;
	v53 =	vmul.f32 v40, v11;
	v61 =	vmul.f32 v41, v21;
	v41 =	vld [tilespmem:$0x17470]  }
0x1ee: {  	v47 =	vld [tilespmem:$0x173B0];
	v60 =	vmul.f32 v45, v29;
	v58 =	vadd.f32 v56, v42;
	v35 =	vadd.f32 v63, v35  }
0x1ef: {  	v56 =	vmul.f32 v48, v32;
	v37 =	vadd.f32 v53, v37;
	v63 =	vmul.f32 v39, v19  }
0x1f0: {  	v53 =	vmul.f32 v44, v18;
	v48 =	vmul.f32 v48, v14;
	v34 =	vadd.f32 v59, v58  }
0x1f1: {  	v35 =	vadd.f32 v51, v35;
	v58 =	vmul.f32 v40, v23;
	v37 =	vadd.f32 v57, v37  }
0x1f2: {  	v40 =	vld [tilespmem:$0x17430];
	v59 =	vmul.f32 v44, v4;
	v57 =	vmul.f32 v41, v8;
	v34 =	vadd.f32 v62, v34  }
0x1f3: {  	v44 =	vld [tilespmem:$0x174B0];
	v35 =	vadd.f32 v56, v35;
	v36 =	vadd.f32 v58, v36;
	v62 =	vmul.f32 v47, v16  }
0x1f4: {  	v37 =	vadd.f32 v59, v37;
	v56 =	vmul.f32 v45, v13;
	v58 =	vmul.f32 v43, v30  }
0x1f5: {  	v45 =	vld [tilespmem:$0x174F0];
	v34 =	vadd.f32 v52, v34;
	v52 =	vmul.f32 v43, v28;
	v36 =	vadd.f32 v61, v36  }
0x1f6: {  	v50 =	vld [tilespmem:$0x17530];
	v37 =	vadd.f32 v60, v37;
	v60 =	vmul.f32 v47, v24;
	v61 =	vmul.f32 v39, v27  }
0x1f7: {  	v42 =	vadd.f32 v63, v62;
	v43 =	vmul.f32 v43, v15;
	v54 =	vmul.f32 v40, v10  }
0x1f8: {  	v59 =	vmul.f32 v44, v7;
	v63 =	vmul.f32 v40, v22;
	v36 =	vadd.f32 v53, v36  }
0x1f9: {  	v35 =	vadd.f32 v52, v35;
	v37 =	vadd.f32 v55, v37;
	v53 =	vmul.f32 v41, v12  }
0x1fa: {  	v55 =	vmul.f32 v44, v18;
	v42 =	vadd.f32 v54, v42;
	v62 =	vmul.f32 v45, v5  }
0x1fb: {  	v54 =	vmul.f32 v50, v31;
	v38 =	vadd.f32 v56, v36;
	v36 =	vadd.f32 v58, v37  }
0x1fc: {  	v37 =	vadd.f32 v61, v60;
	v56 =	vmul.f32 v47, v17;
	v58 =	vmul.f32 v50, v3  }
0x1fd: {  	v60 =	vmul.f32 v40, v11;
	v47 =	vmul.f32 v47, v25;
	v42 =	vadd.f32 v57, v42  }
0x1fe: {  	v51 =	vld [tilespmem:$0x17570];
	v57 =	vmul.f32 v39, v20;
	v39 =	vmul.f32 v39, v26;
	v38 =	vadd.f32 v48, v38  }
0x1ff: {  	v40 =	vmul.f32 v40, v23;
	v48 =	vadd.f32 v63, v37;
	v42 =	vadd.f32 v59, v42  }
0x200: {  	v63 =	vmul.f32 v45, v33;
	v59 =	vadd.f32 v57, v56;
	v39 =	vadd.f32 v39, v47  }
0x201: {  	v52 =	vld [tilespmem:$0x173C0];
	v56 =	vmul.f32 v41, v6;
	v37 =	vadd.f32 v43, v38;
	v42 =	vadd.f32 v62, v42  }
0x202: {  	v47 =	vld [tilespmem:$0x17400];
	v61 =	vadd.f32 v53, v48;
	v62 =	vmul.f32 v44, v9;
	v38 =	vadd.f32 v60, v59  }
0x203: {  	[tilespmem:$0x1F6E0] =	vst v35;
	v35 =	vld [tilespmem:$0x17590];
	v57 =	vmul.f32 v51, v2;
	v59 =	vmul.f32 v50, v32;
	v42 =	vadd.f32 v58, v42  }
0x204: {  	v48 =	vld [tilespmem:$0x17580];
	v46 =	vadd.f32 v62, v61;
	v38 =	vadd.f32 v56, v38;
	v58 =	vmul.f32 v44, v4  }
0x205: {  	v60 =	vmul.f32 v45, v29;
	v39 =	vadd.f32 v40, v39;
	v61 =	vmul.f32 v41, v21  }
0x206: {  	v41 =	vld [tilespmem:$0x17440];
	v56 =	vmul.f32 v52, v16;
	v46 =	vadd.f32 v63, v46;
	v43 =	vadd.f32 v58, v38  }
0x207: {  	v38 =	vadd.f32 v57, v42;
	v63 =	vmul.f32 v51, v28;
	v57 =	vmul.f32 v47, v19  }
0x208: {  	v44 =	vld [tilespmem:$0x17480];
	v39 =	vadd.f32 v61, v39;
	v58 =	vmul.f32 v45, v13;
	v61 =	vmul.f32 v52, v24  }
0x209: {  	v49 =	vmul.f32 v48, v2;
	v2 =	vmul.f32 v35, v2;
	v62 =	vadd.f32 v59, v46  }
0x20a: {  	v45 =	vld [tilespmem:$0x174C0];
	v43 =	vadd.f32 v60, v43;
	v39 =	vadd.f32 v55, v39;
	v59 =	vmul.f32 v50, v14  }
0x20b: {  	v40 =	vld [tilespmem:$0x17500];
	v46 =	vadd.f32 v57, v56;
	v60 =	vmul.f32 v41, v10;
	v56 =	vmul.f32 v41, v22  }
0x20c: {  	v42 =	vadd.f32 v63, v62;
	v43 =	vadd.f32 v54, v43;
	v62 =	vmul.f32 v47, v27  }
0x20d: {  	v55 =	vld [tilespmem:$0x17540];
	v39 =	vadd.f32 v58, v39;
	v54 =	vmul.f32 v51, v30;
	v63 =	vmul.f32 v44, v8  }
0x20e: {  	v51 =	vmul.f32 v51, v15;
	v58 =	vmul.f32 v44, v12;
	v46 =	vadd.f32 v60, v46  }
0x20f: {  	v57 =	vmul.f32 v45, v7;
	v39 =	vadd.f32 v59, v39;
	v50 =	vadd.f32 v62, v61  }
0x210: {  	v43 =	vadd.f32 v54, v43;
	v59 =	vmul.f32 v40, v5;
	v54 =	vld [tilespmem:$0x173D0];
	v46 =	vadd.f32 v63, v46  }
0x211: {  	v61 =	vmul.f32 v45, v9;
	v62 =	vmul.f32 v40, v33;
	v50 =	vadd.f32 v56, v50  }
0x212: {  	v60 =	vmul.f32 v55, v3;
	v63 =	vmul.f32 v52, v17;
	v46 =	vadd.f32 v57, v46  }
0x213: {  	v39 =	vadd.f32 v51, v39;
	v56 =	vmul.f32 v47, v20;
	v51 =	vld [tilespmem:$0x17410];
	v50 =	vadd.f32 v58, v50  }
0x214: {  	v47 =	vmul.f32 v47, v26;
	v46 =	vadd.f32 v59, v46;
	v59 =	vmul.f32 v44, v6  }
0x215: {  	v44 =	vmul.f32 v44, v21;
	v57 =	vmul.f32 v54, v16;
	v50 =	vadd.f32 v61, v50  }
0x216: {  	v53 =	vmul.f32 v54, v24;
	v46 =	vadd.f32 v60, v46;
	v60 =	vmul.f32 v52, v25  }
0x217: {  	v61 =	vadd.f32 v56, v63;
	v50 =	vadd.f32 v62, v50;
	v62 =	vmul.f32 v41, v11  }
0x218: {  	v63 =	vmul.f32 v55, v32;
	v20 =	vmul.f32 v51, v20;
	v47 =	vadd.f32 v47, v60  }
0x219: {  	v41 =	vmul.f32 v41, v23;
	v46 =	vadd.f32 v49, v46;
	v58 =	vadd.f32 v62, v61  }
0x21a: {  	v50 =	vadd.f32 v63, v50;
	v61 =	vmul.f32 v45, v4;
	v63 =	vmul.f32 v45, v18;
	v45 =	vld [tilespmem:$0x17490]  }
0x21b: {  	v60 =	vmul.f32 v48, v28;
	v62 =	vmul.f32 v40, v29;
	v41 =	vadd.f32 v41, v47;
	v47 =	vld [tilespmem:$0x17450]  }
0x21c: {  	v40 =	vmul.f32 v40, v13;
	v49 =	vadd.f32 v59, v58;
	v58 =	vmul.f32 v51, v19  }
0x21d: {  	v50 =	vadd.f32 v60, v50;
	v60 =	vmul.f32 v55, v31;
	v41 =	vadd.f32 v44, v41  }
0x21e: {  	v49 =	vadd.f32 v61, v49;
	v16 =	vadd.f32 v58, v57;
	v61 =	vmul.f32 v48, v30  }
0x21f: {  	v44 =	vld [tilespmem:$0x174D0];
	v57 =	vmul.f32 v48, v15;
	v41 =	vadd.f32 v63, v41;
	v63 =	vmul.f32 v45, v8  }
0x220: {  	[tilespmem:$0x1F720] =	vst v36;
	v36 =	vmul.f32 v45, v6;
	v59 =	vmul.f32 v47, v10  }
0x221: {  	v49 =	vadd.f32 v62, v49;
	v62 =	vmul.f32 v55, v14;
	v40 =	vadd.f32 v40, v41;
	v41 =	vld [tilespmem:$0x17510]  }
0x222: {  	v55 =	vmul.f32 v51, v27;
	v58 =	vmul.f32 v47, v22;
	v10 =	vadd.f32 v59, v16  }
0x223: {  	[tilespmem:$0x1F6A0] =	vst v34;
	v22 =	vmul.f32 v54, v25;
	v34 =	vmul.f32 v47, v23  }
0x224: {  	v19 =	vadd.f32 v60, v49;
	v56 =	vmul.f32 v44, v7;
	v8 =	vadd.f32 v63, v10  }
0x225: {  	v24 =	vadd.f32 v55, v53;
	v25 =	vmul.f32 v44, v9;
	v49 =	vmul.f32 v44, v4  }
0x226: {  	v63 =	vmul.f32 v54, v17;
	v7 =	vadd.f32 v56, v8;
	v60 =	vmul.f32 v41, v5  }
0x227: {  	v19 =	vadd.f32 v61, v19;
	v61 =	vadd.f32 v58, v24;
	v24 =	vmul.f32 v51, v26  }
0x228: {  	v26 =	vmul.f32 v47, v11;
	v5 =	vadd.f32 v60, v7;
	v7 =	vadd.f32 v20, v63  }
0x229: {  	v59 =	vld [tilespmem:$0x17550];
	v16 =	vadd.f32 v62, v40;
	v62 =	vmul.f32 v45, v12;
	v12 =	vadd.f32 v24, v22  }
0x22a: {  	v53 =	vmul.f32 v44, v18;
	v47 =	vmul.f32 v45, v21;
	v7 =	vadd.f32 v26, v7  }
0x22b: {  	[tilespmem:$0x1F760] =	vst v37;
	v58 =	vmul.f32 v35, v28;
	v10 =	vadd.f32 v62, v61;
	v40 =	vadd.f32 v34, v12  }
0x22c: {  	[tilespmem:$0x1F6B0] =	vst v38;
	v8 =	vadd.f32 v57, v16;
	v37 =	vmul.f32 v41, v33;
	v48 =	vadd.f32 v36, v7  }
0x22d: {  	[tilespmem:$0x1F6F0] =	vst v42;
	v55 =	vmul.f32 v41, v29;
	v9 =	vadd.f32 v25, v10;
	v52 =	vadd.f32 v47, v40  }
0x22e: {  	[tilespmem:$0x1F730] =	vst v43;
	v56 =	vmul.f32 v41, v13;
	v3 =	vmul.f32 v59, v3;
	v4 =	vadd.f32 v49, v48  }
0x22f: {  	[tilespmem:$0x1F770] =	vst v39;
	v54 =	vmul.f32 v59, v32;
	v51 =	vadd.f32 v37, v9;
	v7 =	vadd.f32 v53, v52  }
0x230: {  	[tilespmem:$0x1F6C0] =	vst v46;
	v57 =	vmul.f32 v59, v31;
	v3 =	vadd.f32 v3, v5;
	v4 =	vadd.f32 v55, v4  }
0x231: {  	[tilespmem:$0x1F700] =	vst v50;
	v59 =	vmul.f32 v59, v14;
	v6 =	vadd.f32 v54, v51;
	v7 =	vadd.f32 v56, v7  }
0x232: {  	[tilespmem:$0x1F740] =	vst v19;
	v60 =	vmul.f32 v35, v30;
	v2 =	vadd.f32 v2, v3;
	v3 =	vadd.f32 v57, v4  }
0x233: {  	[tilespmem:$0x1F780] =	vst v8;
	v63 =	vmul.f32 v35, v15;
	v61 =	vadd.f32 v58, v6;
	v62 =	vadd.f32 v59, v7  }
0x234: {  	s0 =	smin.u32 s0, $0x18;
	[tilespmem:$0x1F6D0] =	vst v2;
	v2 =	vadd.f32 v60, v3  }
0x235: {  	s11 =	sshll.u32 s0, $0x3;
	s0 =	spop (v2sf);
	[tilespmem:$0x1F710] =	vst v61;
	v3 =	vadd.f32 v63, v62  }
0x236: {  	p0 =	sgt.s32 s0, $0x0;
	[tilespmem:$0x1F750] =	vst v2  }
.Ltmp8:
0x237: {  	s1 =	sadd.s32 $0x70D8, s11;
	s6 =	spop (v2sf);
	[tilespmem:$0x1F790] =	vst v3;
	(pc) =	sbr.rel @!p0 .LBB2_18-.Ltmp8, $4  }
0x238: {  	[tilespmem:s24], [sflag:$0x2] =	stream.indirect.gather [hbm4b:s8+s20], $0x1000, s1, s20, $0xb8;
	[tilespmem:$0x1F7A0] =	vst v63  }
0x239: {  	s5 =	spop (v2sf)  }
0x23a: {  	[tilespmem:s25], [sflag:$0x2] =	stream.indirect.gather [hbm4b:s7+s20], $0x40, s1, s20, $0xb8;
	[tilespmem:$0x1F7A0] =	vst v63  }
0x23b: {  	s1 =	spop (v2sf)  }
0x23c: {  	(v2sf) =	vpush v1, $0x0;
	_ =	sdelay $0xe  }
0x23d: {  	s9 =	spop (v2sf)  }
0x23e: {  	p0 =	sne.s32 s0, $0x1;
	s10 =	sshll.u32 s9, $0x9  }
.Ltmp9:
0x23f: {  	s9 =	sshll.u32 s9, $0x3;
	s10 =	sand.u32 $0x1FFFFE00, s10;
	(pc) =	sbr.rel @!p0 .LBB2_20-.Ltmp9, $4  }
0x240: {  	s11 =	simm.s32 $0x1B5A0;
	s9 =	sand.u32 $0x1FFFFFF8, s9;
	s10 =	sadd.s32 s3, s10  }
0x241: {  	[hbm4b:s10+s4] =	stream.linear.scatter [tilespmem:s11], [sflag:$0x4], $0x1000, $0x38;
	[tilespmem:$0x1F7A0] =	vst v63  }
0x242: {  	s9 =	sadd.s32 s2, s9;
	s11 =	simm.s32 $0x1F6A0  }
0x243: {  	[hbm4b:s9+s4] =	stream.linear.scatter [tilespmem:s11], [sflag:$0x4], $0x40, $0x38;
	[tilespmem:$0x1F7A0] =	vst v63  }
0x244: {  	s9 =	sshll.u32 s6, $0x9  }
0x245: {  	s9 =	sand.u32 $0x1FFFFE00, s9  }
0x246: {  	s10 =	simm.s32 $0x1C5A0;
	p0 =	sgt.u32 s0, $0x2;
	s9 =	sadd.s32 s3, s9  }
0x247: {  	[hbm4b:s9+s4] =	stream.linear.scatter [tilespmem:s10], [sflag:$0x4], $0x1000, $0x38;
	[tilespmem:$0x1F7A0] =	vst v63  }
.Ltmp10:
0x248: {  	_ = 	snop;
	(pc) =	sbr.rel @!p0 .LBB2_22-.Ltmp10, $4  }
0x249: {  	s10 =	sshll.u32 s6, $0x3  }
0x24a: {  	s6 =	sand.u32 $0x1FFFFFF8, s10  }
0x24b: {  	s11 =	simm.s32 $0x1F6E0;
	s6 =	sadd.s32 s2, s6  }
0x24c: {  	[hbm4b:s6+s4] =	stream.linear.scatter [tilespmem:s11], [sflag:$0x4], $0x40, $0x38;
	[tilespmem:$0x1F7A0] =	vst v63  }
0x24d: {  	s6 =	sshll.u32 s5, $0x9;
	p0 =	seq.s32 s0, $0x3  }
.Ltmp11:
0x24e: {  	s11 =	sshll.u32 s5, $0x3;
	s6 =	sand.u32 $0x1FFFFE00, s6;
	(pc) =	sbr.rel @p0 .LBB2_23-.Ltmp11, $4  }
0x24f: {  	s5 =	sand.u32 $0x1FFFFFF8, s11;
	s6 =	sadd.s32 s3, s6  }
0x250: {  	[hbm4b:s6+s4] =	stream.linear.scatter [tilespmem:s18], [sflag:$0x4], $0x1000, $0x38;
	[tilespmem:$0x1F7A0] =	vst v63  }
0x251: {  	s5 =	sadd.s32 s2, s5  }
0x252: {  	[hbm4b:s5+s4] =	stream.linear.scatter [tilespmem:s15], [sflag:$0x4], $0x40, $0x38;
	[tilespmem:$0x1F7A0] =	vst v63  }
0x253: {  	s0 =	sshll.u32 s1, $0x9  }
.Ltmp12:
0x254: {  	s0 =	sand.u32 $0x1FFFFE00, s0;
	(pc) =	sbr.rel .LBB2_26-.Ltmp12, $4  }
0x255: {  	s11 =	sshll.u32 s1, $0x3;
	s0 =	sadd.s32 s3, s0  }
0x256: {  	[hbm4b:s0+s4] =	stream.linear.scatter [tilespmem:s28], [sflag:$0x4], $0x1000, $0x38;
	[tilespmem:$0x1F7A0] =	vst v63  }
0x257: {  	s0 =	sand.u32 $0x1FFFFFF8, s11  }
0x258: {  	s0 =	sadd.s32 s2, s0  }
.LBB2_18:
0x259: {  	s0 =	simm.s32 $0x1B5A0  }
0x25a: {  	[hbm4b:s12+s4] =	stream.linear.scatter [tilespmem:s0], [sflag:$0x4], $0x1000, $0x38;
	[tilespmem:$0x1F7A0] =	vst v63  }
0x25b: {  	s11 =	simm.s32 $0x1F6A0  }
0x25c: {  	[hbm4b:s13+s4] =	stream.linear.scatter [tilespmem:s11], [sflag:$0x4], $0x40, $0x38;
	[tilespmem:$0x1F7A0] =	vst v63  }
.LBB2_20:
0x25d: {  	s0 =	simm.s32 $0x1C5A0  }
0x25e: {  	[hbm4b:s12+s4] =	stream.linear.scatter [tilespmem:s0], [sflag:$0x4], $0x1000, $0x38;
	[tilespmem:$0x1F7A0] =	vst v63  }
0x25f: {  	s11 =	simm.s32 $0x1F6E0  }
0x260: {  	[hbm4b:s13+s4] =	stream.linear.scatter [tilespmem:s11], [sflag:$0x4], $0x40, $0x38;
	[tilespmem:$0x1F7A0] =	vst v63  }
.LBB2_22:
0x261: {  	[hbm4b:s12+s4] =	stream.linear.scatter [tilespmem:s18], [sflag:$0x4], $0x1000, $0x38;
	[tilespmem:$0x1F7A0] =	vst v63  }
0x262: {  	_ = 	snop  }
0x263: {  	[hbm4b:s13+s4] =	stream.linear.scatter [tilespmem:s15], [sflag:$0x4], $0x40, $0x38;
	[tilespmem:$0x1F7A0] =	vst v63  }
.LBB2_23:
0x264: {  	[hbm4b:s12+s4] =	stream.linear.scatter [tilespmem:s28], [sflag:$0x4], $0x1000, $0x38;
	[tilespmem:$0x1F7A0] =	vst v63  }
0x265: {  	s0 =	smov.u32 s13  }
.LBB2_26:
0x266: {  	s31 =	sadd.s32 $0x1, s31  }
0x267: {  	p0 =	sne.s32 s31, $0xE  }
.Ltmp13:
0x268: {  	_ = 	snop;
	(pc) =	sbr.rel @p0 .LBB2_4-.Ltmp13, $2  }
0x269: {  	_ =	sdelay $0x2  }
0x26a: {  	[hbm4b:s0+s4] =	stream.linear.scatter [tilespmem:s29], [sflag:$0x4], $0x40, $0x38;
	[tilespmem:$0x1F7A0] =	vst v63  }
0x26b: {  	_ =	swait.ge [sflag:s26], $0x8000  }
0x26c: {  	[sflag:s26] =	ssyncset.done $0x0  }
0x26d: {  	[sflag:s26] =	ssyncadd.s32 $0xFFFF8000  }
0x26e: {  	_ =	swait.ge [sflag:s26], $0x200  }
0x26f: {  	[sflag:s26] =	ssyncset.done $0x0  }
0x270: {  	s0 =	simm.s32 $0x3;
	[sflag:s26] =	ssyncadd.s32 $0xFFFFFE00  }
0x271: {  	_ =	swait.ge [sflag:s0], $0x1000  }
0x272: {  	[sflag:s0] =	ssyncset.done $0x0  }
0x273: {  	[sflag:s0] =	ssyncadd.s32 $0xFFFFF000  }
0x274: {  	_ =	swait.ge [sflag:s0], $0x40  }
0x275: {  	[sflag:s0] =	ssyncset.done $0x0  }
0x276: {  	[sflag:s0] =	ssyncadd.s32 $0xFFFFFFC0  }
0x277: {  	_ =	swait.ge [sflag:s0], $0x1000  }
0x278: {  	[sflag:s0] =	ssyncset.done $0x0  }
0x279: {  	[sflag:s0] =	ssyncadd.s32 $0xFFFFF000  }
0x27a: {  	_ =	swait.ge [sflag:s0], $0x40  }
0x27b: {  	[sflag:s0] =	ssyncset.done $0x0  }
0x27c: {  	[sflag:s0] =	ssyncadd.s32 $0xFFFFFFC0  }
0x27d: {  	_ =	swait.ge [sflag:s0], $0x1000  }
0x27e: {  	[sflag:s0] =	ssyncset.done $0x0  }
0x27f: {  	[sflag:s0] =	ssyncadd.s32 $0xFFFFF000  }
0x280: {  	_ =	swait.ge [sflag:s0], $0x40  }
0x281: {  	[sflag:s0] =	ssyncset.done $0x0  }
0x282: {  	[sflag:s0] =	ssyncadd.s32 $0xFFFFFFC0  }
0x283: {  	_ =	swait.ge [sflag:s0], $0x1000  }
0x284: {  	[sflag:s0] =	ssyncset.done $0x0  }
0x285: {  	[sflag:s0] =	ssyncadd.s32 $0xFFFFF000  }
0x286: {  	_ =	swait.ge [sflag:s0], $0x40  }
0x287: {  	[sflag:s0] =	ssyncset.done $0x0  }
0x288: {  	[sflag:s0] =	ssyncadd.s32 $0xFFFFFFC0  }
0x289: {  	_ =	swait.ge [sflag:s23], $0x8000  }
0x28a: {  	[sflag:s23] =	ssyncset.done $0x0  }
0x28b: {  	[sflag:s23] =	ssyncadd.s32 $0xFFFF8000  }
0x28c: {  	_ =	swait.ge [sflag:s23], $0x200  }
0x28d: {  	[sflag:s23] =	ssyncset.done $0x0  }
0x28e: {  	s1 =	simm.s32 $0x4;
	[sflag:s23] =	ssyncadd.s32 $0xFFFFFE00  }
0x28f: {  	_ =	swait.ge [sflag:s1], $0x1000  }
0x290: {  	[sflag:s1] =	ssyncset.done $0x0  }
0x291: {  	[sflag:s1] =	ssyncadd.s32 $0xFFFFF000  }
0x292: {  	_ =	swait.ge [sflag:s1], $0x40  }
0x293: {  	[sflag:s1] =	ssyncset.done $0x0  }
0x294: {  	[sflag:s1] =	ssyncadd.s32 $0xFFFFFFC0  }
0x295: {  	_ =	swait.ge [sflag:s1], $0x1000  }
0x296: {  	[sflag:s1] =	ssyncset.done $0x0  }
0x297: {  	[sflag:s1] =	ssyncadd.s32 $0xFFFFF000  }
0x298: {  	_ =	swait.ge [sflag:s1], $0x40  }
0x299: {  	[sflag:s1] =	ssyncset.done $0x0  }
0x29a: {  	[sflag:s1] =	ssyncadd.s32 $0xFFFFFFC0  }
0x29b: {  	_ =	swait.ge [sflag:s1], $0x1000  }
0x29c: {  	[sflag:s1] =	ssyncset.done $0x0  }
0x29d: {  	[sflag:s1] =	ssyncadd.s32 $0xFFFFF000  }
0x29e: {  	_ =	swait.ge [sflag:s1], $0x40  }
0x29f: {  	[sflag:s1] =	ssyncset.done $0x0  }
0x2a0: {  	[sflag:s1] =	ssyncadd.s32 $0xFFFFFFC0  }
0x2a1: {  	_ =	swait.ge [sflag:s1], $0x1000  }
0x2a2: {  	[sflag:s1] =	ssyncset.done $0x0  }
0x2a3: {  	[sflag:s1] =	ssyncadd.s32 $0xFFFFF000  }
0x2a4: {  	_ =	swait.ge [sflag:s1], $0x40  }
0x2a5: {  	s5 =	rddreg [dreg:$0xa]  }
0x2a6: {  	s31 =	rddreg [dreg:$0x9];
	s5 =	sadd.s32 $0x1, s5  }
0x2a7: {  	p0 =	sne.s32 s5, s31  }
.Ltmp14:
0x2a8: {  	_ = 	snop;
	(pc) =	sbr.rel @p0 .LBB2_1-.Ltmp14, $3  }
0x2a9: {  	_ =	sdelay $0x1  }
0x2aa: {  	[sflag:s1] =	ssyncset.done $0x0  }
0x2ab: {  	s6 =	simm.s32 $0x70C0;
	[sflag:s1] =	ssyncadd.s32 $0xFFFFFFC0  }
0x2ac: {  	_ =	sfence.sel $0x180000  }
0x2ad: {  	[bflag:$0x0] =	sbarrier.arrive $0xFFFF  }
0x2ae: {  	_ =	strace $0x90000047  }
0x2af: {  	s0 =	stileid.u32;
	[bflag:$0x2] =	sbarrier.arrive $0xFFFF  }
0x2b0: {  	p0 =	sne.s32 s0, $0x0;
	s0 =	rddreg [dreg:$0x3]  }
0x2b1: {  	s0 =	sadd.s32 @!p0 $0x100000, s0  }
0x2b2: {  	[sflag:s0] =	ssyncadd.tile.s32 @!p0 $0x1;
	_ =	shalt  }
.Lfunc_end2:
_tile_overlayer_lowered:
.L_overlay_start_2:
0x2b3: {  	(tag) =	ssettag $0x2  }
0x2b4: {  	s0 =	rddreg [dreg:$0x0];
	s2 =	stileid.u32  }
0x2b5: {  	s1 =	rddreg [dreg:$0x1];
	p0 =	sne.s32 s2, $0x0  }
0x2b6: {  	s3 =	rddreg [dreg:$0x2];
	[bflag:$0x3] =	sbarrier.arrive $0xFFFF;
	s2 =	simm.s32 @!p0 $0x1C05  }
0x2b7: {  	[timem:s3], [sflag:s2] =	dma.local @!p0 [hbm:s0], s1  }
0x2b8: {  	s0 =	simm.s32 @!p0 $0x5  }
0x2b9: {  	_ =	swait.ge @!p0 [sflag:s0], s1  }
0x2ba: {  	s1 =	ssub.s32 @!p0 $0x0, s1;
	[sflag:s0] =	ssyncset.done @!p0 $0x0  }
0x2bb: {  	[sflag:s0] =	ssyncadd.s32 @!p0 s1  }
0x2bc: {  	[bflag:$0x3] =	sbarrier.arrive $0xFFFF  }
0x2bd: {  	_ =	shalt  }

// kernel: sparse-core-data-format-call.cloned.1.call-start
scs
called_computation_lowered:
.L_overlay_start_0:
0x0: {  	s2 =	sld [smem:$0x3FD9]  }
0x1: {  	s3 =	sld [smem:$0x3FFE];
	_ =	sdelay $0x1  }
0x2: {  	s1 =	srdreg.scid  }
0x3: {  	s0 =	sand.u32 $0x1, s1  }
0x4: {  	s15 =	sshll.u32 s0, $0xA;
	s2 =	sadd.s32 s3, s2  }
0x5: {  	s2 =	sadd.s32 s2, s15  }
0x6: {  	[smem:$0x3FC4] =	sst s2  }
0x7: {  	_ = 	snop  }
0x8: {  	s2 =	sld [smem:$0x3FD0];
	_ =	sdelay $0x2  }
0x9: {  	s16 =	simm.s32 $0xA;
	s4 =	simm.s32 $0x10  }
0xa: {  	[smem:s4], [sflag:s16] =	dma.local [hbm:s2], $0x1  }
0xb: {  	_ =	swait.eq [sflag:s16], $0x1  }
0xc: {  	[sflag:s16] =	ssyncset.done $0x0  }
0xd: {  	[sflag:s16] =	ssyncadd.s32 $0xFFFFFFFF  }
0xe: {  	s17 =	sld [smem:$0x11];
	(tm) =	ssettm $0x1  }
0xf: {  	s18 =	sld [smem:$0x3FFB];
	_ =	sdelay $0x3  }
0x10: {  	_ =	strace s18  }
0x11: {  	s3 =	sld [smem:$0x3FFC];
	_ =	sdelay $0x3  }
0x12: {  	_ =	strace s3  }
0x13: {  	s3 =	sld [smem:$0x3FFD];
	_ =	sdelay $0x3  }
0x14: {  	_ =	strace s3  }
0x15: {  	_ =	strace $0x8FFFFFFF  }
0x16: {  	s19 =	sld [smem:$0x3FDB];
	_ =	sdelay $0x1  }
0x17: {  	s20 =	simm.s32 $_scs_section_size  }
0x18: {  	s5 =	simm.s32 $_size__tile_overlayer_lowered;
	s6 =	simm.s32 $_tile_overlayer_lowered  }
0x19: {  	s23 =	simm.s32 $0x1BFF;
	s22 =	sshll.u32 s6, $0x1;
	s3 =	sadd.s32 s20, s19  }
0x1a: {  	s7 =	simm.s32 $0x0;
	s21 =	sshll.u32 s5, $0x1;
	s5 =	sadd.s32 s22, s3  }
0x1b: {  	[timem:s7], [sflag:s23] =	dma.local [hbm:s5], s21  }
0x1c: {  	_ =	swait.ge [sflag:s23], s21  }
0x1d: {  	s4 =	ssub.s32 $0x0, s21;
	[sflag:s23] =	ssyncset.done $0x0  }
0x1e: {  	[sflag:s23] =	ssyncadd.s32 s4;
	_ =	sdelay $0x1  }
0x1f: {  	s24 =	simm.s32 $0x1B8B  }
0x20: {  	_ =	swait.ge [sflag:s24], $0x1  }
0x21: {  	[sflag:s24] =	ssyncset.done $0x0  }
0x22: {  	s26 =	simm.s32 $0x1B8E;
	s25 =	sld [smem:$0x3FFE];
	[sflag:s24] =	ssyncadd.s32 $0xFFFFFFFF  }
0x23: {  	s27 =	simm.s32 $execute0_lowered;
	[smem:$0x3FD2] =	sst s26  }
0x24: {  	s5 =	sshll.u32 s27, $0x1;
	_ =	strace $0x80000049;
	[dreg:$0x1] =	wrdreg $0xFFFFFFFF  }
0x25: {  	s28 =	simm.s32 $_size_execute0_lowered;
	s3 =	sadd.s32 s3, s5;
	[dreg:$0x0] =	wrdreg $0x0  }
0x26: {  	s5 =	sshll.u32 s28, $0x1;
	[dreg:$0x2] =	wrdreg s3  }
0x27: {  	[dreg:$0x3] =	wrdreg s5  }
0x28: {  	[dreg:$0x4] =	wrdreg $0xC0  }
0x29: {  	_ =	task [dreg:s7], $0x5FFFF  }
0x2a: {  	[dreg:$0x1] =	wrdreg $0xFFFFFFFF  }
0x2b: {  	[dreg:$0x0] =	wrdreg $0x60  }
0x2c: {  	[dreg:$0x2] =	wrdreg s25  }
0x2d: {  	[dreg:$0x3] =	wrdreg s17  }
0x2e: {  	[dreg:$0x4] =	wrdreg $0x9  }
0x2f: {  	_ =	task.clear_ibuf [dreg:s7], $0x5FFFF;
	_ =	strace $0x90000049  }
0x30: {  	s29 =	simm.s32 $0x9;
	_ =	strace $0x8000004B  }
0x31: {  	_ =	swait.ge [sflag:s29], $0x1  }
0x32: {  	[sflag:s29] =	ssyncadd.s32 $0xFFFFFFFF  }
0x33: {  	_ =	strace $0x9000004B  }
0x34: {  	_ =	sfence  }
0x35: {  	s30 =	sld [smem:$0x0];
	_ =	sdelay $0x2  }
0x36: {  	s31 =	sshll.u32 s1, $0xD;
	s1 =	sshrl.u32 s1, $0x2  }
0x37: {  	s3 =	sand.u32 $0x4000, s31;
	s1 =	sadd.s32 s1, s30  }
0x38: {  	s0 =	sor.u32 s3, s0;
	s1 =	sshll.u32 s1, $0x11  }
0x39: {  	s0 =	sor.u32 s1, s0  }
0x3a: {  	s0 =	sadd.s32 $0x8F2B, s0  }
0x3b: {  	[sflag:s0] =	ssyncadd.remote.s32 $0x1  }
0x3c: {  	_ =	sfence.sel $0xFFFF  }
0x3d: {  	[dreg:$0x0] =	wrdreg $0xFFFFFFFF;
	(pc) =	sbr.abs _section_cstart, $3  }
0x3e: {  	[dreg:$0x1] =	wrdreg $0xFFFFFFFF  }
0x3f: {  	_ =	task.clear_ibuf [dreg:s7], $0x2FFFF;
	_ =	strace $0x9FFFFFFF  }
0x40: {  	(tm) =	ssettm $0x7FFFFFFF  }
0x41: {  	_ =	shalt  }
tec
execute0_lowered:
.L_overlay_start_1:
0x0: {  	(tag) =	ssettag $0x1  }
0x1: {  	s1 =	rddreg [dreg:$0x0]  }
0x2: {  	s2 =	rddreg [dreg:$0x1]  }
0x3: {  	s0 =	rddreg [dreg:$0x2];
	_ =	strace $0x8000004A;
	s4 =	srdreg.scid  }
0x4: {  	s6 =	simm.s32 $0x2;
	s11 =	simm.s32 $0x0;
	p0 =	por $0x0, $0x0  }
.Ltmp0:
0x5: {  	s10 =	simm.s32 $0x0;
	s12 =	simm.s32 $0x0;
	(pc) =	sbr.rel .LBB1_1-.Ltmp0, $4  }
0x6: {  	s7 =	simm.s32 $0x0;
	s3 =	sadd.s32 $0xC00, s1;
	s5 =	sshll.u32 s4, $0x4  }
0x7: {  	s1 =	stileid.u32;
	s4 =	simm.s32 $0x1;
	s5 =	sand.u32 $0x10, s5  }
0x8: {  	s8 =	simm.s32 $0x0;
	[sflag:s4] =	ssyncpa.u1 $0x0;
	s5 =	sor.u32 s1, s5  }
0x9: {  	[sflag:s6] =	ssyncpa.u1 $0x0;
	s6 =	simm.s32 $0x0;
	s9 =	smov.u32 s5  }
.LBB1_5:
0xa: {  	s13 =	sadd.s32 $0x1, s7  }
0xb: {  	s10 =	sadd.s32 $0x80, s8;
	s14 =	smov.u32 s8;
	p2 =	sgt.s32 s13, $0x3F  }
0xc: {  	s14 =	smov.u32 @p2 s10  }
0xd: {  	s16 =	smov.u32 s9;
	s10 =	sadd.s32 $0x20, s9;
	p3 =	sgt.s32 s14, $0x63  }
0xe: {  	p1 =	slt.u32 s6, $0x2;
	s16 =	smov.u32 @p3 s10  }
0xf: {  	s6 =	sadd.s32 $0x1, s6;
	s13 =	simm.s32 @p2 $0x0;
	p2 =	sgt.s32 s16, $0x1F  }
0x10: {  	s16 =	smov.u32 @p2 s5;
	p2 =	sne.s32 s6, $0x42  }
.Ltmp1:
0x11: {  	s15 =	simm.s32 @!p1 $0x2;
	(pc) =	sbr.rel @!p2 .LBB1_6-.Ltmp1, $4  }
0x12: {  	s11 =	smov.u32 s7;
	_ =	swait.ge @!p1 [sflag:s15], $0x2000  }
0x13: {  	s12 =	smov.u32 s9;
	p0 =	por !p0, !p0;
	[sflag:s15] =	ssyncset.done @!p1 $0x0  }
0x14: {  	s7 =	smov.u32 s13;
	s14 =	simm.s32 @p3 $0x0;
	s10 =	smov.u32 s8  }
0x15: {  	[sflag:s15] =	ssyncadd.s32 @!p1 $0xFFFFE000;
	s8 =	smov.u32 s14;
	s9 =	smov.u32 s16  }
.LBB1_1:
0x16: {  	p1 =	sgt.u32 s6, $0x3F;
	s13 =	smov.u32 s9  }
0x17: {  	s16 =	smov.u32 s8;
	p2 =	sgt.s32 @!p1 s9, $0x1F;
	s14 =	sxor.u32 @!p1 $0xFFFFFFFF, s6  }
0x18: {  	s15 =	sshra.s32 @!p1 s9, $0x1F;
	s17 =	sshra.s32 @!p1 s8, $0x1F;
	p2 =	por !p2, p1  }
0x19: {  	s15 =	sand.u32 @!p1 s15, s9;
	s13 =	simm.s32 @p2 $0x1F;
	p2 =	sgt.s32 @!p1 s8, $0xFFFFFFE4  }
0x1a: {  	s17 =	sand.u32 @!p1 s17, s8;
	p2 =	por !p2, p1;
	s13 =	ssub.s32 @!p1 s13, s15  }
0x1b: {  	s16 =	simm.s32 @p2 $0xFFFFFFE4;
	p2 =	sgt.s32 @!p1 s7, $0x3F;
	s13 =	sadd.s32 @!p1 $0xFFFFFFE1, s13  }
0x1c: {  	s15 =	ssub.s32 @!p1 s16, s17;
	p2 =	por !p2, p1;
	s17 =	smov.u32 s7  }
0x1d: {  	s16 =	sadd.s32 @!p1 $0x1C, s15;
	s17 =	simm.s32 @p2 $0x3F;
	p2 =	sgt.s32 @!p1 s13, $0x0  }
0x1e: {  	s13 =	sshll.u32 @!p1 s13, $0x6;
	p3 =	sgt.s32 @!p1 s16, $0x7F;
	s16 =	sshra.s32 @!p1 s7, $0x1F  }
0x1f: {  	s15 =	ssub.s32 @!p1 $0x64, s15;
	s13 =	ssub.s32 @!p1 $0x40, s13;
	s16 =	sand.u32 @!p1 s16, s7  }
0x20: {  	p2 =	por !p2, p1;
	p3 =	por !p3, p1;
	s16 =	ssub.s32 @!p1 s17, s16  }
0x21: {  	s13 =	simm.s32 @!p2 $0x0;
	s15 =	simm.s32 @!p3 $0x0;
	s17 =	sadd.s32 @!p1 $0xFFFFFFC1, s16  }
0x22: {  	s14 =	sshll.u32 @!p1 s14, $0xD;
	s13 =	smul.u32 @!p1 s15, s13;
	p3 =	sgt.s32 @!p1 s17, $0x0  }
0x23: {  	s16 =	ssub.s32 @!p1 $0x40, s16;
	s15 =	smul.u32 @!p1 $0x19000, s9;
	p2 =	por !p3, p1  }
0x24: {  	s14 =	sand.u32 @!p1 $0x2000, s14;
	s17 =	sshll.u32 @!p1 s7, $0x4;
	s16 =	simm.s32 @!p2 $0x0  }
0x25: {  	s15 =	sadd.s32 @!p1 s3, s15;
	s13 =	smul.u32 @!p1 s16, s13;
	s16 =	sshll.u32 @!p1 s8, $0xA  }
0x26: {  	s17 =	sand.u32 @!p1 $0x3F0, s17;
	s15 =	sadd.s32 @!p1 s16, s15;
	s16 =	simm.s32 @!p1 $0x40  }
0x27: {  	s13 =	sand.u32 @!p1 $0x3FFFFFC0, s13;
	s15 =	sadd.s32 @!p1 s17, s15;
	s17 =	simm.s32 @!p1 $0x2000  }
0x28: {  	[tilespmem:s14], [sflag:$0x1] =	stream.strided.gather @!p1 [hbm4b:s15+s16], s13, s17, s16, $0x38;
	[tilespmem:$0x8080] =	vst v63  }
0x29: {  	p1 =	seq.s32 s6, $0x0  }
0x2a: {  	p2 =	seq.s32 @!p1 s6, $0x41  }
0x2b: {  	p1 =	por p1, p2  }
.Ltmp2:
0x2c: {  	_ = 	snop;
	(pc) =	sbr.rel @p1 .LBB1_5-.Ltmp2, $1  }
0x2d: {  	_ =	sdelay $0x3  }
0x2e: {  	p1 =	sgt.s32 s12, $0x1F  }
0x2f: {  	s13 =	smov.u32 s12;
	s14 =	sshra.s32 s12, $0x1F;
	s15 =	sshra.s32 s10, $0x1F  }
0x30: {  	p2 =	sgt.s32 s11, $0x3F;
	s13 =	simm.s32 @!p1 $0x1F;
	s14 =	sand.u32 s14, s12  }
0x31: {  	s17 =	sshra.s32 s11, $0x1F;
	p1 =	sgt.s32 s10, $0xFFFFFFE4;
	s13 =	ssub.s32 s13, s14  }
0x32: {  	s15 =	sand.u32 s15, s10;
	s14 =	smov.u32 s10;
	s13 =	sadd.s32 $0xFFFFFFE1, s13  }
0x33: {  	s26 =	sand.u32 s17, s11;
	s14 =	simm.s32 @!p1 $0xFFFFFFE4;
	p1 =	sgt.s32 s13, $0x0  }
0x34: {  	s14 =	ssub.s32 s14, s15;
	s15 =	smov.u32 s11;
	s13 =	sshll.u32 s13, $0x6  }
0x35: {  	s16 =	sadd.s32 $0x1C, s14;
	s15 =	simm.s32 @!p2 $0x3F;
	s14 =	ssub.s32 $0x64, s14  }
0x36: {  	s13 =	ssub.s32 $0x40, s13;
	p2 =	sgt.s32 s16, $0x7F;
	s15 =	ssub.s32 s15, s26  }
0x37: {  	s13 =	simm.s32 @p1 $0x0;
	s14 =	simm.s32 @p2 $0x0;
	s16 =	sadd.s32 $0xFFFFFFC1, s15  }
0x38: {  	s15 =	ssub.s32 $0x40, s15;
	p1 =	sgt.s32 s16, $0x0;
	s13 =	smul.u32 s14, s13  }
0x39: {  	s15 =	simm.s32 @p1 $0x0  }
0x3a: {  	s13 =	smul.u32 s15, s13;
	_ =	sdelay $0x1  }
0x3b: {  	s14 =	simm.s32 $0x1;
	s13 =	sand.u32 $0x3FFFFFC0, s13  }
0x3c: {  	s14 =	simm.s32 @!p0 $0x0;
	_ =	swait.ge [sflag:s4], s13  }
0x3d: {  	s27 =	sshll.u32 s14, $0xD;
	s13 =	ssub.s32 $0x0, s13;
	[sflag:s4] =	ssyncset.done $0x0  }
0x3e: {  	s28 =	sor.u32 $0x20, s27;
	[sflag:s4] =	ssyncadd.s32 s13  }
0x3f: {  	s29 =	smul.u32 $0x8100, s14;
	v3 =	vld [tilespmem:s28+$0x10]  }
0x40: {  	s30 =	sand.u32 $0x1, s6;
	v2 =	vld [tilespmem:s28+$0xFFFFFFF0]  }
0x41: {  	s14 =	smul.u32 $0x8100, s30;
	s13 =	sshrl.u32 s29, $0x2;
	v0 =	vld [tilespmem:s28+$0x0]  }
0x42: {  	s15 =	sor.u32 $0x4000, s13;
	v1 =	vld [tilespmem:s28+$0xFFFFFFE0]  }
0x43: {  	s31 =	sshrl.u32 s14, $0x2;
	s14 =	sadd.s32 $0x0, s15  }
0x44: {  	s16 =	simm.s32 $0x4;
	s17 =	sadd.s32 $0x40, s28;
	s13 =	sor.u32 $0x4000, s31;
	[tilespmem:s14+$0x1830 ss:$0x81] =	vst.msk $0xffff, v3  }
.LBB1_3:
0x45: {  	v3 =	vld [tilespmem:s17+$0x10];
	p1 =	sne.s32 s16, $0x1FC;
	[tilespmem:s14+$0x810 ss:$0x81] =	vst.msk $0xffff, v2;
	s18 =	smov.u32 s16;
	s16 =	sadd.s32 $0x4, s16  }
.Ltmp3:
0x46: {  	v2 =	vld [tilespmem:s17+$0xFFFFFFF0];
	[tilespmem:s14+$0x1020 ss:$0x81] =	vst.msk $0xffff, v0;
	(pc) =	sbr.rel @p1 .LBB1_3-.Ltmp3, $4  }
0x47: {  	v0 =	vld [tilespmem:s17+$0x0];
	[tilespmem:s14+$0x0 ss:$0x81] =	vst.msk $0xffff, v1  }
0x48: {  	s14 =	sshra.s32 s18, $0x2;
	v1 =	vld [tilespmem:s17+$0xFFFFFFE0]  }
0x49: {  	s14 =	sadd.s32 s14, s15  }
0x4a: {  	s17 =	sadd.s32 $0x40, s17;
	[tilespmem:s14+$0x1830 ss:$0x81] =	vst.msk $0xffff, v3  }
0x4b: {  	s12 =	sshll.u32 s12, $0x10  }
.Ltmp4:
0x4c: {  	s15 =	sand.u32 $0x380, s10;
	s12 =	sadd.s32 s2, s12;
	(pc) =	sbr.rel .LBB1_5-.Ltmp4, $4  }
0x4d: {  	[tilespmem:s14+$0x810 ss:$0x81] =	vst.msk $0xffff, v2;
	s11 =	sshll.u32 s11, $0xA;
	s16 =	sshrl.u32 s10, $0x3;
	s12 =	sadd.s32 s15, s12  }
0x4e: {  	[tilespmem:s14+$0x1020 ss:$0x81] =	vst.msk $0xffff, v0;
	s30 =	sand.u32 $0xF, s16;
	s11 =	sadd.s32 s11, s12  }
0x4f: {  	s31 =	sand.u32 $0x7, s10;
	[tilespmem:s14+$0x0 ss:$0x81] =	vst.msk $0xffff, v1;
	s11 =	sadd.s32 s30, s11  }
0x50: {  	[hbm4b:s11+s31] =	stream.linear.scatter [tilespmem:s13], [sflag:$0x2], $0x2000, $0x20;
	[tilespmem:$0x8080] =	vst v63  }
.LBB1_6:
0x51: {  	_ =	sfence.sel $0x180000  }
0x52: {  	s2 =	simm.s32 $0x1;
	[bflag:$0x0] =	sbarrier.arrive $0xFFFF  }
0x53: {  	s31 =	simm.s32 $0x2;
	[sflag:s2] =	ssyncpa.u1 $0x1  }
0x54: {  	[sflag:s31] =	ssyncpa.u1 $0x1  }
0x55: {  	p0 =	sne.s32 s1, $0x0;
	_ =	strace $0x9000004A  }
0x56: {  	s0 =	sadd.s32 @!p0 $0x100000, s0;
	[bflag:$0x2] =	sbarrier.arrive $0xFFFF  }
0x57: {  	[sflag:s0] =	ssyncadd.tile.s32 @!p0 $0x1;
	_ =	shalt  }
.Lfunc_end1:
_tile_overlayer_lowered:
.L_overlay_start_2:
0x58: {  	(tag) =	ssettag $0x2  }
0x59: {  	s0 =	rddreg [dreg:$0x0];
	s2 =	stileid.u32  }
0x5a: {  	s1 =	rddreg [dreg:$0x1];
	p0 =	sne.s32 s2, $0x0  }
0x5b: {  	s3 =	rddreg [dreg:$0x2];
	[bflag:$0x3] =	sbarrier.arrive $0xFFFF;
	s2 =	simm.s32 @!p0 $0x1C01  }
0x5c: {  	[timem:s3], [sflag:s2] =	dma.local @!p0 [hbm:s0], s1  }
0x5d: {  	s0 =	simm.s32 @!p0 $0x1  }
0x5e: {  	_ =	swait.ge @!p0 [sflag:s0], s1  }
0x5f: {  	s1 =	ssub.s32 @!p0 $0x0, s1;
	[sflag:s0] =	ssyncset.done @!p0 $0x0  }
0x60: {  	[sflag:s0] =	ssyncadd.s32 @!p0 s1  }
0x61: {  	[bflag:$0x3] =	sbarrier.arrive $0xFFFF  }
0x62: {  	_ =	shalt  }

</sc_bundles>
